<compile_context>
chip_gen: v7x
topology: tpu7x:2x2x1
jax: 0.10.2.dev20260603
libtpu: 0.0.44.dev20260713+nightly
codegen_flags: <defaults>
</compile_context>

<pallas_src>
import functools

import jax
import jax.numpy as jnp
from jax import lax
from jax.experimental import pallas as pl
from jax.experimental.pallas import tpu as pltpu
from jax.experimental.pallas import tpu_sc as plsc

N = 10000
E = 320000
H = 64
W128 = 128
OUT = 128
B = 16

NCORE = 2
NSUB = 16
NW = NCORE * NSUB

EBLK = 3200
NBLK = 2000

GCH = 128
NCHUNKS = E // GCH

SEG = 320
DCH = 4000
NDCH = E // DCH
FLUSH_AT = 512
IDXCAP = FLUSH_AT + 16


def _mesh():
    return plsc.VectorSubcoreMesh(core_axis_name="c", subcore_axis_name="s")


def _wid():
    return lax.axis_index("s") * NCORE + lax.axis_index("c")



def _gather_body(t_hbm, src_hbm, dst_hbm, m_hbm,
                 sbuf0, sbuf1, dbuf0, dbuf1, abuf0, abuf1, cbuf0, cbuf1,
                 mbuf, sem_a0, sem_a1, sem_c0, sem_c1):
    w = _wid()
    nch = (NCHUNKS - w + NW - 1) // NW
    sbuf = (sbuf0, sbuf1)
    dbuf = (dbuf0, dbuf1)
    abuf = (abuf0, abuf1)
    cbuf = (cbuf0, cbuf1)
    sem_a = (sem_a0, sem_a1)
    sem_c = (sem_c0, sem_c1)

    zeros = jnp.zeros((16,), jnp.float32)

    def zrow(r, _):
        for j in range(H, W128, 16):
            mbuf[r, pl.ds(j, 16)] = zeros
        return 0

    lax.fori_loop(0, GCH, zrow, 0)

    def issue(k, b):
        base = (w + k * NW) * GCH
        pltpu.sync_copy(src_hbm.at[pl.ds(base, GCH)], sbuf[b])
        pltpu.sync_copy(dst_hbm.at[pl.ds(base, GCH)], dbuf[b])
        pltpu.async_copy(t_hbm.at[sbuf[b]], abuf[b], sem_a[b])
        pltpu.async_copy(t_hbm.at[dbuf[b]], cbuf[b], sem_c[b])

    def consume(k, b):
        pltpu.make_async_copy(t_hbm.at[sbuf[b]], abuf[b], sem_a[b]).wait()
        pltpu.make_async_copy(t_hbm.at[dbuf[b]], cbuf[b], sem_c[b]).wait()

        def row(r, _):
            for j in range(0, H, 16):
                mbuf[r, pl.ds(j, 16)] = (abuf[b][r, pl.ds(j, 16)]
                                         - cbuf[b][r, pl.ds(H + j, 16)])
            return 0

        lax.fori_loop(0, GCH, row, 0, unroll=2)
        pltpu.sync_copy(mbuf, m_hbm.at[pl.ds((w + k * NW) * GCH, GCH)])

    issue(0, 0)

    def outer(k2, _):
        for b in range(2):
            k = k2 * 2 + b

            @pl.when(k + 1 < nch)
            def _():
                issue(k + 1, 1 - b)

            @pl.when(k < nch)
            def _():
                consume(k, b)
        return 0

    lax.fori_loop(0, (NCHUNKS // NW + 2) // 2, outer, 0)


def _sc_gather(T, src, dst):
    return pl.kernel(
        _gather_body,
        mesh=_mesh(),
        out_type=jax.ShapeDtypeStruct((E, W128), jnp.float32),
        scratch_types=[
            pltpu.VMEM((GCH,), jnp.int32),
            pltpu.VMEM((GCH,), jnp.int32),
            pltpu.VMEM((GCH,), jnp.int32),
            pltpu.VMEM((GCH,), jnp.int32),
            pltpu.VMEM((GCH, W128), jnp.float32),
            pltpu.VMEM((GCH, W128), jnp.float32),
            pltpu.VMEM((GCH, W128), jnp.float32),
            pltpu.VMEM((GCH, W128), jnp.float32),
            pltpu.VMEM((GCH, W128), jnp.float32),
            pltpu.SemaphoreType.DMA,
            pltpu.SemaphoreType.DMA,
            pltpu.SemaphoreType.DMA,
            pltpu.SemaphoreType.DMA,
        ],
    )(T, src, dst)



def _scatter_body(p_hbm, dst_hbm, o_hbm, dbuf0, dbuf1, ibuf, lbuf, prow,
                  acc, sem, dsem0, dsem1):
    w = _wid()
    lo = w * SEG
    dbuf = (dbuf0, dbuf1)
    dsem = (dsem0, dsem1)

    def prefetch_dst(ci, b):
        pltpu.async_copy(dst_hbm.at[pl.ds(ci * DCH, DCH)], dbuf[b], dsem[b])

    def wait_dst(ci, b):
        pltpu.make_async_copy(dst_hbm.at[pl.ds(ci * DCH, DCH)],
                              dbuf[b], dsem[b]).wait()

    zeros = jnp.zeros((16,), jnp.float32)

    def zrow(r, _):
        for j in range(0, W128, 16):
            acc[r, pl.ds(j, 16)] = zeros
        return 0

    lax.fori_loop(0, SEG, zrow, 0)

    zidx = jnp.zeros((16,), jnp.int32)

    def zi(g, _):
        ibuf[pl.ds(g * 16, 16)] = zidx
        return 0

    lax.fori_loop(0, IDXCAP // 16, zi, 0)

    def flush(cnt):
        pltpu.async_copy(p_hbm.at[ibuf], prow, sem).wait()

        def rmw(r, _):
            l = lbuf[pl.ds(r, 16)][0]
            for jj in range(0, H, 16):
                sl = pl.ds(jj, 16)
                acc[l, sl] = jnp.maximum(acc[l, sl], prow[r, sl])
            return 0

        lax.fori_loop(0, cnt, rmw, 0)
        return 0

    iota = lax.iota(jnp.int32, 16)

    def _lane_gather(v, idx):
        return v.at[idx].get(mode="promise_in_bounds")

    stepm = {s: ((iota - s) >> 31) + 1 for s in (1, 2, 4, 8)}

    def grp(ci, g, cnt, b):
        d = dbuf[b][pl.ds(g * 16, 16)]
        u = d - lo
        mi = ((u >> 31) | ((SEG - 1 - u) >> 31)) + 1
        pc = mi
        for s in (1, 2, 4, 8):
            sh = _lane_gather(pc, jnp.maximum(iota - s, 0))
            pc = pc + sh * stepm[s]
        total = pc[15]

        @pl.when(total > 0)
        def _():
            inv = jnp.zeros((16,), jnp.int32)
            for s in (8, 4, 2, 1):
                probe = _lane_gather(pc, jnp.minimum(inv + (s - 1), 15))
                inv = inv + s * (((iota - probe) >> 31) + 1)
            inv = jnp.minimum(inv, 15)
            packed = (((ci * DCH + g * 16) + iota) << 9) | (u * mi)
            compact = _lane_gather(packed, inv)
            ibuf[pl.ds(cnt, 16)] = compact >> 9
            lbuf[pl.ds(cnt, 16)] = compact & 511

        cnt = cnt + total
        cnt = lax.cond(cnt >= FLUSH_AT, flush, lambda c: c, cnt)
        return cnt

    prefetch_dst(0, 0)
    prefetch_dst(1, 1)

    def outer(ci2, cnt):
        for b in range(2):
            ci = ci2 * 2 + b

            @pl.when(ci < NDCH)
            def _():
                wait_dst(ci, b)

            def g_(g, c):
                return grp(ci, g, c, b)

            cnt = lax.cond(
                ci < NDCH,
                lambda c: lax.fori_loop(0, DCH // 16, g_, c),
                lambda c: c, cnt)

            @pl.when(ci + 2 < NDCH)
            def _():
                prefetch_dst(ci + 2, b)
        return cnt

    cnt = lax.fori_loop(0, (NDCH + 1) // 2, outer, 0)
    lax.cond(cnt > 0, flush, lambda c: 0, cnt)

    rem = N - (NW - 1) * SEG

    @pl.when(w < NW - 1)
    def _():
        pltpu.sync_copy(acc.at[pl.ds(0, SEG)], o_hbm.at[pl.ds(lo, SEG)])

    @pl.when(w == NW - 1)
    def _():
        pltpu.sync_copy(acc.at[pl.ds(0, rem)], o_hbm.at[pl.ds(lo, rem)])


def _sc_scatter_max(P, dst):
    return pl.kernel(
        _scatter_body,
        mesh=_mesh(),
        out_type=jax.ShapeDtypeStruct((N, W128), jnp.float32),
        scratch_types=[
            pltpu.VMEM((DCH,), jnp.int32),
            pltpu.VMEM((DCH,), jnp.int32),
            pltpu.VMEM((IDXCAP,), jnp.int32),
            pltpu.VMEM((IDXCAP + 16,), jnp.int32),
            pltpu.VMEM((IDXCAP, W128), jnp.float32),
            pltpu.VMEM((SEG, W128), jnp.float32),
            pltpu.SemaphoreType.DMA,
            pltpu.SemaphoreType.DMA,
            pltpu.SemaphoreType.DMA,
        ],
    )(P, dst)



def _prep1_body(x_ref, wsum_ref, wd_ref, ba_ref, t_ref):
    x = x_ref[...]
    t_ref[:, :H] = x @ wsum_ref[...] + ba_ref[...]
    t_ref[:, H:] = x @ wd_ref[...]


def _prep1(x, Wsum, Wd, ba):
    return pl.pallas_call(
        _prep1_body,
        out_shape=jax.ShapeDtypeStruct((N, W128), jnp.float32),
    )(x, Wsum, Wd, ba)


def _prep2_body(h_ref, x_ref, wh_ref, wd_ref, ba_ref, t_ref):
    c = x_ref[...] @ wd_ref[...]
    t_ref[:, :H] = h_ref[...][:, :H] @ wh_ref[...] + c + ba_ref[...]
    t_ref[:, H:] = c


def _prep2(h, x, Wh, Wd, ba):
    return pl.pallas_call(
        _prep2_body,
        out_shape=jax.ShapeDtypeStruct((N, W128), jnp.float32),
    )(h, x, Wh, Wd, ba)


def _edgemm_body(m_ref, wb_ref, bb_ref, p_ref):
    m = jnp.maximum(m_ref[...][:, :H], 0.0)
    p_ref[:, :H] = m @ wb_ref[...] + bb_ref[...]


def _edgemm(Mraw, Wb, bb):
    grid = (E // EBLK,)
    return pl.pallas_call(
        _edgemm_body,
        grid=grid,
        in_specs=[
            pl.BlockSpec((EBLK, W128), lambda i: (i, 0)),
            pl.BlockSpec((H, H), lambda i: (0, 0)),
            pl.BlockSpec((H,), lambda i: (0,)),
        ],
        out_specs=pl.BlockSpec((EBLK, W128), lambda i: (i, 0)),
        out_shape=jax.ShapeDtypeStruct((E, W128), jnp.float32),
    )(Mraw, Wb, bb)


def _pool_body(h_ref, batch_ref, wout_ref, bout_ref, o_ref, acc_ref):
    i = pl.program_id(0)

    @pl.when(i == 0)
    def _():
        acc_ref[...] = jnp.zeros_like(acc_ref)

    h = h_ref[...][:, :H]
    bcol = batch_ref[...]
    for b in range(B):
        mask = bcol == float(b)
        seg = jnp.max(jnp.where(mask, h, 0.0), axis=0)
        acc_ref[b, :] = jnp.maximum(acc_ref[b, :], seg)

    @pl.when(i == pl.num_programs(0) - 1)
    def _():
        o_ref[...] = acc_ref[...] @ wout_ref[...] + bout_ref[...]


def _pool(h2, batchf, Wout, bout):
    grid = (N // NBLK,)
    return pl.pallas_call(
        _pool_body,
        grid=grid,
        in_specs=[
            pl.BlockSpec((NBLK, W128), lambda i: (i, 0)),
            pl.BlockSpec((NBLK, 1), lambda i: (i, 0)),
            pl.BlockSpec((H, OUT), lambda i: (0, 0)),
            pl.BlockSpec((OUT,), lambda i: (0,)),
        ],
        out_specs=pl.BlockSpec((B, OUT), lambda i: (0, 0)),
        out_shape=jax.ShapeDtypeStruct((B, OUT), jnp.float32),
        scratch_shapes=[pltpu.VMEM((B, H), jnp.float32)],
    )(h2, batchf, Wout, bout)



def kernel(x, edge_index, batch, W1a, b1a, W1b, b1b, W2a, b2a, W2b, b2b,
           Wout, bout):
    src = edge_index[0]
    dst = edge_index[1]

    T1 = _prep1(x, W1a[:3] + W1a[3:], W1a[3:], b1a)
    M1 = _sc_gather(T1, src, dst)
    P1 = _edgemm(M1, W1b, b1b)
    h1 = _sc_scatter_max(P1, dst)

    T2 = _prep2(h1, x, W2a[:H], W2a[H:], b2a)
    M2 = _sc_gather(T2, src, dst)
    P2 = _edgemm(M2, W2b, b2b)
    h2 = _sc_scatter_max(P2, dst)

    batchf = batch.astype(jnp.float32).reshape(N, 1)
    return _pool(h2, batchf, Wout, bout)

# --- scband reference (transcript-rebuilt; emitter-appended) ---
"""Pipeline reference for scband-point-net-36137854829226 (READ-ONLY COPY).

The authoritative reference and input builder live on the scoring server;
editing this copy changes nothing except your own understanding.
"""

import jax, jax.numpy as jnp
import numpy as np

N = 10000
E = 320000
H = 64
OUT = 128
B = 16


def setup_inputs(seed: int = 0) -> dict:
    key = jax.random.key(seed)
    ks = jax.random.split(key, 16)
    x = jax.random.normal(ks[0], (N, 3), dtype=jnp.float32)
    edge_index = jax.random.randint(ks[1], (2, E), 0, N, dtype=jnp.int32)
    batch = jnp.sort(jax.random.randint(ks[2], (N,), 0, B, dtype=jnp.int32))
    def lin(k, fan_in, fan_out):
        return jax.random.normal(k, (fan_in, fan_out), dtype=jnp.float32) / jnp.sqrt(fan_in)
    W1a = lin(ks[3], 3 + 3, H); b1a = jnp.zeros((H,), jnp.float32)
    W1b = lin(ks[4], H, H);     b1b = jnp.zeros((H,), jnp.float32)
    W2a = lin(ks[5], H + 3, H); b2a = jnp.zeros((H,), jnp.float32)
    W2b = lin(ks[6], H, H);     b2b = jnp.zeros((H,), jnp.float32)
    Wout = lin(ks[7], H, OUT);  bout = jnp.zeros((OUT,), jnp.float32)
    return {"x": x, "edge_index": edge_index, "batch": batch,
            "W1a": W1a, "b1a": b1a, "W1b": W1b, "b1b": b1b,
            "W2a": W2a, "b2a": b2a, "W2b": W2b, "b2b": b2b,
            "Wout": Wout, "bout": bout}


def _mlp(inp, Wa, ba, Wb, bb):
    return jnp.maximum(inp @ Wa + ba, 0.0) @ Wb + bb


def _pointnet_conv(h, pos, src, dst, Wa, ba, Wb, bb):
    # message: mlp(concat([h_j, pos_j - pos_i])), aggregate: max over dst (i)
    inp = jnp.concatenate([h[src], pos[src] - pos[dst]], axis=-1)
    msg = _mlp(inp, Wa, ba, Wb, bb)
    out = jax.ops.segment_max(msg, dst, num_segments=N)
    # PyG fills isolated nodes with 0, not -inf
    return jnp.where(jnp.isneginf(out), 0.0, out)


def reference(x, edge_index, batch, W1a, b1a, W1b, b1b, W2a, b2a, W2b, b2b, Wout, bout):
    src = edge_index[0]
    dst = edge_index[1]
    h = _pointnet_conv(x, x, src, dst, W1a, b1a, W1b, b1b)
    h = jnp.maximum(h, 0.0)
    h = _pointnet_conv(h, x, src, dst, W2a, b2a, W2b, b2b)
    h = jnp.maximum(h, 0.0)
    pooled = jax.ops.segment_max(h, batch, num_segments=B)
    pooled = jnp.where(jnp.isneginf(pooled), 0.0, pooled)
    return pooled @ Wout + bout

if __name__ == "__main__":
    import jax
    _d = setup_inputs()
    print(jax.jit(kernel)(*tuple(_d.values())))

</pallas_src>

<mosaic_0001>
#map = affine_map<(d0, d1) -> (0, 0)>
#map1 = affine_map<(d0, d1) -> (0)>
module attributes {stable_mosaic.version = 14 : i64} {
  func.func @_gather_body(%arg0: i32, %arg1: i32, %arg2: memref<10000x128xf32, #tpu.memory_space<hbm>>, %arg3: memref<320000xi32, #tpu.memory_space<hbm>>, %arg4: memref<320000xi32, #tpu.memory_space<hbm>>, %arg5: memref<320000x128xf32, #tpu.memory_space<hbm>>, %arg6: memref<128xi32, #tpu.memory_space<vmem>>, %arg7: memref<128xi32, #tpu.memory_space<vmem>>, %arg8: memref<128xi32, #tpu.memory_space<vmem>>, %arg9: memref<128xi32, #tpu.memory_space<vmem>>, %arg10: memref<128x128xf32, #tpu.memory_space<vmem>>, %arg11: memref<128x128xf32, #tpu.memory_space<vmem>>, %arg12: memref<128x128xf32, #tpu.memory_space<vmem>>, %arg13: memref<128x128xf32, #tpu.memory_space<vmem>>, %arg14: memref<128x128xf32, #tpu.memory_space<vmem>>, %arg15: memref<!tpu.dma_semaphore, #tpu.memory_space<semaphore_mem>>, %arg16: memref<!tpu.dma_semaphore, #tpu.memory_space<semaphore_mem>>, %arg17: memref<!tpu.dma_semaphore, #tpu.memory_space<semaphore_mem>>, %arg18: memref<!tpu.dma_semaphore, #tpu.memory_space<semaphore_mem>>) attributes {dimension_semantics = [#tpu.dimension_semantics<core_parallel>, #tpu.dimension_semantics<subcore_parallel>], iteration_bounds = array<i64: 2, 16>, scalar_prefetch = 0 : i64, scratch_operands = 13 : i64, tpu.core_type = #tpu.core_type<sc_vector_subcore>, window_params = [{transform_indices = #map}, {transform_indices = #map1}, {transform_indices = #map1}, {transform_indices = #map}]} {
    %mul3A = arith.constant 2 : i32
    %mul3A_0 = arith.muli %arg1, %mul3A : i32
    %add3A = arith.addi %mul3A_0, %arg0 : i32
    %sub3A = arith.constant 2500 : i32
    %sub3A_1 = arith.subi %sub3A, %add3A : i32
    %add3A_2 = arith.constant 32 : i32
    %add3A_3 = arith.addi %sub3A_1, %add3A_2 : i32
    %sub3A_4 = arith.constant 1 : i32
    %sub3A_5 = arith.subi %add3A_3, %sub3A_4 : i32
    %jit3A = arith.constant 32 : i32
    %div3A = arith.divsi %sub3A_5, %jit3A : i32
    %sign3A = arith.constant 0 : i32
    %sign3A_6 = arith.cmpi sgt, %sub3A_5, %sign3A : i32
    %sign3A_7 = arith.extui %sign3A_6 : i1 to i32
    %sign3A_8 = arith.constant 0 : i32
    %sign3A_9 = arith.cmpi slt, %sub3A_5, %sign3A_8 : i32
    %sign3A_10 = arith.extui %sign3A_9 : i1 to i32
    %sign3A_11 = arith.subi %sign3A_7, %sign3A_10 : i32
    %sign3A_12 = arith.constant 0 : i32
    %sign3A_13 = arith.cmpi sgt, %jit3A, %sign3A_12 : i32
    %sign3A_14 = arith.extui %sign3A_13 : i1 to i32
    %sign3A_15 = arith.constant 0 : i32
    %sign3A_16 = arith.cmpi slt, %jit3A, %sign3A_15 : i32
    %sign3A_17 = arith.extui %sign3A_16 : i1 to i32
    %sign3A_18 = arith.subi %sign3A_14, %sign3A_17 : i32
    %ne3A = arith.cmpi ne, %sign3A_11, %sign3A_18 : i32
    %rem3A = arith.remsi %sub3A_5, %jit3A : i32
    %ne3A_19 = arith.constant 0 : i32
    %ne3A_20 = arith.cmpi ne, %rem3A, %ne3A_19 : i32
    %and3A = arith.andi %ne3A, %ne3A_20 : i1
    %sub3A_21 = arith.constant 1 : i32
    %sub3A_22 = arith.subi %div3A, %sub3A_21 : i32
    %select_n3A = arith.select %and3A, %sub3A_22, %div3A : i32
    %broadcast_in_dim3A = arith.constant 0.000000e+00 : f32
    %broadcast_in_dim3A_23 = vector.broadcast %broadcast_in_dim3A : f32 to vector<16xf32>
    %scan3A = arith.constant 0 : i32
    %scan3A_24 = arith.constant 0 : i32
    %scan3A_25 = arith.constant 128 : i32
    %scan3A_26 = arith.addi %scan3A_24, %scan3A_25 : i32
    %scan3A_27 = arith.constant 1 : i32
    %scan3A_28 = scf.for %scan3A_46 = %scan3A_24 to %scan3A_26 step %scan3A_27 iter_args(%scan3A_47 = %scan3A) -> (i32)  : i32 {
      %swap3A = arith.index_cast %scan3A_46 : i32 to index
      %swap3A_48 = arith.constant 64 : index
      %swap3A_49 = tpu.vector_load %arg14[%swap3A, %swap3A_48] {strides = array<i32>} : memref<128x128xf32, #tpu.memory_space<vmem>>, vector<1x16xf32>,
      %swap3A_50 = vector.shape_cast %swap3A_49 : vector<1x16xf32> to vector<16xf32>
      %swap3A_51 = vector.shape_cast %broadcast_in_dim3A_23 : vector<16xf32> to vector<1x16xf32>
      tpu.vector_store %arg14[%swap3A, %swap3A_48], %swap3A_51 {strides = array<i32>} : memref<128x128xf32, #tpu.memory_space<vmem>>, vector<1x16xf32>,
      %swap3A_52 = arith.index_cast %scan3A_46 : i32 to index
      %swap3A_53 = arith.constant 80 : index
      %swap3A_54 = tpu.vector_load %arg14[%swap3A_52, %swap3A_53] {strides = array<i32>} : memref<128x128xf32, #tpu.memory_space<vmem>>, vector<1x16xf32>,
      %swap3A_55 = vector.shape_cast %swap3A_54 : vector<1x16xf32> to vector<16xf32>
      %swap3A_56 = vector.shape_cast %broadcast_in_dim3A_23 : vector<16xf32> to vector<1x16xf32>
      tpu.vector_store %arg14[%swap3A_52, %swap3A_53], %swap3A_56 {strides = array<i32>} : memref<128x128xf32, #tpu.memory_space<vmem>>, vector<1x16xf32>,
      %swap3A_57 = arith.index_cast %scan3A_46 : i32 to index
      %swap3A_58 = arith.constant 96 : index
      %swap3A_59 = tpu.vector_load %arg14[%swap3A_57, %swap3A_58] {strides = array<i32>} : memref<128x128xf32, #tpu.memory_space<vmem>>, vector<1x16xf32>,
      %swap3A_60 = vector.shape_cast %swap3A_59 : vector<1x16xf32> to vector<16xf32>
      %swap3A_61 = vector.shape_cast %broadcast_in_dim3A_23 : vector<16xf32> to vector<1x16xf32>
      tpu.vector_store %arg14[%swap3A_57, %swap3A_58], %swap3A_61 {strides = array<i32>} : memref<128x128xf32, #tpu.memory_space<vmem>>, vector<1x16xf32>,
      %swap3A_62 = arith.index_cast %scan3A_46 : i32 to index
      %swap3A_63 = arith.constant 112 : index
      %swap3A_64 = tpu.vector_load %arg14[%swap3A_62, %swap3A_63] {strides = array<i32>} : memref<128x128xf32, #tpu.memory_space<vmem>>, vector<1x16xf32>,
      %swap3A_65 = vector.shape_cast %swap3A_64 : vector<1x16xf32> to vector<16xf32>
      %swap3A_66 = vector.shape_cast %broadcast_in_dim3A_23 : vector<16xf32> to vector<1x16xf32>
      tpu.vector_store %arg14[%swap3A_62, %swap3A_63], %swap3A_66 {strides = array<i32>} : memref<128x128xf32, #tpu.memory_space<vmem>>, vector<1x16xf32>,
      %scan3A_67 = arith.constant 0 : i32
      scf.yield %scan3A_67 : i32
    }
    %scan3A_29 = arith.constant 128 : i32
    %add3A_30 = arith.constant 0 : i32
    %add3A_31 = arith.addi %add3A, %add3A_30 : i32
    %mul3A_32 = arith.constant 128 : i32
    %mul3A_33 = arith.muli %add3A_31, %mul3A_32 : i32
    "tpu.region"() ({
      %run_scoped3A = tpu.sem_alloc : memref<!tpu.dma_semaphore, #tpu.memory_space<semaphore_mem>>
      %dma_start3A_46 = tpu.memref_slice %arg3[%mul3A_33] : memref<320000xi32, #tpu.memory_space<hbm>> -> memref<128xi32, #tpu.memory_space<hbm>>
      %dma_start3A_47 = tpu.memref_slice %arg3[%mul3A_33] : memref<320000xi32, #tpu.memory_space<hbm>> -> memref<128xi32, #tpu.memory_space<hbm>>
      tpu.enqueue_dma source(%dma_start3A_47 : memref<128xi32, #tpu.memory_space<hbm>>) target(%arg6 : memref<128xi32, #tpu.memory_space<vmem>>) target_semaphore(%run_scoped3A : memref<!tpu.dma_semaphore, #tpu.memory_space<semaphore_mem>>)
      %dma_wait3A = tpu.memref_slice %arg3[%mul3A_33] : memref<320000xi32, #tpu.memory_space<hbm>> -> memref<128xi32, #tpu.memory_space<hbm>>
      %dma_wait3A_48 = tpu.memref_slice %arg3[%mul3A_33] : memref<320000xi32, #tpu.memory_space<hbm>> -> memref<128xi32, #tpu.memory_space<hbm>>
      tpu.wait_dma2 semaphore(%run_scoped3A : memref<!tpu.dma_semaphore, #tpu.memory_space<semaphore_mem>>) src(%dma_wait3A_48 : memref<128xi32, #tpu.memory_space<hbm>>) dst(%arg6 : memref<128xi32, #tpu.memory_space<vmem>>)
      tpu.yield
    }) : () -> ()
    "tpu.region"() ({
      %run_scoped3A = tpu.sem_alloc : memref<!tpu.dma_semaphore, #tpu.memory_space<semaphore_mem>>
      %dma_start3A_46 = tpu.memref_slice %arg4[%mul3A_33] : memref<320000xi32, #tpu.memory_space<hbm>> -> memref<128xi32, #tpu.memory_space<hbm>>
      %dma_start3A_47 = tpu.memref_slice %arg4[%mul3A_33] : memref<320000xi32, #tpu.memory_space<hbm>> -> memref<128xi32, #tpu.memory_space<hbm>>
      tpu.enqueue_dma source(%dma_start3A_47 : memref<128xi32, #tpu.memory_space<hbm>>) target(%arg8 : memref<128xi32, #tpu.memory_space<vmem>>) target_semaphore(%run_scoped3A : memref<!tpu.dma_semaphore, #tpu.memory_space<semaphore_mem>>)
      %dma_wait3A = tpu.memref_slice %arg4[%mul3A_33] : memref<320000xi32, #tpu.memory_space<hbm>> -> memref<128xi32, #tpu.memory_space<hbm>>
      %dma_wait3A_48 = tpu.memref_slice %arg4[%mul3A_33] : memref<320000xi32, #tpu.memory_space<hbm>> -> memref<128xi32, #tpu.memory_space<hbm>>
      tpu.wait_dma2 semaphore(%run_scoped3A : memref<!tpu.dma_semaphore, #tpu.memory_space<semaphore_mem>>) src(%dma_wait3A_48 : memref<128xi32, #tpu.memory_space<hbm>>) dst(%arg8 : memref<128xi32, #tpu.memory_space<vmem>>)
      tpu.yield
    }) : () -> ()
    %dma_start3A = arith.constant 0 : i32
    %dma_start3A_34 = arith.constant 0 : i32
    %dma_start3A_35 = tpu.memref_slice %arg2[%dma_start3A, %dma_start3A_34] : memref<10000x128xf32, #tpu.memory_space<hbm>> -> memref<10000x128xf32, #tpu.memory_space<hbm>>
    tpu.enqueue_indirect_dma source(%dma_start3A_35 : memref<10000x128xf32, #tpu.memory_space<hbm>>) target(%arg10 : memref<128x128xf32, #tpu.memory_space<vmem>>) offsets(%arg6 : memref<128xi32, #tpu.memory_space<vmem>>) semaphore(%arg15 : memref<!tpu.dma_semaphore, #tpu.memory_space<semaphore_mem>>)
    %dma_start3A_36 = arith.constant 0 : i32
    %dma_start3A_37 = arith.constant 0 : i32
    %dma_start3A_38 = tpu.memref_slice %arg2[%dma_start3A_36, %dma_start3A_37] : memref<10000x128xf32, #tpu.memory_space<hbm>> -> memref<10000x128xf32, #tpu.memory_space<hbm>>
    tpu.enqueue_indirect_dma source(%dma_start3A_38 : memref<10000x128xf32, #tpu.memory_space<hbm>>) target(%arg12 : memref<128x128xf32, #tpu.memory_space<vmem>>) offsets(%arg8 : memref<128xi32, #tpu.memory_space<vmem>>) semaphore(%arg17 : memref<!tpu.dma_semaphore, #tpu.memory_space<semaphore_mem>>)
    %scan3A_39 = arith.constant 0 : i32
    %scan3A_40 = arith.constant 0 : i32
    %scan3A_41 = arith.constant 40 : i32
    %scan3A_42 = arith.addi %scan3A_40, %scan3A_41 : i32
    %scan3A_43 = arith.constant 1 : i32
    %scan3A_44 = scf.for %scan3A_46 = %scan3A_40 to %scan3A_42 step %scan3A_43 iter_args(%scan3A_47 = %scan3A_39) -> (i32)  : i32 {
      %mul3A_48 = arith.constant 2 : i32
      %mul3A_49 = arith.muli %scan3A_46, %mul3A_48 : i32
      %add3A_50 = arith.constant 0 : i32
      %add3A_51 = arith.addi %mul3A_49, %add3A_50 : i32
      %add3A_52 = arith.constant 1 : i32
      %add3A_53 = arith.addi %add3A_51, %add3A_52 : i32
      %lt3A = arith.cmpi slt, %add3A_53, %select_n3A : i32
      %convert_element_type3A = arith.extui %lt3A : i1 to i32
      %cond3A = arith.constant 0 : i32
      %cond3A_54 = arith.cmpi ne, %convert_element_type3A, %cond3A : i32
      scf.if %cond3A_54 {
        %add3A_74 = arith.constant 1 : i32
        %add3A_75 = arith.addi %add3A_51, %add3A_74 : i32
        %mul3A_76 = arith.constant 32 : i32
        %mul3A_77 = arith.muli %add3A_75, %mul3A_76 : i32
        %add3A_78 = arith.addi %add3A, %mul3A_77 : i32
        %mul3A_79 = arith.constant 128 : i32
        %mul3A_80 = arith.muli %add3A_78, %mul3A_79 : i32
        "tpu.region"() ({
          %run_scoped3A = tpu.sem_alloc : memref<!tpu.dma_semaphore, #tpu.memory_space<semaphore_mem>>
          %dma_start3A_87 = tpu.memref_slice %arg3[%mul3A_80] : memref<320000xi32, #tpu.memory_space<hbm>> -> memref<128xi32, #tpu.memory_space<hbm>>
          %dma_start3A_88 = tpu.memref_slice %arg3[%mul3A_80] : memref<320000xi32, #tpu.memory_space<hbm>> -> memref<128xi32, #tpu.memory_space<hbm>>
          tpu.enqueue_dma source(%dma_start3A_88 : memref<128xi32, #tpu.memory_space<hbm>>) target(%arg7 : memref<128xi32, #tpu.memory_space<vmem>>) target_semaphore(%run_scoped3A : memref<!tpu.dma_semaphore, #tpu.memory_space<semaphore_mem>>)
          %dma_wait3A = tpu.memref_slice %arg3[%mul3A_80] : memref<320000xi32, #tpu.memory_space<hbm>> -> memref<128xi32, #tpu.memory_space<hbm>>
          %dma_wait3A_89 = tpu.memref_slice %arg3[%mul3A_80] : memref<320000xi32, #tpu.memory_space<hbm>> -> memref<128xi32, #tpu.memory_space<hbm>>
          tpu.wait_dma2 semaphore(%run_scoped3A : memref<!tpu.dma_semaphore, #tpu.memory_space<semaphore_mem>>) src(%dma_wait3A_89 : memref<128xi32, #tpu.memory_space<hbm>>) dst(%arg7 : memref<128xi32, #tpu.memory_space<vmem>>)
          tpu.yield
        }) : () -> ()
        "tpu.region"() ({
          %run_scoped3A = tpu.sem_alloc : memref<!tpu.dma_semaphore, #tpu.memory_space<semaphore_mem>>
          %dma_start3A_87 = tpu.memref_slice %arg4[%mul3A_80] : memref<320000xi32, #tpu.memory_space<hbm>> -> memref<128xi32, #tpu.memory_space<hbm>>
          %dma_start3A_88 = tpu.memref_slice %arg4[%mul3A_80] : memref<320000xi32, #tpu.memory_space<hbm>> -> memref<128xi32, #tpu.memory_space<hbm>>
          tpu.enqueue_dma source(%dma_start3A_88 : memref<128xi32, #tpu.memory_space<hbm>>) target(%arg9 : memref<128xi32, #tpu.memory_space<vmem>>) target_semaphore(%run_scoped3A : memref<!tpu.dma_semaphore, #tpu.memory_space<semaphore_mem>>)
          %dma_wait3A = tpu.memref_slice %arg4[%mul3A_80] : memref<320000xi32, #tpu.memory_space<hbm>> -> memref<128xi32, #tpu.memory_space<hbm>>
          %dma_wait3A_89 = tpu.memref_slice %arg4[%mul3A_80] : memref<320000xi32, #tpu.memory_space<hbm>> -> memref<128xi32, #tpu.memory_space<hbm>>
          tpu.wait_dma2 semaphore(%run_scoped3A : memref<!tpu.dma_semaphore, #tpu.memory_space<semaphore_mem>>) src(%dma_wait3A_89 : memref<128xi32, #tpu.memory_space<hbm>>) dst(%arg9 : memref<128xi32, #tpu.memory_space<vmem>>)
          tpu.yield
        }) : () -> ()
        %dma_start3A_81 = arith.constant 0 : i32
        %dma_start3A_82 = arith.constant 0 : i32
        %dma_start3A_83 = tpu.memref_slice %arg2[%dma_start3A_81, %dma_start3A_82] : memref<10000x128xf32, #tpu.memory_space<hbm>> -> memref<10000x128xf32, #tpu.memory_space<hbm>>
        tpu.enqueue_indirect_dma source(%dma_start3A_83 : memref<10000x128xf32, #tpu.memory_space<hbm>>) target(%arg11 : memref<128x128xf32, #tpu.memory_space<vmem>>) offsets(%arg7 : memref<128xi32, #tpu.memory_space<vmem>>) semaphore(%arg16 : memref<!tpu.dma_semaphore, #tpu.memory_space<semaphore_mem>>)
        %dma_start3A_84 = arith.constant 0 : i32
        %dma_start3A_85 = arith.constant 0 : i32
        %dma_start3A_86 = tpu.memref_slice %arg2[%dma_start3A_84, %dma_start3A_85] : memref<10000x128xf32, #tpu.memory_space<hbm>> -> memref<10000x128xf32, #tpu.memory_space<hbm>>
        tpu.enqueue_indirect_dma source(%dma_start3A_86 : memref<10000x128xf32, #tpu.memory_space<hbm>>) target(%arg13 : memref<128x128xf32, #tpu.memory_space<vmem>>) offsets(%arg9 : memref<128xi32, #tpu.memory_space<vmem>>) semaphore(%arg18 : memref<!tpu.dma_semaphore, #tpu.memory_space<semaphore_mem>>)
      } else {
      }
      %lt3A_55 = arith.cmpi slt, %add3A_51, %select_n3A : i32
      %convert_element_type3A_56 = arith.extui %lt3A_55 : i1 to i32
      %cond3A_57 = arith.constant 0 : i32
      %cond3A_58 = arith.cmpi ne, %convert_element_type3A_56, %cond3A_57 : i32
      scf.if %cond3A_58 {
        %dma_wait3A = arith.constant 0 : i32
        %dma_wait3A_74 = arith.constant 0 : i32
        %dma_wait3A_75 = tpu.memref_slice %arg2[%dma_wait3A, %dma_wait3A_74] : memref<10000x128xf32, #tpu.memory_space<hbm>> -> memref<10000x128xf32, #tpu.memory_space<hbm>>
        tpu.wait_indirect_dma semaphore(%arg15 : memref<!tpu.dma_semaphore, #tpu.memory_space<semaphore_mem>>) src(%dma_wait3A_75 : memref<10000x128xf32, #tpu.memory_space<hbm>>) dst(%arg10 : memref<128x128xf32, #tpu.memory_space<vmem>>)
        %dma_wait3A_76 = arith.constant 0 : i32
        %dma_wait3A_77 = arith.constant 0 : i32
        %dma_wait3A_78 = tpu.memref_slice %arg2[%dma_wait3A_76, %dma_wait3A_77] : memref<10000x128xf32, #tpu.memory_space<hbm>> -> memref<10000x128xf32, #tpu.memory_space<hbm>>
        tpu.wait_indirect_dma semaphore(%arg17 : memref<!tpu.dma_semaphore, #tpu.memory_space<semaphore_mem>>) src(%dma_wait3A_78 : memref<10000x128xf32, #tpu.memory_space<hbm>>) dst(%arg12 : memref<128x128xf32, #tpu.memory_space<vmem>>)
        %scan3A_79 = arith.constant 0 : i32
        %scan3A_80 = arith.constant 0 : i32
        %scan3A_81 = arith.constant 128 : i32
        %scan3A_82 = arith.addi %scan3A_80, %scan3A_81 : i32
        %scan3A_83 = arith.constant 2 : i32
        %scan3A_84 = scf.for %scan3A_91 = %scan3A_80 to %scan3A_82 step %scan3A_83 iter_args(%scan3A_92 = %scan3A_79) -> (i32)  : i32 {
          %get3A = arith.index_cast %scan3A_91 : i32 to index
          %get3A_93 = arith.constant 0 : index
          %get3A_94 = tpu.vector_load %arg10[%get3A, %get3A_93] {strides = array<i32>} : memref<128x128xf32, #tpu.memory_space<vmem>>, vector<1x16xf32>,
          %get3A_95 = vector.shape_cast %get3A_94 : vector<1x16xf32> to vector<16xf32>
          %get3A_96 = arith.index_cast %scan3A_91 : i32 to index
          %get3A_97 = arith.constant 64 : index
          %get3A_98 = tpu.vector_load %arg12[%get3A_96, %get3A_97] {strides = array<i32>} : memref<128x128xf32, #tpu.memory_space<vmem>>, vector<1x16xf32>,
          %get3A_99 = vector.shape_cast %get3A_98 : vector<1x16xf32> to vector<16xf32>
          %sub3A_100 = arith.subf %get3A_95, %get3A_99 : vector<16xf32>
          %swap3A = arith.index_cast %scan3A_91 : i32 to index
          %swap3A_101 = arith.constant 0 : index
          %swap3A_102 = tpu.vector_load %arg14[%swap3A, %swap3A_101] {strides = array<i32>} : memref<128x128xf32, #tpu.memory_space<vmem>>, vector<1x16xf32>,
          %swap3A_103 = vector.shape_cast %swap3A_102 : vector<1x16xf32> to vector<16xf32>
          %swap3A_104 = vector.shape_cast %sub3A_100 : vector<16xf32> to vector<1x16xf32>
          tpu.vector_store %arg14[%swap3A, %swap3A_101], %swap3A_104 {strides = array<i32>} : memref<128x128xf32, #tpu.memory_space<vmem>>, vector<1x16xf32>,
          %get3A_105 = arith.index_cast %scan3A_91 : i32 to index
          %get3A_106 = arith.constant 16 : index
          %get3A_107 = tpu.vector_load %arg10[%get3A_105, %get3A_106] {strides = array<i32>} : memref<128x128xf32, #tpu.memory_space<vmem>>, vector<1x16xf32>,
          %get3A_108 = vector.shape_cast %get3A_107 : vector<1x16xf32> to vector<16xf32>
          %get3A_109 = arith.index_cast %scan3A_91 : i32 to index
          %get3A_110 = arith.constant 80 : index
          %get3A_111 = tpu.vector_load %arg12[%get3A_109, %get3A_110] {strides = array<i32>} : memref<128x128xf32, #tpu.memory_space<vmem>>, vector<1x16xf32>,
          %get3A_112 = vector.shape_cast %get3A_111 : vector<1x16xf32> to vector<16xf32>
          %sub3A_113 = arith.subf %get3A_108, %get3A_112 : vector<16xf32>
          %swap3A_114 = arith.index_cast %scan3A_91 : i32 to index
          %swap3A_115 = arith.constant 16 : index
          %swap3A_116 = tpu.vector_load %arg14[%swap3A_114, %swap3A_115] {strides = array<i32>} : memref<128x128xf32, #tpu.memory_space<vmem>>, vector<1x16xf32>,
          %swap3A_117 = vector.shape_cast %swap3A_116 : vector<1x16xf32> to vector<16xf32>
          %swap3A_118 = vector.shape_cast %sub3A_113 : vector<16xf32> to vector<1x16xf32>
          tpu.vector_store %arg14[%swap3A_114, %swap3A_115], %swap3A_118 {strides = array<i32>} : memref<128x128xf32, #tpu.memory_space<vmem>>, vector<1x16xf32>,
          %get3A_119 = arith.index_cast %scan3A_91 : i32 to index
          %get3A_120 = arith.constant 32 : index
          %get3A_121 = tpu.vector_load %arg10[%get3A_119, %get3A_120] {strides = array<i32>} : memref<128x128xf32, #tpu.memory_space<vmem>>, vector<1x16xf32>,
          %get3A_122 = vector.shape_cast %get3A_121 : vector<1x16xf32> to vector<16xf32>
          %get3A_123 = arith.index_cast %scan3A_91 : i32 to index
          %get3A_124 = arith.constant 96 : index
          %get3A_125 = tpu.vector_load %arg12[%get3A_123, %get3A_124] {strides = array<i32>} : memref<128x128xf32, #tpu.memory_space<vmem>>, vector<1x16xf32>,
          %get3A_126 = vector.shape_cast %get3A_125 : vector<1x16xf32> to vector<16xf32>
          %sub3A_127 = arith.subf %get3A_122, %get3A_126 : vector<16xf32>
          %swap3A_128 = arith.index_cast %scan3A_91 : i32 to index
          %swap3A_129 = arith.constant 32 : index
          %swap3A_130 = tpu.vector_load %arg14[%swap3A_128, %swap3A_129] {strides = array<i32>} : memref<128x128xf32, #tpu.memory_space<vmem>>, vector<1x16xf32>,
          %swap3A_131 = vector.shape_cast %swap3A_130 : vector<1x16xf32> to vector<16xf32>
          %swap3A_132 = vector.shape_cast %sub3A_127 : vector<16xf32> to vector<1x16xf32>
          tpu.vector_store %arg14[%swap3A_128, %swap3A_129], %swap3A_132 {strides = array<i32>} : memref<128x128xf32, #tpu.memory_space<vmem>>, vector<1x16xf32>,
          %get3A_133 = arith.index_cast %scan3A_91 : i32 to index
          %get3A_134 = arith.constant 48 : index
          %get3A_135 = tpu.vector_load %arg10[%get3A_133, %get3A_134] {strides = array<i32>} : memref<128x128xf32, #tpu.memory_space<vmem>>, vector<1x16xf32>,
          %get3A_136 = vector.shape_cast %get3A_135 : vector<1x16xf32> to vector<16xf32>
          %get3A_137 = arith.index_cast %scan3A_91 : i32 to index
          %get3A_138 = arith.constant 112 : index
          %get3A_139 = tpu.vector_load %arg12[%get3A_137, %get3A_138] {strides = array<i32>} : memref<128x128xf32, #tpu.memory_space<vmem>>, vector<1x16xf32>,
          %get3A_140 = vector.shape_cast %get3A_139 : vector<1x16xf32> to vector<16xf32>
          %sub3A_141 = arith.subf %get3A_136, %get3A_140 : vector<16xf32>
          %swap3A_142 = arith.index_cast %scan3A_91 : i32 to index
          %swap3A_143 = arith.constant 48 : index
          %swap3A_144 = tpu.vector_load %arg14[%swap3A_142, %swap3A_143] {strides = array<i32>} : memref<128x128xf32, #tpu.memory_space<vmem>>, vector<1x16xf32>,
          %swap3A_145 = vector.shape_cast %swap3A_144 : vector<1x16xf32> to vector<16xf32>
          %swap3A_146 = vector.shape_cast %sub3A_141 : vector<16xf32> to vector<1x16xf32>
          tpu.vector_store %arg14[%swap3A_142, %swap3A_143], %swap3A_146 {strides = array<i32>} : memref<128x128xf32, #tpu.memory_space<vmem>>, vector<1x16xf32>,
          %scan3A_147 = arith.constant 0 : i32
          %scan3A_148 = arith.constant 1 : i32
          %scan3A_149 = arith.addi %scan3A_91, %scan3A_148 : i32
          %get3A_150 = arith.index_cast %scan3A_149 : i32 to index
          %get3A_151 = arith.constant 0 : index
          %get3A_152 = tpu.vector_load %arg10[%get3A_150, %get3A_151] {strides = array<i32>} : memref<128x128xf32, #tpu.memory_space<vmem>>, vector<1x16xf32>,
          %get3A_153 = vector.shape_cast %get3A_152 : vector<1x16xf32> to vector<16xf32>
          %get3A_154 = arith.index_cast %scan3A_149 : i32 to index
          %get3A_155 = arith.constant 64 : index
          %get3A_156 = tpu.vector_load %arg12[%get3A_154, %get3A_155] {strides = array<i32>} : memref<128x128xf32, #tpu.memory_space<vmem>>, vector<1x16xf32>,
          %get3A_157 = vector.shape_cast %get3A_156 : vector<1x16xf32> to vector<16xf32>
          %sub3A_158 = arith.subf %get3A_153, %get3A_157 : vector<16xf32>
          %swap3A_159 = arith.index_cast %scan3A_149 : i32 to index
          %swap3A_160 = arith.constant 0 : index
          %swap3A_161 = tpu.vector_load %arg14[%swap3A_159, %swap3A_160] {strides = array<i32>} : memref<128x128xf32, #tpu.memory_space<vmem>>, vector<1x16xf32>,
          %swap3A_162 = vector.shape_cast %swap3A_161 : vector<1x16xf32> to vector<16xf32>
          %swap3A_163 = vector.shape_cast %sub3A_158 : vector<16xf32> to vector<1x16xf32>
          tpu.vector_store %arg14[%swap3A_159, %swap3A_160], %swap3A_163 {strides = array<i32>} : memref<128x128xf32, #tpu.memory_space<vmem>>, vector<1x16xf32>,
          %get3A_164 = arith.index_cast %scan3A_149 : i32 to index
          %get3A_165 = arith.constant 16 : index
          %get3A_166 = tpu.vector_load %arg10[%get3A_164, %get3A_165] {strides = array<i32>} : memref<128x128xf32, #tpu.memory_space<vmem>>, vector<1x16xf32>,
          %get3A_167 = vector.shape_cast %get3A_166 : vector<1x16xf32> to vector<16xf32>
          %get3A_168 = arith.index_cast %scan3A_149 : i32 to index
          %get3A_169 = arith.constant 80 : index
          %get3A_170 = tpu.vector_load %arg12[%get3A_168, %get3A_169] {strides = array<i32>} : memref<128x128xf32, #tpu.memory_space<vmem>>, vector<1x16xf32>,
          %get3A_171 = vector.shape_cast %get3A_170 : vector<1x16xf32> to vector<16xf32>
          %sub3A_172 = arith.subf %get3A_167, %get3A_171 : vector<16xf32>
          %swap3A_173 = arith.index_cast %scan3A_149 : i32 to index
          %swap3A_174 = arith.constant 16 : index
          %swap3A_175 = tpu.vector_load %arg14[%swap3A_173, %swap3A_174] {strides = array<i32>} : memref<128x128xf32, #tpu.memory_space<vmem>>, vector<1x16xf32>,
          %swap3A_176 = vector.shape_cast %swap3A_175 : vector<1x16xf32> to vector<16xf32>
          %swap3A_177 = vector.shape_cast %sub3A_172 : vector<16xf32> to vector<1x16xf32>
          tpu.vector_store %arg14[%swap3A_173, %swap3A_174], %swap3A_177 {strides = array<i32>} : memref<128x128xf32, #tpu.memory_space<vmem>>, vector<1x16xf32>,
          %get3A_178 = arith.index_cast %scan3A_149 : i32 to index
          %get3A_179 = arith.constant 32 : index
          %get3A_180 = tpu.vector_load %arg10[%get3A_178, %get3A_179] {strides = array<i32>} : memref<128x128xf32, #tpu.memory_space<vmem>>, vector<1x16xf32>,
          %get3A_181 = vector.shape_cast %get3A_180 : vector<1x16xf32> to vector<16xf32>
          %get3A_182 = arith.index_cast %scan3A_149 : i32 to index
          %get3A_183 = arith.constant 96 : index
          %get3A_184 = tpu.vector_load %arg12[%get3A_182, %get3A_183] {strides = array<i32>} : memref<128x128xf32, #tpu.memory_space<vmem>>, vector<1x16xf32>,
          %get3A_185 = vector.shape_cast %get3A_184 : vector<1x16xf32> to vector<16xf32>
          %sub3A_186 = arith.subf %get3A_181, %get3A_185 : vector<16xf32>
          %swap3A_187 = arith.index_cast %scan3A_149 : i32 to index
          %swap3A_188 = arith.constant 32 : index
          %swap3A_189 = tpu.vector_load %arg14[%swap3A_187, %swap3A_188] {strides = array<i32>} : memref<128x128xf32, #tpu.memory_space<vmem>>, vector<1x16xf32>,
          %swap3A_190 = vector.shape_cast %swap3A_189 : vector<1x16xf32> to vector<16xf32>
          %swap3A_191 = vector.shape_cast %sub3A_186 : vector<16xf32> to vector<1x16xf32>
          tpu.vector_store %arg14[%swap3A_187, %swap3A_188], %swap3A_191 {strides = array<i32>} : memref<128x128xf32, #tpu.memory_space<vmem>>, vector<1x16xf32>,
          %get3A_192 = arith.index_cast %scan3A_149 : i32 to index
          %get3A_193 = arith.constant 48 : index
          %get3A_194 = tpu.vector_load %arg10[%get3A_192, %get3A_193] {strides = array<i32>} : memref<128x128xf32, #tpu.memory_space<vmem>>, vector<1x16xf32>,
          %get3A_195 = vector.shape_cast %get3A_194 : vector<1x16xf32> to vector<16xf32>
          %get3A_196 = arith.index_cast %scan3A_149 : i32 to index
          %get3A_197 = arith.constant 112 : index
          %get3A_198 = tpu.vector_load %arg12[%get3A_196, %get3A_197] {strides = array<i32>} : memref<128x128xf32, #tpu.memory_space<vmem>>, vector<1x16xf32>,
          %get3A_199 = vector.shape_cast %get3A_198 : vector<1x16xf32> to vector<16xf32>
          %sub3A_200 = arith.subf %get3A_195, %get3A_199 : vector<16xf32>
          %swap3A_201 = arith.index_cast %scan3A_149 : i32 to index
          %swap3A_202 = arith.constant 48 : index
          %swap3A_203 = tpu.vector_load %arg14[%swap3A_201, %swap3A_202] {strides = array<i32>} : memref<128x128xf32, #tpu.memory_space<vmem>>, vector<1x16xf32>,
          %swap3A_204 = vector.shape_cast %swap3A_203 : vector<1x16xf32> to vector<16xf32>
          %swap3A_205 = vector.shape_cast %sub3A_200 : vector<16xf32> to vector<1x16xf32>
          tpu.vector_store %arg14[%swap3A_201, %swap3A_202], %swap3A_205 {strides = array<i32>} : memref<128x128xf32, #tpu.memory_space<vmem>>, vector<1x16xf32>,
          %scan3A_206 = arith.constant 0 : i32
          scf.yield %scan3A_206 : i32
        }
        %scan3A_85 = arith.constant 128 : i32
        %mul3A_86 = arith.constant 32 : i32
        %mul3A_87 = arith.muli %add3A_51, %mul3A_86 : i32
        %add3A_88 = arith.addi %add3A, %mul3A_87 : i32
        %mul3A_89 = arith.constant 128 : i32
        %mul3A_90 = arith.muli %add3A_88, %mul3A_89 : i32
        "tpu.region"() ({
          %run_scoped3A = tpu.sem_alloc : memref<!tpu.dma_semaphore, #tpu.memory_space<semaphore_mem>>
          %dma_start3A_91 = arith.constant 0 : i32
          %dma_start3A_92 = tpu.memref_slice %arg5[%mul3A_90, %dma_start3A_91] : memref<320000x128xf32, #tpu.memory_space<hbm>> -> memref<128x128xf32, #tpu.memory_space<hbm>>
          %dma_start3A_93 = arith.constant 0 : i32
          %dma_start3A_94 = tpu.memref_slice %arg5[%mul3A_90, %dma_start3A_93] : memref<320000x128xf32, #tpu.memory_space<hbm>> -> memref<128x128xf32, #tpu.memory_space<hbm>>
          tpu.enqueue_dma source(%arg14 : memref<128x128xf32, #tpu.memory_space<vmem>>) target(%dma_start3A_94 : memref<128x128xf32, #tpu.memory_space<hbm>>) target_semaphore(%run_scoped3A : memref<!tpu.dma_semaphore, #tpu.memory_space<semaphore_mem>>)
          %dma_wait3A_95 = arith.constant 0 : i32
          %dma_wait3A_96 = tpu.memref_slice %arg5[%mul3A_90, %dma_wait3A_95] : memref<320000x128xf32, #tpu.memory_space<hbm>> -> memref<128x128xf32, #tpu.memory_space<hbm>>
          %dma_wait3A_97 = arith.constant 0 : i32
          %dma_wait3A_98 = tpu.memref_slice %arg5[%mul3A_90, %dma_wait3A_97] : memref<320000x128xf32, #tpu.memory_space<hbm>> -> memref<128x128xf32, #tpu.memory_space<hbm>>
          tpu.wait_dma2 semaphore(%run_scoped3A : memref<!tpu.dma_semaphore, #tpu.memory_space<semaphore_mem>>) src(%arg14 : memref<128x128xf32, #tpu.memory_space<vmem>>) dst(%dma_wait3A_98 : memref<128x128xf32, #tpu.memory_space<hbm>>)
          tpu.yield
        }) : () -> ()
      } else {
      }
      %mul3A_59 = arith.constant 2 : i32
      %mul3A_60 = arith.muli %scan3A_46, %mul3A_59 : i32
      %add3A_61 = arith.constant 1 : i32
      %add3A_62 = arith.addi %mul3A_60, %add3A_61 : i32
      %add3A_63 = arith.constant 1 : i32
      %add3A_64 = arith.addi %add3A_62, %add3A_63 : i32
      %lt3A_65 = arith.cmpi slt, %add3A_64, %select_n3A : i32
      %convert_element_type3A_66 = arith.extui %lt3A_65 : i1 to i32
      %cond3A_67 = arith.constant 0 : i32
      %cond3A_68 = arith.cmpi ne, %convert_element_type3A_66, %cond3A_67 : i32
      scf.if %cond3A_68 {
        %add3A_74 = arith.constant 1 : i32
        %add3A_75 = arith.addi %add3A_62, %add3A_74 : i32
        %mul3A_76 = arith.constant 32 : i32
        %mul3A_77 = arith.muli %add3A_75, %mul3A_76 : i32
        %add3A_78 = arith.addi %add3A, %mul3A_77 : i32
        %mul3A_79 = arith.constant 128 : i32
        %mul3A_80 = arith.muli %add3A_78, %mul3A_79 : i32
        "tpu.region"() ({
          %run_scoped3A = tpu.sem_alloc : memref<!tpu.dma_semaphore, #tpu.memory_space<semaphore_mem>>
          %dma_start3A_87 = tpu.memref_slice %arg3[%mul3A_80] : memref<320000xi32, #tpu.memory_space<hbm>> -> memref<128xi32, #tpu.memory_space<hbm>>
          %dma_start3A_88 = tpu.memref_slice %arg3[%mul3A_80] : memref<320000xi32, #tpu.memory_space<hbm>> -> memref<128xi32, #tpu.memory_space<hbm>>
          tpu.enqueue_dma source(%dma_start3A_88 : memref<128xi32, #tpu.memory_space<hbm>>) target(%arg6 : memref<128xi32, #tpu.memory_space<vmem>>) target_semaphore(%run_scoped3A : memref<!tpu.dma_semaphore, #tpu.memory_space<semaphore_mem>>)
          %dma_wait3A = tpu.memref_slice %arg3[%mul3A_80] : memref<320000xi32, #tpu.memory_space<hbm>> -> memref<128xi32, #tpu.memory_space<hbm>>
          %dma_wait3A_89 = tpu.memref_slice %arg3[%mul3A_80] : memref<320000xi32, #tpu.memory_space<hbm>> -> memref<128xi32, #tpu.memory_space<hbm>>
          tpu.wait_dma2 semaphore(%run_scoped3A : memref<!tpu.dma_semaphore, #tpu.memory_space<semaphore_mem>>) src(%dma_wait3A_89 : memref<128xi32, #tpu.memory_space<hbm>>) dst(%arg6 : memref<128xi32, #tpu.memory_space<vmem>>)
          tpu.yield
        }) : () -> ()
        "tpu.region"() ({
          %run_scoped3A = tpu.sem_alloc : memref<!tpu.dma_semaphore, #tpu.memory_space<semaphore_mem>>
          %dma_start3A_87 = tpu.memref_slice %arg4[%mul3A_80] : memref<320000xi32, #tpu.memory_space<hbm>> -> memref<128xi32, #tpu.memory_space<hbm>>
          %dma_start3A_88 = tpu.memref_slice %arg4[%mul3A_80] : memref<320000xi32, #tpu.memory_space<hbm>> -> memref<128xi32, #tpu.memory_space<hbm>>
          tpu.enqueue_dma source(%dma_start3A_88 : memref<128xi32, #tpu.memory_space<hbm>>) target(%arg8 : memref<128xi32, #tpu.memory_space<vmem>>) target_semaphore(%run_scoped3A : memref<!tpu.dma_semaphore, #tpu.memory_space<semaphore_mem>>)
          %dma_wait3A = tpu.memref_slice %arg4[%mul3A_80] : memref<320000xi32, #tpu.memory_space<hbm>> -> memref<128xi32, #tpu.memory_space<hbm>>
          %dma_wait3A_89 = tpu.memref_slice %arg4[%mul3A_80] : memref<320000xi32, #tpu.memory_space<hbm>> -> memref<128xi32, #tpu.memory_space<hbm>>
          tpu.wait_dma2 semaphore(%run_scoped3A : memref<!tpu.dma_semaphore, #tpu.memory_space<semaphore_mem>>) src(%dma_wait3A_89 : memref<128xi32, #tpu.memory_space<hbm>>) dst(%arg8 : memref<128xi32, #tpu.memory_space<vmem>>)
          tpu.yield
        }) : () -> ()
        %dma_start3A_81 = arith.constant 0 : i32
        %dma_start3A_82 = arith.constant 0 : i32
        %dma_start3A_83 = tpu.memref_slice %arg2[%dma_start3A_81, %dma_start3A_82] : memref<10000x128xf32, #tpu.memory_space<hbm>> -> memref<10000x128xf32, #tpu.memory_space<hbm>>
        tpu.enqueue_indirect_dma source(%dma_start3A_83 : memref<10000x128xf32, #tpu.memory_space<hbm>>) target(%arg10 : memref<128x128xf32, #tpu.memory_space<vmem>>) offsets(%arg6 : memref<128xi32, #tpu.memory_space<vmem>>) semaphore(%arg15 : memref<!tpu.dma_semaphore, #tpu.memory_space<semaphore_mem>>)
        %dma_start3A_84 = arith.constant 0 : i32
        %dma_start3A_85 = arith.constant 0 : i32
        %dma_start3A_86 = tpu.memref_slice %arg2[%dma_start3A_84, %dma_start3A_85] : memref<10000x128xf32, #tpu.memory_space<hbm>> -> memref<10000x128xf32, #tpu.memory_space<hbm>>
        tpu.enqueue_indirect_dma source(%dma_start3A_86 : memref<10000x128xf32, #tpu.memory_space<hbm>>) target(%arg12 : memref<128x128xf32, #tpu.memory_space<vmem>>) offsets(%arg8 : memref<128xi32, #tpu.memory_space<vmem>>) semaphore(%arg17 : memref<!tpu.dma_semaphore, #tpu.memory_space<semaphore_mem>>)
      } else {
      }
      %lt3A_69 = arith.cmpi slt, %add3A_62, %select_n3A : i32
      %convert_element_type3A_70 = arith.extui %lt3A_69 : i1 to i32
      %cond3A_71 = arith.constant 0 : i32
      %cond3A_72 = arith.cmpi ne, %convert_element_type3A_70, %cond3A_71 : i32
      scf.if %cond3A_72 {
        %dma_wait3A = arith.constant 0 : i32
        %dma_wait3A_74 = arith.constant 0 : i32
        %dma_wait3A_75 = tpu.memref_slice %arg2[%dma_wait3A, %dma_wait3A_74] : memref<10000x128xf32, #tpu.memory_space<hbm>> -> memref<10000x128xf32, #tpu.memory_space<hbm>>
        tpu.wait_indirect_dma semaphore(%arg16 : memref<!tpu.dma_semaphore, #tpu.memory_space<semaphore_mem>>) src(%dma_wait3A_75 : memref<10000x128xf32, #tpu.memory_space<hbm>>) dst(%arg11 : memref<128x128xf32, #tpu.memory_space<vmem>>)
        %dma_wait3A_76 = arith.constant 0 : i32
        %dma_wait3A_77 = arith.constant 0 : i32
        %dma_wait3A_78 = tpu.memref_slice %arg2[%dma_wait3A_76, %dma_wait3A_77] : memref<10000x128xf32, #tpu.memory_space<hbm>> -> memref<10000x128xf32, #tpu.memory_space<hbm>>
        tpu.wait_indirect_dma semaphore(%arg18 : memref<!tpu.dma_semaphore, #tpu.memory_space<semaphore_mem>>) src(%dma_wait3A_78 : memref<10000x128xf32, #tpu.memory_space<hbm>>) dst(%arg13 : memref<128x128xf32, #tpu.memory_space<vmem>>)
        %scan3A_79 = arith.constant 0 : i32
        %scan3A_80 = arith.constant 0 : i32
        %scan3A_81 = arith.constant 128 : i32
        %scan3A_82 = arith.addi %scan3A_80, %scan3A_81 : i32
        %scan3A_83 = arith.constant 2 : i32
        %scan3A_84 = scf.for %scan3A_91 = %scan3A_80 to %scan3A_82 step %scan3A_83 iter_args(%scan3A_92 = %scan3A_79) -> (i32)  : i32 {
          %get3A = arith.index_cast %scan3A_91 : i32 to index
          %get3A_93 = arith.constant 0 : index
          %get3A_94 = tpu.vector_load %arg11[%get3A, %get3A_93] {strides = array<i32>} : memref<128x128xf32, #tpu.memory_space<vmem>>, vector<1x16xf32>,
          %get3A_95 = vector.shape_cast %get3A_94 : vector<1x16xf32> to vector<16xf32>
          %get3A_96 = arith.index_cast %scan3A_91 : i32 to index
          %get3A_97 = arith.constant 64 : index
          %get3A_98 = tpu.vector_load %arg13[%get3A_96, %get3A_97] {strides = array<i32>} : memref<128x128xf32, #tpu.memory_space<vmem>>, vector<1x16xf32>,
          %get3A_99 = vector.shape_cast %get3A_98 : vector<1x16xf32> to vector<16xf32>
          %sub3A_100 = arith.subf %get3A_95, %get3A_99 : vector<16xf32>
          %swap3A = arith.index_cast %scan3A_91 : i32 to index
          %swap3A_101 = arith.constant 0 : index
          %swap3A_102 = tpu.vector_load %arg14[%swap3A, %swap3A_101] {strides = array<i32>} : memref<128x128xf32, #tpu.memory_space<vmem>>, vector<1x16xf32>,
          %swap3A_103 = vector.shape_cast %swap3A_102 : vector<1x16xf32> to vector<16xf32>
          %swap3A_104 = vector.shape_cast %sub3A_100 : vector<16xf32> to vector<1x16xf32>
          tpu.vector_store %arg14[%swap3A, %swap3A_101], %swap3A_104 {strides = array<i32>} : memref<128x128xf32, #tpu.memory_space<vmem>>, vector<1x16xf32>,
          %get3A_105 = arith.index_cast %scan3A_91 : i32 to index
          %get3A_106 = arith.constant 16 : index
          %get3A_107 = tpu.vector_load %arg11[%get3A_105, %get3A_106] {strides = array<i32>} : memref<128x128xf32, #tpu.memory_space<vmem>>, vector<1x16xf32>,
          %get3A_108 = vector.shape_cast %get3A_107 : vector<1x16xf32> to vector<16xf32>
          %get3A_109 = arith.index_cast %scan3A_91 : i32 to index
          %get3A_110 = arith.constant 80 : index
          %get3A_111 = tpu.vector_load %arg13[%get3A_109, %get3A_110] {strides = array<i32>} : memref<128x128xf32, #tpu.memory_space<vmem>>, vector<1x16xf32>,
          %get3A_112 = vector.shape_cast %get3A_111 : vector<1x16xf32> to vector<16xf32>
          %sub3A_113 = arith.subf %get3A_108, %get3A_112 : vector<16xf32>
          %swap3A_114 = arith.index_cast %scan3A_91 : i32 to index
          %swap3A_115 = arith.constant 16 : index
          %swap3A_116 = tpu.vector_load %arg14[%swap3A_114, %swap3A_115] {strides = array<i32>} : memref<128x128xf32, #tpu.memory_space<vmem>>, vector<1x16xf32>,
          %swap3A_117 = vector.shape_cast %swap3A_116 : vector<1x16xf32> to vector<16xf32>
          %swap3A_118 = vector.shape_cast %sub3A_113 : vector<16xf32> to vector<1x16xf32>
          tpu.vector_store %arg14[%swap3A_114, %swap3A_115], %swap3A_118 {strides = array<i32>} : memref<128x128xf32, #tpu.memory_space<vmem>>, vector<1x16xf32>,
          %get3A_119 = arith.index_cast %scan3A_91 : i32 to index
          %get3A_120 = arith.constant 32 : index
          %get3A_121 = tpu.vector_load %arg11[%get3A_119, %get3A_120] {strides = array<i32>} : memref<128x128xf32, #tpu.memory_space<vmem>>, vector<1x16xf32>,
          %get3A_122 = vector.shape_cast %get3A_121 : vector<1x16xf32> to vector<16xf32>
          %get3A_123 = arith.index_cast %scan3A_91 : i32 to index
          %get3A_124 = arith.constant 96 : index
          %get3A_125 = tpu.vector_load %arg13[%get3A_123, %get3A_124] {strides = array<i32>} : memref<128x128xf32, #tpu.memory_space<vmem>>, vector<1x16xf32>,
          %get3A_126 = vector.shape_cast %get3A_125 : vector<1x16xf32> to vector<16xf32>
          %sub3A_127 = arith.subf %get3A_122, %get3A_126 : vector<16xf32>
          %swap3A_128 = arith.index_cast %scan3A_91 : i32 to index
          %swap3A_129 = arith.constant 32 : index
          %swap3A_130 = tpu.vector_load %arg14[%swap3A_128, %swap3A_129] {strides = array<i32>} : memref<128x128xf32, #tpu.memory_space<vmem>>, vector<1x16xf32>,
          %swap3A_131 = vector.shape_cast %swap3A_130 : vector<1x16xf32> to vector<16xf32>
          %swap3A_132 = vector.shape_cast %sub3A_127 : vector<16xf32> to vector<1x16xf32>
          tpu.vector_store %arg14[%swap3A_128, %swap3A_129], %swap3A_132 {strides = array<i32>} : memref<128x128xf32, #tpu.memory_space<vmem>>, vector<1x16xf32>,
          %get3A_133 = arith.index_cast %scan3A_91 : i32 to index
          %get3A_134 = arith.constant 48 : index
          %get3A_135 = tpu.vector_load %arg11[%get3A_133, %get3A_134] {strides = array<i32>} : memref<128x128xf32, #tpu.memory_space<vmem>>, vector<1x16xf32>,
          %get3A_136 = vector.shape_cast %get3A_135 : vector<1x16xf32> to vector<16xf32>
          %get3A_137 = arith.index_cast %scan3A_91 : i32 to index
          %get3A_138 = arith.constant 112 : index
          %get3A_139 = tpu.vector_load %arg13[%get3A_137, %get3A_138] {strides = array<i32>} : memref<128x128xf32, #tpu.memory_space<vmem>>, vector<1x16xf32>,
          %get3A_140 = vector.shape_cast %get3A_139 : vector<1x16xf32> to vector<16xf32>
          %sub3A_141 = arith.subf %get3A_136, %get3A_140 : vector<16xf32>
          %swap3A_142 = arith.index_cast %scan3A_91 : i32 to index
          %swap3A_143 = arith.constant 48 : index
          %swap3A_144 = tpu.vector_load %arg14[%swap3A_142, %swap3A_143] {strides = array<i32>} : memref<128x128xf32, #tpu.memory_space<vmem>>, vector<1x16xf32>,
          %swap3A_145 = vector.shape_cast %swap3A_144 : vector<1x16xf32> to vector<16xf32>
          %swap3A_146 = vector.shape_cast %sub3A_141 : vector<16xf32> to vector<1x16xf32>
          tpu.vector_store %arg14[%swap3A_142, %swap3A_143], %swap3A_146 {strides = array<i32>} : memref<128x128xf32, #tpu.memory_space<vmem>>, vector<1x16xf32>,
          %scan3A_147 = arith.constant 0 : i32
          %scan3A_148 = arith.constant 1 : i32
          %scan3A_149 = arith.addi %scan3A_91, %scan3A_148 : i32
          %get3A_150 = arith.index_cast %scan3A_149 : i32 to index
          %get3A_151 = arith.constant 0 : index
          %get3A_152 = tpu.vector_load %arg11[%get3A_150, %get3A_151] {strides = array<i32>} : memref<128x128xf32, #tpu.memory_space<vmem>>, vector<1x16xf32>,
          %get3A_153 = vector.shape_cast %get3A_152 : vector<1x16xf32> to vector<16xf32>
          %get3A_154 = arith.index_cast %scan3A_149 : i32 to index
          %get3A_155 = arith.constant 64 : index
          %get3A_156 = tpu.vector_load %arg13[%get3A_154, %get3A_155] {strides = array<i32>} : memref<128x128xf32, #tpu.memory_space<vmem>>, vector<1x16xf32>,
          %get3A_157 = vector.shape_cast %get3A_156 : vector<1x16xf32> to vector<16xf32>
          %sub3A_158 = arith.subf %get3A_153, %get3A_157 : vector<16xf32>
          %swap3A_159 = arith.index_cast %scan3A_149 : i32 to index
          %swap3A_160 = arith.constant 0 : index
          %swap3A_161 = tpu.vector_load %arg14[%swap3A_159, %swap3A_160] {strides = array<i32>} : memref<128x128xf32, #tpu.memory_space<vmem>>, vector<1x16xf32>,
          %swap3A_162 = vector.shape_cast %swap3A_161 : vector<1x16xf32> to vector<16xf32>
          %swap3A_163 = vector.shape_cast %sub3A_158 : vector<16xf32> to vector<1x16xf32>
          tpu.vector_store %arg14[%swap3A_159, %swap3A_160], %swap3A_163 {strides = array<i32>} : memref<128x128xf32, #tpu.memory_space<vmem>>, vector<1x16xf32>,
          %get3A_164 = arith.index_cast %scan3A_149 : i32 to index
          %get3A_165 = arith.constant 16 : index
          %get3A_166 = tpu.vector_load %arg11[%get3A_164, %get3A_165] {strides = array<i32>} : memref<128x128xf32, #tpu.memory_space<vmem>>, vector<1x16xf32>,
          %get3A_167 = vector.shape_cast %get3A_166 : vector<1x16xf32> to vector<16xf32>
          %get3A_168 = arith.index_cast %scan3A_149 : i32 to index
          %get3A_169 = arith.constant 80 : index
          %get3A_170 = tpu.vector_load %arg13[%get3A_168, %get3A_169] {strides = array<i32>} : memref<128x128xf32, #tpu.memory_space<vmem>>, vector<1x16xf32>,
          %get3A_171 = vector.shape_cast %get3A_170 : vector<1x16xf32> to vector<16xf32>
          %sub3A_172 = arith.subf %get3A_167, %get3A_171 : vector<16xf32>
          %swap3A_173 = arith.index_cast %scan3A_149 : i32 to index
          %swap3A_174 = arith.constant 16 : index
          %swap3A_175 = tpu.vector_load %arg14[%swap3A_173, %swap3A_174] {strides = array<i32>} : memref<128x128xf32, #tpu.memory_space<vmem>>, vector<1x16xf32>,
          %swap3A_176 = vector.shape_cast %swap3A_175 : vector<1x16xf32> to vector<16xf32>
          %swap3A_177 = vector.shape_cast %sub3A_172 : vector<16xf32> to vector<1x16xf32>
          tpu.vector_store %arg14[%swap3A_173, %swap3A_174], %swap3A_177 {strides = array<i32>} : memref<128x128xf32, #tpu.memory_space<vmem>>, vector<1x16xf32>,
          %get3A_178 = arith.index_cast %scan3A_149 : i32 to index
          %get3A_179 = arith.constant 32 : index
          %get3A_180 = tpu.vector_load %arg11[%get3A_178, %get3A_179] {strides = array<i32>} : memref<128x128xf32, #tpu.memory_space<vmem>>, vector<1x16xf32>,
          %get3A_181 = vector.shape_cast %get3A_180 : vector<1x16xf32> to vector<16xf32>
          %get3A_182 = arith.index_cast %scan3A_149 : i32 to index
          %get3A_183 = arith.constant 96 : index
          %get3A_184 = tpu.vector_load %arg13[%get3A_182, %get3A_183] {strides = array<i32>} : memref<128x128xf32, #tpu.memory_space<vmem>>, vector<1x16xf32>,
          %get3A_185 = vector.shape_cast %get3A_184 : vector<1x16xf32> to vector<16xf32>
          %sub3A_186 = arith.subf %get3A_181, %get3A_185 : vector<16xf32>
          %swap3A_187 = arith.index_cast %scan3A_149 : i32 to index
          %swap3A_188 = arith.constant 32 : index
          %swap3A_189 = tpu.vector_load %arg14[%swap3A_187, %swap3A_188] {strides = array<i32>} : memref<128x128xf32, #tpu.memory_space<vmem>>, vector<1x16xf32>,
          %swap3A_190 = vector.shape_cast %swap3A_189 : vector<1x16xf32> to vector<16xf32>
          %swap3A_191 = vector.shape_cast %sub3A_186 : vector<16xf32> to vector<1x16xf32>
          tpu.vector_store %arg14[%swap3A_187, %swap3A_188], %swap3A_191 {strides = array<i32>} : memref<128x128xf32, #tpu.memory_space<vmem>>, vector<1x16xf32>,
          %get3A_192 = arith.index_cast %scan3A_149 : i32 to index
          %get3A_193 = arith.constant 48 : index
          %get3A_194 = tpu.vector_load %arg11[%get3A_192, %get3A_193] {strides = array<i32>} : memref<128x128xf32, #tpu.memory_space<vmem>>, vector<1x16xf32>,
          %get3A_195 = vector.shape_cast %get3A_194 : vector<1x16xf32> to vector<16xf32>
          %get3A_196 = arith.index_cast %scan3A_149 : i32 to index
          %get3A_197 = arith.constant 112 : index
          %get3A_198 = tpu.vector_load %arg13[%get3A_196, %get3A_197] {strides = array<i32>} : memref<128x128xf32, #tpu.memory_space<vmem>>, vector<1x16xf32>,
          %get3A_199 = vector.shape_cast %get3A_198 : vector<1x16xf32> to vector<16xf32>
          %sub3A_200 = arith.subf %get3A_195, %get3A_199 : vector<16xf32>
          %swap3A_201 = arith.index_cast %scan3A_149 : i32 to index
          %swap3A_202 = arith.constant 48 : index
          %swap3A_203 = tpu.vector_load %arg14[%swap3A_201, %swap3A_202] {strides = array<i32>} : memref<128x128xf32, #tpu.memory_space<vmem>>, vector<1x16xf32>,
          %swap3A_204 = vector.shape_cast %swap3A_203 : vector<1x16xf32> to vector<16xf32>
          %swap3A_205 = vector.shape_cast %sub3A_200 : vector<16xf32> to vector<1x16xf32>
          tpu.vector_store %arg14[%swap3A_201, %swap3A_202], %swap3A_205 {strides = array<i32>} : memref<128x128xf32, #tpu.memory_space<vmem>>, vector<1x16xf32>,
          %scan3A_206 = arith.constant 0 : i32
          scf.yield %scan3A_206 : i32
        }
        %scan3A_85 = arith.constant 128 : i32
        %mul3A_86 = arith.constant 32 : i32
        %mul3A_87 = arith.muli %add3A_62, %mul3A_86 : i32
        %add3A_88 = arith.addi %add3A, %mul3A_87 : i32
        %mul3A_89 = arith.constant 128 : i32
        %mul3A_90 = arith.muli %add3A_88, %mul3A_89 : i32
        "tpu.region"() ({
          %run_scoped3A = tpu.sem_alloc : memref<!tpu.dma_semaphore, #tpu.memory_space<semaphore_mem>>
          %dma_start3A_91 = arith.constant 0 : i32
          %dma_start3A_92 = tpu.memref_slice %arg5[%mul3A_90, %dma_start3A_91] : memref<320000x128xf32, #tpu.memory_space<hbm>> -> memref<128x128xf32, #tpu.memory_space<hbm>>
          %dma_start3A_93 = arith.constant 0 : i32
          %dma_start3A_94 = tpu.memref_slice %arg5[%mul3A_90, %dma_start3A_93] : memref<320000x128xf32, #tpu.memory_space<hbm>> -> memref<128x128xf32, #tpu.memory_space<hbm>>
          tpu.enqueue_dma source(%arg14 : memref<128x128xf32, #tpu.memory_space<vmem>>) target(%dma_start3A_94 : memref<128x128xf32, #tpu.memory_space<hbm>>) target_semaphore(%run_scoped3A : memref<!tpu.dma_semaphore, #tpu.memory_space<semaphore_mem>>)
          %dma_wait3A_95 = arith.constant 0 : i32
          %dma_wait3A_96 = tpu.memref_slice %arg5[%mul3A_90, %dma_wait3A_95] : memref<320000x128xf32, #tpu.memory_space<hbm>> -> memref<128x128xf32, #tpu.memory_space<hbm>>
          %dma_wait3A_97 = arith.constant 0 : i32
          %dma_wait3A_98 = tpu.memref_slice %arg5[%mul3A_90, %dma_wait3A_97] : memref<320000x128xf32, #tpu.memory_space<hbm>> -> memref<128x128xf32, #tpu.memory_space<hbm>>
          tpu.wait_dma2 semaphore(%run_scoped3A : memref<!tpu.dma_semaphore, #tpu.memory_space<semaphore_mem>>) src(%arg14 : memref<128x128xf32, #tpu.memory_space<vmem>>) dst(%dma_wait3A_98 : memref<128x128xf32, #tpu.memory_space<hbm>>)
          tpu.yield
        }) : () -> ()
      } else {
      }
      %scan3A_73 = arith.constant 0 : i32
      scf.yield %scan3A_73 : i32
    }
    %scan3A_45 = arith.constant 40 : i32
    return
  }
}

#map = affine_map<(d0, d1) -> (0, 0)>
#map1 = affine_map<(d0, d1) -> (0)>
module attributes {stable_mosaic.version = 14 : i64} {
  func.func @_gather_body(%arg0: i32, %arg1: i32, %arg2: memref<10000x128xf32, #tpu.memory_space<hbm>>, %arg3: memref<320000xi32, #tpu.memory_space<hbm>>, %arg4: memref<320000xi32, #tpu.memory_space<hbm>>, %arg5: memref<320000x128xf32, #tpu.memory_space<hbm>>, %arg6: memref<128xi32, #tpu.memory_space<vmem>>, %arg7: memref<128xi32, #tpu.memory_space<vmem>>, %arg8: memref<128xi32, #tpu.memory_space<vmem>>, %arg9: memref<128xi32, #tpu.memory_space<vmem>>, %arg10: memref<128x128xf32, #tpu.memory_space<vmem>>, %arg11: memref<128x128xf32, #tpu.memory_space<vmem>>, %arg12: memref<128x128xf32, #tpu.memory_space<vmem>>, %arg13: memref<128x128xf32, #tpu.memory_space<vmem>>, %arg14: memref<128x128xf32, #tpu.memory_space<vmem>>, %arg15: memref<!tpu.dma_semaphore, #tpu.memory_space<semaphore_mem>>, %arg16: memref<!tpu.dma_semaphore, #tpu.memory_space<semaphore_mem>>, %arg17: memref<!tpu.dma_semaphore, #tpu.memory_space<semaphore_mem>>, %arg18: memref<!tpu.dma_semaphore, #tpu.memory_space<semaphore_mem>>) attributes {dimension_semantics = [#tpu.dimension_semantics<core_parallel>, #tpu.dimension_semantics<subcore_parallel>], iteration_bounds = array<i64: 2, 16>, scalar_prefetch = 0 : i64, scratch_operands = 13 : i64, tpu.core_type = #tpu.core_type<sc_vector_subcore>, window_params = [{transform_indices = #map}, {transform_indices = #map1}, {transform_indices = #map1}, {transform_indices = #map}]} {
    %mul3A = arith.constant 2 : i32
    %mul3A_0 = arith.muli %arg1, %mul3A : i32
    %add3A = arith.addi %mul3A_0, %arg0 : i32
    %sub3A = arith.constant 2500 : i32
    %sub3A_1 = arith.subi %sub3A, %add3A : i32
    %add3A_2 = arith.constant 32 : i32
    %add3A_3 = arith.addi %sub3A_1, %add3A_2 : i32
    %sub3A_4 = arith.constant 1 : i32
    %sub3A_5 = arith.subi %add3A_3, %sub3A_4 : i32
    %jit3A = arith.constant 32 : i32
    %div3A = arith.divsi %sub3A_5, %jit3A : i32
    %sign3A = arith.constant 0 : i32
    %sign3A_6 = arith.cmpi sgt, %sub3A_5, %sign3A : i32
    %sign3A_7 = arith.extui %sign3A_6 : i1 to i32
    %sign3A_8 = arith.constant 0 : i32
    %sign3A_9 = arith.cmpi slt, %sub3A_5, %sign3A_8 : i32
    %sign3A_10 = arith.extui %sign3A_9 : i1 to i32
    %sign3A_11 = arith.subi %sign3A_7, %sign3A_10 : i32
    %sign3A_12 = arith.constant 0 : i32
    %sign3A_13 = arith.cmpi sgt, %jit3A, %sign3A_12 : i32
    %sign3A_14 = arith.extui %sign3A_13 : i1 to i32
    %sign3A_15 = arith.constant 0 : i32
    %sign3A_16 = arith.cmpi slt, %jit3A, %sign3A_15 : i32
    %sign3A_17 = arith.extui %sign3A_16 : i1 to i32
    %sign3A_18 = arith.subi %sign3A_14, %sign3A_17 : i32
    %ne3A = arith.cmpi ne, %sign3A_11, %sign3A_18 : i32
    %rem3A = arith.remsi %sub3A_5, %jit3A : i32
    %ne3A_19 = arith.constant 0 : i32
    %ne3A_20 = arith.cmpi ne, %rem3A, %ne3A_19 : i32
    %and3A = arith.andi %ne3A, %ne3A_20 : i1
    %sub3A_21 = arith.constant 1 : i32
    %sub3A_22 = arith.subi %div3A, %sub3A_21 : i32
    %select_n3A = arith.select %and3A, %sub3A_22, %div3A : i32
    %broadcast_in_dim3A = arith.constant 0.000000e+00 : f32
    %broadcast_in_dim3A_23 = vector.broadcast %broadcast_in_dim3A : f32 to vector<16xf32>
    %scan3A = arith.constant 0 : i32
    %scan3A_24 = arith.constant 0 : i32
    %scan3A_25 = arith.constant 128 : i32
    %scan3A_26 = arith.addi %scan3A_24, %scan3A_25 : i32
    %scan3A_27 = arith.constant 1 : i32
    %scan3A_28 = scf.for %scan3A_46 = %scan3A_24 to %scan3A_26 step %scan3A_27 iter_args(%scan3A_47 = %scan3A) -> (i32)  : i32 {
      %swap3A = arith.index_cast %scan3A_46 : i32 to index
      %swap3A_48 = arith.constant 64 : index
      %swap3A_49 = tpu.vector_load %arg14[%swap3A, %swap3A_48] {strides = array<i32>} : memref<128x128xf32, #tpu.memory_space<vmem>>, vector<1x16xf32>,
      %swap3A_50 = vector.shape_cast %swap3A_49 : vector<1x16xf32> to vector<16xf32>
      %swap3A_51 = vector.shape_cast %broadcast_in_dim3A_23 : vector<16xf32> to vector<1x16xf32>
      tpu.vector_store %arg14[%swap3A, %swap3A_48], %swap3A_51 {strides = array<i32>} : memref<128x128xf32, #tpu.memory_space<vmem>>, vector<1x16xf32>,
      %swap3A_52 = arith.index_cast %scan3A_46 : i32 to index
      %swap3A_53 = arith.constant 80 : index
      %swap3A_54 = tpu.vector_load %arg14[%swap3A_52, %swap3A_53] {strides = array<i32>} : memref<128x128xf32, #tpu.memory_space<vmem>>, vector<1x16xf32>,
      %swap3A_55 = vector.shape_cast %swap3A_54 : vector<1x16xf32> to vector<16xf32>
      %swap3A_56 = vector.shape_cast %broadcast_in_dim3A_23 : vector<16xf32> to vector<1x16xf32>
      tpu.vector_store %arg14[%swap3A_52, %swap3A_53], %swap3A_56 {strides = array<i32>} : memref<128x128xf32, #tpu.memory_space<vmem>>, vector<1x16xf32>,
      %swap3A_57 = arith.index_cast %scan3A_46 : i32 to index
      %swap3A_58 = arith.constant 96 : index
      %swap3A_59 = tpu.vector_load %arg14[%swap3A_57, %swap3A_58] {strides = array<i32>} : memref<128x128xf32, #tpu.memory_space<vmem>>, vector<1x16xf32>,
      %swap3A_60 = vector.shape_cast %swap3A_59 : vector<1x16xf32> to vector<16xf32>
      %swap3A_61 = vector.shape_cast %broadcast_in_dim3A_23 : vector<16xf32> to vector<1x16xf32>
      tpu.vector_store %arg14[%swap3A_57, %swap3A_58], %swap3A_61 {strides = array<i32>} : memref<128x128xf32, #tpu.memory_space<vmem>>, vector<1x16xf32>,
      %swap3A_62 = arith.index_cast %scan3A_46 : i32 to index
      %swap3A_63 = arith.constant 112 : index
      %swap3A_64 = tpu.vector_load %arg14[%swap3A_62, %swap3A_63] {strides = array<i32>} : memref<128x128xf32, #tpu.memory_space<vmem>>, vector<1x16xf32>,
      %swap3A_65 = vector.shape_cast %swap3A_64 : vector<1x16xf32> to vector<16xf32>
      %swap3A_66 = vector.shape_cast %broadcast_in_dim3A_23 : vector<16xf32> to vector<1x16xf32>
      tpu.vector_store %arg14[%swap3A_62, %swap3A_63], %swap3A_66 {strides = array<i32>} : memref<128x128xf32, #tpu.memory_space<vmem>>, vector<1x16xf32>,
      %scan3A_67 = arith.constant 0 : i32
      scf.yield %scan3A_67 : i32
    }
    %scan3A_29 = arith.constant 128 : i32
    %add3A_30 = arith.constant 0 : i32
    %add3A_31 = arith.addi %add3A, %add3A_30 : i32
    %mul3A_32 = arith.constant 128 : i32
    %mul3A_33 = arith.muli %add3A_31, %mul3A_32 : i32
    "tpu.region"() ({
      %run_scoped3A = tpu.sem_alloc : memref<!tpu.dma_semaphore, #tpu.memory_space<semaphore_mem>>
      %dma_start3A_46 = tpu.memref_slice %arg3[%mul3A_33] : memref<320000xi32, #tpu.memory_space<hbm>> -> memref<128xi32, #tpu.memory_space<hbm>>
      %dma_start3A_47 = tpu.memref_slice %arg3[%mul3A_33] : memref<320000xi32, #tpu.memory_space<hbm>> -> memref<128xi32, #tpu.memory_space<hbm>>
      tpu.enqueue_dma source(%dma_start3A_47 : memref<128xi32, #tpu.memory_space<hbm>>) target(%arg6 : memref<128xi32, #tpu.memory_space<vmem>>) target_semaphore(%run_scoped3A : memref<!tpu.dma_semaphore, #tpu.memory_space<semaphore_mem>>)
      %dma_wait3A = tpu.memref_slice %arg3[%mul3A_33] : memref<320000xi32, #tpu.memory_space<hbm>> -> memref<128xi32, #tpu.memory_space<hbm>>
      %dma_wait3A_48 = tpu.memref_slice %arg3[%mul3A_33] : memref<320000xi32, #tpu.memory_space<hbm>> -> memref<128xi32, #tpu.memory_space<hbm>>
      tpu.wait_dma2 semaphore(%run_scoped3A : memref<!tpu.dma_semaphore, #tpu.memory_space<semaphore_mem>>) src(%dma_wait3A_48 : memref<128xi32, #tpu.memory_space<hbm>>) dst(%arg6 : memref<128xi32, #tpu.memory_space<vmem>>)
      tpu.yield
    }) : () -> ()
    "tpu.region"() ({
      %run_scoped3A = tpu.sem_alloc : memref<!tpu.dma_semaphore, #tpu.memory_space<semaphore_mem>>
      %dma_start3A_46 = tpu.memref_slice %arg4[%mul3A_33] : memref<320000xi32, #tpu.memory_space<hbm>> -> memref<128xi32, #tpu.memory_space<hbm>>
      %dma_start3A_47 = tpu.memref_slice %arg4[%mul3A_33] : memref<320000xi32, #tpu.memory_space<hbm>> -> memref<128xi32, #tpu.memory_space<hbm>>
      tpu.enqueue_dma source(%dma_start3A_47 : memref<128xi32, #tpu.memory_space<hbm>>) target(%arg8 : memref<128xi32, #tpu.memory_space<vmem>>) target_semaphore(%run_scoped3A : memref<!tpu.dma_semaphore, #tpu.memory_space<semaphore_mem>>)
      %dma_wait3A = tpu.memref_slice %arg4[%mul3A_33] : memref<320000xi32, #tpu.memory_space<hbm>> -> memref<128xi32, #tpu.memory_space<hbm>>
      %dma_wait3A_48 = tpu.memref_slice %arg4[%mul3A_33] : memref<320000xi32, #tpu.memory_space<hbm>> -> memref<128xi32, #tpu.memory_space<hbm>>
      tpu.wait_dma2 semaphore(%run_scoped3A : memref<!tpu.dma_semaphore, #tpu.memory_space<semaphore_mem>>) src(%dma_wait3A_48 : memref<128xi32, #tpu.memory_space<hbm>>) dst(%arg8 : memref<128xi32, #tpu.memory_space<vmem>>)
      tpu.yield
    }) : () -> ()
    %dma_start3A = arith.constant 0 : i32
    %dma_start3A_34 = arith.constant 0 : i32
    %dma_start3A_35 = tpu.memref_slice %arg2[%dma_start3A, %dma_start3A_34] : memref<10000x128xf32, #tpu.memory_space<hbm>> -> memref<10000x128xf32, #tpu.memory_space<hbm>>
    tpu.enqueue_indirect_dma source(%dma_start3A_35 : memref<10000x128xf32, #tpu.memory_space<hbm>>) target(%arg10 : memref<128x128xf32, #tpu.memory_space<vmem>>) offsets(%arg6 : memref<128xi32, #tpu.memory_space<vmem>>) semaphore(%arg15 : memref<!tpu.dma_semaphore, #tpu.memory_space<semaphore_mem>>)
    %dma_start3A_36 = arith.constant 0 : i32
    %dma_start3A_37 = arith.constant 0 : i32
    %dma_start3A_38 = tpu.memref_slice %arg2[%dma_start3A_36, %dma_start3A_37] : memref<10000x128xf32, #tpu.memory_space<hbm>> -> memref<10000x128xf32, #tpu.memory_space<hbm>>
    tpu.enqueue_indirect_dma source(%dma_start3A_38 : memref<10000x128xf32, #tpu.memory_space<hbm>>) target(%arg12 : memref<128x128xf32, #tpu.memory_space<vmem>>) offsets(%arg8 : memref<128xi32, #tpu.memory_space<vmem>>) semaphore(%arg17 : memref<!tpu.dma_semaphore, #tpu.memory_space<semaphore_mem>>)
    %scan3A_39 = arith.constant 0 : i32
    %scan3A_40 = arith.constant 0 : i32
    %scan3A_41 = arith.constant 40 : i32
    %scan3A_42 = arith.addi %scan3A_40, %scan3A_41 : i32
    %scan3A_43 = arith.constant 1 : i32
    %scan3A_44 = scf.for %scan3A_46 = %scan3A_40 to %scan3A_42 step %scan3A_43 iter_args(%scan3A_47 = %scan3A_39) -> (i32)  : i32 {
      %mul3A_48 = arith.constant 2 : i32
      %mul3A_49 = arith.muli %scan3A_46, %mul3A_48 : i32
      %add3A_50 = arith.constant 0 : i32
      %add3A_51 = arith.addi %mul3A_49, %add3A_50 : i32
      %add3A_52 = arith.constant 1 : i32
      %add3A_53 = arith.addi %add3A_51, %add3A_52 : i32
      %lt3A = arith.cmpi slt, %add3A_53, %select_n3A : i32
      %convert_element_type3A = arith.extui %lt3A : i1 to i32
      %cond3A = arith.constant 0 : i32
      %cond3A_54 = arith.cmpi ne, %convert_element_type3A, %cond3A : i32
      scf.if %cond3A_54 {
        %add3A_74 = arith.constant 1 : i32
        %add3A_75 = arith.addi %add3A_51, %add3A_74 : i32
        %mul3A_76 = arith.constant 32 : i32
        %mul3A_77 = arith.muli %add3A_75, %mul3A_76 : i32
        %add3A_78 = arith.addi %add3A, %mul3A_77 : i32
        %mul3A_79 = arith.constant 128 : i32
        %mul3A_80 = arith.muli %add3A_78, %mul3A_79 : i32
        "tpu.region"() ({
          %run_scoped3A = tpu.sem_alloc : memref<!tpu.dma_semaphore, #tpu.memory_space<semaphore_mem>>
          %dma_start3A_87 = tpu.memref_slice %arg3[%mul3A_80] : memref<320000xi32, #tpu.memory_space<hbm>> -> memref<128xi32, #tpu.memory_space<hbm>>
          %dma_start3A_88 = tpu.memref_slice %arg3[%mul3A_80] : memref<320000xi32, #tpu.memory_space<hbm>> -> memref<128xi32, #tpu.memory_space<hbm>>
          tpu.enqueue_dma source(%dma_start3A_88 : memref<128xi32, #tpu.memory_space<hbm>>) target(%arg7 : memref<128xi32, #tpu.memory_space<vmem>>) target_semaphore(%run_scoped3A : memref<!tpu.dma_semaphore, #tpu.memory_space<semaphore_mem>>)
          %dma_wait3A = tpu.memref_slice %arg3[%mul3A_80] : memref<320000xi32, #tpu.memory_space<hbm>> -> memref<128xi32, #tpu.memory_space<hbm>>
          %dma_wait3A_89 = tpu.memref_slice %arg3[%mul3A_80] : memref<320000xi32, #tpu.memory_space<hbm>> -> memref<128xi32, #tpu.memory_space<hbm>>
          tpu.wait_dma2 semaphore(%run_scoped3A : memref<!tpu.dma_semaphore, #tpu.memory_space<semaphore_mem>>) src(%dma_wait3A_89 : memref<128xi32, #tpu.memory_space<hbm>>) dst(%arg7 : memref<128xi32, #tpu.memory_space<vmem>>)
          tpu.yield
        }) : () -> ()
        "tpu.region"() ({
          %run_scoped3A = tpu.sem_alloc : memref<!tpu.dma_semaphore, #tpu.memory_space<semaphore_mem>>
          %dma_start3A_87 = tpu.memref_slice %arg4[%mul3A_80] : memref<320000xi32, #tpu.memory_space<hbm>> -> memref<128xi32, #tpu.memory_space<hbm>>
          %dma_start3A_88 = tpu.memref_slice %arg4[%mul3A_80] : memref<320000xi32, #tpu.memory_space<hbm>> -> memref<128xi32, #tpu.memory_space<hbm>>
          tpu.enqueue_dma source(%dma_start3A_88 : memref<128xi32, #tpu.memory_space<hbm>>) target(%arg9 : memref<128xi32, #tpu.memory_space<vmem>>) target_semaphore(%run_scoped3A : memref<!tpu.dma_semaphore, #tpu.memory_space<semaphore_mem>>)
          %dma_wait3A = tpu.memref_slice %arg4[%mul3A_80] : memref<320000xi32, #tpu.memory_space<hbm>> -> memref<128xi32, #tpu.memory_space<hbm>>
          %dma_wait3A_89 = tpu.memref_slice %arg4[%mul3A_80] : memref<320000xi32, #tpu.memory_space<hbm>> -> memref<128xi32, #tpu.memory_space<hbm>>
          tpu.wait_dma2 semaphore(%run_scoped3A : memref<!tpu.dma_semaphore, #tpu.memory_space<semaphore_mem>>) src(%dma_wait3A_89 : memref<128xi32, #tpu.memory_space<hbm>>) dst(%arg9 : memref<128xi32, #tpu.memory_space<vmem>>)
          tpu.yield
        }) : () -> ()
        %dma_start3A_81 = arith.constant 0 : i32
        %dma_start3A_82 = arith.constant 0 : i32
        %dma_start3A_83 = tpu.memref_slice %arg2[%dma_start3A_81, %dma_start3A_82] : memref<10000x128xf32, #tpu.memory_space<hbm>> -> memref<10000x128xf32, #tpu.memory_space<hbm>>
        tpu.enqueue_indirect_dma source(%dma_start3A_83 : memref<10000x128xf32, #tpu.memory_space<hbm>>) target(%arg11 : memref<128x128xf32, #tpu.memory_space<vmem>>) offsets(%arg7 : memref<128xi32, #tpu.memory_space<vmem>>) semaphore(%arg16 : memref<!tpu.dma_semaphore, #tpu.memory_space<semaphore_mem>>)
        %dma_start3A_84 = arith.constant 0 : i32
        %dma_start3A_85 = arith.constant 0 : i32
        %dma_start3A_86 = tpu.memref_slice %arg2[%dma_start3A_84, %dma_start3A_85] : memref<10000x128xf32, #tpu.memory_space<hbm>> -> memref<10000x128xf32, #tpu.memory_space<hbm>>
        tpu.enqueue_indirect_dma source(%dma_start3A_86 : memref<10000x128xf32, #tpu.memory_space<hbm>>) target(%arg13 : memref<128x128xf32, #tpu.memory_space<vmem>>) offsets(%arg9 : memref<128xi32, #tpu.memory_space<vmem>>) semaphore(%arg18 : memref<!tpu.dma_semaphore, #tpu.memory_space<semaphore_mem>>)
      } else {
      }
      %lt3A_55 = arith.cmpi slt, %add3A_51, %select_n3A : i32
      %convert_element_type3A_56 = arith.extui %lt3A_55 : i1 to i32
      %cond3A_57 = arith.constant 0 : i32
      %cond3A_58 = arith.cmpi ne, %convert_element_type3A_56, %cond3A_57 : i32
      scf.if %cond3A_58 {
        %dma_wait3A = arith.constant 0 : i32
        %dma_wait3A_74 = arith.constant 0 : i32
        %dma_wait3A_75 = tpu.memref_slice %arg2[%dma_wait3A, %dma_wait3A_74] : memref<10000x128xf32, #tpu.memory_space<hbm>> -> memref<10000x128xf32, #tpu.memory_space<hbm>>
        tpu.wait_indirect_dma semaphore(%arg15 : memref<!tpu.dma_semaphore, #tpu.memory_space<semaphore_mem>>) src(%dma_wait3A_75 : memref<10000x128xf32, #tpu.memory_space<hbm>>) dst(%arg10 : memref<128x128xf32, #tpu.memory_space<vmem>>)
        %dma_wait3A_76 = arith.constant 0 : i32
        %dma_wait3A_77 = arith.constant 0 : i32
        %dma_wait3A_78 = tpu.memref_slice %arg2[%dma_wait3A_76, %dma_wait3A_77] : memref<10000x128xf32, #tpu.memory_space<hbm>> -> memref<10000x128xf32, #tpu.memory_space<hbm>>
        tpu.wait_indirect_dma semaphore(%arg17 : memref<!tpu.dma_semaphore, #tpu.memory_space<semaphore_mem>>) src(%dma_wait3A_78 : memref<10000x128xf32, #tpu.memory_space<hbm>>) dst(%arg12 : memref<128x128xf32, #tpu.memory_space<vmem>>)
        %scan3A_79 = arith.constant 0 : i32
        %scan3A_80 = arith.constant 0 : i32
        %scan3A_81 = arith.constant 128 : i32
        %scan3A_82 = arith.addi %scan3A_80, %scan3A_81 : i32
        %scan3A_83 = arith.constant 2 : i32
        %scan3A_84 = scf.for %scan3A_91 = %scan3A_80 to %scan3A_82 step %scan3A_83 iter_args(%scan3A_92 = %scan3A_79) -> (i32)  : i32 {
          %get3A = arith.index_cast %scan3A_91 : i32 to index
          %get3A_93 = arith.constant 0 : index
          %get3A_94 = tpu.vector_load %arg10[%get3A, %get3A_93] {strides = array<i32>} : memref<128x128xf32, #tpu.memory_space<vmem>>, vector<1x16xf32>,
          %get3A_95 = vector.shape_cast %get3A_94 : vector<1x16xf32> to vector<16xf32>
          %get3A_96 = arith.index_cast %scan3A_91 : i32 to index
          %get3A_97 = arith.constant 64 : index
          %get3A_98 = tpu.vector_load %arg12[%get3A_96, %get3A_97] {strides = array<i32>} : memref<128x128xf32, #tpu.memory_space<vmem>>, vector<1x16xf32>,
          %get3A_99 = vector.shape_cast %get3A_98 : vector<1x16xf32> to vector<16xf32>
          %sub3A_100 = arith.subf %get3A_95, %get3A_99 : vector<16xf32>
          %swap3A = arith.index_cast %scan3A_91 : i32 to index
          %swap3A_101 = arith.constant 0 : index
          %swap3A_102 = tpu.vector_load %arg14[%swap3A, %swap3A_101] {strides = array<i32>} : memref<128x128xf32, #tpu.memory_space<vmem>>, vector<1x16xf32>,
          %swap3A_103 = vector.shape_cast %swap3A_102 : vector<1x16xf32> to vector<16xf32>
          %swap3A_104 = vector.shape_cast %sub3A_100 : vector<16xf32> to vector<1x16xf32>
          tpu.vector_store %arg14[%swap3A, %swap3A_101], %swap3A_104 {strides = array<i32>} : memref<128x128xf32, #tpu.memory_space<vmem>>, vector<1x16xf32>,
          %get3A_105 = arith.index_cast %scan3A_91 : i32 to index
          %get3A_106 = arith.constant 16 : index
          %get3A_107 = tpu.vector_load %arg10[%get3A_105, %get3A_106] {strides = array<i32>} : memref<128x128xf32, #tpu.memory_space<vmem>>, vector<1x16xf32>,
          %get3A_108 = vector.shape_cast %get3A_107 : vector<1x16xf32> to vector<16xf32>
          %get3A_109 = arith.index_cast %scan3A_91 : i32 to index
          %get3A_110 = arith.constant 80 : index
          %get3A_111 = tpu.vector_load %arg12[%get3A_109, %get3A_110] {strides = array<i32>} : memref<128x128xf32, #tpu.memory_space<vmem>>, vector<1x16xf32>,
          %get3A_112 = vector.shape_cast %get3A_111 : vector<1x16xf32> to vector<16xf32>
          %sub3A_113 = arith.subf %get3A_108, %get3A_112 : vector<16xf32>
          %swap3A_114 = arith.index_cast %scan3A_91 : i32 to index
          %swap3A_115 = arith.constant 16 : index
          %swap3A_116 = tpu.vector_load %arg14[%swap3A_114, %swap3A_115] {strides = array<i32>} : memref<128x128xf32, #tpu.memory_space<vmem>>, vector<1x16xf32>,
          %swap3A_117 = vector.shape_cast %swap3A_116 : vector<1x16xf32> to vector<16xf32>
          %swap3A_118 = vector.shape_cast %sub3A_113 : vector<16xf32> to vector<1x16xf32>
          tpu.vector_store %arg14[%swap3A_114, %swap3A_115], %swap3A_118 {strides = array<i32>} : memref<128x128xf32, #tpu.memory_space<vmem>>, vector<1x16xf32>,
          %get3A_119 = arith.index_cast %scan3A_91 : i32 to index
          %get3A_120 = arith.constant 32 : index
          %get3A_121 = tpu.vector_load %arg10[%get3A_119, %get3A_120] {strides = array<i32>} : memref<128x128xf32, #tpu.memory_space<vmem>>, vector<1x16xf32>,
          %get3A_122 = vector.shape_cast %get3A_121 : vector<1x16xf32> to vector<16xf32>
          %get3A_123 = arith.index_cast %scan3A_91 : i32 to index
          %get3A_124 = arith.constant 96 : index
          %get3A_125 = tpu.vector_load %arg12[%get3A_123, %get3A_124] {strides = array<i32>} : memref<128x128xf32, #tpu.memory_space<vmem>>, vector<1x16xf32>,
          %get3A_126 = vector.shape_cast %get3A_125 : vector<1x16xf32> to vector<16xf32>
          %sub3A_127 = arith.subf %get3A_122, %get3A_126 : vector<16xf32>
          %swap3A_128 = arith.index_cast %scan3A_91 : i32 to index
          %swap3A_129 = arith.constant 32 : index
          %swap3A_130 = tpu.vector_load %arg14[%swap3A_128, %swap3A_129] {strides = array<i32>} : memref<128x128xf32, #tpu.memory_space<vmem>>, vector<1x16xf32>,
          %swap3A_131 = vector.shape_cast %swap3A_130 : vector<1x16xf32> to vector<16xf32>
          %swap3A_132 = vector.shape_cast %sub3A_127 : vector<16xf32> to vector<1x16xf32>
          tpu.vector_store %arg14[%swap3A_128, %swap3A_129], %swap3A_132 {strides = array<i32>} : memref<128x128xf32, #tpu.memory_space<vmem>>, vector<1x16xf32>,
          %get3A_133 = arith.index_cast %scan3A_91 : i32 to index
          %get3A_134 = arith.constant 48 : index
          %get3A_135 = tpu.vector_load %arg10[%get3A_133, %get3A_134] {strides = array<i32>} : memref<128x128xf32, #tpu.memory_space<vmem>>, vector<1x16xf32>,
          %get3A_136 = vector.shape_cast %get3A_135 : vector<1x16xf32> to vector<16xf32>
          %get3A_137 = arith.index_cast %scan3A_91 : i32 to index
          %get3A_138 = arith.constant 112 : index
          %get3A_139 = tpu.vector_load %arg12[%get3A_137, %get3A_138] {strides = array<i32>} : memref<128x128xf32, #tpu.memory_space<vmem>>, vector<1x16xf32>,
          %get3A_140 = vector.shape_cast %get3A_139 : vector<1x16xf32> to vector<16xf32>
          %sub3A_141 = arith.subf %get3A_136, %get3A_140 : vector<16xf32>
          %swap3A_142 = arith.index_cast %scan3A_91 : i32 to index
          %swap3A_143 = arith.constant 48 : index
          %swap3A_144 = tpu.vector_load %arg14[%swap3A_142, %swap3A_143] {strides = array<i32>} : memref<128x128xf32, #tpu.memory_space<vmem>>, vector<1x16xf32>,
          %swap3A_145 = vector.shape_cast %swap3A_144 : vector<1x16xf32> to vector<16xf32>
          %swap3A_146 = vector.shape_cast %sub3A_141 : vector<16xf32> to vector<1x16xf32>
          tpu.vector_store %arg14[%swap3A_142, %swap3A_143], %swap3A_146 {strides = array<i32>} : memref<128x128xf32, #tpu.memory_space<vmem>>, vector<1x16xf32>,
          %scan3A_147 = arith.constant 0 : i32
          %scan3A_148 = arith.constant 1 : i32
          %scan3A_149 = arith.addi %scan3A_91, %scan3A_148 : i32
          %get3A_150 = arith.index_cast %scan3A_149 : i32 to index
          %get3A_151 = arith.constant 0 : index
          %get3A_152 = tpu.vector_load %arg10[%get3A_150, %get3A_151] {strides = array<i32>} : memref<128x128xf32, #tpu.memory_space<vmem>>, vector<1x16xf32>,
          %get3A_153 = vector.shape_cast %get3A_152 : vector<1x16xf32> to vector<16xf32>
          %get3A_154 = arith.index_cast %scan3A_149 : i32 to index
          %get3A_155 = arith.constant 64 : index
          %get3A_156 = tpu.vector_load %arg12[%get3A_154, %get3A_155] {strides = array<i32>} : memref<128x128xf32, #tpu.memory_space<vmem>>, vector<1x16xf32>,
          %get3A_157 = vector.shape_cast %get3A_156 : vector<1x16xf32> to vector<16xf32>
          %sub3A_158 = arith.subf %get3A_153, %get3A_157 : vector<16xf32>
          %swap3A_159 = arith.index_cast %scan3A_149 : i32 to index
          %swap3A_160 = arith.constant 0 : index
          %swap3A_161 = tpu.vector_load %arg14[%swap3A_159, %swap3A_160] {strides = array<i32>} : memref<128x128xf32, #tpu.memory_space<vmem>>, vector<1x16xf32>,
          %swap3A_162 = vector.shape_cast %swap3A_161 : vector<1x16xf32> to vector<16xf32>
          %swap3A_163 = vector.shape_cast %sub3A_158 : vector<16xf32> to vector<1x16xf32>
          tpu.vector_store %arg14[%swap3A_159, %swap3A_160], %swap3A_163 {strides = array<i32>} : memref<128x128xf32, #tpu.memory_space<vmem>>, vector<1x16xf32>,
          %get3A_164 = arith.index_cast %scan3A_149 : i32 to index
          %get3A_165 = arith.constant 16 : index
          %get3A_166 = tpu.vector_load %arg10[%get3A_164, %get3A_165] {strides = array<i32>} : memref<128x128xf32, #tpu.memory_space<vmem>>, vector<1x16xf32>,
          %get3A_167 = vector.shape_cast %get3A_166 : vector<1x16xf32> to vector<16xf32>
          %get3A_168 = arith.index_cast %scan3A_149 : i32 to index
          %get3A_169 = arith.constant 80 : index
          %get3A_170 = tpu.vector_load %arg12[%get3A_168, %get3A_169] {strides = array<i32>} : memref<128x128xf32, #tpu.memory_space<vmem>>, vector<1x16xf32>,
          %get3A_171 = vector.shape_cast %get3A_170 : vector<1x16xf32> to vector<16xf32>
          %sub3A_172 = arith.subf %get3A_167, %get3A_171 : vector<16xf32>
          %swap3A_173 = arith.index_cast %scan3A_149 : i32 to index
          %swap3A_174 = arith.constant 16 : index
          %swap3A_175 = tpu.vector_load %arg14[%swap3A_173, %swap3A_174] {strides = array<i32>} : memref<128x128xf32, #tpu.memory_space<vmem>>, vector<1x16xf32>,
          %swap3A_176 = vector.shape_cast %swap3A_175 : vector<1x16xf32> to vector<16xf32>
          %swap3A_177 = vector.shape_cast %sub3A_172 : vector<16xf32> to vector<1x16xf32>
          tpu.vector_store %arg14[%swap3A_173, %swap3A_174], %swap3A_177 {strides = array<i32>} : memref<128x128xf32, #tpu.memory_space<vmem>>, vector<1x16xf32>,
          %get3A_178 = arith.index_cast %scan3A_149 : i32 to index
          %get3A_179 = arith.constant 32 : index
          %get3A_180 = tpu.vector_load %arg10[%get3A_178, %get3A_179] {strides = array<i32>} : memref<128x128xf32, #tpu.memory_space<vmem>>, vector<1x16xf32>,
          %get3A_181 = vector.shape_cast %get3A_180 : vector<1x16xf32> to vector<16xf32>
          %get3A_182 = arith.index_cast %scan3A_149 : i32 to index
          %get3A_183 = arith.constant 96 : index
          %get3A_184 = tpu.vector_load %arg12[%get3A_182, %get3A_183] {strides = array<i32>} : memref<128x128xf32, #tpu.memory_space<vmem>>, vector<1x16xf32>,
          %get3A_185 = vector.shape_cast %get3A_184 : vector<1x16xf32> to vector<16xf32>
          %sub3A_186 = arith.subf %get3A_181, %get3A_185 : vector<16xf32>
          %swap3A_187 = arith.index_cast %scan3A_149 : i32 to index
          %swap3A_188 = arith.constant 32 : index
          %swap3A_189 = tpu.vector_load %arg14[%swap3A_187, %swap3A_188] {strides = array<i32>} : memref<128x128xf32, #tpu.memory_space<vmem>>, vector<1x16xf32>,
          %swap3A_190 = vector.shape_cast %swap3A_189 : vector<1x16xf32> to vector<16xf32>
          %swap3A_191 = vector.shape_cast %sub3A_186 : vector<16xf32> to vector<1x16xf32>
          tpu.vector_store %arg14[%swap3A_187, %swap3A_188], %swap3A_191 {strides = array<i32>} : memref<128x128xf32, #tpu.memory_space<vmem>>, vector<1x16xf32>,
          %get3A_192 = arith.index_cast %scan3A_149 : i32 to index
          %get3A_193 = arith.constant 48 : index
          %get3A_194 = tpu.vector_load %arg10[%get3A_192, %get3A_193] {strides = array<i32>} : memref<128x128xf32, #tpu.memory_space<vmem>>, vector<1x16xf32>,
          %get3A_195 = vector.shape_cast %get3A_194 : vector<1x16xf32> to vector<16xf32>
          %get3A_196 = arith.index_cast %scan3A_149 : i32 to index
          %get3A_197 = arith.constant 112 : index
          %get3A_198 = tpu.vector_load %arg12[%get3A_196, %get3A_197] {strides = array<i32>} : memref<128x128xf32, #tpu.memory_space<vmem>>, vector<1x16xf32>,
          %get3A_199 = vector.shape_cast %get3A_198 : vector<1x16xf32> to vector<16xf32>
          %sub3A_200 = arith.subf %get3A_195, %get3A_199 : vector<16xf32>
          %swap3A_201 = arith.index_cast %scan3A_149 : i32 to index
          %swap3A_202 = arith.constant 48 : index
          %swap3A_203 = tpu.vector_load %arg14[%swap3A_201, %swap3A_202] {strides = array<i32>} : memref<128x128xf32, #tpu.memory_space<vmem>>, vector<1x16xf32>,
          %swap3A_204 = vector.shape_cast %swap3A_203 : vector<1x16xf32> to vector<16xf32>
          %swap3A_205 = vector.shape_cast %sub3A_200 : vector<16xf32> to vector<1x16xf32>
          tpu.vector_store %arg14[%swap3A_201, %swap3A_202], %swap3A_205 {strides = array<i32>} : memref<128x128xf32, #tpu.memory_space<vmem>>, vector<1x16xf32>,
          %scan3A_206 = arith.constant 0 : i32
          scf.yield %scan3A_206 : i32
        }
        %scan3A_85 = arith.constant 128 : i32
        %mul3A_86 = arith.constant 32 : i32
        %mul3A_87 = arith.muli %add3A_51, %mul3A_86 : i32
        %add3A_88 = arith.addi %add3A, %mul3A_87 : i32
        %mul3A_89 = arith.constant 128 : i32
        %mul3A_90 = arith.muli %add3A_88, %mul3A_89 : i32
        "tpu.region"() ({
          %run_scoped3A = tpu.sem_alloc : memref<!tpu.dma_semaphore, #tpu.memory_space<semaphore_mem>>
          %dma_start3A_91 = arith.constant 0 : i32
          %dma_start3A_92 = tpu.memref_slice %arg5[%mul3A_90, %dma_start3A_91] : memref<320000x128xf32, #tpu.memory_space<hbm>> -> memref<128x128xf32, #tpu.memory_space<hbm>>
          %dma_start3A_93 = arith.constant 0 : i32
          %dma_start3A_94 = tpu.memref_slice %arg5[%mul3A_90, %dma_start3A_93] : memref<320000x128xf32, #tpu.memory_space<hbm>> -> memref<128x128xf32, #tpu.memory_space<hbm>>
          tpu.enqueue_dma source(%arg14 : memref<128x128xf32, #tpu.memory_space<vmem>>) target(%dma_start3A_94 : memref<128x128xf32, #tpu.memory_space<hbm>>) target_semaphore(%run_scoped3A : memref<!tpu.dma_semaphore, #tpu.memory_space<semaphore_mem>>)
          %dma_wait3A_95 = arith.constant 0 : i32
          %dma_wait3A_96 = tpu.memref_slice %arg5[%mul3A_90, %dma_wait3A_95] : memref<320000x128xf32, #tpu.memory_space<hbm>> -> memref<128x128xf32, #tpu.memory_space<hbm>>
          %dma_wait3A_97 = arith.constant 0 : i32
          %dma_wait3A_98 = tpu.memref_slice %arg5[%mul3A_90, %dma_wait3A_97] : memref<320000x128xf32, #tpu.memory_space<hbm>> -> memref<128x128xf32, #tpu.memory_space<hbm>>
          tpu.wait_dma2 semaphore(%run_scoped3A : memref<!tpu.dma_semaphore, #tpu.memory_space<semaphore_mem>>) src(%arg14 : memref<128x128xf32, #tpu.memory_space<vmem>>) dst(%dma_wait3A_98 : memref<128x128xf32, #tpu.memory_space<hbm>>)
          tpu.yield
        }) : () -> ()
      } else {
      }
      %mul3A_59 = arith.constant 2 : i32
      %mul3A_60 = arith.muli %scan3A_46, %mul3A_59 : i32
      %add3A_61 = arith.constant 1 : i32
      %add3A_62 = arith.addi %mul3A_60, %add3A_61 : i32
      %add3A_63 = arith.constant 1 : i32
      %add3A_64 = arith.addi %add3A_62, %add3A_63 : i32
      %lt3A_65 = arith.cmpi slt, %add3A_64, %select_n3A : i32
      %convert_element_type3A_66 = arith.extui %lt3A_65 : i1 to i32
      %cond3A_67 = arith.constant 0 : i32
      %cond3A_68 = arith.cmpi ne, %convert_element_type3A_66, %cond3A_67 : i32
      scf.if %cond3A_68 {
        %add3A_74 = arith.constant 1 : i32
        %add3A_75 = arith.addi %add3A_62, %add3A_74 : i32
        %mul3A_76 = arith.constant 32 : i32
        %mul3A_77 = arith.muli %add3A_75, %mul3A_76 : i32
        %add3A_78 = arith.addi %add3A, %mul3A_77 : i32
        %mul3A_79 = arith.constant 128 : i32
        %mul3A_80 = arith.muli %add3A_78, %mul3A_79 : i32
        "tpu.region"() ({
          %run_scoped3A = tpu.sem_alloc : memref<!tpu.dma_semaphore, #tpu.memory_space<semaphore_mem>>
          %dma_start3A_87 = tpu.memref_slice %arg3[%mul3A_80] : memref<320000xi32, #tpu.memory_space<hbm>> -> memref<128xi32, #tpu.memory_space<hbm>>
          %dma_start3A_88 = tpu.memref_slice %arg3[%mul3A_80] : memref<320000xi32, #tpu.memory_space<hbm>> -> memref<128xi32, #tpu.memory_space<hbm>>
          tpu.enqueue_dma source(%dma_start3A_88 : memref<128xi32, #tpu.memory_space<hbm>>) target(%arg6 : memref<128xi32, #tpu.memory_space<vmem>>) target_semaphore(%run_scoped3A : memref<!tpu.dma_semaphore, #tpu.memory_space<semaphore_mem>>)
          %dma_wait3A = tpu.memref_slice %arg3[%mul3A_80] : memref<320000xi32, #tpu.memory_space<hbm>> -> memref<128xi32, #tpu.memory_space<hbm>>
          %dma_wait3A_89 = tpu.memref_slice %arg3[%mul3A_80] : memref<320000xi32, #tpu.memory_space<hbm>> -> memref<128xi32, #tpu.memory_space<hbm>>
          tpu.wait_dma2 semaphore(%run_scoped3A : memref<!tpu.dma_semaphore, #tpu.memory_space<semaphore_mem>>) src(%dma_wait3A_89 : memref<128xi32, #tpu.memory_space<hbm>>) dst(%arg6 : memref<128xi32, #tpu.memory_space<vmem>>)
          tpu.yield
        }) : () -> ()
        "tpu.region"() ({
          %run_scoped3A = tpu.sem_alloc : memref<!tpu.dma_semaphore, #tpu.memory_space<semaphore_mem>>
          %dma_start3A_87 = tpu.memref_slice %arg4[%mul3A_80] : memref<320000xi32, #tpu.memory_space<hbm>> -> memref<128xi32, #tpu.memory_space<hbm>>
          %dma_start3A_88 = tpu.memref_slice %arg4[%mul3A_80] : memref<320000xi32, #tpu.memory_space<hbm>> -> memref<128xi32, #tpu.memory_space<hbm>>
          tpu.enqueue_dma source(%dma_start3A_88 : memref<128xi32, #tpu.memory_space<hbm>>) target(%arg8 : memref<128xi32, #tpu.memory_space<vmem>>) target_semaphore(%run_scoped3A : memref<!tpu.dma_semaphore, #tpu.memory_space<semaphore_mem>>)
          %dma_wait3A = tpu.memref_slice %arg4[%mul3A_80] : memref<320000xi32, #tpu.memory_space<hbm>> -> memref<128xi32, #tpu.memory_space<hbm>>
          %dma_wait3A_89 = tpu.memref_slice %arg4[%mul3A_80] : memref<320000xi32, #tpu.memory_space<hbm>> -> memref<128xi32, #tpu.memory_space<hbm>>
          tpu.wait_dma2 semaphore(%run_scoped3A : memref<!tpu.dma_semaphore, #tpu.memory_space<semaphore_mem>>) src(%dma_wait3A_89 : memref<128xi32, #tpu.memory_space<hbm>>) dst(%arg8 : memref<128xi32, #tpu.memory_space<vmem>>)
          tpu.yield
        }) : () -> ()
        %dma_start3A_81 = arith.constant 0 : i32
        %dma_start3A_82 = arith.constant 0 : i32
        %dma_start3A_83 = tpu.memref_slice %arg2[%dma_start3A_81, %dma_start3A_82] : memref<10000x128xf32, #tpu.memory_space<hbm>> -> memref<10000x128xf32, #tpu.memory_space<hbm>>
        tpu.enqueue_indirect_dma source(%dma_start3A_83 : memref<10000x128xf32, #tpu.memory_space<hbm>>) target(%arg10 : memref<128x128xf32, #tpu.memory_space<vmem>>) offsets(%arg6 : memref<128xi32, #tpu.memory_space<vmem>>) semaphore(%arg15 : memref<!tpu.dma_semaphore, #tpu.memory_space<semaphore_mem>>)
        %dma_start3A_84 = arith.constant 0 : i32
        %dma_start3A_85 = arith.constant 0 : i32
        %dma_start3A_86 = tpu.memref_slice %arg2[%dma_start3A_84, %dma_start3A_85] : memref<10000x128xf32, #tpu.memory_space<hbm>> -> memref<10000x128xf32, #tpu.memory_space<hbm>>
        tpu.enqueue_indirect_dma source(%dma_start3A_86 : memref<10000x128xf32, #tpu.memory_space<hbm>>) target(%arg12 : memref<128x128xf32, #tpu.memory_space<vmem>>) offsets(%arg8 : memref<128xi32, #tpu.memory_space<vmem>>) semaphore(%arg17 : memref<!tpu.dma_semaphore, #tpu.memory_space<semaphore_mem>>)
      } else {
      }
      %lt3A_69 = arith.cmpi slt, %add3A_62, %select_n3A : i32
      %convert_element_type3A_70 = arith.extui %lt3A_69 : i1 to i32
      %cond3A_71 = arith.constant 0 : i32
      %cond3A_72 = arith.cmpi ne, %convert_element_type3A_70, %cond3A_71 : i32
      scf.if %cond3A_72 {
        %dma_wait3A = arith.constant 0 : i32
        %dma_wait3A_74 = arith.constant 0 : i32
        %dma_wait3A_75 = tpu.memref_slice %arg2[%dma_wait3A, %dma_wait3A_74] : memref<10000x128xf32, #tpu.memory_space<hbm>> -> memref<10000x128xf32, #tpu.memory_space<hbm>>
        tpu.wait_indirect_dma semaphore(%arg16 : memref<!tpu.dma_semaphore, #tpu.memory_space<semaphore_mem>>) src(%dma_wait3A_75 : memref<10000x128xf32, #tpu.memory_space<hbm>>) dst(%arg11 : memref<128x128xf32, #tpu.memory_space<vmem>>)
        %dma_wait3A_76 = arith.constant 0 : i32
        %dma_wait3A_77 = arith.constant 0 : i32
        %dma_wait3A_78 = tpu.memref_slice %arg2[%dma_wait3A_76, %dma_wait3A_77] : memref<10000x128xf32, #tpu.memory_space<hbm>> -> memref<10000x128xf32, #tpu.memory_space<hbm>>
        tpu.wait_indirect_dma semaphore(%arg18 : memref<!tpu.dma_semaphore, #tpu.memory_space<semaphore_mem>>) src(%dma_wait3A_78 : memref<10000x128xf32, #tpu.memory_space<hbm>>) dst(%arg13 : memref<128x128xf32, #tpu.memory_space<vmem>>)
        %scan3A_79 = arith.constant 0 : i32
        %scan3A_80 = arith.constant 0 : i32
        %scan3A_81 = arith.constant 128 : i32
        %scan3A_82 = arith.addi %scan3A_80, %scan3A_81 : i32
        %scan3A_83 = arith.constant 2 : i32
        %scan3A_84 = scf.for %scan3A_91 = %scan3A_80 to %scan3A_82 step %scan3A_83 iter_args(%scan3A_92 = %scan3A_79) -> (i32)  : i32 {
          %get3A = arith.index_cast %scan3A_91 : i32 to index
          %get3A_93 = arith.constant 0 : index
          %get3A_94 = tpu.vector_load %arg11[%get3A, %get3A_93] {strides = array<i32>} : memref<128x128xf32, #tpu.memory_space<vmem>>, vector<1x16xf32>,
          %get3A_95 = vector.shape_cast %get3A_94 : vector<1x16xf32> to vector<16xf32>
          %get3A_96 = arith.index_cast %scan3A_91 : i32 to index
          %get3A_97 = arith.constant 64 : index
          %get3A_98 = tpu.vector_load %arg13[%get3A_96, %get3A_97] {strides = array<i32>} : memref<128x128xf32, #tpu.memory_space<vmem>>, vector<1x16xf32>,
          %get3A_99 = vector.shape_cast %get3A_98 : vector<1x16xf32> to vector<16xf32>
          %sub3A_100 = arith.subf %get3A_95, %get3A_99 : vector<16xf32>
          %swap3A = arith.index_cast %scan3A_91 : i32 to index
          %swap3A_101 = arith.constant 0 : index
          %swap3A_102 = tpu.vector_load %arg14[%swap3A, %swap3A_101] {strides = array<i32>} : memref<128x128xf32, #tpu.memory_space<vmem>>, vector<1x16xf32>,
          %swap3A_103 = vector.shape_cast %swap3A_102 : vector<1x16xf32> to vector<16xf32>
          %swap3A_104 = vector.shape_cast %sub3A_100 : vector<16xf32> to vector<1x16xf32>
          tpu.vector_store %arg14[%swap3A, %swap3A_101], %swap3A_104 {strides = array<i32>} : memref<128x128xf32, #tpu.memory_space<vmem>>, vector<1x16xf32>,
          %get3A_105 = arith.index_cast %scan3A_91 : i32 to index
          %get3A_106 = arith.constant 16 : index
          %get3A_107 = tpu.vector_load %arg11[%get3A_105, %get3A_106] {strides = array<i32>} : memref<128x128xf32, #tpu.memory_space<vmem>>, vector<1x16xf32>,
          %get3A_108 = vector.shape_cast %get3A_107 : vector<1x16xf32> to vector<16xf32>
          %get3A_109 = arith.index_cast %scan3A_91 : i32 to index
          %get3A_110 = arith.constant 80 : index
          %get3A_111 = tpu.vector_load %arg13[%get3A_109, %get3A_110] {strides = array<i32>} : memref<128x128xf32, #tpu.memory_space<vmem>>, vector<1x16xf32>,
          %get3A_112 = vector.shape_cast %get3A_111 : vector<1x16xf32> to vector<16xf32>
          %sub3A_113 = arith.subf %get3A_108, %get3A_112 : vector<16xf32>
          %swap3A_114 = arith.index_cast %scan3A_91 : i32 to index
          %swap3A_115 = arith.constant 16 : index
          %swap3A_116 = tpu.vector_load %arg14[%swap3A_114, %swap3A_115] {strides = array<i32>} : memref<128x128xf32, #tpu.memory_space<vmem>>, vector<1x16xf32>,
          %swap3A_117 = vector.shape_cast %swap3A_116 : vector<1x16xf32> to vector<16xf32>
          %swap3A_118 = vector.shape_cast %sub3A_113 : vector<16xf32> to vector<1x16xf32>
          tpu.vector_store %arg14[%swap3A_114, %swap3A_115], %swap3A_118 {strides = array<i32>} : memref<128x128xf32, #tpu.memory_space<vmem>>, vector<1x16xf32>,
          %get3A_119 = arith.index_cast %scan3A_91 : i32 to index
          %get3A_120 = arith.constant 32 : index
          %get3A_121 = tpu.vector_load %arg11[%get3A_119, %get3A_120] {strides = array<i32>} : memref<128x128xf32, #tpu.memory_space<vmem>>, vector<1x16xf32>,
          %get3A_122 = vector.shape_cast %get3A_121 : vector<1x16xf32> to vector<16xf32>
          %get3A_123 = arith.index_cast %scan3A_91 : i32 to index
          %get3A_124 = arith.constant 96 : index
          %get3A_125 = tpu.vector_load %arg13[%get3A_123, %get3A_124] {strides = array<i32>} : memref<128x128xf32, #tpu.memory_space<vmem>>, vector<1x16xf32>,
          %get3A_126 = vector.shape_cast %get3A_125 : vector<1x16xf32> to vector<16xf32>
          %sub3A_127 = arith.subf %get3A_122, %get3A_126 : vector<16xf32>
          %swap3A_128 = arith.index_cast %scan3A_91 : i32 to index
          %swap3A_129 = arith.constant 32 : index
          %swap3A_130 = tpu.vector_load %arg14[%swap3A_128, %swap3A_129] {strides = array<i32>} : memref<128x128xf32, #tpu.memory_space<vmem>>, vector<1x16xf32>,
          %swap3A_131 = vector.shape_cast %swap3A_130 : vector<1x16xf32> to vector<16xf32>
          %swap3A_132 = vector.shape_cast %sub3A_127 : vector<16xf32> to vector<1x16xf32>
          tpu.vector_store %arg14[%swap3A_128, %swap3A_129], %swap3A_132 {strides = array<i32>} : memref<128x128xf32, #tpu.memory_space<vmem>>, vector<1x16xf32>,
          %get3A_133 = arith.index_cast %scan3A_91 : i32 to index
          %get3A_134 = arith.constant 48 : index
          %get3A_135 = tpu.vector_load %arg11[%get3A_133, %get3A_134] {strides = array<i32>} : memref<128x128xf32, #tpu.memory_space<vmem>>, vector<1x16xf32>,
          %get3A_136 = vector.shape_cast %get3A_135 : vector<1x16xf32> to vector<16xf32>
          %get3A_137 = arith.index_cast %scan3A_91 : i32 to index
          %get3A_138 = arith.constant 112 : index
          %get3A_139 = tpu.vector_load %arg13[%get3A_137, %get3A_138] {strides = array<i32>} : memref<128x128xf32, #tpu.memory_space<vmem>>, vector<1x16xf32>,
          %get3A_140 = vector.shape_cast %get3A_139 : vector<1x16xf32> to vector<16xf32>
          %sub3A_141 = arith.subf %get3A_136, %get3A_140 : vector<16xf32>
          %swap3A_142 = arith.index_cast %scan3A_91 : i32 to index
          %swap3A_143 = arith.constant 48 : index
          %swap3A_144 = tpu.vector_load %arg14[%swap3A_142, %swap3A_143] {strides = array<i32>} : memref<128x128xf32, #tpu.memory_space<vmem>>, vector<1x16xf32>,
          %swap3A_145 = vector.shape_cast %swap3A_144 : vector<1x16xf32> to vector<16xf32>
          %swap3A_146 = vector.shape_cast %sub3A_141 : vector<16xf32> to vector<1x16xf32>
          tpu.vector_store %arg14[%swap3A_142, %swap3A_143], %swap3A_146 {strides = array<i32>} : memref<128x128xf32, #tpu.memory_space<vmem>>, vector<1x16xf32>,
          %scan3A_147 = arith.constant 0 : i32
          %scan3A_148 = arith.constant 1 : i32
          %scan3A_149 = arith.addi %scan3A_91, %scan3A_148 : i32
          %get3A_150 = arith.index_cast %scan3A_149 : i32 to index
          %get3A_151 = arith.constant 0 : index
          %get3A_152 = tpu.vector_load %arg11[%get3A_150, %get3A_151] {strides = array<i32>} : memref<128x128xf32, #tpu.memory_space<vmem>>, vector<1x16xf32>,
          %get3A_153 = vector.shape_cast %get3A_152 : vector<1x16xf32> to vector<16xf32>
          %get3A_154 = arith.index_cast %scan3A_149 : i32 to index
          %get3A_155 = arith.constant 64 : index
          %get3A_156 = tpu.vector_load %arg13[%get3A_154, %get3A_155] {strides = array<i32>} : memref<128x128xf32, #tpu.memory_space<vmem>>, vector<1x16xf32>,
          %get3A_157 = vector.shape_cast %get3A_156 : vector<1x16xf32> to vector<16xf32>
          %sub3A_158 = arith.subf %get3A_153, %get3A_157 : vector<16xf32>
          %swap3A_159 = arith.index_cast %scan3A_149 : i32 to index
          %swap3A_160 = arith.constant 0 : index
          %swap3A_161 = tpu.vector_load %arg14[%swap3A_159, %swap3A_160] {strides = array<i32>} : memref<128x128xf32, #tpu.memory_space<vmem>>, vector<1x16xf32>,
          %swap3A_162 = vector.shape_cast %swap3A_161 : vector<1x16xf32> to vector<16xf32>
          %swap3A_163 = vector.shape_cast %sub3A_158 : vector<16xf32> to vector<1x16xf32>
          tpu.vector_store %arg14[%swap3A_159, %swap3A_160], %swap3A_163 {strides = array<i32>} : memref<128x128xf32, #tpu.memory_space<vmem>>, vector<1x16xf32>,
          %get3A_164 = arith.index_cast %scan3A_149 : i32 to index
          %get3A_165 = arith.constant 16 : index
          %get3A_166 = tpu.vector_load %arg11[%get3A_164, %get3A_165] {strides = array<i32>} : memref<128x128xf32, #tpu.memory_space<vmem>>, vector<1x16xf32>,
          %get3A_167 = vector.shape_cast %get3A_166 : vector<1x16xf32> to vector<16xf32>
          %get3A_168 = arith.index_cast %scan3A_149 : i32 to index
          %get3A_169 = arith.constant 80 : index
          %get3A_170 = tpu.vector_load %arg13[%get3A_168, %get3A_169] {strides = array<i32>} : memref<128x128xf32, #tpu.memory_space<vmem>>, vector<1x16xf32>,
          %get3A_171 = vector.shape_cast %get3A_170 : vector<1x16xf32> to vector<16xf32>
          %sub3A_172 = arith.subf %get3A_167, %get3A_171 : vector<16xf32>
          %swap3A_173 = arith.index_cast %scan3A_149 : i32 to index
          %swap3A_174 = arith.constant 16 : index
          %swap3A_175 = tpu.vector_load %arg14[%swap3A_173, %swap3A_174] {strides = array<i32>} : memref<128x128xf32, #tpu.memory_space<vmem>>, vector<1x16xf32>,
          %swap3A_176 = vector.shape_cast %swap3A_175 : vector<1x16xf32> to vector<16xf32>
          %swap3A_177 = vector.shape_cast %sub3A_172 : vector<16xf32> to vector<1x16xf32>
          tpu.vector_store %arg14[%swap3A_173, %swap3A_174], %swap3A_177 {strides = array<i32>} : memref<128x128xf32, #tpu.memory_space<vmem>>, vector<1x16xf32>,
          %get3A_178 = arith.index_cast %scan3A_149 : i32 to index
          %get3A_179 = arith.constant 32 : index
          %get3A_180 = tpu.vector_load %arg11[%get3A_178, %get3A_179] {strides = array<i32>} : memref<128x128xf32, #tpu.memory_space<vmem>>, vector<1x16xf32>,
          %get3A_181 = vector.shape_cast %get3A_180 : vector<1x16xf32> to vector<16xf32>
          %get3A_182 = arith.index_cast %scan3A_149 : i32 to index
          %get3A_183 = arith.constant 96 : index
          %get3A_184 = tpu.vector_load %arg13[%get3A_182, %get3A_183] {strides = array<i32>} : memref<128x128xf32, #tpu.memory_space<vmem>>, vector<1x16xf32>,
          %get3A_185 = vector.shape_cast %get3A_184 : vector<1x16xf32> to vector<16xf32>
          %sub3A_186 = arith.subf %get3A_181, %get3A_185 : vector<16xf32>
          %swap3A_187 = arith.index_cast %scan3A_149 : i32 to index
          %swap3A_188 = arith.constant 32 : index
          %swap3A_189 = tpu.vector_load %arg14[%swap3A_187, %swap3A_188] {strides = array<i32>} : memref<128x128xf32, #tpu.memory_space<vmem>>, vector<1x16xf32>,
          %swap3A_190 = vector.shape_cast %swap3A_189 : vector<1x16xf32> to vector<16xf32>
          %swap3A_191 = vector.shape_cast %sub3A_186 : vector<16xf32> to vector<1x16xf32>
          tpu.vector_store %arg14[%swap3A_187, %swap3A_188], %swap3A_191 {strides = array<i32>} : memref<128x128xf32, #tpu.memory_space<vmem>>, vector<1x16xf32>,
          %get3A_192 = arith.index_cast %scan3A_149 : i32 to index
          %get3A_193 = arith.constant 48 : index
          %get3A_194 = tpu.vector_load %arg11[%get3A_192, %get3A_193] {strides = array<i32>} : memref<128x128xf32, #tpu.memory_space<vmem>>, vector<1x16xf32>,
          %get3A_195 = vector.shape_cast %get3A_194 : vector<1x16xf32> to vector<16xf32>
          %get3A_196 = arith.index_cast %scan3A_149 : i32 to index
          %get3A_197 = arith.constant 112 : index
          %get3A_198 = tpu.vector_load %arg13[%get3A_196, %get3A_197] {strides = array<i32>} : memref<128x128xf32, #tpu.memory_space<vmem>>, vector<1x16xf32>,
          %get3A_199 = vector.shape_cast %get3A_198 : vector<1x16xf32> to vector<16xf32>
          %sub3A_200 = arith.subf %get3A_195, %get3A_199 : vector<16xf32>
          %swap3A_201 = arith.index_cast %scan3A_149 : i32 to index
          %swap3A_202 = arith.constant 48 : index
          %swap3A_203 = tpu.vector_load %arg14[%swap3A_201, %swap3A_202] {strides = array<i32>} : memref<128x128xf32, #tpu.memory_space<vmem>>, vector<1x16xf32>,
          %swap3A_204 = vector.shape_cast %swap3A_203 : vector<1x16xf32> to vector<16xf32>
          %swap3A_205 = vector.shape_cast %sub3A_200 : vector<16xf32> to vector<1x16xf32>
          tpu.vector_store %arg14[%swap3A_201, %swap3A_202], %swap3A_205 {strides = array<i32>} : memref<128x128xf32, #tpu.memory_space<vmem>>, vector<1x16xf32>,
          %scan3A_206 = arith.constant 0 : i32
          scf.yield %scan3A_206 : i32
        }
        %scan3A_85 = arith.constant 128 : i32
        %mul3A_86 = arith.constant 32 : i32
        %mul3A_87 = arith.muli %add3A_62, %mul3A_86 : i32
        %add3A_88 = arith.addi %add3A, %mul3A_87 : i32
        %mul3A_89 = arith.constant 128 : i32
        %mul3A_90 = arith.muli %add3A_88, %mul3A_89 : i32
        "tpu.region"() ({
          %run_scoped3A = tpu.sem_alloc : memref<!tpu.dma_semaphore, #tpu.memory_space<semaphore_mem>>
          %dma_start3A_91 = arith.constant 0 : i32
          %dma_start3A_92 = tpu.memref_slice %arg5[%mul3A_90, %dma_start3A_91] : memref<320000x128xf32, #tpu.memory_space<hbm>> -> memref<128x128xf32, #tpu.memory_space<hbm>>
          %dma_start3A_93 = arith.constant 0 : i32
          %dma_start3A_94 = tpu.memref_slice %arg5[%mul3A_90, %dma_start3A_93] : memref<320000x128xf32, #tpu.memory_space<hbm>> -> memref<128x128xf32, #tpu.memory_space<hbm>>
          tpu.enqueue_dma source(%arg14 : memref<128x128xf32, #tpu.memory_space<vmem>>) target(%dma_start3A_94 : memref<128x128xf32, #tpu.memory_space<hbm>>) target_semaphore(%run_scoped3A : memref<!tpu.dma_semaphore, #tpu.memory_space<semaphore_mem>>)
          %dma_wait3A_95 = arith.constant 0 : i32
          %dma_wait3A_96 = tpu.memref_slice %arg5[%mul3A_90, %dma_wait3A_95] : memref<320000x128xf32, #tpu.memory_space<hbm>> -> memref<128x128xf32, #tpu.memory_space<hbm>>
          %dma_wait3A_97 = arith.constant 0 : i32
          %dma_wait3A_98 = tpu.memref_slice %arg5[%mul3A_90, %dma_wait3A_97] : memref<320000x128xf32, #tpu.memory_space<hbm>> -> memref<128x128xf32, #tpu.memory_space<hbm>>
          tpu.wait_dma2 semaphore(%run_scoped3A : memref<!tpu.dma_semaphore, #tpu.memory_space<semaphore_mem>>) src(%arg14 : memref<128x128xf32, #tpu.memory_space<vmem>>) dst(%dma_wait3A_98 : memref<128x128xf32, #tpu.memory_space<hbm>>)
          tpu.yield
        }) : () -> ()
      } else {
      }
      %scan3A_73 = arith.constant 0 : i32
      scf.yield %scan3A_73 : i32
    }
    %scan3A_45 = arith.constant 40 : i32
    return
  }
}

#map = affine_map<(d0, d1) -> (0, 0)>
#map1 = affine_map<(d0, d1) -> (0)>
module attributes {stable_mosaic.version = 14 : i64} {
  func.func @_scatter_body(%arg0: i32, %arg1: i32, %arg2: memref<320000x128xf32, #tpu.memory_space<hbm>>, %arg3: memref<320000xi32, #tpu.memory_space<hbm>>, %arg4: memref<10000x128xf32, #tpu.memory_space<hbm>>, %arg5: memref<4000xi32, #tpu.memory_space<vmem>>, %arg6: memref<4000xi32, #tpu.memory_space<vmem>>, %arg7: memref<528xi32, #tpu.memory_space<vmem>>, %arg8: memref<544xi32, #tpu.memory_space<vmem>>, %arg9: memref<528x128xf32, #tpu.memory_space<vmem>>, %arg10: memref<320x128xf32, #tpu.memory_space<vmem>>, %arg11: memref<!tpu.dma_semaphore, #tpu.memory_space<semaphore_mem>>, %arg12: memref<!tpu.dma_semaphore, #tpu.memory_space<semaphore_mem>>, %arg13: memref<!tpu.dma_semaphore, #tpu.memory_space<semaphore_mem>>) attributes {dimension_semantics = [#tpu.dimension_semantics<core_parallel>, #tpu.dimension_semantics<subcore_parallel>], iteration_bounds = array<i64: 2, 16>, scalar_prefetch = 0 : i64, scratch_operands = 9 : i64, tpu.core_type = #tpu.core_type<sc_vector_subcore>, window_params = [{transform_indices = #map}, {transform_indices = #map1}, {transform_indices = #map}]} {
    %mul3A = arith.constant 2 : i32
    %mul3A_0 = arith.muli %arg1, %mul3A : i32
    %add3A = arith.addi %mul3A_0, %arg0 : i32
    %mul3A_1 = arith.constant 320 : i32
    %mul3A_2 = arith.muli %add3A, %mul3A_1 : i32
    %broadcast_in_dim3A = arith.constant 0.000000e+00 : f32
    %broadcast_in_dim3A_3 = vector.broadcast %broadcast_in_dim3A : f32 to vector<16xf32>
    %scan3A = arith.constant 0 : i32
    %scan3A_4 = arith.constant 0 : i32
    %scan3A_5 = arith.constant 320 : i32
    %scan3A_6 = arith.addi %scan3A_4, %scan3A_5 : i32
    %scan3A_7 = arith.constant 1 : i32
    %scan3A_8 = scf.for %scan3A_78 = %scan3A_4 to %scan3A_6 step %scan3A_7 iter_args(%scan3A_79 = %scan3A) -> (i32)  : i32 {
      %swap3A = arith.index_cast %scan3A_78 : i32 to index
      %swap3A_80 = arith.constant 0 : index
      %swap3A_81 = tpu.vector_load %arg10[%swap3A, %swap3A_80] {strides = array<i32>} : memref<320x128xf32, #tpu.memory_space<vmem>>, vector<1x16xf32>,
      %swap3A_82 = vector.shape_cast %swap3A_81 : vector<1x16xf32> to vector<16xf32>
      %swap3A_83 = vector.shape_cast %broadcast_in_dim3A_3 : vector<16xf32> to vector<1x16xf32>
      tpu.vector_store %arg10[%swap3A, %swap3A_80], %swap3A_83 {strides = array<i32>} : memref<320x128xf32, #tpu.memory_space<vmem>>, vector<1x16xf32>,
      %swap3A_84 = arith.index_cast %scan3A_78 : i32 to index
      %swap3A_85 = arith.constant 16 : index
      %swap3A_86 = tpu.vector_load %arg10[%swap3A_84, %swap3A_85] {strides = array<i32>} : memref<320x128xf32, #tpu.memory_space<vmem>>, vector<1x16xf32>,
      %swap3A_87 = vector.shape_cast %swap3A_86 : vector<1x16xf32> to vector<16xf32>
      %swap3A_88 = vector.shape_cast %broadcast_in_dim3A_3 : vector<16xf32> to vector<1x16xf32>
      tpu.vector_store %arg10[%swap3A_84, %swap3A_85], %swap3A_88 {strides = array<i32>} : memref<320x128xf32, #tpu.memory_space<vmem>>, vector<1x16xf32>,
      %swap3A_89 = arith.index_cast %scan3A_78 : i32 to index
      %swap3A_90 = arith.constant 32 : index
      %swap3A_91 = tpu.vector_load %arg10[%swap3A_89, %swap3A_90] {strides = array<i32>} : memref<320x128xf32, #tpu.memory_space<vmem>>, vector<1x16xf32>,
      %swap3A_92 = vector.shape_cast %swap3A_91 : vector<1x16xf32> to vector<16xf32>
      %swap3A_93 = vector.shape_cast %broadcast_in_dim3A_3 : vector<16xf32> to vector<1x16xf32>
      tpu.vector_store %arg10[%swap3A_89, %swap3A_90], %swap3A_93 {strides = array<i32>} : memref<320x128xf32, #tpu.memory_space<vmem>>, vector<1x16xf32>,
      %swap3A_94 = arith.index_cast %scan3A_78 : i32 to index
      %swap3A_95 = arith.constant 48 : index
      %swap3A_96 = tpu.vector_load %arg10[%swap3A_94, %swap3A_95] {strides = array<i32>} : memref<320x128xf32, #tpu.memory_space<vmem>>, vector<1x16xf32>,
      %swap3A_97 = vector.shape_cast %swap3A_96 : vector<1x16xf32> to vector<16xf32>
      %swap3A_98 = vector.shape_cast %broadcast_in_dim3A_3 : vector<16xf32> to vector<1x16xf32>
      tpu.vector_store %arg10[%swap3A_94, %swap3A_95], %swap3A_98 {strides = array<i32>} : memref<320x128xf32, #tpu.memory_space<vmem>>, vector<1x16xf32>,
      %swap3A_99 = arith.index_cast %scan3A_78 : i32 to index
      %swap3A_100 = arith.constant 64 : index
      %swap3A_101 = tpu.vector_load %arg10[%swap3A_99, %swap3A_100] {strides = array<i32>} : memref<320x128xf32, #tpu.memory_space<vmem>>, vector<1x16xf32>,
      %swap3A_102 = vector.shape_cast %swap3A_101 : vector<1x16xf32> to vector<16xf32>
      %swap3A_103 = vector.shape_cast %broadcast_in_dim3A_3 : vector<16xf32> to vector<1x16xf32>
      tpu.vector_store %arg10[%swap3A_99, %swap3A_100], %swap3A_103 {strides = array<i32>} : memref<320x128xf32, #tpu.memory_space<vmem>>, vector<1x16xf32>,
      %swap3A_104 = arith.index_cast %scan3A_78 : i32 to index
      %swap3A_105 = arith.constant 80 : index
      %swap3A_106 = tpu.vector_load %arg10[%swap3A_104, %swap3A_105] {strides = array<i32>} : memref<320x128xf32, #tpu.memory_space<vmem>>, vector<1x16xf32>,
      %swap3A_107 = vector.shape_cast %swap3A_106 : vector<1x16xf32> to vector<16xf32>
      %swap3A_108 = vector.shape_cast %broadcast_in_dim3A_3 : vector<16xf32> to vector<1x16xf32>
      tpu.vector_store %arg10[%swap3A_104, %swap3A_105], %swap3A_108 {strides = array<i32>} : memref<320x128xf32, #tpu.memory_space<vmem>>, vector<1x16xf32>,
      %swap3A_109 = arith.index_cast %scan3A_78 : i32 to index
      %swap3A_110 = arith.constant 96 : index
      %swap3A_111 = tpu.vector_load %arg10[%swap3A_109, %swap3A_110] {strides = array<i32>} : memref<320x128xf32, #tpu.memory_space<vmem>>, vector<1x16xf32>,
      %swap3A_112 = vector.shape_cast %swap3A_111 : vector<1x16xf32> to vector<16xf32>
      %swap3A_113 = vector.shape_cast %broadcast_in_dim3A_3 : vector<16xf32> to vector<1x16xf32>
      tpu.vector_store %arg10[%swap3A_109, %swap3A_110], %swap3A_113 {strides = array<i32>} : memref<320x128xf32, #tpu.memory_space<vmem>>, vector<1x16xf32>,
      %swap3A_114 = arith.index_cast %scan3A_78 : i32 to index
      %swap3A_115 = arith.constant 112 : index
      %swap3A_116 = tpu.vector_load %arg10[%swap3A_114, %swap3A_115] {strides = array<i32>} : memref<320x128xf32, #tpu.memory_space<vmem>>, vector<1x16xf32>,
      %swap3A_117 = vector.shape_cast %swap3A_116 : vector<1x16xf32> to vector<16xf32>
      %swap3A_118 = vector.shape_cast %broadcast_in_dim3A_3 : vector<16xf32> to vector<1x16xf32>
      tpu.vector_store %arg10[%swap3A_114, %swap3A_115], %swap3A_118 {strides = array<i32>} : memref<320x128xf32, #tpu.memory_space<vmem>>, vector<1x16xf32>,
      %scan3A_119 = arith.constant 0 : i32
      scf.yield %scan3A_119 : i32
    }
    %scan3A_9 = arith.constant 320 : i32
    %broadcast_in_dim3A_10 = arith.constant 0 : i32
    %broadcast_in_dim3A_11 = vector.broadcast %broadcast_in_dim3A_10 : i32 to vector<16xi32>
    %scan3A_12 = arith.constant 0 : i32
    %scan3A_13 = arith.constant 0 : i32
    %scan3A_14 = arith.constant 33 : i32
    %scan3A_15 = arith.addi %scan3A_13, %scan3A_14 : i32
    %scan3A_16 = arith.constant 1 : i32
    %scan3A_17 = scf.for %scan3A_78 = %scan3A_13 to %scan3A_15 step %scan3A_16 iter_args(%scan3A_79 = %scan3A_12) -> (i32)  : i32 {
      %mul3A_80 = arith.constant 16 : i32
      %mul3A_81 = arith.muli %scan3A_78, %mul3A_80 : i32
      %swap3A = arith.index_cast %mul3A_81 : i32 to index
      %swap3A_82 = tpu.vector_load %arg7[%swap3A] {strides = array<i32>} : memref<528xi32, #tpu.memory_space<vmem>>, vector<16xi32>,
      %swap3A_83 = vector.shape_cast %swap3A_82 : vector<16xi32> to vector<16xi32>
      %swap3A_84 = vector.shape_cast %broadcast_in_dim3A_11 : vector<16xi32> to vector<16xi32>
      tpu.vector_store %arg7[%swap3A], %swap3A_84 {strides = array<i32>} : memref<528xi32, #tpu.memory_space<vmem>>, vector<16xi32>,
      %scan3A_85 = arith.constant 0 : i32
      scf.yield %scan3A_85 : i32
    }
    %scan3A_18 = arith.constant 33 : i32
    %iota3A = tpu.iota {dimensions = array<i32: 0>} : vector<16xi32>
    %sub3A = arith.constant 1 : i32
    %sub3A_19 = vector.broadcast %sub3A : i32 to vector<16xi32>
    %sub3A_20 = arith.subi %iota3A, %sub3A_19 : vector<16xi32>
    %shift_right_arithmetic3A = arith.constant 31 : i32
    %shift_right_arithmetic3A_21 = vector.broadcast %shift_right_arithmetic3A : i32 to vector<16xi32>
    %shift_right_arithmetic3A_22 = arith.shrsi %sub3A_20, %shift_right_arithmetic3A_21 : vector<16xi32>
    %add3A_23 = arith.constant 1 : i32
    %add3A_24 = vector.broadcast %add3A_23 : i32 to vector<16xi32>
    %add3A_25 = arith.addi %shift_right_arithmetic3A_22, %add3A_24 : vector<16xi32>
    %sub3A_26 = arith.constant 2 : i32
    %sub3A_27 = vector.broadcast %sub3A_26 : i32 to vector<16xi32>
    %sub3A_28 = arith.subi %iota3A, %sub3A_27 : vector<16xi32>
    %shift_right_arithmetic3A_29 = arith.constant 31 : i32
    %shift_right_arithmetic3A_30 = vector.broadcast %shift_right_arithmetic3A_29 : i32 to vector<16xi32>
    %shift_right_arithmetic3A_31 = arith.shrsi %sub3A_28, %shift_right_arithmetic3A_30 : vector<16xi32>
    %add3A_32 = arith.constant 1 : i32
    %add3A_33 = vector.broadcast %add3A_32 : i32 to vector<16xi32>
    %add3A_34 = arith.addi %shift_right_arithmetic3A_31, %add3A_33 : vector<16xi32>
    %sub3A_35 = arith.constant 4 : i32
    %sub3A_36 = vector.broadcast %sub3A_35 : i32 to vector<16xi32>
    %sub3A_37 = arith.subi %iota3A, %sub3A_36 : vector<16xi32>
    %shift_right_arithmetic3A_38 = arith.constant 31 : i32
    %shift_right_arithmetic3A_39 = vector.broadcast %shift_right_arithmetic3A_38 : i32 to vector<16xi32>
    %shift_right_arithmetic3A_40 = arith.shrsi %sub3A_37, %shift_right_arithmetic3A_39 : vector<16xi32>
    %add3A_41 = arith.constant 1 : i32
    %add3A_42 = vector.broadcast %add3A_41 : i32 to vector<16xi32>
    %add3A_43 = arith.addi %shift_right_arithmetic3A_40, %add3A_42 : vector<16xi32>
    %sub3A_44 = arith.constant 8 : i32
    %sub3A_45 = vector.broadcast %sub3A_44 : i32 to vector<16xi32>
    %sub3A_46 = arith.subi %iota3A, %sub3A_45 : vector<16xi32>
    %shift_right_arithmetic3A_47 = arith.constant 31 : i32
    %shift_right_arithmetic3A_48 = vector.broadcast %shift_right_arithmetic3A_47 : i32 to vector<16xi32>
    %shift_right_arithmetic3A_49 = arith.shrsi %sub3A_46, %shift_right_arithmetic3A_48 : vector<16xi32>
    %add3A_50 = arith.constant 1 : i32
    %add3A_51 = vector.broadcast %add3A_50 : i32 to vector<16xi32>
    %add3A_52 = arith.addi %shift_right_arithmetic3A_49, %add3A_51 : vector<16xi32>
    %dma_start3A = arith.constant 0 : i32
    %dma_start3A_53 = tpu.memref_slice %arg3[%dma_start3A] : memref<320000xi32, #tpu.memory_space<hbm>> -> memref<4000xi32, #tpu.memory_space<hbm>>
    %dma_start3A_54 = arith.constant 0 : i32
    %dma_start3A_55 = tpu.memref_slice %arg3[%dma_start3A_54] : memref<320000xi32, #tpu.memory_space<hbm>> -> memref<4000xi32, #tpu.memory_space<hbm>>
    tpu.enqueue_dma source(%dma_start3A_55 : memref<4000xi32, #tpu.memory_space<hbm>>) target(%arg5 : memref<4000xi32, #tpu.memory_space<vmem>>) target_semaphore(%arg12 : memref<!tpu.dma_semaphore, #tpu.memory_space<semaphore_mem>>)
    %dma_start3A_56 = arith.constant 4000 : i32
    %dma_start3A_57 = tpu.memref_slice %arg3[%dma_start3A_56] : memref<320000xi32, #tpu.memory_space<hbm>> -> memref<4000xi32, #tpu.memory_space<hbm>>
    %dma_start3A_58 = arith.constant 4000 : i32
    %dma_start3A_59 = tpu.memref_slice %arg3[%dma_start3A_58] : memref<320000xi32, #tpu.memory_space<hbm>> -> memref<4000xi32, #tpu.memory_space<hbm>>
    tpu.enqueue_dma source(%dma_start3A_59 : memref<4000xi32, #tpu.memory_space<hbm>>) target(%arg6 : memref<4000xi32, #tpu.memory_space<vmem>>) target_semaphore(%arg13 : memref<!tpu.dma_semaphore, #tpu.memory_space<semaphore_mem>>)
    %scan3A_60 = arith.constant 0 : i32
    %scan3A_61 = arith.constant 0 : i32
    %scan3A_62 = arith.constant 40 : i32
    %scan3A_63 = arith.addi %scan3A_61, %scan3A_62 : i32
    %scan3A_64 = arith.constant 1 : i32
    %scan3A_65 = scf.for %scan3A_78 = %scan3A_61 to %scan3A_63 step %scan3A_64 iter_args(%scan3A_79 = %scan3A_60) -> (i32)  : i32 {
      %mul3A_80 = arith.constant 2 : i32
      %mul3A_81 = arith.muli %scan3A_78, %mul3A_80 : i32
      %add3A_82 = arith.constant 0 : i32
      %add3A_83 = arith.addi %mul3A_81, %add3A_82 : i32
      %lt3A_84 = arith.constant 80 : i32
      %lt3A_85 = arith.cmpi slt, %add3A_83, %lt3A_84 : i32
      %convert_element_type3A_86 = arith.extui %lt3A_85 : i1 to i32
      %cond3A_87 = arith.constant 0 : i32
      %cond3A_88 = arith.cmpi ne, %convert_element_type3A_86, %cond3A_87 : i32
      scf.if %cond3A_88 {
        %mul3A_124 = arith.constant 4000 : i32
        %mul3A_125 = arith.muli %add3A_83, %mul3A_124 : i32
        %dma_wait3A = tpu.memref_slice %arg3[%mul3A_125] : memref<320000xi32, #tpu.memory_space<hbm>> -> memref<4000xi32, #tpu.memory_space<hbm>>
        %dma_wait3A_126 = tpu.memref_slice %arg3[%mul3A_125] : memref<320000xi32, #tpu.memory_space<hbm>> -> memref<4000xi32, #tpu.memory_space<hbm>>
        tpu.wait_dma2 semaphore(%arg12 : memref<!tpu.dma_semaphore, #tpu.memory_space<semaphore_mem>>) src(%dma_wait3A_126 : memref<4000xi32, #tpu.memory_space<hbm>>) dst(%arg5 : memref<4000xi32, #tpu.memory_space<vmem>>)
      } else {
      }
      %lt3A_89 = arith.constant 80 : i32
      %lt3A_90 = arith.cmpi slt, %add3A_83, %lt3A_89 : i32
      %convert_element_type3A_91 = arith.extui %lt3A_90 : i1 to i32
      %cond3A_92 = arith.constant 0 : i32
      %cond3A_93 = arith.cmpi ne, %convert_element_type3A_91, %cond3A_92 : i32
      %cond3A_94 = scf.if %cond3A_93 -> (i32) {
        %scan3A_124 = arith.constant 0 : i32
        %scan3A_125 = arith.constant 250 : i32
        %scan3A_126 = arith.addi %scan3A_124, %scan3A_125 : i32
        %scan3A_127 = arith.constant 1 : i32
        %scan3A_128 = scf.for %scan3A_130 = %scan3A_124 to %scan3A_126 step %scan3A_127 iter_args(%scan3A_131 = %scan3A_79) -> (i32)  : i32 {
          %mul3A_132 = arith.constant 16 : i32
          %mul3A_133 = arith.muli %scan3A_130, %mul3A_132 : i32
          %get3A = arith.index_cast %mul3A_133 : i32 to index
          %get3A_134 = tpu.vector_load %arg5[%get3A] {strides = array<i32>} : memref<4000xi32, #tpu.memory_space<vmem>>, vector<16xi32>,
          %get3A_135 = vector.shape_cast %get3A_134 : vector<16xi32> to vector<16xi32>
          %sub3A_136 = vector.broadcast %mul3A_2 : i32 to vector<16xi32>
          %sub3A_137 = arith.subi %get3A_135, %sub3A_136 : vector<16xi32>
          %shift_right_arithmetic3A_138 = arith.constant 31 : i32
          %shift_right_arithmetic3A_139 = vector.broadcast %shift_right_arithmetic3A_138 : i32 to vector<16xi32>
          %shift_right_arithmetic3A_140 = arith.shrsi %sub3A_137, %shift_right_arithmetic3A_139 : vector<16xi32>
          %sub3A_141 = arith.constant 319 : i32
          %sub3A_142 = vector.broadcast %sub3A_141 : i32 to vector<16xi32>
          %sub3A_143 = arith.subi %sub3A_142, %sub3A_137 : vector<16xi32>
          %shift_right_arithmetic3A_144 = arith.constant 31 : i32
          %shift_right_arithmetic3A_145 = vector.broadcast %shift_right_arithmetic3A_144 : i32 to vector<16xi32>
          %shift_right_arithmetic3A_146 = arith.shrsi %sub3A_143, %shift_right_arithmetic3A_145 : vector<16xi32>
          %or3A = arith.ori %shift_right_arithmetic3A_140, %shift_right_arithmetic3A_146 : vector<16xi32>
          %add3A_147 = arith.constant 1 : i32
          %add3A_148 = vector.broadcast %add3A_147 : i32 to vector<16xi32>
          %add3A_149 = arith.addi %or3A, %add3A_148 : vector<16xi32>
          %sub3A_150 = arith.constant 1 : i32
          %sub3A_151 = vector.broadcast %sub3A_150 : i32 to vector<16xi32>
          %sub3A_152 = arith.subi %iota3A, %sub3A_151 : vector<16xi32>
          %max3A = arith.constant 0 : i32
          %max3A_153 = vector.broadcast %max3A : i32 to vector<16xi32>
          %max3A_154 = arith.maxsi %sub3A_152, %max3A_153 : vector<16xi32>
          %lt3A_155 = arith.constant 0 : i32
          %lt3A_156 = vector.broadcast %lt3A_155 : i32 to vector<16xi32>
          %lt3A_157 = arith.cmpi slt, %max3A_154, %lt3A_156 : vector<16xi32>
          %add3A_158 = arith.constant 16 : i32
          %add3A_159 = vector.broadcast %add3A_158 : i32 to vector<16xi32>
          %add3A_160 = arith.addi %max3A_154, %add3A_159 : vector<16xi32>
          %select_n3A = arith.select %lt3A_157, %add3A_160, %max3A_154 : vector<16xi1>, vector<16xi32>
          %broadcast_in_dim3A_161 = vector.shape_cast %select_n3A : vector<16xi32> to vector<16x1xi32>
          %gather3A = vector.shape_cast %broadcast_in_dim3A_161 : vector<16x1xi32> to vector<16xi32>
          %gather3A_162 = tpu.dynamic_gather %add3A_149[%gather3A] in [0] : vector<16xi32>, vector<16xi32> -> vector<16xi32>
          %mul3A_163 = arith.muli %gather3A_162, %add3A_25 : vector<16xi32>
          %add3A_164 = arith.addi %add3A_149, %mul3A_163 : vector<16xi32>
          %sub3A_165 = arith.constant 2 : i32
          %sub3A_166 = vector.broadcast %sub3A_165 : i32 to vector<16xi32>
          %sub3A_167 = arith.subi %iota3A, %sub3A_166 : vector<16xi32>
          %max3A_168 = arith.constant 0 : i32
          %max3A_169 = vector.broadcast %max3A_168 : i32 to vector<16xi32>
          %max3A_170 = arith.maxsi %sub3A_167, %max3A_169 : vector<16xi32>
          %lt3A_171 = arith.constant 0 : i32
          %lt3A_172 = vector.broadcast %lt3A_171 : i32 to vector<16xi32>
          %lt3A_173 = arith.cmpi slt, %max3A_170, %lt3A_172 : vector<16xi32>
          %add3A_174 = arith.constant 16 : i32
          %add3A_175 = vector.broadcast %add3A_174 : i32 to vector<16xi32>
          %add3A_176 = arith.addi %max3A_170, %add3A_175 : vector<16xi32>
          %select_n3A_177 = arith.select %lt3A_173, %add3A_176, %max3A_170 : vector<16xi1>, vector<16xi32>
          %broadcast_in_dim3A_178 = vector.shape_cast %select_n3A_177 : vector<16xi32> to vector<16x1xi32>
          %gather3A_179 = vector.shape_cast %broadcast_in_dim3A_178 : vector<16x1xi32> to vector<16xi32>
          %gather3A_180 = tpu.dynamic_gather %add3A_164[%gather3A_179] in [0] : vector<16xi32>, vector<16xi32> -> vector<16xi32>
          %mul3A_181 = arith.muli %gather3A_180, %add3A_34 : vector<16xi32>
          %add3A_182 = arith.addi %add3A_164, %mul3A_181 : vector<16xi32>
          %sub3A_183 = arith.constant 4 : i32
          %sub3A_184 = vector.broadcast %sub3A_183 : i32 to vector<16xi32>
          %sub3A_185 = arith.subi %iota3A, %sub3A_184 : vector<16xi32>
          %max3A_186 = arith.constant 0 : i32
          %max3A_187 = vector.broadcast %max3A_186 : i32 to vector<16xi32>
          %max3A_188 = arith.maxsi %sub3A_185, %max3A_187 : vector<16xi32>
          %lt3A_189 = arith.constant 0 : i32
          %lt3A_190 = vector.broadcast %lt3A_189 : i32 to vector<16xi32>
          %lt3A_191 = arith.cmpi slt, %max3A_188, %lt3A_190 : vector<16xi32>
          %add3A_192 = arith.constant 16 : i32
          %add3A_193 = vector.broadcast %add3A_192 : i32 to vector<16xi32>
          %add3A_194 = arith.addi %max3A_188, %add3A_193 : vector<16xi32>
          %select_n3A_195 = arith.select %lt3A_191, %add3A_194, %max3A_188 : vector<16xi1>, vector<16xi32>
          %broadcast_in_dim3A_196 = vector.shape_cast %select_n3A_195 : vector<16xi32> to vector<16x1xi32>
          %gather3A_197 = vector.shape_cast %broadcast_in_dim3A_196 : vector<16x1xi32> to vector<16xi32>
          %gather3A_198 = tpu.dynamic_gather %add3A_182[%gather3A_197] in [0] : vector<16xi32>, vector<16xi32> -> vector<16xi32>
          %mul3A_199 = arith.muli %gather3A_198, %add3A_43 : vector<16xi32>
          %add3A_200 = arith.addi %add3A_182, %mul3A_199 : vector<16xi32>
          %sub3A_201 = arith.constant 8 : i32
          %sub3A_202 = vector.broadcast %sub3A_201 : i32 to vector<16xi32>
          %sub3A_203 = arith.subi %iota3A, %sub3A_202 : vector<16xi32>
          %max3A_204 = arith.constant 0 : i32
          %max3A_205 = vector.broadcast %max3A_204 : i32 to vector<16xi32>
          %max3A_206 = arith.maxsi %sub3A_203, %max3A_205 : vector<16xi32>
          %lt3A_207 = arith.constant 0 : i32
          %lt3A_208 = vector.broadcast %lt3A_207 : i32 to vector<16xi32>
          %lt3A_209 = arith.cmpi slt, %max3A_206, %lt3A_208 : vector<16xi32>
          %add3A_210 = arith.constant 16 : i32
          %add3A_211 = vector.broadcast %add3A_210 : i32 to vector<16xi32>
          %add3A_212 = arith.addi %max3A_206, %add3A_211 : vector<16xi32>
          %select_n3A_213 = arith.select %lt3A_209, %add3A_212, %max3A_206 : vector<16xi1>, vector<16xi32>
          %broadcast_in_dim3A_214 = vector.shape_cast %select_n3A_213 : vector<16xi32> to vector<16x1xi32>
          %gather3A_215 = vector.shape_cast %broadcast_in_dim3A_214 : vector<16x1xi32> to vector<16xi32>
          %gather3A_216 = tpu.dynamic_gather %add3A_200[%gather3A_215] in [0] : vector<16xi32>, vector<16xi32> -> vector<16xi32>
          %mul3A_217 = arith.muli %gather3A_216, %add3A_52 : vector<16xi32>
          %add3A_218 = arith.addi %add3A_200, %mul3A_217 : vector<16xi32>
          %slice3A = vector.extract_strided_slice %add3A_218 {offsets = [15], sizes = [1], strides = [1]} : vector<16xi32> to vector<1xi32>
          %squeeze3A = vector.extract %slice3A[0] : i32 from vector<1xi32>
          %gt3A_219 = arith.constant 0 : i32
          %gt3A_220 = arith.cmpi sgt, %squeeze3A, %gt3A_219 : i32
          %convert_element_type3A_221 = arith.extui %gt3A_220 : i1 to i32
          %cond3A_222 = arith.constant 0 : i32
          %cond3A_223 = arith.cmpi ne, %convert_element_type3A_221, %cond3A_222 : i32
          scf.if %cond3A_223 {
            %broadcast_in_dim3A_230 = arith.constant 0 : i32
            %broadcast_in_dim3A_231 = vector.broadcast %broadcast_in_dim3A_230 : i32 to vector<16xi32>
            %add3A_232 = arith.constant 7 : i32
            %add3A_233 = vector.broadcast %add3A_232 : i32 to vector<16xi32>
            %add3A_234 = arith.addi %broadcast_in_dim3A_231, %add3A_233 : vector<16xi32>
            %min3A = arith.constant 15 : i32
            %min3A_235 = vector.broadcast %min3A : i32 to vector<16xi32>
            %min3A_236 = arith.minsi %add3A_234, %min3A_235 : vector<16xi32>
            %lt3A_237 = arith.constant 0 : i32
            %lt3A_238 = vector.broadcast %lt3A_237 : i32 to vector<16xi32>
            %lt3A_239 = arith.cmpi slt, %min3A_236, %lt3A_238 : vector<16xi32>
            %add3A_240 = arith.constant 16 : i32
            %add3A_241 = vector.broadcast %add3A_240 : i32 to vector<16xi32>
            %add3A_242 = arith.addi %min3A_236, %add3A_241 : vector<16xi32>
            %select_n3A_243 = arith.select %lt3A_239, %add3A_242, %min3A_236 : vector<16xi1>, vector<16xi32>
            %broadcast_in_dim3A_244 = vector.shape_cast %select_n3A_243 : vector<16xi32> to vector<16x1xi32>
            %gather3A_245 = vector.shape_cast %broadcast_in_dim3A_244 : vector<16x1xi32> to vector<16xi32>
            %gather3A_246 = tpu.dynamic_gather %add3A_218[%gather3A_245] in [0] : vector<16xi32>, vector<16xi32> -> vector<16xi32>
            %sub3A_247 = arith.subi %iota3A, %gather3A_246 : vector<16xi32>
            %shift_right_arithmetic3A_248 = arith.constant 31 : i32
            %shift_right_arithmetic3A_249 = vector.broadcast %shift_right_arithmetic3A_248 : i32 to vector<16xi32>
            %shift_right_arithmetic3A_250 = arith.shrsi %sub3A_247, %shift_right_arithmetic3A_249 : vector<16xi32>
            %add3A_251 = arith.constant 1 : i32
            %add3A_252 = vector.broadcast %add3A_251 : i32 to vector<16xi32>
            %add3A_253 = arith.addi %shift_right_arithmetic3A_250, %add3A_252 : vector<16xi32>
            %mul3A_254 = arith.constant 8 : i32
            %mul3A_255 = vector.broadcast %mul3A_254 : i32 to vector<16xi32>
            %mul3A_256 = arith.muli %mul3A_255, %add3A_253 : vector<16xi32>
            %add3A_257 = arith.addi %broadcast_in_dim3A_231, %mul3A_256 : vector<16xi32>
            %add3A_258 = arith.constant 3 : i32
            %add3A_259 = vector.broadcast %add3A_258 : i32 to vector<16xi32>
            %add3A_260 = arith.addi %add3A_257, %add3A_259 : vector<16xi32>
            %min3A_261 = arith.constant 15 : i32
            %min3A_262 = vector.broadcast %min3A_261 : i32 to vector<16xi32>
            %min3A_263 = arith.minsi %add3A_260, %min3A_262 : vector<16xi32>
            %lt3A_264 = arith.constant 0 : i32
            %lt3A_265 = vector.broadcast %lt3A_264 : i32 to vector<16xi32>
            %lt3A_266 = arith.cmpi slt, %min3A_263, %lt3A_265 : vector<16xi32>
            %add3A_267 = arith.constant 16 : i32
            %add3A_268 = vector.broadcast %add3A_267 : i32 to vector<16xi32>
            %add3A_269 = arith.addi %min3A_263, %add3A_268 : vector<16xi32>
            %select_n3A_270 = arith.select %lt3A_266, %add3A_269, %min3A_263 : vector<16xi1>, vector<16xi32>
            %broadcast_in_dim3A_271 = vector.shape_cast %select_n3A_270 : vector<16xi32> to vector<16x1xi32>
            %gather3A_272 = vector.shape_cast %broadcast_in_dim3A_271 : vector<16x1xi32> to vector<16xi32>
            %gather3A_273 = tpu.dynamic_gather %add3A_218[%gather3A_272] in [0] : vector<16xi32>, vector<16xi32> -> vector<16xi32>
            %sub3A_274 = arith.subi %iota3A, %gather3A_273 : vector<16xi32>
            %shift_right_arithmetic3A_275 = arith.constant 31 : i32
            %shift_right_arithmetic3A_276 = vector.broadcast %shift_right_arithmetic3A_275 : i32 to vector<16xi32>
            %shift_right_arithmetic3A_277 = arith.shrsi %sub3A_274, %shift_right_arithmetic3A_276 : vector<16xi32>
            %add3A_278 = arith.constant 1 : i32
            %add3A_279 = vector.broadcast %add3A_278 : i32 to vector<16xi32>
            %add3A_280 = arith.addi %shift_right_arithmetic3A_277, %add3A_279 : vector<16xi32>
            %mul3A_281 = arith.constant 4 : i32
            %mul3A_282 = vector.broadcast %mul3A_281 : i32 to vector<16xi32>
            %mul3A_283 = arith.muli %mul3A_282, %add3A_280 : vector<16xi32>
            %add3A_284 = arith.addi %add3A_257, %mul3A_283 : vector<16xi32>
            %add3A_285 = arith.constant 1 : i32
            %add3A_286 = vector.broadcast %add3A_285 : i32 to vector<16xi32>
            %add3A_287 = arith.addi %add3A_284, %add3A_286 : vector<16xi32>
            %min3A_288 = arith.constant 15 : i32
            %min3A_289 = vector.broadcast %min3A_288 : i32 to vector<16xi32>
            %min3A_290 = arith.minsi %add3A_287, %min3A_289 : vector<16xi32>
            %lt3A_291 = arith.constant 0 : i32
            %lt3A_292 = vector.broadcast %lt3A_291 : i32 to vector<16xi32>
            %lt3A_293 = arith.cmpi slt, %min3A_290, %lt3A_292 : vector<16xi32>
            %add3A_294 = arith.constant 16 : i32
            %add3A_295 = vector.broadcast %add3A_294 : i32 to vector<16xi32>
            %add3A_296 = arith.addi %min3A_290, %add3A_295 : vector<16xi32>
            %select_n3A_297 = arith.select %lt3A_293, %add3A_296, %min3A_290 : vector<16xi1>, vector<16xi32>
            %broadcast_in_dim3A_298 = vector.shape_cast %select_n3A_297 : vector<16xi32> to vector<16x1xi32>
            %gather3A_299 = vector.shape_cast %broadcast_in_dim3A_298 : vector<16x1xi32> to vector<16xi32>
            %gather3A_300 = tpu.dynamic_gather %add3A_218[%gather3A_299] in [0] : vector<16xi32>, vector<16xi32> -> vector<16xi32>
            %sub3A_301 = arith.subi %iota3A, %gather3A_300 : vector<16xi32>
            %shift_right_arithmetic3A_302 = arith.constant 31 : i32
            %shift_right_arithmetic3A_303 = vector.broadcast %shift_right_arithmetic3A_302 : i32 to vector<16xi32>
            %shift_right_arithmetic3A_304 = arith.shrsi %sub3A_301, %shift_right_arithmetic3A_303 : vector<16xi32>
            %add3A_305 = arith.constant 1 : i32
            %add3A_306 = vector.broadcast %add3A_305 : i32 to vector<16xi32>
            %add3A_307 = arith.addi %shift_right_arithmetic3A_304, %add3A_306 : vector<16xi32>
            %mul3A_308 = arith.constant 2 : i32
            %mul3A_309 = vector.broadcast %mul3A_308 : i32 to vector<16xi32>
            %mul3A_310 = arith.muli %mul3A_309, %add3A_307 : vector<16xi32>
            %add3A_311 = arith.addi %add3A_284, %mul3A_310 : vector<16xi32>
            %add3A_312 = arith.constant 0 : i32
            %add3A_313 = vector.broadcast %add3A_312 : i32 to vector<16xi32>
            %add3A_314 = arith.addi %add3A_311, %add3A_313 : vector<16xi32>
            %min3A_315 = arith.constant 15 : i32
            %min3A_316 = vector.broadcast %min3A_315 : i32 to vector<16xi32>
            %min3A_317 = arith.minsi %add3A_314, %min3A_316 : vector<16xi32>
            %lt3A_318 = arith.constant 0 : i32
            %lt3A_319 = vector.broadcast %lt3A_318 : i32 to vector<16xi32>
            %lt3A_320 = arith.cmpi slt, %min3A_317, %lt3A_319 : vector<16xi32>
            %add3A_321 = arith.constant 16 : i32
            %add3A_322 = vector.broadcast %add3A_321 : i32 to vector<16xi32>
            %add3A_323 = arith.addi %min3A_317, %add3A_322 : vector<16xi32>
            %select_n3A_324 = arith.select %lt3A_320, %add3A_323, %min3A_317 : vector<16xi1>, vector<16xi32>
            %broadcast_in_dim3A_325 = vector.shape_cast %select_n3A_324 : vector<16xi32> to vector<16x1xi32>
            %gather3A_326 = vector.shape_cast %broadcast_in_dim3A_325 : vector<16x1xi32> to vector<16xi32>
            %gather3A_327 = tpu.dynamic_gather %add3A_218[%gather3A_326] in [0] : vector<16xi32>, vector<16xi32> -> vector<16xi32>
            %sub3A_328 = arith.subi %iota3A, %gather3A_327 : vector<16xi32>
            %shift_right_arithmetic3A_329 = arith.constant 31 : i32
            %shift_right_arithmetic3A_330 = vector.broadcast %shift_right_arithmetic3A_329 : i32 to vector<16xi32>
            %shift_right_arithmetic3A_331 = arith.shrsi %sub3A_328, %shift_right_arithmetic3A_330 : vector<16xi32>
            %add3A_332 = arith.constant 1 : i32
            %add3A_333 = vector.broadcast %add3A_332 : i32 to vector<16xi32>
            %add3A_334 = arith.addi %shift_right_arithmetic3A_331, %add3A_333 : vector<16xi32>
            %mul3A_335 = arith.constant 1 : i32
            %mul3A_336 = vector.broadcast %mul3A_335 : i32 to vector<16xi32>
            %mul3A_337 = arith.muli %mul3A_336, %add3A_334 : vector<16xi32>
            %add3A_338 = arith.addi %add3A_311, %mul3A_337 : vector<16xi32>
            %min3A_339 = arith.constant 15 : i32
            %min3A_340 = vector.broadcast %min3A_339 : i32 to vector<16xi32>
            %min3A_341 = arith.minsi %add3A_338, %min3A_340 : vector<16xi32>
            %mul3A_342 = arith.constant 4000 : i32
            %mul3A_343 = arith.muli %add3A_83, %mul3A_342 : i32
            %mul3A_344 = arith.constant 16 : i32
            %mul3A_345 = arith.muli %scan3A_130, %mul3A_344 : i32
            %add3A_346 = arith.addi %mul3A_343, %mul3A_345 : i32
            %add3A_347 = vector.broadcast %add3A_346 : i32 to vector<16xi32>
            %add3A_348 = arith.addi %add3A_347, %iota3A : vector<16xi32>
            %shift_left3A = arith.constant 9 : i32
            %shift_left3A_349 = vector.broadcast %shift_left3A : i32 to vector<16xi32>
            %shift_left3A_350 = arith.shli %add3A_348, %shift_left3A_349 : vector<16xi32>
            %mul3A_351 = arith.muli %sub3A_137, %add3A_149 : vector<16xi32>
            %or3A_352 = arith.ori %shift_left3A_350, %mul3A_351 : vector<16xi32>
            %lt3A_353 = arith.constant 0 : i32
            %lt3A_354 = vector.broadcast %lt3A_353 : i32 to vector<16xi32>
            %lt3A_355 = arith.cmpi slt, %min3A_341, %lt3A_354 : vector<16xi32>
            %add3A_356 = arith.constant 16 : i32
            %add3A_357 = vector.broadcast %add3A_356 : i32 to vector<16xi32>
            %add3A_358 = arith.addi %min3A_341, %add3A_357 : vector<16xi32>
            %select_n3A_359 = arith.select %lt3A_355, %add3A_358, %min3A_341 : vector<16xi1>, vector<16xi32>
            %broadcast_in_dim3A_360 = vector.shape_cast %select_n3A_359 : vector<16xi32> to vector<16x1xi32>
            %gather3A_361 = vector.shape_cast %broadcast_in_dim3A_360 : vector<16x1xi32> to vector<16xi32>
            %gather3A_362 = tpu.dynamic_gather %or3A_352[%gather3A_361] in [0] : vector<16xi32>, vector<16xi32> -> vector<16xi32>
            %shift_right_arithmetic3A_363 = arith.constant 9 : i32
            %shift_right_arithmetic3A_364 = vector.broadcast %shift_right_arithmetic3A_363 : i32 to vector<16xi32>
            %shift_right_arithmetic3A_365 = arith.shrsi %gather3A_362, %shift_right_arithmetic3A_364 : vector<16xi32>
            %swap3A = arith.index_cast %scan3A_131 : i32 to index
            %swap3A_366 = tpu.vector_load %arg7[%swap3A] {strides = array<i32>} : memref<528xi32, #tpu.memory_space<vmem>>, vector<16xi32>,
            %swap3A_367 = vector.shape_cast %swap3A_366 : vector<16xi32> to vector<16xi32>
            %swap3A_368 = vector.shape_cast %shift_right_arithmetic3A_365 : vector<16xi32> to vector<16xi32>
            tpu.vector_store %arg7[%swap3A], %swap3A_368 {strides = array<i32>} : memref<528xi32, #tpu.memory_space<vmem>>, vector<16xi32>,
            %and3A = arith.constant 511 : i32
            %and3A_369 = vector.broadcast %and3A : i32 to vector<16xi32>
            %and3A_370 = arith.andi %gather3A_362, %and3A_369 : vector<16xi32>
            %swap3A_371 = arith.index_cast %scan3A_131 : i32 to index
            %swap3A_372 = tpu.vector_load %arg8[%swap3A_371] {strides = array<i32>} : memref<544xi32, #tpu.memory_space<vmem>>, vector<16xi32>,
            %swap3A_373 = vector.shape_cast %swap3A_372 : vector<16xi32> to vector<16xi32>
            %swap3A_374 = vector.shape_cast %and3A_370 : vector<16xi32> to vector<16xi32>
            tpu.vector_store %arg8[%swap3A_371], %swap3A_374 {strides = array<i32>} : memref<544xi32, #tpu.memory_space<vmem>>, vector<16xi32>,
          } else {
          }
          %add3A_224 = arith.addi %scan3A_131, %squeeze3A : i32
          %ge3A = arith.constant 512 : i32
          %ge3A_225 = arith.cmpi sge, %add3A_224, %ge3A : i32
          %convert_element_type3A_226 = arith.extui %ge3A_225 : i1 to i32
          %cond3A_227 = arith.constant 0 : i32
          %cond3A_228 = arith.cmpi ne, %convert_element_type3A_226, %cond3A_227 : i32
          %cond3A_229 = scf.if %cond3A_228 -> (i32) {
            %dma_start3A_230 = arith.constant 0 : i32
            %dma_start3A_231 = arith.constant 0 : i32
            %dma_start3A_232 = tpu.memref_slice %arg2[%dma_start3A_230, %dma_start3A_231] : memref<320000x128xf32, #tpu.memory_space<hbm>> -> memref<320000x128xf32, #tpu.memory_space<hbm>>
            tpu.enqueue_indirect_dma source(%dma_start3A_232 : memref<320000x128xf32, #tpu.memory_space<hbm>>) target(%arg9 : memref<528x128xf32, #tpu.memory_space<vmem>>) offsets(%arg7 : memref<528xi32, #tpu.memory_space<vmem>>) semaphore(%arg11 : memref<!tpu.dma_semaphore, #tpu.memory_space<semaphore_mem>>)
            %dma_wait3A = arith.constant 0 : i32
            %dma_wait3A_233 = arith.constant 0 : i32
            %dma_wait3A_234 = tpu.memref_slice %arg2[%dma_wait3A, %dma_wait3A_233] : memref<320000x128xf32, #tpu.memory_space<hbm>> -> memref<320000x128xf32, #tpu.memory_space<hbm>>
            tpu.wait_indirect_dma semaphore(%arg11 : memref<!tpu.dma_semaphore, #tpu.memory_space<semaphore_mem>>) src(%dma_wait3A_234 : memref<320000x128xf32, #tpu.memory_space<hbm>>) dst(%arg9 : memref<528x128xf32, #tpu.memory_space<vmem>>)
            %while3A = arith.constant 0 : i32
            %while3A_235 = arith.constant 0 : i32
            %while3A_236 = arith.subi %add3A_224, %while3A : i32
            %while3A_237 = arith.addi %while3A, %while3A_236 : i32
            %while3A_238 = arith.constant 1 : i32
            %while3A_239 = arith.divsi %while3A_236, %while3A_238 : i32
            %while3A_240 = arith.muli %while3A_239, %while3A_238 : i32
            %while3A_241 = arith.addi %while3A, %while3A_240 : i32
            %while3A_242 = arith.constant 1 : i32
            %while3A_243 = scf.for %while3A_247 = %while3A to %while3A_241 step %while3A_242 iter_args(%while3A_248 = %while3A_235) -> (i32)  : i32 {
              %get3A_249 = arith.index_cast %while3A_247 : i32 to index
              %get3A_250 = tpu.vector_load %arg8[%get3A_249] {strides = array<i32>} : memref<544xi32, #tpu.memory_space<vmem>>, vector<16xi32>,
              %get3A_251 = vector.shape_cast %get3A_250 : vector<16xi32> to vector<16xi32>
              %slice3A_252 = vector.extract_strided_slice %get3A_251 {offsets = [0], sizes = [1], strides = [1]} : vector<16xi32> to vector<1xi32>
              %squeeze3A_253 = vector.extract %slice3A_252[0] : i32 from vector<1xi32>
              %get3A_254 = arith.index_cast %squeeze3A_253 : i32 to index
              %get3A_255 = arith.constant 0 : index
              %get3A_256 = tpu.vector_load %arg10[%get3A_254, %get3A_255] {strides = array<i32>} : memref<320x128xf32, #tpu.memory_space<vmem>>, vector<1x16xf32>,
              %get3A_257 = vector.shape_cast %get3A_256 : vector<1x16xf32> to vector<16xf32>
              %get3A_258 = arith.index_cast %while3A_247 : i32 to index
              %get3A_259 = arith.constant 0 : index
              %get3A_260 = tpu.vector_load %arg9[%get3A_258, %get3A_259] {strides = array<i32>} : memref<528x128xf32, #tpu.memory_space<vmem>>, vector<1x16xf32>,
              %get3A_261 = vector.shape_cast %get3A_260 : vector<1x16xf32> to vector<16xf32>
              %max3A_262 = arith.maximumf %get3A_257, %get3A_261 : vector<16xf32>
              %swap3A = arith.index_cast %squeeze3A_253 : i32 to index
              %swap3A_263 = arith.constant 0 : index
              %swap3A_264 = tpu.vector_load %arg10[%swap3A, %swap3A_263] {strides = array<i32>} : memref<320x128xf32, #tpu.memory_space<vmem>>, vector<1x16xf32>,
              %swap3A_265 = vector.shape_cast %swap3A_264 : vector<1x16xf32> to vector<16xf32>
              %swap3A_266 = vector.shape_cast %max3A_262 : vector<16xf32> to vector<1x16xf32>
              tpu.vector_store %arg10[%swap3A, %swap3A_263], %swap3A_266 {strides = array<i32>} : memref<320x128xf32, #tpu.memory_space<vmem>>, vector<1x16xf32>,
              %get3A_267 = arith.index_cast %squeeze3A_253 : i32 to index
              %get3A_268 = arith.constant 16 : index
              %get3A_269 = tpu.vector_load %arg10[%get3A_267, %get3A_268] {strides = array<i32>} : memref<320x128xf32, #tpu.memory_space<vmem>>, vector<1x16xf32>,
              %get3A_270 = vector.shape_cast %get3A_269 : vector<1x16xf32> to vector<16xf32>
              %get3A_271 = arith.index_cast %while3A_247 : i32 to index
              %get3A_272 = arith.constant 16 : index
              %get3A_273 = tpu.vector_load %arg9[%get3A_271, %get3A_272] {strides = array<i32>} : memref<528x128xf32, #tpu.memory_space<vmem>>, vector<1x16xf32>,
              %get3A_274 = vector.shape_cast %get3A_273 : vector<1x16xf32> to vector<16xf32>
              %max3A_275 = arith.maximumf %get3A_270, %get3A_274 : vector<16xf32>
              %swap3A_276 = arith.index_cast %squeeze3A_253 : i32 to index
              %swap3A_277 = arith.constant 16 : index
              %swap3A_278 = tpu.vector_load %arg10[%swap3A_276, %swap3A_277] {strides = array<i32>} : memref<320x128xf32, #tpu.memory_space<vmem>>, vector<1x16xf32>,
              %swap3A_279 = vector.shape_cast %swap3A_278 : vector<1x16xf32> to vector<16xf32>
              %swap3A_280 = vector.shape_cast %max3A_275 : vector<16xf32> to vector<1x16xf32>
              tpu.vector_store %arg10[%swap3A_276, %swap3A_277], %swap3A_280 {strides = array<i32>} : memref<320x128xf32, #tpu.memory_space<vmem>>, vector<1x16xf32>,
              %get3A_281 = arith.index_cast %squeeze3A_253 : i32 to index
              %get3A_282 = arith.constant 32 : index
              %get3A_283 = tpu.vector_load %arg10[%get3A_281, %get3A_282] {strides = array<i32>} : memref<320x128xf32, #tpu.memory_space<vmem>>, vector<1x16xf32>,
              %get3A_284 = vector.shape_cast %get3A_283 : vector<1x16xf32> to vector<16xf32>
              %get3A_285 = arith.index_cast %while3A_247 : i32 to index
              %get3A_286 = arith.constant 32 : index
              %get3A_287 = tpu.vector_load %arg9[%get3A_285, %get3A_286] {strides = array<i32>} : memref<528x128xf32, #tpu.memory_space<vmem>>, vector<1x16xf32>,
              %get3A_288 = vector.shape_cast %get3A_287 : vector<1x16xf32> to vector<16xf32>
              %max3A_289 = arith.maximumf %get3A_284, %get3A_288 : vector<16xf32>
              %swap3A_290 = arith.index_cast %squeeze3A_253 : i32 to index
              %swap3A_291 = arith.constant 32 : index
              %swap3A_292 = tpu.vector_load %arg10[%swap3A_290, %swap3A_291] {strides = array<i32>} : memref<320x128xf32, #tpu.memory_space<vmem>>, vector<1x16xf32>,
              %swap3A_293 = vector.shape_cast %swap3A_292 : vector<1x16xf32> to vector<16xf32>
              %swap3A_294 = vector.shape_cast %max3A_289 : vector<16xf32> to vector<1x16xf32>
              tpu.vector_store %arg10[%swap3A_290, %swap3A_291], %swap3A_294 {strides = array<i32>} : memref<320x128xf32, #tpu.memory_space<vmem>>, vector<1x16xf32>,
              %get3A_295 = arith.index_cast %squeeze3A_253 : i32 to index
              %get3A_296 = arith.constant 48 : index
              %get3A_297 = tpu.vector_load %arg10[%get3A_295, %get3A_296] {strides = array<i32>} : memref<320x128xf32, #tpu.memory_space<vmem>>, vector<1x16xf32>,
              %get3A_298 = vector.shape_cast %get3A_297 : vector<1x16xf32> to vector<16xf32>
              %get3A_299 = arith.index_cast %while3A_247 : i32 to index
              %get3A_300 = arith.constant 48 : index
              %get3A_301 = tpu.vector_load %arg9[%get3A_299, %get3A_300] {strides = array<i32>} : memref<528x128xf32, #tpu.memory_space<vmem>>, vector<1x16xf32>,
              %get3A_302 = vector.shape_cast %get3A_301 : vector<1x16xf32> to vector<16xf32>
              %max3A_303 = arith.maximumf %get3A_298, %get3A_302 : vector<16xf32>
              %swap3A_304 = arith.index_cast %squeeze3A_253 : i32 to index
              %swap3A_305 = arith.constant 48 : index
              %swap3A_306 = tpu.vector_load %arg10[%swap3A_304, %swap3A_305] {strides = array<i32>} : memref<320x128xf32, #tpu.memory_space<vmem>>, vector<1x16xf32>,
              %swap3A_307 = vector.shape_cast %swap3A_306 : vector<1x16xf32> to vector<16xf32>
              %swap3A_308 = vector.shape_cast %max3A_303 : vector<16xf32> to vector<1x16xf32>
              tpu.vector_store %arg10[%swap3A_304, %swap3A_305], %swap3A_308 {strides = array<i32>} : memref<320x128xf32, #tpu.memory_space<vmem>>, vector<1x16xf32>,
              %while3A_309 = arith.constant 0 : i32
              scf.yield %while3A_309 : i32
            }
            %while3A_244 = arith.constant 1 : i32
            %while3A_245 = scf.for %while3A_247 = %while3A_241 to %while3A_237 step %while3A_244 iter_args(%while3A_248 = %while3A_243) -> (i32)  : i32 {
              %get3A_249 = arith.index_cast %while3A_247 : i32 to index
              %get3A_250 = tpu.vector_load %arg8[%get3A_249] {strides = array<i32>} : memref<544xi32, #tpu.memory_space<vmem>>, vector<16xi32>,
              %get3A_251 = vector.shape_cast %get3A_250 : vector<16xi32> to vector<16xi32>
              %slice3A_252 = vector.extract_strided_slice %get3A_251 {offsets = [0], sizes = [1], strides = [1]} : vector<16xi32> to vector<1xi32>
              %squeeze3A_253 = vector.extract %slice3A_252[0] : i32 from vector<1xi32>
              %get3A_254 = arith.index_cast %squeeze3A_253 : i32 to index
              %get3A_255 = arith.constant 0 : index
              %get3A_256 = tpu.vector_load %arg10[%get3A_254, %get3A_255] {strides = array<i32>} : memref<320x128xf32, #tpu.memory_space<vmem>>, vector<1x16xf32>,
              %get3A_257 = vector.shape_cast %get3A_256 : vector<1x16xf32> to vector<16xf32>
              %get3A_258 = arith.index_cast %while3A_247 : i32 to index
              %get3A_259 = arith.constant 0 : index
              %get3A_260 = tpu.vector_load %arg9[%get3A_258, %get3A_259] {strides = array<i32>} : memref<528x128xf32, #tpu.memory_space<vmem>>, vector<1x16xf32>,
              %get3A_261 = vector.shape_cast %get3A_260 : vector<1x16xf32> to vector<16xf32>
              %max3A_262 = arith.maximumf %get3A_257, %get3A_261 : vector<16xf32>
              %swap3A = arith.index_cast %squeeze3A_253 : i32 to index
              %swap3A_263 = arith.constant 0 : index
              %swap3A_264 = tpu.vector_load %arg10[%swap3A, %swap3A_263] {strides = array<i32>} : memref<320x128xf32, #tpu.memory_space<vmem>>, vector<1x16xf32>,
              %swap3A_265 = vector.shape_cast %swap3A_264 : vector<1x16xf32> to vector<16xf32>
              %swap3A_266 = vector.shape_cast %max3A_262 : vector<16xf32> to vector<1x16xf32>
              tpu.vector_store %arg10[%swap3A, %swap3A_263], %swap3A_266 {strides = array<i32>} : memref<320x128xf32, #tpu.memory_space<vmem>>, vector<1x16xf32>,
              %get3A_267 = arith.index_cast %squeeze3A_253 : i32 to index
              %get3A_268 = arith.constant 16 : index
              %get3A_269 = tpu.vector_load %arg10[%get3A_267, %get3A_268] {strides = array<i32>} : memref<320x128xf32, #tpu.memory_space<vmem>>, vector<1x16xf32>,
              %get3A_270 = vector.shape_cast %get3A_269 : vector<1x16xf32> to vector<16xf32>
              %get3A_271 = arith.index_cast %while3A_247 : i32 to index
              %get3A_272 = arith.constant 16 : index
              %get3A_273 = tpu.vector_load %arg9[%get3A_271, %get3A_272] {strides = array<i32>} : memref<528x128xf32, #tpu.memory_space<vmem>>, vector<1x16xf32>,
              %get3A_274 = vector.shape_cast %get3A_273 : vector<1x16xf32> to vector<16xf32>
              %max3A_275 = arith.maximumf %get3A_270, %get3A_274 : vector<16xf32>
              %swap3A_276 = arith.index_cast %squeeze3A_253 : i32 to index
              %swap3A_277 = arith.constant 16 : index
              %swap3A_278 = tpu.vector_load %arg10[%swap3A_276, %swap3A_277] {strides = array<i32>} : memref<320x128xf32, #tpu.memory_space<vmem>>, vector<1x16xf32>,
              %swap3A_279 = vector.shape_cast %swap3A_278 : vector<1x16xf32> to vector<16xf32>
              %swap3A_280 = vector.shape_cast %max3A_275 : vector<16xf32> to vector<1x16xf32>
              tpu.vector_store %arg10[%swap3A_276, %swap3A_277], %swap3A_280 {strides = array<i32>} : memref<320x128xf32, #tpu.memory_space<vmem>>, vector<1x16xf32>,
              %get3A_281 = arith.index_cast %squeeze3A_253 : i32 to index
              %get3A_282 = arith.constant 32 : index
              %get3A_283 = tpu.vector_load %arg10[%get3A_281, %get3A_282] {strides = array<i32>} : memref<320x128xf32, #tpu.memory_space<vmem>>, vector<1x16xf32>,
              %get3A_284 = vector.shape_cast %get3A_283 : vector<1x16xf32> to vector<16xf32>
              %get3A_285 = arith.index_cast %while3A_247 : i32 to index
              %get3A_286 = arith.constant 32 : index
              %get3A_287 = tpu.vector_load %arg9[%get3A_285, %get3A_286] {strides = array<i32>} : memref<528x128xf32, #tpu.memory_space<vmem>>, vector<1x16xf32>,
              %get3A_288 = vector.shape_cast %get3A_287 : vector<1x16xf32> to vector<16xf32>
              %max3A_289 = arith.maximumf %get3A_284, %get3A_288 : vector<16xf32>
              %swap3A_290 = arith.index_cast %squeeze3A_253 : i32 to index
              %swap3A_291 = arith.constant 32 : index
              %swap3A_292 = tpu.vector_load %arg10[%swap3A_290, %swap3A_291] {strides = array<i32>} : memref<320x128xf32, #tpu.memory_space<vmem>>, vector<1x16xf32>,
              %swap3A_293 = vector.shape_cast %swap3A_292 : vector<1x16xf32> to vector<16xf32>
              %swap3A_294 = vector.shape_cast %max3A_289 : vector<16xf32> to vector<1x16xf32>
              tpu.vector_store %arg10[%swap3A_290, %swap3A_291], %swap3A_294 {strides = array<i32>} : memref<320x128xf32, #tpu.memory_space<vmem>>, vector<1x16xf32>,
              %get3A_295 = arith.index_cast %squeeze3A_253 : i32 to index
              %get3A_296 = arith.constant 48 : index
              %get3A_297 = tpu.vector_load %arg10[%get3A_295, %get3A_296] {strides = array<i32>} : memref<320x128xf32, #tpu.memory_space<vmem>>, vector<1x16xf32>,
              %get3A_298 = vector.shape_cast %get3A_297 : vector<1x16xf32> to vector<16xf32>
              %get3A_299 = arith.index_cast %while3A_247 : i32 to index
              %get3A_300 = arith.constant 48 : index
              %get3A_301 = tpu.vector_load %arg9[%get3A_299, %get3A_300] {strides = array<i32>} : memref<528x128xf32, #tpu.memory_space<vmem>>, vector<1x16xf32>,
              %get3A_302 = vector.shape_cast %get3A_301 : vector<1x16xf32> to vector<16xf32>
              %max3A_303 = arith.maximumf %get3A_298, %get3A_302 : vector<16xf32>
              %swap3A_304 = arith.index_cast %squeeze3A_253 : i32 to index
              %swap3A_305 = arith.constant 48 : index
              %swap3A_306 = tpu.vector_load %arg10[%swap3A_304, %swap3A_305] {strides = array<i32>} : memref<320x128xf32, #tpu.memory_space<vmem>>, vector<1x16xf32>,
              %swap3A_307 = vector.shape_cast %swap3A_306 : vector<1x16xf32> to vector<16xf32>
              %swap3A_308 = vector.shape_cast %max3A_303 : vector<16xf32> to vector<1x16xf32>
              tpu.vector_store %arg10[%swap3A_304, %swap3A_305], %swap3A_308 {strides = array<i32>} : memref<320x128xf32, #tpu.memory_space<vmem>>, vector<1x16xf32>,
              %while3A_309 = arith.constant 0 : i32
              scf.yield %while3A_309 : i32
            }
            %cond3A_246 = arith.constant 0 : i32
            scf.yield %cond3A_246 : i32
          } else {
            scf.yield %add3A_224 : i32
          }
          scf.yield %cond3A_229 : i32
        }
        %scan3A_129 = arith.constant 250 : i32
        scf.yield %scan3A_128 : i32
      } else {
        scf.yield %scan3A_79 : i32
      }
      %add3A_95 = arith.constant 2 : i32
      %add3A_96 = arith.addi %add3A_83, %add3A_95 : i32
      %lt3A_97 = arith.constant 80 : i32
      %lt3A_98 = arith.cmpi slt, %add3A_96, %lt3A_97 : i32
      %convert_element_type3A_99 = arith.extui %lt3A_98 : i1 to i32
      %cond3A_100 = arith.constant 0 : i32
      %cond3A_101 = arith.cmpi ne, %convert_element_type3A_99, %cond3A_100 : i32
      scf.if %cond3A_101 {
        %add3A_124 = arith.constant 2 : i32
        %add3A_125 = arith.addi %add3A_83, %add3A_124 : i32
        %mul3A_126 = arith.constant 4000 : i32
        %mul3A_127 = arith.muli %add3A_125, %mul3A_126 : i32
        %dma_start3A_128 = tpu.memref_slice %arg3[%mul3A_127] : memref<320000xi32, #tpu.memory_space<hbm>> -> memref<4000xi32, #tpu.memory_space<hbm>>
        %dma_start3A_129 = tpu.memref_slice %arg3[%mul3A_127] : memref<320000xi32, #tpu.memory_space<hbm>> -> memref<4000xi32, #tpu.memory_space<hbm>>
        tpu.enqueue_dma source(%dma_start3A_129 : memref<4000xi32, #tpu.memory_space<hbm>>) target(%arg5 : memref<4000xi32, #tpu.memory_space<vmem>>) target_semaphore(%arg12 : memref<!tpu.dma_semaphore, #tpu.memory_space<semaphore_mem>>)
      } else {
      }
      %mul3A_102 = arith.constant 2 : i32
      %mul3A_103 = arith.muli %scan3A_78, %mul3A_102 : i32
      %add3A_104 = arith.constant 1 : i32
      %add3A_105 = arith.addi %mul3A_103, %add3A_104 : i32
      %lt3A_106 = arith.constant 80 : i32
      %lt3A_107 = arith.cmpi slt, %add3A_105, %lt3A_106 : i32
      %convert_element_type3A_108 = arith.extui %lt3A_107 : i1 to i32
      %cond3A_109 = arith.constant 0 : i32
      %cond3A_110 = arith.cmpi ne, %convert_element_type3A_108, %cond3A_109 : i32
      scf.if %cond3A_110 {
        %mul3A_124 = arith.constant 4000 : i32
        %mul3A_125 = arith.muli %add3A_105, %mul3A_124 : i32
        %dma_wait3A = tpu.memref_slice %arg3[%mul3A_125] : memref<320000xi32, #tpu.memory_space<hbm>> -> memref<4000xi32, #tpu.memory_space<hbm>>
        %dma_wait3A_126 = tpu.memref_slice %arg3[%mul3A_125] : memref<320000xi32, #tpu.memory_space<hbm>> -> memref<4000xi32, #tpu.memory_space<hbm>>
        tpu.wait_dma2 semaphore(%arg13 : memref<!tpu.dma_semaphore, #tpu.memory_space<semaphore_mem>>) src(%dma_wait3A_126 : memref<4000xi32, #tpu.memory_space<hbm>>) dst(%arg6 : memref<4000xi32, #tpu.memory_space<vmem>>)
      } else {
      }
      %lt3A_111 = arith.constant 80 : i32
      %lt3A_112 = arith.cmpi slt, %add3A_105, %lt3A_111 : i32
      %convert_element_type3A_113 = arith.extui %lt3A_112 : i1 to i32
      %cond3A_114 = arith.constant 0 : i32
      %cond3A_115 = arith.cmpi ne, %convert_element_type3A_113, %cond3A_114 : i32
      %cond3A_116 = scf.if %cond3A_115 -> (i32) {
        %scan3A_124 = arith.constant 0 : i32
        %scan3A_125 = arith.constant 250 : i32
        %scan3A_126 = arith.addi %scan3A_124, %scan3A_125 : i32
        %scan3A_127 = arith.constant 1 : i32
        %scan3A_128 = scf.for %scan3A_130 = %scan3A_124 to %scan3A_126 step %scan3A_127 iter_args(%scan3A_131 = %cond3A_94) -> (i32)  : i32 {
          %mul3A_132 = arith.constant 16 : i32
          %mul3A_133 = arith.muli %scan3A_130, %mul3A_132 : i32
          %get3A = arith.index_cast %mul3A_133 : i32 to index
          %get3A_134 = tpu.vector_load %arg6[%get3A] {strides = array<i32>} : memref<4000xi32, #tpu.memory_space<vmem>>, vector<16xi32>,
          %get3A_135 = vector.shape_cast %get3A_134 : vector<16xi32> to vector<16xi32>
          %sub3A_136 = vector.broadcast %mul3A_2 : i32 to vector<16xi32>
          %sub3A_137 = arith.subi %get3A_135, %sub3A_136 : vector<16xi32>
          %shift_right_arithmetic3A_138 = arith.constant 31 : i32
          %shift_right_arithmetic3A_139 = vector.broadcast %shift_right_arithmetic3A_138 : i32 to vector<16xi32>
          %shift_right_arithmetic3A_140 = arith.shrsi %sub3A_137, %shift_right_arithmetic3A_139 : vector<16xi32>
          %sub3A_141 = arith.constant 319 : i32
          %sub3A_142 = vector.broadcast %sub3A_141 : i32 to vector<16xi32>
          %sub3A_143 = arith.subi %sub3A_142, %sub3A_137 : vector<16xi32>
          %shift_right_arithmetic3A_144 = arith.constant 31 : i32
          %shift_right_arithmetic3A_145 = vector.broadcast %shift_right_arithmetic3A_144 : i32 to vector<16xi32>
          %shift_right_arithmetic3A_146 = arith.shrsi %sub3A_143, %shift_right_arithmetic3A_145 : vector<16xi32>
          %or3A = arith.ori %shift_right_arithmetic3A_140, %shift_right_arithmetic3A_146 : vector<16xi32>
          %add3A_147 = arith.constant 1 : i32
          %add3A_148 = vector.broadcast %add3A_147 : i32 to vector<16xi32>
          %add3A_149 = arith.addi %or3A, %add3A_148 : vector<16xi32>
          %sub3A_150 = arith.constant 1 : i32
          %sub3A_151 = vector.broadcast %sub3A_150 : i32 to vector<16xi32>
          %sub3A_152 = arith.subi %iota3A, %sub3A_151 : vector<16xi32>
          %max3A = arith.constant 0 : i32
          %max3A_153 = vector.broadcast %max3A : i32 to vector<16xi32>
          %max3A_154 = arith.maxsi %sub3A_152, %max3A_153 : vector<16xi32>
          %lt3A_155 = arith.constant 0 : i32
          %lt3A_156 = vector.broadcast %lt3A_155 : i32 to vector<16xi32>
          %lt3A_157 = arith.cmpi slt, %max3A_154, %lt3A_156 : vector<16xi32>
          %add3A_158 = arith.constant 16 : i32
          %add3A_159 = vector.broadcast %add3A_158 : i32 to vector<16xi32>
          %add3A_160 = arith.addi %max3A_154, %add3A_159 : vector<16xi32>
          %select_n3A = arith.select %lt3A_157, %add3A_160, %max3A_154 : vector<16xi1>, vector<16xi32>
          %broadcast_in_dim3A_161 = vector.shape_cast %select_n3A : vector<16xi32> to vector<16x1xi32>
          %gather3A = vector.shape_cast %broadcast_in_dim3A_161 : vector<16x1xi32> to vector<16xi32>
          %gather3A_162 = tpu.dynamic_gather %add3A_149[%gather3A] in [0] : vector<16xi32>, vector<16xi32> -> vector<16xi32>
          %mul3A_163 = arith.muli %gather3A_162, %add3A_25 : vector<16xi32>
          %add3A_164 = arith.addi %add3A_149, %mul3A_163 : vector<16xi32>
          %sub3A_165 = arith.constant 2 : i32
          %sub3A_166 = vector.broadcast %sub3A_165 : i32 to vector<16xi32>
          %sub3A_167 = arith.subi %iota3A, %sub3A_166 : vector<16xi32>
          %max3A_168 = arith.constant 0 : i32
          %max3A_169 = vector.broadcast %max3A_168 : i32 to vector<16xi32>
          %max3A_170 = arith.maxsi %sub3A_167, %max3A_169 : vector<16xi32>
          %lt3A_171 = arith.constant 0 : i32
          %lt3A_172 = vector.broadcast %lt3A_171 : i32 to vector<16xi32>
          %lt3A_173 = arith.cmpi slt, %max3A_170, %lt3A_172 : vector<16xi32>
          %add3A_174 = arith.constant 16 : i32
          %add3A_175 = vector.broadcast %add3A_174 : i32 to vector<16xi32>
          %add3A_176 = arith.addi %max3A_170, %add3A_175 : vector<16xi32>
          %select_n3A_177 = arith.select %lt3A_173, %add3A_176, %max3A_170 : vector<16xi1>, vector<16xi32>
          %broadcast_in_dim3A_178 = vector.shape_cast %select_n3A_177 : vector<16xi32> to vector<16x1xi32>
          %gather3A_179 = vector.shape_cast %broadcast_in_dim3A_178 : vector<16x1xi32> to vector<16xi32>
          %gather3A_180 = tpu.dynamic_gather %add3A_164[%gather3A_179] in [0] : vector<16xi32>, vector<16xi32> -> vector<16xi32>
          %mul3A_181 = arith.muli %gather3A_180, %add3A_34 : vector<16xi32>
          %add3A_182 = arith.addi %add3A_164, %mul3A_181 : vector<16xi32>
          %sub3A_183 = arith.constant 4 : i32
          %sub3A_184 = vector.broadcast %sub3A_183 : i32 to vector<16xi32>
          %sub3A_185 = arith.subi %iota3A, %sub3A_184 : vector<16xi32>
          %max3A_186 = arith.constant 0 : i32
          %max3A_187 = vector.broadcast %max3A_186 : i32 to vector<16xi32>
          %max3A_188 = arith.maxsi %sub3A_185, %max3A_187 : vector<16xi32>
          %lt3A_189 = arith.constant 0 : i32
          %lt3A_190 = vector.broadcast %lt3A_189 : i32 to vector<16xi32>
          %lt3A_191 = arith.cmpi slt, %max3A_188, %lt3A_190 : vector<16xi32>
          %add3A_192 = arith.constant 16 : i32
          %add3A_193 = vector.broadcast %add3A_192 : i32 to vector<16xi32>
          %add3A_194 = arith.addi %max3A_188, %add3A_193 : vector<16xi32>
          %select_n3A_195 = arith.select %lt3A_191, %add3A_194, %max3A_188 : vector<16xi1>, vector<16xi32>
          %broadcast_in_dim3A_196 = vector.shape_cast %select_n3A_195 : vector<16xi32> to vector<16x1xi32>
          %gather3A_197 = vector.shape_cast %broadcast_in_dim3A_196 : vector<16x1xi32> to vector<16xi32>
          %gather3A_198 = tpu.dynamic_gather %add3A_182[%gather3A_197] in [0] : vector<16xi32>, vector<16xi32> -> vector<16xi32>
          %mul3A_199 = arith.muli %gather3A_198, %add3A_43 : vector<16xi32>
          %add3A_200 = arith.addi %add3A_182, %mul3A_199 : vector<16xi32>
          %sub3A_201 = arith.constant 8 : i32
          %sub3A_202 = vector.broadcast %sub3A_201 : i32 to vector<16xi32>
          %sub3A_203 = arith.subi %iota3A, %sub3A_202 : vector<16xi32>
          %max3A_204 = arith.constant 0 : i32
          %max3A_205 = vector.broadcast %max3A_204 : i32 to vector<16xi32>
          %max3A_206 = arith.maxsi %sub3A_203, %max3A_205 : vector<16xi32>
          %lt3A_207 = arith.constant 0 : i32
          %lt3A_208 = vector.broadcast %lt3A_207 : i32 to vector<16xi32>
          %lt3A_209 = arith.cmpi slt, %max3A_206, %lt3A_208 : vector<16xi32>
          %add3A_210 = arith.constant 16 : i32
          %add3A_211 = vector.broadcast %add3A_210 : i32 to vector<16xi32>
          %add3A_212 = arith.addi %max3A_206, %add3A_211 : vector<16xi32>
          %select_n3A_213 = arith.select %lt3A_209, %add3A_212, %max3A_206 : vector<16xi1>, vector<16xi32>
          %broadcast_in_dim3A_214 = vector.shape_cast %select_n3A_213 : vector<16xi32> to vector<16x1xi32>
          %gather3A_215 = vector.shape_cast %broadcast_in_dim3A_214 : vector<16x1xi32> to vector<16xi32>
          %gather3A_216 = tpu.dynamic_gather %add3A_200[%gather3A_215] in [0] : vector<16xi32>, vector<16xi32> -> vector<16xi32>
          %mul3A_217 = arith.muli %gather3A_216, %add3A_52 : vector<16xi32>
          %add3A_218 = arith.addi %add3A_200, %mul3A_217 : vector<16xi32>
          %slice3A = vector.extract_strided_slice %add3A_218 {offsets = [15], sizes = [1], strides = [1]} : vector<16xi32> to vector<1xi32>
          %squeeze3A = vector.extract %slice3A[0] : i32 from vector<1xi32>
          %gt3A_219 = arith.constant 0 : i32
          %gt3A_220 = arith.cmpi sgt, %squeeze3A, %gt3A_219 : i32
          %convert_element_type3A_221 = arith.extui %gt3A_220 : i1 to i32
          %cond3A_222 = arith.constant 0 : i32
          %cond3A_223 = arith.cmpi ne, %convert_element_type3A_221, %cond3A_222 : i32
          scf.if %cond3A_223 {
            %broadcast_in_dim3A_230 = arith.constant 0 : i32
            %broadcast_in_dim3A_231 = vector.broadcast %broadcast_in_dim3A_230 : i32 to vector<16xi32>
            %add3A_232 = arith.constant 7 : i32
            %add3A_233 = vector.broadcast %add3A_232 : i32 to vector<16xi32>
            %add3A_234 = arith.addi %broadcast_in_dim3A_231, %add3A_233 : vector<16xi32>
            %min3A = arith.constant 15 : i32
            %min3A_235 = vector.broadcast %min3A : i32 to vector<16xi32>
            %min3A_236 = arith.minsi %add3A_234, %min3A_235 : vector<16xi32>
            %lt3A_237 = arith.constant 0 : i32
            %lt3A_238 = vector.broadcast %lt3A_237 : i32 to vector<16xi32>
            %lt3A_239 = arith.cmpi slt, %min3A_236, %lt3A_238 : vector<16xi32>
            %add3A_240 = arith.constant 16 : i32
            %add3A_241 = vector.broadcast %add3A_240 : i32 to vector<16xi32>
            %add3A_242 = arith.addi %min3A_236, %add3A_241 : vector<16xi32>
            %select_n3A_243 = arith.select %lt3A_239, %add3A_242, %min3A_236 : vector<16xi1>, vector<16xi32>
            %broadcast_in_dim3A_244 = vector.shape_cast %select_n3A_243 : vector<16xi32> to vector<16x1xi32>
            %gather3A_245 = vector.shape_cast %broadcast_in_dim3A_244 : vector<16x1xi32> to vector<16xi32>
            %gather3A_246 = tpu.dynamic_gather %add3A_218[%gather3A_245] in [0] : vector<16xi32>, vector<16xi32> -> vector<16xi32>
            %sub3A_247 = arith.subi %iota3A, %gather3A_246 : vector<16xi32>
            %shift_right_arithmetic3A_248 = arith.constant 31 : i32
            %shift_right_arithmetic3A_249 = vector.broadcast %shift_right_arithmetic3A_248 : i32 to vector<16xi32>
            %shift_right_arithmetic3A_250 = arith.shrsi %sub3A_247, %shift_right_arithmetic3A_249 : vector<16xi32>
            %add3A_251 = arith.constant 1 : i32
            %add3A_252 = vector.broadcast %add3A_251 : i32 to vector<16xi32>
            %add3A_253 = arith.addi %shift_right_arithmetic3A_250, %add3A_252 : vector<16xi32>
            %mul3A_254 = arith.constant 8 : i32
            %mul3A_255 = vector.broadcast %mul3A_254 : i32 to vector<16xi32>
            %mul3A_256 = arith.muli %mul3A_255, %add3A_253 : vector<16xi32>
            %add3A_257 = arith.addi %broadcast_in_dim3A_231, %mul3A_256 : vector<16xi32>
            %add3A_258 = arith.constant 3 : i32
            %add3A_259 = vector.broadcast %add3A_258 : i32 to vector<16xi32>
            %add3A_260 = arith.addi %add3A_257, %add3A_259 : vector<16xi32>
            %min3A_261 = arith.constant 15 : i32
            %min3A_262 = vector.broadcast %min3A_261 : i32 to vector<16xi32>
            %min3A_263 = arith.minsi %add3A_260, %min3A_262 : vector<16xi32>
            %lt3A_264 = arith.constant 0 : i32
            %lt3A_265 = vector.broadcast %lt3A_264 : i32 to vector<16xi32>
            %lt3A_266 = arith.cmpi slt, %min3A_263, %lt3A_265 : vector<16xi32>
            %add3A_267 = arith.constant 16 : i32
            %add3A_268 = vector.broadcast %add3A_267 : i32 to vector<16xi32>
            %add3A_269 = arith.addi %min3A_263, %add3A_268 : vector<16xi32>
            %select_n3A_270 = arith.select %lt3A_266, %add3A_269, %min3A_263 : vector<16xi1>, vector<16xi32>
            %broadcast_in_dim3A_271 = vector.shape_cast %select_n3A_270 : vector<16xi32> to vector<16x1xi32>
            %gather3A_272 = vector.shape_cast %broadcast_in_dim3A_271 : vector<16x1xi32> to vector<16xi32>
            %gather3A_273 = tpu.dynamic_gather %add3A_218[%gather3A_272] in [0] : vector<16xi32>, vector<16xi32> -> vector<16xi32>
            %sub3A_274 = arith.subi %iota3A, %gather3A_273 : vector<16xi32>
            %shift_right_arithmetic3A_275 = arith.constant 31 : i32
            %shift_right_arithmetic3A_276 = vector.broadcast %shift_right_arithmetic3A_275 : i32 to vector<16xi32>
            %shift_right_arithmetic3A_277 = arith.shrsi %sub3A_274, %shift_right_arithmetic3A_276 : vector<16xi32>
            %add3A_278 = arith.constant 1 : i32
            %add3A_279 = vector.broadcast %add3A_278 : i32 to vector<16xi32>
            %add3A_280 = arith.addi %shift_right_arithmetic3A_277, %add3A_279 : vector<16xi32>
            %mul3A_281 = arith.constant 4 : i32
            %mul3A_282 = vector.broadcast %mul3A_281 : i32 to vector<16xi32>
            %mul3A_283 = arith.muli %mul3A_282, %add3A_280 : vector<16xi32>
            %add3A_284 = arith.addi %add3A_257, %mul3A_283 : vector<16xi32>
            %add3A_285 = arith.constant 1 : i32
            %add3A_286 = vector.broadcast %add3A_285 : i32 to vector<16xi32>
            %add3A_287 = arith.addi %add3A_284, %add3A_286 : vector<16xi32>
            %min3A_288 = arith.constant 15 : i32
            %min3A_289 = vector.broadcast %min3A_288 : i32 to vector<16xi32>
            %min3A_290 = arith.minsi %add3A_287, %min3A_289 : vector<16xi32>
            %lt3A_291 = arith.constant 0 : i32
            %lt3A_292 = vector.broadcast %lt3A_291 : i32 to vector<16xi32>
            %lt3A_293 = arith.cmpi slt, %min3A_290, %lt3A_292 : vector<16xi32>
            %add3A_294 = arith.constant 16 : i32
            %add3A_295 = vector.broadcast %add3A_294 : i32 to vector<16xi32>
            %add3A_296 = arith.addi %min3A_290, %add3A_295 : vector<16xi32>
            %select_n3A_297 = arith.select %lt3A_293, %add3A_296, %min3A_290 : vector<16xi1>, vector<16xi32>
            %broadcast_in_dim3A_298 = vector.shape_cast %select_n3A_297 : vector<16xi32> to vector<16x1xi32>
            %gather3A_299 = vector.shape_cast %broadcast_in_dim3A_298 : vector<16x1xi32> to vector<16xi32>
            %gather3A_300 = tpu.dynamic_gather %add3A_218[%gather3A_299] in [0] : vector<16xi32>, vector<16xi32> -> vector<16xi32>
            %sub3A_301 = arith.subi %iota3A, %gather3A_300 : vector<16xi32>
            %shift_right_arithmetic3A_302 = arith.constant 31 : i32
            %shift_right_arithmetic3A_303 = vector.broadcast %shift_right_arithmetic3A_302 : i32 to vector<16xi32>
            %shift_right_arithmetic3A_304 = arith.shrsi %sub3A_301, %shift_right_arithmetic3A_303 : vector<16xi32>
            %add3A_305 = arith.constant 1 : i32
            %add3A_306 = vector.broadcast %add3A_305 : i32 to vector<16xi32>
            %add3A_307 = arith.addi %shift_right_arithmetic3A_304, %add3A_306 : vector<16xi32>
            %mul3A_308 = arith.constant 2 : i32
            %mul3A_309 = vector.broadcast %mul3A_308 : i32 to vector<16xi32>
            %mul3A_310 = arith.muli %mul3A_309, %add3A_307 : vector<16xi32>
            %add3A_311 = arith.addi %add3A_284, %mul3A_310 : vector<16xi32>
            %add3A_312 = arith.constant 0 : i32
            %add3A_313 = vector.broadcast %add3A_312 : i32 to vector<16xi32>
            %add3A_314 = arith.addi %add3A_311, %add3A_313 : vector<16xi32>
            %min3A_315 = arith.constant 15 : i32
            %min3A_316 = vector.broadcast %min3A_315 : i32 to vector<16xi32>
            %min3A_317 = arith.minsi %add3A_314, %min3A_316 : vector<16xi32>
            %lt3A_318 = arith.constant 0 : i32
            %lt3A_319 = vector.broadcast %lt3A_318 : i32 to vector<16xi32>
            %lt3A_320 = arith.cmpi slt, %min3A_317, %lt3A_319 : vector<16xi32>
            %add3A_321 = arith.constant 16 : i32
            %add3A_322 = vector.broadcast %add3A_321 : i32 to vector<16xi32>
            %add3A_323 = arith.addi %min3A_317, %add3A_322 : vector<16xi32>
            %select_n3A_324 = arith.select %lt3A_320, %add3A_323, %min3A_317 : vector<16xi1>, vector<16xi32>
            %broadcast_in_dim3A_325 = vector.shape_cast %select_n3A_324 : vector<16xi32> to vector<16x1xi32>
            %gather3A_326 = vector.shape_cast %broadcast_in_dim3A_325 : vector<16x1xi32> to vector<16xi32>
            %gather3A_327 = tpu.dynamic_gather %add3A_218[%gather3A_326] in [0] : vector<16xi32>, vector<16xi32> -> vector<16xi32>
            %sub3A_328 = arith.subi %iota3A, %gather3A_327 : vector<16xi32>
            %shift_right_arithmetic3A_329 = arith.constant 31 : i32
            %shift_right_arithmetic3A_330 = vector.broadcast %shift_right_arithmetic3A_329 : i32 to vector<16xi32>
            %shift_right_arithmetic3A_331 = arith.shrsi %sub3A_328, %shift_right_arithmetic3A_330 : vector<16xi32>
            %add3A_332 = arith.constant 1 : i32
            %add3A_333 = vector.broadcast %add3A_332 : i32 to vector<16xi32>
            %add3A_334 = arith.addi %shift_right_arithmetic3A_331, %add3A_333 : vector<16xi32>
            %mul3A_335 = arith.constant 1 : i32
            %mul3A_336 = vector.broadcast %mul3A_335 : i32 to vector<16xi32>
            %mul3A_337 = arith.muli %mul3A_336, %add3A_334 : vector<16xi32>
            %add3A_338 = arith.addi %add3A_311, %mul3A_337 : vector<16xi32>
            %min3A_339 = arith.constant 15 : i32
            %min3A_340 = vector.broadcast %min3A_339 : i32 to vector<16xi32>
            %min3A_341 = arith.minsi %add3A_338, %min3A_340 : vector<16xi32>
            %mul3A_342 = arith.constant 4000 : i32
            %mul3A_343 = arith.muli %add3A_105, %mul3A_342 : i32
            %mul3A_344 = arith.constant 16 : i32
            %mul3A_345 = arith.muli %scan3A_130, %mul3A_344 : i32
            %add3A_346 = arith.addi %mul3A_343, %mul3A_345 : i32
            %add3A_347 = vector.broadcast %add3A_346 : i32 to vector<16xi32>
            %add3A_348 = arith.addi %add3A_347, %iota3A : vector<16xi32>
            %shift_left3A = arith.constant 9 : i32
            %shift_left3A_349 = vector.broadcast %shift_left3A : i32 to vector<16xi32>
            %shift_left3A_350 = arith.shli %add3A_348, %shift_left3A_349 : vector<16xi32>
            %mul3A_351 = arith.muli %sub3A_137, %add3A_149 : vector<16xi32>
            %or3A_352 = arith.ori %shift_left3A_350, %mul3A_351 : vector<16xi32>
            %lt3A_353 = arith.constant 0 : i32
            %lt3A_354 = vector.broadcast %lt3A_353 : i32 to vector<16xi32>
            %lt3A_355 = arith.cmpi slt, %min3A_341, %lt3A_354 : vector<16xi32>
            %add3A_356 = arith.constant 16 : i32
            %add3A_357 = vector.broadcast %add3A_356 : i32 to vector<16xi32>
            %add3A_358 = arith.addi %min3A_341, %add3A_357 : vector<16xi32>
            %select_n3A_359 = arith.select %lt3A_355, %add3A_358, %min3A_341 : vector<16xi1>, vector<16xi32>
            %broadcast_in_dim3A_360 = vector.shape_cast %select_n3A_359 : vector<16xi32> to vector<16x1xi32>
            %gather3A_361 = vector.shape_cast %broadcast_in_dim3A_360 : vector<16x1xi32> to vector<16xi32>
            %gather3A_362 = tpu.dynamic_gather %or3A_352[%gather3A_361] in [0] : vector<16xi32>, vector<16xi32> -> vector<16xi32>
            %shift_right_arithmetic3A_363 = arith.constant 9 : i32
            %shift_right_arithmetic3A_364 = vector.broadcast %shift_right_arithmetic3A_363 : i32 to vector<16xi32>
            %shift_right_arithmetic3A_365 = arith.shrsi %gather3A_362, %shift_right_arithmetic3A_364 : vector<16xi32>
            %swap3A = arith.index_cast %scan3A_131 : i32 to index
            %swap3A_366 = tpu.vector_load %arg7[%swap3A] {strides = array<i32>} : memref<528xi32, #tpu.memory_space<vmem>>, vector<16xi32>,
            %swap3A_367 = vector.shape_cast %swap3A_366 : vector<16xi32> to vector<16xi32>
            %swap3A_368 = vector.shape_cast %shift_right_arithmetic3A_365 : vector<16xi32> to vector<16xi32>
            tpu.vector_store %arg7[%swap3A], %swap3A_368 {strides = array<i32>} : memref<528xi32, #tpu.memory_space<vmem>>, vector<16xi32>,
            %and3A = arith.constant 511 : i32
            %and3A_369 = vector.broadcast %and3A : i32 to vector<16xi32>
            %and3A_370 = arith.andi %gather3A_362, %and3A_369 : vector<16xi32>
            %swap3A_371 = arith.index_cast %scan3A_131 : i32 to index
            %swap3A_372 = tpu.vector_load %arg8[%swap3A_371] {strides = array<i32>} : memref<544xi32, #tpu.memory_space<vmem>>, vector<16xi32>,
            %swap3A_373 = vector.shape_cast %swap3A_372 : vector<16xi32> to vector<16xi32>
            %swap3A_374 = vector.shape_cast %and3A_370 : vector<16xi32> to vector<16xi32>
            tpu.vector_store %arg8[%swap3A_371], %swap3A_374 {strides = array<i32>} : memref<544xi32, #tpu.memory_space<vmem>>, vector<16xi32>,
          } else {
          }
          %add3A_224 = arith.addi %scan3A_131, %squeeze3A : i32
          %ge3A = arith.constant 512 : i32
          %ge3A_225 = arith.cmpi sge, %add3A_224, %ge3A : i32
          %convert_element_type3A_226 = arith.extui %ge3A_225 : i1 to i32
          %cond3A_227 = arith.constant 0 : i32
          %cond3A_228 = arith.cmpi ne, %convert_element_type3A_226, %cond3A_227 : i32
          %cond3A_229 = scf.if %cond3A_228 -> (i32) {
            %dma_start3A_230 = arith.constant 0 : i32
            %dma_start3A_231 = arith.constant 0 : i32
            %dma_start3A_232 = tpu.memref_slice %arg2[%dma_start3A_230, %dma_start3A_231] : memref<320000x128xf32, #tpu.memory_space<hbm>> -> memref<320000x128xf32, #tpu.memory_space<hbm>>
            tpu.enqueue_indirect_dma source(%dma_start3A_232 : memref<320000x128xf32, #tpu.memory_space<hbm>>) target(%arg9 : memref<528x128xf32, #tpu.memory_space<vmem>>) offsets(%arg7 : memref<528xi32, #tpu.memory_space<vmem>>) semaphore(%arg11 : memref<!tpu.dma_semaphore, #tpu.memory_space<semaphore_mem>>)
            %dma_wait3A = arith.constant 0 : i32
            %dma_wait3A_233 = arith.constant 0 : i32
            %dma_wait3A_234 = tpu.memref_slice %arg2[%dma_wait3A, %dma_wait3A_233] : memref<320000x128xf32, #tpu.memory_space<hbm>> -> memref<320000x128xf32, #tpu.memory_space<hbm>>
            tpu.wait_indirect_dma semaphore(%arg11 : memref<!tpu.dma_semaphore, #tpu.memory_space<semaphore_mem>>) src(%dma_wait3A_234 : memref<320000x128xf32, #tpu.memory_space<hbm>>) dst(%arg9 : memref<528x128xf32, #tpu.memory_space<vmem>>)
            %while3A = arith.constant 0 : i32
            %while3A_235 = arith.constant 0 : i32
            %while3A_236 = arith.subi %add3A_224, %while3A : i32
            %while3A_237 = arith.addi %while3A, %while3A_236 : i32
            %while3A_238 = arith.constant 1 : i32
            %while3A_239 = arith.divsi %while3A_236, %while3A_238 : i32
            %while3A_240 = arith.muli %while3A_239, %while3A_238 : i32
            %while3A_241 = arith.addi %while3A, %while3A_240 : i32
            %while3A_242 = arith.constant 1 : i32
            %while3A_243 = scf.for %while3A_247 = %while3A to %while3A_241 step %while3A_242 iter_args(%while3A_248 = %while3A_235) -> (i32)  : i32 {
              %get3A_249 = arith.index_cast %while3A_247 : i32 to index
              %get3A_250 = tpu.vector_load %arg8[%get3A_249] {strides = array<i32>} : memref<544xi32, #tpu.memory_space<vmem>>, vector<16xi32>,
              %get3A_251 = vector.shape_cast %get3A_250 : vector<16xi32> to vector<16xi32>
              %slice3A_252 = vector.extract_strided_slice %get3A_251 {offsets = [0], sizes = [1], strides = [1]} : vector<16xi32> to vector<1xi32>
              %squeeze3A_253 = vector.extract %slice3A_252[0] : i32 from vector<1xi32>
              %get3A_254 = arith.index_cast %squeeze3A_253 : i32 to index
              %get3A_255 = arith.constant 0 : index
              %get3A_256 = tpu.vector_load %arg10[%get3A_254, %get3A_255] {strides = array<i32>} : memref<320x128xf32, #tpu.memory_space<vmem>>, vector<1x16xf32>,
              %get3A_257 = vector.shape_cast %get3A_256 : vector<1x16xf32> to vector<16xf32>
              %get3A_258 = arith.index_cast %while3A_247 : i32 to index
              %get3A_259 = arith.constant 0 : index
              %get3A_260 = tpu.vector_load %arg9[%get3A_258, %get3A_259] {strides = array<i32>} : memref<528x128xf32, #tpu.memory_space<vmem>>, vector<1x16xf32>,
              %get3A_261 = vector.shape_cast %get3A_260 : vector<1x16xf32> to vector<16xf32>
              %max3A_262 = arith.maximumf %get3A_257, %get3A_261 : vector<16xf32>
              %swap3A = arith.index_cast %squeeze3A_253 : i32 to index
              %swap3A_263 = arith.constant 0 : index
              %swap3A_264 = tpu.vector_load %arg10[%swap3A, %swap3A_263] {strides = array<i32>} : memref<320x128xf32, #tpu.memory_space<vmem>>, vector<1x16xf32>,
              %swap3A_265 = vector.shape_cast %swap3A_264 : vector<1x16xf32> to vector<16xf32>
              %swap3A_266 = vector.shape_cast %max3A_262 : vector<16xf32> to vector<1x16xf32>
              tpu.vector_store %arg10[%swap3A, %swap3A_263], %swap3A_266 {strides = array<i32>} : memref<320x128xf32, #tpu.memory_space<vmem>>, vector<1x16xf32>,
              %get3A_267 = arith.index_cast %squeeze3A_253 : i32 to index
              %get3A_268 = arith.constant 16 : index
              %get3A_269 = tpu.vector_load %arg10[%get3A_267, %get3A_268] {strides = array<i32>} : memref<320x128xf32, #tpu.memory_space<vmem>>, vector<1x16xf32>,
              %get3A_270 = vector.shape_cast %get3A_269 : vector<1x16xf32> to vector<16xf32>
              %get3A_271 = arith.index_cast %while3A_247 : i32 to index
              %get3A_272 = arith.constant 16 : index
              %get3A_273 = tpu.vector_load %arg9[%get3A_271, %get3A_272] {strides = array<i32>} : memref<528x128xf32, #tpu.memory_space<vmem>>, vector<1x16xf32>,
              %get3A_274 = vector.shape_cast %get3A_273 : vector<1x16xf32> to vector<16xf32>
              %max3A_275 = arith.maximumf %get3A_270, %get3A_274 : vector<16xf32>
              %swap3A_276 = arith.index_cast %squeeze3A_253 : i32 to index
              %swap3A_277 = arith.constant 16 : index
              %swap3A_278 = tpu.vector_load %arg10[%swap3A_276, %swap3A_277] {strides = array<i32>} : memref<320x128xf32, #tpu.memory_space<vmem>>, vector<1x16xf32>,
              %swap3A_279 = vector.shape_cast %swap3A_278 : vector<1x16xf32> to vector<16xf32>
              %swap3A_280 = vector.shape_cast %max3A_275 : vector<16xf32> to vector<1x16xf32>
              tpu.vector_store %arg10[%swap3A_276, %swap3A_277], %swap3A_280 {strides = array<i32>} : memref<320x128xf32, #tpu.memory_space<vmem>>, vector<1x16xf32>,
              %get3A_281 = arith.index_cast %squeeze3A_253 : i32 to index
              %get3A_282 = arith.constant 32 : index
              %get3A_283 = tpu.vector_load %arg10[%get3A_281, %get3A_282] {strides = array<i32>} : memref<320x128xf32, #tpu.memory_space<vmem>>, vector<1x16xf32>,
              %get3A_284 = vector.shape_cast %get3A_283 : vector<1x16xf32> to vector<16xf32>
              %get3A_285 = arith.index_cast %while3A_247 : i32 to index
              %get3A_286 = arith.constant 32 : index
              %get3A_287 = tpu.vector_load %arg9[%get3A_285, %get3A_286] {strides = array<i32>} : memref<528x128xf32, #tpu.memory_space<vmem>>, vector<1x16xf32>,
              %get3A_288 = vector.shape_cast %get3A_287 : vector<1x16xf32> to vector<16xf32>
              %max3A_289 = arith.maximumf %get3A_284, %get3A_288 : vector<16xf32>
              %swap3A_290 = arith.index_cast %squeeze3A_253 : i32 to index
              %swap3A_291 = arith.constant 32 : index
              %swap3A_292 = tpu.vector_load %arg10[%swap3A_290, %swap3A_291] {strides = array<i32>} : memref<320x128xf32, #tpu.memory_space<vmem>>, vector<1x16xf32>,
              %swap3A_293 = vector.shape_cast %swap3A_292 : vector<1x16xf32> to vector<16xf32>
              %swap3A_294 = vector.shape_cast %max3A_289 : vector<16xf32> to vector<1x16xf32>
              tpu.vector_store %arg10[%swap3A_290, %swap3A_291], %swap3A_294 {strides = array<i32>} : memref<320x128xf32, #tpu.memory_space<vmem>>, vector<1x16xf32>,
              %get3A_295 = arith.index_cast %squeeze3A_253 : i32 to index
              %get3A_296 = arith.constant 48 : index
              %get3A_297 = tpu.vector_load %arg10[%get3A_295, %get3A_296] {strides = array<i32>} : memref<320x128xf32, #tpu.memory_space<vmem>>, vector<1x16xf32>,
              %get3A_298 = vector.shape_cast %get3A_297 : vector<1x16xf32> to vector<16xf32>
              %get3A_299 = arith.index_cast %while3A_247 : i32 to index
              %get3A_300 = arith.constant 48 : index
              %get3A_301 = tpu.vector_load %arg9[%get3A_299, %get3A_300] {strides = array<i32>} : memref<528x128xf32, #tpu.memory_space<vmem>>, vector<1x16xf32>,
              %get3A_302 = vector.shape_cast %get3A_301 : vector<1x16xf32> to vector<16xf32>
              %max3A_303 = arith.maximumf %get3A_298, %get3A_302 : vector<16xf32>
              %swap3A_304 = arith.index_cast %squeeze3A_253 : i32 to index
              %swap3A_305 = arith.constant 48 : index
              %swap3A_306 = tpu.vector_load %arg10[%swap3A_304, %swap3A_305] {strides = array<i32>} : memref<320x128xf32, #tpu.memory_space<vmem>>, vector<1x16xf32>,
              %swap3A_307 = vector.shape_cast %swap3A_306 : vector<1x16xf32> to vector<16xf32>
              %swap3A_308 = vector.shape_cast %max3A_303 : vector<16xf32> to vector<1x16xf32>
              tpu.vector_store %arg10[%swap3A_304, %swap3A_305], %swap3A_308 {strides = array<i32>} : memref<320x128xf32, #tpu.memory_space<vmem>>, vector<1x16xf32>,
              %while3A_309 = arith.constant 0 : i32
              scf.yield %while3A_309 : i32
            }
            %while3A_244 = arith.constant 1 : i32
            %while3A_245 = scf.for %while3A_247 = %while3A_241 to %while3A_237 step %while3A_244 iter_args(%while3A_248 = %while3A_243) -> (i32)  : i32 {
              %get3A_249 = arith.index_cast %while3A_247 : i32 to index
              %get3A_250 = tpu.vector_load %arg8[%get3A_249] {strides = array<i32>} : memref<544xi32, #tpu.memory_space<vmem>>, vector<16xi32>,
              %get3A_251 = vector.shape_cast %get3A_250 : vector<16xi32> to vector<16xi32>
              %slice3A_252 = vector.extract_strided_slice %get3A_251 {offsets = [0], sizes = [1], strides = [1]} : vector<16xi32> to vector<1xi32>
              %squeeze3A_253 = vector.extract %slice3A_252[0] : i32 from vector<1xi32>
              %get3A_254 = arith.index_cast %squeeze3A_253 : i32 to index
              %get3A_255 = arith.constant 0 : index
              %get3A_256 = tpu.vector_load %arg10[%get3A_254, %get3A_255] {strides = array<i32>} : memref<320x128xf32, #tpu.memory_space<vmem>>, vector<1x16xf32>,
              %get3A_257 = vector.shape_cast %get3A_256 : vector<1x16xf32> to vector<16xf32>
              %get3A_258 = arith.index_cast %while3A_247 : i32 to index
              %get3A_259 = arith.constant 0 : index
              %get3A_260 = tpu.vector_load %arg9[%get3A_258, %get3A_259] {strides = array<i32>} : memref<528x128xf32, #tpu.memory_space<vmem>>, vector<1x16xf32>,
              %get3A_261 = vector.shape_cast %get3A_260 : vector<1x16xf32> to vector<16xf32>
              %max3A_262 = arith.maximumf %get3A_257, %get3A_261 : vector<16xf32>
              %swap3A = arith.index_cast %squeeze3A_253 : i32 to index
              %swap3A_263 = arith.constant 0 : index
              %swap3A_264 = tpu.vector_load %arg10[%swap3A, %swap3A_263] {strides = array<i32>} : memref<320x128xf32, #tpu.memory_space<vmem>>, vector<1x16xf32>,
              %swap3A_265 = vector.shape_cast %swap3A_264 : vector<1x16xf32> to vector<16xf32>
              %swap3A_266 = vector.shape_cast %max3A_262 : vector<16xf32> to vector<1x16xf32>
              tpu.vector_store %arg10[%swap3A, %swap3A_263], %swap3A_266 {strides = array<i32>} : memref<320x128xf32, #tpu.memory_space<vmem>>, vector<1x16xf32>,
              %get3A_267 = arith.index_cast %squeeze3A_253 : i32 to index
              %get3A_268 = arith.constant 16 : index
              %get3A_269 = tpu.vector_load %arg10[%get3A_267, %get3A_268] {strides = array<i32>} : memref<320x128xf32, #tpu.memory_space<vmem>>, vector<1x16xf32>,
              %get3A_270 = vector.shape_cast %get3A_269 : vector<1x16xf32> to vector<16xf32>
              %get3A_271 = arith.index_cast %while3A_247 : i32 to index
              %get3A_272 = arith.constant 16 : index
              %get3A_273 = tpu.vector_load %arg9[%get3A_271, %get3A_272] {strides = array<i32>} : memref<528x128xf32, #tpu.memory_space<vmem>>, vector<1x16xf32>,
              %get3A_274 = vector.shape_cast %get3A_273 : vector<1x16xf32> to vector<16xf32>
              %max3A_275 = arith.maximumf %get3A_270, %get3A_274 : vector<16xf32>
              %swap3A_276 = arith.index_cast %squeeze3A_253 : i32 to index
              %swap3A_277 = arith.constant 16 : index
              %swap3A_278 = tpu.vector_load %arg10[%swap3A_276, %swap3A_277] {strides = array<i32>} : memref<320x128xf32, #tpu.memory_space<vmem>>, vector<1x16xf32>,
              %swap3A_279 = vector.shape_cast %swap3A_278 : vector<1x16xf32> to vector<16xf32>
              %swap3A_280 = vector.shape_cast %max3A_275 : vector<16xf32> to vector<1x16xf32>
              tpu.vector_store %arg10[%swap3A_276, %swap3A_277], %swap3A_280 {strides = array<i32>} : memref<320x128xf32, #tpu.memory_space<vmem>>, vector<1x16xf32>,
              %get3A_281 = arith.index_cast %squeeze3A_253 : i32 to index
              %get3A_282 = arith.constant 32 : index
              %get3A_283 = tpu.vector_load %arg10[%get3A_281, %get3A_282] {strides = array<i32>} : memref<320x128xf32, #tpu.memory_space<vmem>>, vector<1x16xf32>,
              %get3A_284 = vector.shape_cast %get3A_283 : vector<1x16xf32> to vector<16xf32>
              %get3A_285 = arith.index_cast %while3A_247 : i32 to index
              %get3A_286 = arith.constant 32 : index
              %get3A_287 = tpu.vector_load %arg9[%get3A_285, %get3A_286] {strides = array<i32>} : memref<528x128xf32, #tpu.memory_space<vmem>>, vector<1x16xf32>,
              %get3A_288 = vector.shape_cast %get3A_287 : vector<1x16xf32> to vector<16xf32>
              %max3A_289 = arith.maximumf %get3A_284, %get3A_288 : vector<16xf32>
              %swap3A_290 = arith.index_cast %squeeze3A_253 : i32 to index
              %swap3A_291 = arith.constant 32 : index
              %swap3A_292 = tpu.vector_load %arg10[%swap3A_290, %swap3A_291] {strides = array<i32>} : memref<320x128xf32, #tpu.memory_space<vmem>>, vector<1x16xf32>,
              %swap3A_293 = vector.shape_cast %swap3A_292 : vector<1x16xf32> to vector<16xf32>
              %swap3A_294 = vector.shape_cast %max3A_289 : vector<16xf32> to vector<1x16xf32>
              tpu.vector_store %arg10[%swap3A_290, %swap3A_291], %swap3A_294 {strides = array<i32>} : memref<320x128xf32, #tpu.memory_space<vmem>>, vector<1x16xf32>,
              %get3A_295 = arith.index_cast %squeeze3A_253 : i32 to index
              %get3A_296 = arith.constant 48 : index
              %get3A_297 = tpu.vector_load %arg10[%get3A_295, %get3A_296] {strides = array<i32>} : memref<320x128xf32, #tpu.memory_space<vmem>>, vector<1x16xf32>,
              %get3A_298 = vector.shape_cast %get3A_297 : vector<1x16xf32> to vector<16xf32>
              %get3A_299 = arith.index_cast %while3A_247 : i32 to index
              %get3A_300 = arith.constant 48 : index
              %get3A_301 = tpu.vector_load %arg9[%get3A_299, %get3A_300] {strides = array<i32>} : memref<528x128xf32, #tpu.memory_space<vmem>>, vector<1x16xf32>,
              %get3A_302 = vector.shape_cast %get3A_301 : vector<1x16xf32> to vector<16xf32>
              %max3A_303 = arith.maximumf %get3A_298, %get3A_302 : vector<16xf32>
              %swap3A_304 = arith.index_cast %squeeze3A_253 : i32 to index
              %swap3A_305 = arith.constant 48 : index
              %swap3A_306 = tpu.vector_load %arg10[%swap3A_304, %swap3A_305] {strides = array<i32>} : memref<320x128xf32, #tpu.memory_space<vmem>>, vector<1x16xf32>,
              %swap3A_307 = vector.shape_cast %swap3A_306 : vector<1x16xf32> to vector<16xf32>
              %swap3A_308 = vector.shape_cast %max3A_303 : vector<16xf32> to vector<1x16xf32>
              tpu.vector_store %arg10[%swap3A_304, %swap3A_305], %swap3A_308 {strides = array<i32>} : memref<320x128xf32, #tpu.memory_space<vmem>>, vector<1x16xf32>,
              %while3A_309 = arith.constant 0 : i32
              scf.yield %while3A_309 : i32
            }
            %cond3A_246 = arith.constant 0 : i32
            scf.yield %cond3A_246 : i32
          } else {
            scf.yield %add3A_224 : i32
          }
          scf.yield %cond3A_229 : i32
        }
        %scan3A_129 = arith.constant 250 : i32
        scf.yield %scan3A_128 : i32
      } else {
        scf.yield %cond3A_94 : i32
      }
      %add3A_117 = arith.constant 2 : i32
      %add3A_118 = arith.addi %add3A_105, %add3A_117 : i32
      %lt3A_119 = arith.constant 80 : i32
      %lt3A_120 = arith.cmpi slt, %add3A_118, %lt3A_119 : i32
      %convert_element_type3A_121 = arith.extui %lt3A_120 : i1 to i32
      %cond3A_122 = arith.constant 0 : i32
      %cond3A_123 = arith.cmpi ne, %convert_element_type3A_121, %cond3A_122 : i32
      scf.if %cond3A_123 {
        %add3A_124 = arith.constant 2 : i32
        %add3A_125 = arith.addi %add3A_105, %add3A_124 : i32
        %mul3A_126 = arith.constant 4000 : i32
        %mul3A_127 = arith.muli %add3A_125, %mul3A_126 : i32
        %dma_start3A_128 = tpu.memref_slice %arg3[%mul3A_127] : memref<320000xi32, #tpu.memory_space<hbm>> -> memref<4000xi32, #tpu.memory_space<hbm>>
        %dma_start3A_129 = tpu.memref_slice %arg3[%mul3A_127] : memref<320000xi32, #tpu.memory_space<hbm>> -> memref<4000xi32, #tpu.memory_space<hbm>>
        tpu.enqueue_dma source(%dma_start3A_129 : memref<4000xi32, #tpu.memory_space<hbm>>) target(%arg6 : memref<4000xi32, #tpu.memory_space<vmem>>) target_semaphore(%arg13 : memref<!tpu.dma_semaphore, #tpu.memory_space<semaphore_mem>>)
      } else {
      }
      scf.yield %cond3A_116 : i32
    }
    %scan3A_66 = arith.constant 40 : i32
    %gt3A = arith.constant 0 : i32
    %gt3A_67 = arith.cmpi sgt, %scan3A_65, %gt3A : i32
    %convert_element_type3A = arith.extui %gt3A_67 : i1 to i32
    %cond3A = arith.constant 0 : i32
    %cond3A_68 = arith.cmpi ne, %convert_element_type3A, %cond3A : i32
    %cond3A_69 = scf.if %cond3A_68 -> (i32) {
      %dma_start3A_78 = arith.constant 0 : i32
      %dma_start3A_79 = arith.constant 0 : i32
      %dma_start3A_80 = tpu.memref_slice %arg2[%dma_start3A_78, %dma_start3A_79] : memref<320000x128xf32, #tpu.memory_space<hbm>> -> memref<320000x128xf32, #tpu.memory_space<hbm>>
      tpu.enqueue_indirect_dma source(%dma_start3A_80 : memref<320000x128xf32, #tpu.memory_space<hbm>>) target(%arg9 : memref<528x128xf32, #tpu.memory_space<vmem>>) offsets(%arg7 : memref<528xi32, #tpu.memory_space<vmem>>) semaphore(%arg11 : memref<!tpu.dma_semaphore, #tpu.memory_space<semaphore_mem>>)
      %dma_wait3A = arith.constant 0 : i32
      %dma_wait3A_81 = arith.constant 0 : i32
      %dma_wait3A_82 = tpu.memref_slice %arg2[%dma_wait3A, %dma_wait3A_81] : memref<320000x128xf32, #tpu.memory_space<hbm>> -> memref<320000x128xf32, #tpu.memory_space<hbm>>
      tpu.wait_indirect_dma semaphore(%arg11 : memref<!tpu.dma_semaphore, #tpu.memory_space<semaphore_mem>>) src(%dma_wait3A_82 : memref<320000x128xf32, #tpu.memory_space<hbm>>) dst(%arg9 : memref<528x128xf32, #tpu.memory_space<vmem>>)
      %while3A = arith.constant 0 : i32
      %while3A_83 = arith.constant 0 : i32
      %while3A_84 = arith.subi %scan3A_65, %while3A : i32
      %while3A_85 = arith.addi %while3A, %while3A_84 : i32
      %while3A_86 = arith.constant 1 : i32
      %while3A_87 = arith.divsi %while3A_84, %while3A_86 : i32
      %while3A_88 = arith.muli %while3A_87, %while3A_86 : i32
      %while3A_89 = arith.addi %while3A, %while3A_88 : i32
      %while3A_90 = arith.constant 1 : i32
      %while3A_91 = scf.for %while3A_95 = %while3A to %while3A_89 step %while3A_90 iter_args(%while3A_96 = %while3A_83) -> (i32)  : i32 {
        %get3A = arith.index_cast %while3A_95 : i32 to index
        %get3A_97 = tpu.vector_load %arg8[%get3A] {strides = array<i32>} : memref<544xi32, #tpu.memory_space<vmem>>, vector<16xi32>,
        %get3A_98 = vector.shape_cast %get3A_97 : vector<16xi32> to vector<16xi32>
        %slice3A = vector.extract_strided_slice %get3A_98 {offsets = [0], sizes = [1], strides = [1]} : vector<16xi32> to vector<1xi32>
        %squeeze3A = vector.extract %slice3A[0] : i32 from vector<1xi32>
        %get3A_99 = arith.index_cast %squeeze3A : i32 to index
        %get3A_100 = arith.constant 0 : index
        %get3A_101 = tpu.vector_load %arg10[%get3A_99, %get3A_100] {strides = array<i32>} : memref<320x128xf32, #tpu.memory_space<vmem>>, vector<1x16xf32>,
        %get3A_102 = vector.shape_cast %get3A_101 : vector<1x16xf32> to vector<16xf32>
        %get3A_103 = arith.index_cast %while3A_95 : i32 to index
        %get3A_104 = arith.constant 0 : index
        %get3A_105 = tpu.vector_load %arg9[%get3A_103, %get3A_104] {strides = array<i32>} : memref<528x128xf32, #tpu.memory_space<vmem>>, vector<1x16xf32>,
        %get3A_106 = vector.shape_cast %get3A_105 : vector<1x16xf32> to vector<16xf32>
        %max3A = arith.maximumf %get3A_102, %get3A_106 : vector<16xf32>
        %swap3A = arith.index_cast %squeeze3A : i32 to index
        %swap3A_107 = arith.constant 0 : index
        %swap3A_108 = tpu.vector_load %arg10[%swap3A, %swap3A_107] {strides = array<i32>} : memref<320x128xf32, #tpu.memory_space<vmem>>, vector<1x16xf32>,
        %swap3A_109 = vector.shape_cast %swap3A_108 : vector<1x16xf32> to vector<16xf32>
        %swap3A_110 = vector.shape_cast %max3A : vector<16xf32> to vector<1x16xf32>
        tpu.vector_store %arg10[%swap3A, %swap3A_107], %swap3A_110 {strides = array<i32>} : memref<320x128xf32, #tpu.memory_space<vmem>>, vector<1x16xf32>,
        %get3A_111 = arith.index_cast %squeeze3A : i32 to index
        %get3A_112 = arith.constant 16 : index
        %get3A_113 = tpu.vector_load %arg10[%get3A_111, %get3A_112] {strides = array<i32>} : memref<320x128xf32, #tpu.memory_space<vmem>>, vector<1x16xf32>,
        %get3A_114 = vector.shape_cast %get3A_113 : vector<1x16xf32> to vector<16xf32>
        %get3A_115 = arith.index_cast %while3A_95 : i32 to index
        %get3A_116 = arith.constant 16 : index
        %get3A_117 = tpu.vector_load %arg9[%get3A_115, %get3A_116] {strides = array<i32>} : memref<528x128xf32, #tpu.memory_space<vmem>>, vector<1x16xf32>,
        %get3A_118 = vector.shape_cast %get3A_117 : vector<1x16xf32> to vector<16xf32>
        %max3A_119 = arith.maximumf %get3A_114, %get3A_118 : vector<16xf32>
        %swap3A_120 = arith.index_cast %squeeze3A : i32 to index
        %swap3A_121 = arith.constant 16 : index
        %swap3A_122 = tpu.vector_load %arg10[%swap3A_120, %swap3A_121] {strides = array<i32>} : memref<320x128xf32, #tpu.memory_space<vmem>>, vector<1x16xf32>,
        %swap3A_123 = vector.shape_cast %swap3A_122 : vector<1x16xf32> to vector<16xf32>
        %swap3A_124 = vector.shape_cast %max3A_119 : vector<16xf32> to vector<1x16xf32>
        tpu.vector_store %arg10[%swap3A_120, %swap3A_121], %swap3A_124 {strides = array<i32>} : memref<320x128xf32, #tpu.memory_space<vmem>>, vector<1x16xf32>,
        %get3A_125 = arith.index_cast %squeeze3A : i32 to index
        %get3A_126 = arith.constant 32 : index
        %get3A_127 = tpu.vector_load %arg10[%get3A_125, %get3A_126] {strides = array<i32>} : memref<320x128xf32, #tpu.memory_space<vmem>>, vector<1x16xf32>,
        %get3A_128 = vector.shape_cast %get3A_127 : vector<1x16xf32> to vector<16xf32>
        %get3A_129 = arith.index_cast %while3A_95 : i32 to index
        %get3A_130 = arith.constant 32 : index
        %get3A_131 = tpu.vector_load %arg9[%get3A_129, %get3A_130] {strides = array<i32>} : memref<528x128xf32, #tpu.memory_space<vmem>>, vector<1x16xf32>,
        %get3A_132 = vector.shape_cast %get3A_131 : vector<1x16xf32> to vector<16xf32>
        %max3A_133 = arith.maximumf %get3A_128, %get3A_132 : vector<16xf32>
        %swap3A_134 = arith.index_cast %squeeze3A : i32 to index
        %swap3A_135 = arith.constant 32 : index
        %swap3A_136 = tpu.vector_load %arg10[%swap3A_134, %swap3A_135] {strides = array<i32>} : memref<320x128xf32, #tpu.memory_space<vmem>>, vector<1x16xf32>,
        %swap3A_137 = vector.shape_cast %swap3A_136 : vector<1x16xf32> to vector<16xf32>
        %swap3A_138 = vector.shape_cast %max3A_133 : vector<16xf32> to vector<1x16xf32>
        tpu.vector_store %arg10[%swap3A_134, %swap3A_135], %swap3A_138 {strides = array<i32>} : memref<320x128xf32, #tpu.memory_space<vmem>>, vector<1x16xf32>,
        %get3A_139 = arith.index_cast %squeeze3A : i32 to index
        %get3A_140 = arith.constant 48 : index
        %get3A_141 = tpu.vector_load %arg10[%get3A_139, %get3A_140] {strides = array<i32>} : memref<320x128xf32, #tpu.memory_space<vmem>>, vector<1x16xf32>,
        %get3A_142 = vector.shape_cast %get3A_141 : vector<1x16xf32> to vector<16xf32>
        %get3A_143 = arith.index_cast %while3A_95 : i32 to index
        %get3A_144 = arith.constant 48 : index
        %get3A_145 = tpu.vector_load %arg9[%get3A_143, %get3A_144] {strides = array<i32>} : memref<528x128xf32, #tpu.memory_space<vmem>>, vector<1x16xf32>,
        %get3A_146 = vector.shape_cast %get3A_145 : vector<1x16xf32> to vector<16xf32>
        %max3A_147 = arith.maximumf %get3A_142, %get3A_146 : vector<16xf32>
        %swap3A_148 = arith.index_cast %squeeze3A : i32 to index
        %swap3A_149 = arith.constant 48 : index
        %swap3A_150 = tpu.vector_load %arg10[%swap3A_148, %swap3A_149] {strides = array<i32>} : memref<320x128xf32, #tpu.memory_space<vmem>>, vector<1x16xf32>,
        %swap3A_151 = vector.shape_cast %swap3A_150 : vector<1x16xf32> to vector<16xf32>
        %swap3A_152 = vector.shape_cast %max3A_147 : vector<16xf32> to vector<1x16xf32>
        tpu.vector_store %arg10[%swap3A_148, %swap3A_149], %swap3A_152 {strides = array<i32>} : memref<320x128xf32, #tpu.memory_space<vmem>>, vector<1x16xf32>,
        %while3A_153 = arith.constant 0 : i32
        scf.yield %while3A_153 : i32
      }
      %while3A_92 = arith.constant 1 : i32
      %while3A_93 = scf.for %while3A_95 = %while3A_89 to %while3A_85 step %while3A_92 iter_args(%while3A_96 = %while3A_91) -> (i32)  : i32 {
        %get3A = arith.index_cast %while3A_95 : i32 to index
        %get3A_97 = tpu.vector_load %arg8[%get3A] {strides = array<i32>} : memref<544xi32, #tpu.memory_space<vmem>>, vector<16xi32>,
        %get3A_98 = vector.shape_cast %get3A_97 : vector<16xi32> to vector<16xi32>
        %slice3A = vector.extract_strided_slice %get3A_98 {offsets = [0], sizes = [1], strides = [1]} : vector<16xi32> to vector<1xi32>
        %squeeze3A = vector.extract %slice3A[0] : i32 from vector<1xi32>
        %get3A_99 = arith.index_cast %squeeze3A : i32 to index
        %get3A_100 = arith.constant 0 : index
        %get3A_101 = tpu.vector_load %arg10[%get3A_99, %get3A_100] {strides = array<i32>} : memref<320x128xf32, #tpu.memory_space<vmem>>, vector<1x16xf32>,
        %get3A_102 = vector.shape_cast %get3A_101 : vector<1x16xf32> to vector<16xf32>
        %get3A_103 = arith.index_cast %while3A_95 : i32 to index
        %get3A_104 = arith.constant 0 : index
        %get3A_105 = tpu.vector_load %arg9[%get3A_103, %get3A_104] {strides = array<i32>} : memref<528x128xf32, #tpu.memory_space<vmem>>, vector<1x16xf32>,
        %get3A_106 = vector.shape_cast %get3A_105 : vector<1x16xf32> to vector<16xf32>
        %max3A = arith.maximumf %get3A_102, %get3A_106 : vector<16xf32>
        %swap3A = arith.index_cast %squeeze3A : i32 to index
        %swap3A_107 = arith.constant 0 : index
        %swap3A_108 = tpu.vector_load %arg10[%swap3A, %swap3A_107] {strides = array<i32>} : memref<320x128xf32, #tpu.memory_space<vmem>>, vector<1x16xf32>,
        %swap3A_109 = vector.shape_cast %swap3A_108 : vector<1x16xf32> to vector<16xf32>
        %swap3A_110 = vector.shape_cast %max3A : vector<16xf32> to vector<1x16xf32>
        tpu.vector_store %arg10[%swap3A, %swap3A_107], %swap3A_110 {strides = array<i32>} : memref<320x128xf32, #tpu.memory_space<vmem>>, vector<1x16xf32>,
        %get3A_111 = arith.index_cast %squeeze3A : i32 to index
        %get3A_112 = arith.constant 16 : index
        %get3A_113 = tpu.vector_load %arg10[%get3A_111, %get3A_112] {strides = array<i32>} : memref<320x128xf32, #tpu.memory_space<vmem>>, vector<1x16xf32>,
        %get3A_114 = vector.shape_cast %get3A_113 : vector<1x16xf32> to vector<16xf32>
        %get3A_115 = arith.index_cast %while3A_95 : i32 to index
        %get3A_116 = arith.constant 16 : index
        %get3A_117 = tpu.vector_load %arg9[%get3A_115, %get3A_116] {strides = array<i32>} : memref<528x128xf32, #tpu.memory_space<vmem>>, vector<1x16xf32>,
        %get3A_118 = vector.shape_cast %get3A_117 : vector<1x16xf32> to vector<16xf32>
        %max3A_119 = arith.maximumf %get3A_114, %get3A_118 : vector<16xf32>
        %swap3A_120 = arith.index_cast %squeeze3A : i32 to index
        %swap3A_121 = arith.constant 16 : index
        %swap3A_122 = tpu.vector_load %arg10[%swap3A_120, %swap3A_121] {strides = array<i32>} : memref<320x128xf32, #tpu.memory_space<vmem>>, vector<1x16xf32>,
        %swap3A_123 = vector.shape_cast %swap3A_122 : vector<1x16xf32> to vector<16xf32>
        %swap3A_124 = vector.shape_cast %max3A_119 : vector<16xf32> to vector<1x16xf32>
        tpu.vector_store %arg10[%swap3A_120, %swap3A_121], %swap3A_124 {strides = array<i32>} : memref<320x128xf32, #tpu.memory_space<vmem>>, vector<1x16xf32>,
        %get3A_125 = arith.index_cast %squeeze3A : i32 to index
        %get3A_126 = arith.constant 32 : index
        %get3A_127 = tpu.vector_load %arg10[%get3A_125, %get3A_126] {strides = array<i32>} : memref<320x128xf32, #tpu.memory_space<vmem>>, vector<1x16xf32>,
        %get3A_128 = vector.shape_cast %get3A_127 : vector<1x16xf32> to vector<16xf32>
        %get3A_129 = arith.index_cast %while3A_95 : i32 to index
        %get3A_130 = arith.constant 32 : index
        %get3A_131 = tpu.vector_load %arg9[%get3A_129, %get3A_130] {strides = array<i32>} : memref<528x128xf32, #tpu.memory_space<vmem>>, vector<1x16xf32>,
        %get3A_132 = vector.shape_cast %get3A_131 : vector<1x16xf32> to vector<16xf32>
        %max3A_133 = arith.maximumf %get3A_128, %get3A_132 : vector<16xf32>
        %swap3A_134 = arith.index_cast %squeeze3A : i32 to index
        %swap3A_135 = arith.constant 32 : index
        %swap3A_136 = tpu.vector_load %arg10[%swap3A_134, %swap3A_135] {strides = array<i32>} : memref<320x128xf32, #tpu.memory_space<vmem>>, vector<1x16xf32>,
        %swap3A_137 = vector.shape_cast %swap3A_136 : vector<1x16xf32> to vector<16xf32>
        %swap3A_138 = vector.shape_cast %max3A_133 : vector<16xf32> to vector<1x16xf32>
        tpu.vector_store %arg10[%swap3A_134, %swap3A_135], %swap3A_138 {strides = array<i32>} : memref<320x128xf32, #tpu.memory_space<vmem>>, vector<1x16xf32>,
        %get3A_139 = arith.index_cast %squeeze3A : i32 to index
        %get3A_140 = arith.constant 48 : index
        %get3A_141 = tpu.vector_load %arg10[%get3A_139, %get3A_140] {strides = array<i32>} : memref<320x128xf32, #tpu.memory_space<vmem>>, vector<1x16xf32>,
        %get3A_142 = vector.shape_cast %get3A_141 : vector<1x16xf32> to vector<16xf32>
        %get3A_143 = arith.index_cast %while3A_95 : i32 to index
        %get3A_144 = arith.constant 48 : index
        %get3A_145 = tpu.vector_load %arg9[%get3A_143, %get3A_144] {strides = array<i32>} : memref<528x128xf32, #tpu.memory_space<vmem>>, vector<1x16xf32>,
        %get3A_146 = vector.shape_cast %get3A_145 : vector<1x16xf32> to vector<16xf32>
        %max3A_147 = arith.maximumf %get3A_142, %get3A_146 : vector<16xf32>
        %swap3A_148 = arith.index_cast %squeeze3A : i32 to index
        %swap3A_149 = arith.constant 48 : index
        %swap3A_150 = tpu.vector_load %arg10[%swap3A_148, %swap3A_149] {strides = array<i32>} : memref<320x128xf32, #tpu.memory_space<vmem>>, vector<1x16xf32>,
        %swap3A_151 = vector.shape_cast %swap3A_150 : vector<1x16xf32> to vector<16xf32>
        %swap3A_152 = vector.shape_cast %max3A_147 : vector<16xf32> to vector<1x16xf32>
        tpu.vector_store %arg10[%swap3A_148, %swap3A_149], %swap3A_152 {strides = array<i32>} : memref<320x128xf32, #tpu.memory_space<vmem>>, vector<1x16xf32>,
        %while3A_153 = arith.constant 0 : i32
        scf.yield %while3A_153 : i32
      }
      %cond3A_94 = arith.constant 0 : i32
      scf.yield %cond3A_94 : i32
    } else {
      %cond3A_78 = arith.constant 0 : i32
      scf.yield %cond3A_78 : i32
    }
    %lt3A = arith.constant 31 : i32
    %lt3A_70 = arith.cmpi slt, %add3A, %lt3A : i32
    %convert_element_type3A_71 = arith.extui %lt3A_70 : i1 to i32
    %cond3A_72 = arith.constant 0 : i32
    %cond3A_73 = arith.cmpi ne, %convert_element_type3A_71, %cond3A_72 : i32
    scf.if %cond3A_73 {
      "tpu.region"() ({
        %run_scoped3A = tpu.sem_alloc : memref<!tpu.dma_semaphore, #tpu.memory_space<semaphore_mem>>
        %dma_start3A_78 = arith.constant 0 : i32
        %dma_start3A_79 = arith.constant 0 : i32
        %dma_start3A_80 = tpu.memref_slice %arg10[%dma_start3A_78, %dma_start3A_79] : memref<320x128xf32, #tpu.memory_space<vmem>> -> memref<320x128xf32, #tpu.memory_space<vmem>>
        %dma_start3A_81 = arith.constant 0 : i32
        %dma_start3A_82 = tpu.memref_slice %arg4[%mul3A_2, %dma_start3A_81] : memref<10000x128xf32, #tpu.memory_space<hbm>> -> memref<320x128xf32, #tpu.memory_space<hbm>>
        %dma_start3A_83 = arith.constant 0 : i32
        %dma_start3A_84 = tpu.memref_slice %arg4[%mul3A_2, %dma_start3A_83] : memref<10000x128xf32, #tpu.memory_space<hbm>> -> memref<320x128xf32, #tpu.memory_space<hbm>>
        %dma_start3A_85 = arith.constant 0 : i32
        %dma_start3A_86 = arith.constant 0 : i32
        %dma_start3A_87 = tpu.memref_slice %arg10[%dma_start3A_85, %dma_start3A_86] : memref<320x128xf32, #tpu.memory_space<vmem>> -> memref<320x128xf32, #tpu.memory_space<vmem>>
        tpu.enqueue_dma source(%dma_start3A_87 : memref<320x128xf32, #tpu.memory_space<vmem>>) target(%dma_start3A_84 : memref<320x128xf32, #tpu.memory_space<hbm>>) target_semaphore(%run_scoped3A : memref<!tpu.dma_semaphore, #tpu.memory_space<semaphore_mem>>)
        %dma_wait3A = arith.constant 0 : i32
        %dma_wait3A_88 = arith.constant 0 : i32
        %dma_wait3A_89 = tpu.memref_slice %arg10[%dma_wait3A, %dma_wait3A_88] : memref<320x128xf32, #tpu.memory_space<vmem>> -> memref<320x128xf32, #tpu.memory_space<vmem>>
        %dma_wait3A_90 = arith.constant 0 : i32
        %dma_wait3A_91 = tpu.memref_slice %arg4[%mul3A_2, %dma_wait3A_90] : memref<10000x128xf32, #tpu.memory_space<hbm>> -> memref<320x128xf32, #tpu.memory_space<hbm>>
        %dma_wait3A_92 = arith.constant 0 : i32
        %dma_wait3A_93 = tpu.memref_slice %arg4[%mul3A_2, %dma_wait3A_92] : memref<10000x128xf32, #tpu.memory_space<hbm>> -> memref<320x128xf32, #tpu.memory_space<hbm>>
        %dma_wait3A_94 = arith.constant 0 : i32
        %dma_wait3A_95 = arith.constant 0 : i32
        %dma_wait3A_96 = tpu.memref_slice %arg10[%dma_wait3A_94, %dma_wait3A_95] : memref<320x128xf32, #tpu.memory_space<vmem>> -> memref<320x128xf32, #tpu.memory_space<vmem>>
        tpu.wait_dma2 semaphore(%run_scoped3A : memref<!tpu.dma_semaphore, #tpu.memory_space<semaphore_mem>>) src(%dma_wait3A_96 : memref<320x128xf32, #tpu.memory_space<vmem>>) dst(%dma_wait3A_93 : memref<320x128xf32, #tpu.memory_space<hbm>>)
        tpu.yield
      }) : () -> ()
    } else {
    }
    %eq3A = arith.constant 31 : i32
    %eq3A_74 = arith.cmpi eq, %add3A, %eq3A : i32
    %convert_element_type3A_75 = arith.extui %eq3A_74 : i1 to i32
    %cond3A_76 = arith.constant 0 : i32
    %cond3A_77 = arith.cmpi ne, %convert_element_type3A_75, %cond3A_76 : i32
    scf.if %cond3A_77 {
      "tpu.region"() ({
        %run_scoped3A = tpu.sem_alloc : memref<!tpu.dma_semaphore, #tpu.memory_space<semaphore_mem>>
        %dma_start3A_78 = arith.constant 0 : i32
        %dma_start3A_79 = arith.constant 0 : i32
        %dma_start3A_80 = tpu.memref_slice %arg10[%dma_start3A_78, %dma_start3A_79] : memref<320x128xf32, #tpu.memory_space<vmem>> -> memref<80x128xf32, #tpu.memory_space<vmem>>
        %dma_start3A_81 = arith.constant 0 : i32
        %dma_start3A_82 = tpu.memref_slice %arg4[%mul3A_2, %dma_start3A_81] : memref<10000x128xf32, #tpu.memory_space<hbm>> -> memref<80x128xf32, #tpu.memory_space<hbm>>
        %dma_start3A_83 = arith.constant 0 : i32
        %dma_start3A_84 = tpu.memref_slice %arg4[%mul3A_2, %dma_start3A_83] : memref<10000x128xf32, #tpu.memory_space<hbm>> -> memref<80x128xf32, #tpu.memory_space<hbm>>
        %dma_start3A_85 = arith.constant 0 : i32
        %dma_start3A_86 = arith.constant 0 : i32
        %dma_start3A_87 = tpu.memref_slice %arg10[%dma_start3A_85, %dma_start3A_86] : memref<320x128xf32, #tpu.memory_space<vmem>> -> memref<80x128xf32, #tpu.memory_space<vmem>>
        tpu.enqueue_dma source(%dma_start3A_87 : memref<80x128xf32, #tpu.memory_space<vmem>>) target(%dma_start3A_84 : memref<80x128xf32, #tpu.memory_space<hbm>>) target_semaphore(%run_scoped3A : memref<!tpu.dma_semaphore, #tpu.memory_space<semaphore_mem>>)
        %dma_wait3A = arith.constant 0 : i32
        %dma_wait3A_88 = arith.constant 0 : i32
        %dma_wait3A_89 = tpu.memref_slice %arg10[%dma_wait3A, %dma_wait3A_88] : memref<320x128xf32, #tpu.memory_space<vmem>> -> memref<80x128xf32, #tpu.memory_space<vmem>>
        %dma_wait3A_90 = arith.constant 0 : i32
        %dma_wait3A_91 = tpu.memref_slice %arg4[%mul3A_2, %dma_wait3A_90] : memref<10000x128xf32, #tpu.memory_space<hbm>> -> memref<80x128xf32, #tpu.memory_space<hbm>>
        %dma_wait3A_92 = arith.constant 0 : i32
        %dma_wait3A_93 = tpu.memref_slice %arg4[%mul3A_2, %dma_wait3A_92] : memref<10000x128xf32, #tpu.memory_space<hbm>> -> memref<80x128xf32, #tpu.memory_space<hbm>>
        %dma_wait3A_94 = arith.constant 0 : i32
        %dma_wait3A_95 = arith.constant 0 : i32
        %dma_wait3A_96 = tpu.memref_slice %arg10[%dma_wait3A_94, %dma_wait3A_95] : memref<320x128xf32, #tpu.memory_space<vmem>> -> memref<80x128xf32, #tpu.memory_space<vmem>>
        tpu.wait_dma2 semaphore(%run_scoped3A : memref<!tpu.dma_semaphore, #tpu.memory_space<semaphore_mem>>) src(%dma_wait3A_96 : memref<80x128xf32, #tpu.memory_space<vmem>>) dst(%dma_wait3A_93 : memref<80x128xf32, #tpu.memory_space<hbm>>)
        tpu.yield
      }) : () -> ()
    } else {
    }
    return
  }
}

#map = affine_map<(d0, d1) -> (0, 0)>
#map1 = affine_map<(d0, d1) -> (0)>
module attributes {stable_mosaic.version = 14 : i64} {
  func.func @_scatter_body(%arg0: i32, %arg1: i32, %arg2: memref<320000x128xf32, #tpu.memory_space<hbm>>, %arg3: memref<320000xi32, #tpu.memory_space<hbm>>, %arg4: memref<10000x128xf32, #tpu.memory_space<hbm>>, %arg5: memref<4000xi32, #tpu.memory_space<vmem>>, %arg6: memref<4000xi32, #tpu.memory_space<vmem>>, %arg7: memref<528xi32, #tpu.memory_space<vmem>>, %arg8: memref<544xi32, #tpu.memory_space<vmem>>, %arg9: memref<528x128xf32, #tpu.memory_space<vmem>>, %arg10: memref<320x128xf32, #tpu.memory_space<vmem>>, %arg11: memref<!tpu.dma_semaphore, #tpu.memory_space<semaphore_mem>>, %arg12: memref<!tpu.dma_semaphore, #tpu.memory_space<semaphore_mem>>, %arg13: memref<!tpu.dma_semaphore, #tpu.memory_space<semaphore_mem>>) attributes {dimension_semantics = [#tpu.dimension_semantics<core_parallel>, #tpu.dimension_semantics<subcore_parallel>], iteration_bounds = array<i64: 2, 16>, scalar_prefetch = 0 : i64, scratch_operands = 9 : i64, tpu.core_type = #tpu.core_type<sc_vector_subcore>, window_params = [{transform_indices = #map}, {transform_indices = #map1}, {transform_indices = #map}]} {
    %mul3A = arith.constant 2 : i32
    %mul3A_0 = arith.muli %arg1, %mul3A : i32
    %add3A = arith.addi %mul3A_0, %arg0 : i32
    %mul3A_1 = arith.constant 320 : i32
    %mul3A_2 = arith.muli %add3A, %mul3A_1 : i32
    %broadcast_in_dim3A = arith.constant 0.000000e+00 : f32
    %broadcast_in_dim3A_3 = vector.broadcast %broadcast_in_dim3A : f32 to vector<16xf32>
    %scan3A = arith.constant 0 : i32
    %scan3A_4 = arith.constant 0 : i32
    %scan3A_5 = arith.constant 320 : i32
    %scan3A_6 = arith.addi %scan3A_4, %scan3A_5 : i32
    %scan3A_7 = arith.constant 1 : i32
    %scan3A_8 = scf.for %scan3A_78 = %scan3A_4 to %scan3A_6 step %scan3A_7 iter_args(%scan3A_79 = %scan3A) -> (i32)  : i32 {
      %swap3A = arith.index_cast %scan3A_78 : i32 to index
      %swap3A_80 = arith.constant 0 : index
      %swap3A_81 = tpu.vector_load %arg10[%swap3A, %swap3A_80] {strides = array<i32>} : memref<320x128xf32, #tpu.memory_space<vmem>>, vector<1x16xf32>,
      %swap3A_82 = vector.shape_cast %swap3A_81 : vector<1x16xf32> to vector<16xf32>
      %swap3A_83 = vector.shape_cast %broadcast_in_dim3A_3 : vector<16xf32> to vector<1x16xf32>
      tpu.vector_store %arg10[%swap3A, %swap3A_80], %swap3A_83 {strides = array<i32>} : memref<320x128xf32, #tpu.memory_space<vmem>>, vector<1x16xf32>,
      %swap3A_84 = arith.index_cast %scan3A_78 : i32 to index
      %swap3A_85 = arith.constant 16 : index
      %swap3A_86 = tpu.vector_load %arg10[%swap3A_84, %swap3A_85] {strides = array<i32>} : memref<320x128xf32, #tpu.memory_space<vmem>>, vector<1x16xf32>,
      %swap3A_87 = vector.shape_cast %swap3A_86 : vector<1x16xf32> to vector<16xf32>
      %swap3A_88 = vector.shape_cast %broadcast_in_dim3A_3 : vector<16xf32> to vector<1x16xf32>
      tpu.vector_store %arg10[%swap3A_84, %swap3A_85], %swap3A_88 {strides = array<i32>} : memref<320x128xf32, #tpu.memory_space<vmem>>, vector<1x16xf32>,
      %swap3A_89 = arith.index_cast %scan3A_78 : i32 to index
      %swap3A_90 = arith.constant 32 : index
      %swap3A_91 = tpu.vector_load %arg10[%swap3A_89, %swap3A_90] {strides = array<i32>} : memref<320x128xf32, #tpu.memory_space<vmem>>, vector<1x16xf32>,
      %swap3A_92 = vector.shape_cast %swap3A_91 : vector<1x16xf32> to vector<16xf32>
      %swap3A_93 = vector.shape_cast %broadcast_in_dim3A_3 : vector<16xf32> to vector<1x16xf32>
      tpu.vector_store %arg10[%swap3A_89, %swap3A_90], %swap3A_93 {strides = array<i32>} : memref<320x128xf32, #tpu.memory_space<vmem>>, vector<1x16xf32>,
      %swap3A_94 = arith.index_cast %scan3A_78 : i32 to index
      %swap3A_95 = arith.constant 48 : index
      %swap3A_96 = tpu.vector_load %arg10[%swap3A_94, %swap3A_95] {strides = array<i32>} : memref<320x128xf32, #tpu.memory_space<vmem>>, vector<1x16xf32>,
      %swap3A_97 = vector.shape_cast %swap3A_96 : vector<1x16xf32> to vector<16xf32>
      %swap3A_98 = vector.shape_cast %broadcast_in_dim3A_3 : vector<16xf32> to vector<1x16xf32>
      tpu.vector_store %arg10[%swap3A_94, %swap3A_95], %swap3A_98 {strides = array<i32>} : memref<320x128xf32, #tpu.memory_space<vmem>>, vector<1x16xf32>,
      %swap3A_99 = arith.index_cast %scan3A_78 : i32 to index
      %swap3A_100 = arith.constant 64 : index
      %swap3A_101 = tpu.vector_load %arg10[%swap3A_99, %swap3A_100] {strides = array<i32>} : memref<320x128xf32, #tpu.memory_space<vmem>>, vector<1x16xf32>,
      %swap3A_102 = vector.shape_cast %swap3A_101 : vector<1x16xf32> to vector<16xf32>
      %swap3A_103 = vector.shape_cast %broadcast_in_dim3A_3 : vector<16xf32> to vector<1x16xf32>
      tpu.vector_store %arg10[%swap3A_99, %swap3A_100], %swap3A_103 {strides = array<i32>} : memref<320x128xf32, #tpu.memory_space<vmem>>, vector<1x16xf32>,
      %swap3A_104 = arith.index_cast %scan3A_78 : i32 to index
      %swap3A_105 = arith.constant 80 : index
      %swap3A_106 = tpu.vector_load %arg10[%swap3A_104, %swap3A_105] {strides = array<i32>} : memref<320x128xf32, #tpu.memory_space<vmem>>, vector<1x16xf32>,
      %swap3A_107 = vector.shape_cast %swap3A_106 : vector<1x16xf32> to vector<16xf32>
      %swap3A_108 = vector.shape_cast %broadcast_in_dim3A_3 : vector<16xf32> to vector<1x16xf32>
      tpu.vector_store %arg10[%swap3A_104, %swap3A_105], %swap3A_108 {strides = array<i32>} : memref<320x128xf32, #tpu.memory_space<vmem>>, vector<1x16xf32>,
      %swap3A_109 = arith.index_cast %scan3A_78 : i32 to index
      %swap3A_110 = arith.constant 96 : index
      %swap3A_111 = tpu.vector_load %arg10[%swap3A_109, %swap3A_110] {strides = array<i32>} : memref<320x128xf32, #tpu.memory_space<vmem>>, vector<1x16xf32>,
      %swap3A_112 = vector.shape_cast %swap3A_111 : vector<1x16xf32> to vector<16xf32>
      %swap3A_113 = vector.shape_cast %broadcast_in_dim3A_3 : vector<16xf32> to vector<1x16xf32>
      tpu.vector_store %arg10[%swap3A_109, %swap3A_110], %swap3A_113 {strides = array<i32>} : memref<320x128xf32, #tpu.memory_space<vmem>>, vector<1x16xf32>,
      %swap3A_114 = arith.index_cast %scan3A_78 : i32 to index
      %swap3A_115 = arith.constant 112 : index
      %swap3A_116 = tpu.vector_load %arg10[%swap3A_114, %swap3A_115] {strides = array<i32>} : memref<320x128xf32, #tpu.memory_space<vmem>>, vector<1x16xf32>,
      %swap3A_117 = vector.shape_cast %swap3A_116 : vector<1x16xf32> to vector<16xf32>
      %swap3A_118 = vector.shape_cast %broadcast_in_dim3A_3 : vector<16xf32> to vector<1x16xf32>
      tpu.vector_store %arg10[%swap3A_114, %swap3A_115], %swap3A_118 {strides = array<i32>} : memref<320x128xf32, #tpu.memory_space<vmem>>, vector<1x16xf32>,
      %scan3A_119 = arith.constant 0 : i32
      scf.yield %scan3A_119 : i32
    }
    %scan3A_9 = arith.constant 320 : i32
    %broadcast_in_dim3A_10 = arith.constant 0 : i32
    %broadcast_in_dim3A_11 = vector.broadcast %broadcast_in_dim3A_10 : i32 to vector<16xi32>
    %scan3A_12 = arith.constant 0 : i32
    %scan3A_13 = arith.constant 0 : i32
    %scan3A_14 = arith.constant 33 : i32
    %scan3A_15 = arith.addi %scan3A_13, %scan3A_14 : i32
    %scan3A_16 = arith.constant 1 : i32
    %scan3A_17 = scf.for %scan3A_78 = %scan3A_13 to %scan3A_15 step %scan3A_16 iter_args(%scan3A_79 = %scan3A_12) -> (i32)  : i32 {
      %mul3A_80 = arith.constant 16 : i32
      %mul3A_81 = arith.muli %scan3A_78, %mul3A_80 : i32
      %swap3A = arith.index_cast %mul3A_81 : i32 to index
      %swap3A_82 = tpu.vector_load %arg7[%swap3A] {strides = array<i32>} : memref<528xi32, #tpu.memory_space<vmem>>, vector<16xi32>,
      %swap3A_83 = vector.shape_cast %swap3A_82 : vector<16xi32> to vector<16xi32>
      %swap3A_84 = vector.shape_cast %broadcast_in_dim3A_11 : vector<16xi32> to vector<16xi32>
      tpu.vector_store %arg7[%swap3A], %swap3A_84 {strides = array<i32>} : memref<528xi32, #tpu.memory_space<vmem>>, vector<16xi32>,
      %scan3A_85 = arith.constant 0 : i32
      scf.yield %scan3A_85 : i32
    }
    %scan3A_18 = arith.constant 33 : i32
    %iota3A = tpu.iota {dimensions = array<i32: 0>} : vector<16xi32>
    %sub3A = arith.constant 1 : i32
    %sub3A_19 = vector.broadcast %sub3A : i32 to vector<16xi32>
    %sub3A_20 = arith.subi %iota3A, %sub3A_19 : vector<16xi32>
    %shift_right_arithmetic3A = arith.constant 31 : i32
    %shift_right_arithmetic3A_21 = vector.broadcast %shift_right_arithmetic3A : i32 to vector<16xi32>
    %shift_right_arithmetic3A_22 = arith.shrsi %sub3A_20, %shift_right_arithmetic3A_21 : vector<16xi32>
    %add3A_23 = arith.constant 1 : i32
    %add3A_24 = vector.broadcast %add3A_23 : i32 to vector<16xi32>
    %add3A_25 = arith.addi %shift_right_arithmetic3A_22, %add3A_24 : vector<16xi32>
    %sub3A_26 = arith.constant 2 : i32
    %sub3A_27 = vector.broadcast %sub3A_26 : i32 to vector<16xi32>
    %sub3A_28 = arith.subi %iota3A, %sub3A_27 : vector<16xi32>
    %shift_right_arithmetic3A_29 = arith.constant 31 : i32
    %shift_right_arithmetic3A_30 = vector.broadcast %shift_right_arithmetic3A_29 : i32 to vector<16xi32>
    %shift_right_arithmetic3A_31 = arith.shrsi %sub3A_28, %shift_right_arithmetic3A_30 : vector<16xi32>
    %add3A_32 = arith.constant 1 : i32
    %add3A_33 = vector.broadcast %add3A_32 : i32 to vector<16xi32>
    %add3A_34 = arith.addi %shift_right_arithmetic3A_31, %add3A_33 : vector<16xi32>
    %sub3A_35 = arith.constant 4 : i32
    %sub3A_36 = vector.broadcast %sub3A_35 : i32 to vector<16xi32>
    %sub3A_37 = arith.subi %iota3A, %sub3A_36 : vector<16xi32>
    %shift_right_arithmetic3A_38 = arith.constant 31 : i32
    %shift_right_arithmetic3A_39 = vector.broadcast %shift_right_arithmetic3A_38 : i32 to vector<16xi32>
    %shift_right_arithmetic3A_40 = arith.shrsi %sub3A_37, %shift_right_arithmetic3A_39 : vector<16xi32>
    %add3A_41 = arith.constant 1 : i32
    %add3A_42 = vector.broadcast %add3A_41 : i32 to vector<16xi32>
    %add3A_43 = arith.addi %shift_right_arithmetic3A_40, %add3A_42 : vector<16xi32>
    %sub3A_44 = arith.constant 8 : i32
    %sub3A_45 = vector.broadcast %sub3A_44 : i32 to vector<16xi32>
    %sub3A_46 = arith.subi %iota3A, %sub3A_45 : vector<16xi32>
    %shift_right_arithmetic3A_47 = arith.constant 31 : i32
    %shift_right_arithmetic3A_48 = vector.broadcast %shift_right_arithmetic3A_47 : i32 to vector<16xi32>
    %shift_right_arithmetic3A_49 = arith.shrsi %sub3A_46, %shift_right_arithmetic3A_48 : vector<16xi32>
    %add3A_50 = arith.constant 1 : i32
    %add3A_51 = vector.broadcast %add3A_50 : i32 to vector<16xi32>
    %add3A_52 = arith.addi %shift_right_arithmetic3A_49, %add3A_51 : vector<16xi32>
    %dma_start3A = arith.constant 0 : i32
    %dma_start3A_53 = tpu.memref_slice %arg3[%dma_start3A] : memref<320000xi32, #tpu.memory_space<hbm>> -> memref<4000xi32, #tpu.memory_space<hbm>>
    %dma_start3A_54 = arith.constant 0 : i32
    %dma_start3A_55 = tpu.memref_slice %arg3[%dma_start3A_54] : memref<320000xi32, #tpu.memory_space<hbm>> -> memref<4000xi32, #tpu.memory_space<hbm>>
    tpu.enqueue_dma source(%dma_start3A_55 : memref<4000xi32, #tpu.memory_space<hbm>>) target(%arg5 : memref<4000xi32, #tpu.memory_space<vmem>>) target_semaphore(%arg12 : memref<!tpu.dma_semaphore, #tpu.memory_space<semaphore_mem>>)
    %dma_start3A_56 = arith.constant 4000 : i32
    %dma_start3A_57 = tpu.memref_slice %arg3[%dma_start3A_56] : memref<320000xi32, #tpu.memory_space<hbm>> -> memref<4000xi32, #tpu.memory_space<hbm>>
    %dma_start3A_58 = arith.constant 4000 : i32
    %dma_start3A_59 = tpu.memref_slice %arg3[%dma_start3A_58] : memref<320000xi32, #tpu.memory_space<hbm>> -> memref<4000xi32, #tpu.memory_space<hbm>>
    tpu.enqueue_dma source(%dma_start3A_59 : memref<4000xi32, #tpu.memory_space<hbm>>) target(%arg6 : memref<4000xi32, #tpu.memory_space<vmem>>) target_semaphore(%arg13 : memref<!tpu.dma_semaphore, #tpu.memory_space<semaphore_mem>>)
    %scan3A_60 = arith.constant 0 : i32
    %scan3A_61 = arith.constant 0 : i32
    %scan3A_62 = arith.constant 40 : i32
    %scan3A_63 = arith.addi %scan3A_61, %scan3A_62 : i32
    %scan3A_64 = arith.constant 1 : i32
    %scan3A_65 = scf.for %scan3A_78 = %scan3A_61 to %scan3A_63 step %scan3A_64 iter_args(%scan3A_79 = %scan3A_60) -> (i32)  : i32 {
      %mul3A_80 = arith.constant 2 : i32
      %mul3A_81 = arith.muli %scan3A_78, %mul3A_80 : i32
      %add3A_82 = arith.constant 0 : i32
      %add3A_83 = arith.addi %mul3A_81, %add3A_82 : i32
      %lt3A_84 = arith.constant 80 : i32
      %lt3A_85 = arith.cmpi slt, %add3A_83, %lt3A_84 : i32
      %convert_element_type3A_86 = arith.extui %lt3A_85 : i1 to i32
      %cond3A_87 = arith.constant 0 : i32
      %cond3A_88 = arith.cmpi ne, %convert_element_type3A_86, %cond3A_87 : i32
      scf.if %cond3A_88 {
        %mul3A_124 = arith.constant 4000 : i32
        %mul3A_125 = arith.muli %add3A_83, %mul3A_124 : i32
        %dma_wait3A = tpu.memref_slice %arg3[%mul3A_125] : memref<320000xi32, #tpu.memory_space<hbm>> -> memref<4000xi32, #tpu.memory_space<hbm>>
        %dma_wait3A_126 = tpu.memref_slice %arg3[%mul3A_125] : memref<320000xi32, #tpu.memory_space<hbm>> -> memref<4000xi32, #tpu.memory_space<hbm>>
        tpu.wait_dma2 semaphore(%arg12 : memref<!tpu.dma_semaphore, #tpu.memory_space<semaphore_mem>>) src(%dma_wait3A_126 : memref<4000xi32, #tpu.memory_space<hbm>>) dst(%arg5 : memref<4000xi32, #tpu.memory_space<vmem>>)
      } else {
      }
      %lt3A_89 = arith.constant 80 : i32
      %lt3A_90 = arith.cmpi slt, %add3A_83, %lt3A_89 : i32
      %convert_element_type3A_91 = arith.extui %lt3A_90 : i1 to i32
      %cond3A_92 = arith.constant 0 : i32
      %cond3A_93 = arith.cmpi ne, %convert_element_type3A_91, %cond3A_92 : i32
      %cond3A_94 = scf.if %cond3A_93 -> (i32) {
        %scan3A_124 = arith.constant 0 : i32
        %scan3A_125 = arith.constant 250 : i32
        %scan3A_126 = arith.addi %scan3A_124, %scan3A_125 : i32
        %scan3A_127 = arith.constant 1 : i32
        %scan3A_128 = scf.for %scan3A_130 = %scan3A_124 to %scan3A_126 step %scan3A_127 iter_args(%scan3A_131 = %scan3A_79) -> (i32)  : i32 {
          %mul3A_132 = arith.constant 16 : i32
          %mul3A_133 = arith.muli %scan3A_130, %mul3A_132 : i32
          %get3A = arith.index_cast %mul3A_133 : i32 to index
          %get3A_134 = tpu.vector_load %arg5[%get3A] {strides = array<i32>} : memref<4000xi32, #tpu.memory_space<vmem>>, vector<16xi32>,
          %get3A_135 = vector.shape_cast %get3A_134 : vector<16xi32> to vector<16xi32>
          %sub3A_136 = vector.broadcast %mul3A_2 : i32 to vector<16xi32>
          %sub3A_137 = arith.subi %get3A_135, %sub3A_136 : vector<16xi32>
          %shift_right_arithmetic3A_138 = arith.constant 31 : i32
          %shift_right_arithmetic3A_139 = vector.broadcast %shift_right_arithmetic3A_138 : i32 to vector<16xi32>
          %shift_right_arithmetic3A_140 = arith.shrsi %sub3A_137, %shift_right_arithmetic3A_139 : vector<16xi32>
          %sub3A_141 = arith.constant 319 : i32
          %sub3A_142 = vector.broadcast %sub3A_141 : i32 to vector<16xi32>
          %sub3A_143 = arith.subi %sub3A_142, %sub3A_137 : vector<16xi32>
          %shift_right_arithmetic3A_144 = arith.constant 31 : i32
          %shift_right_arithmetic3A_145 = vector.broadcast %shift_right_arithmetic3A_144 : i32 to vector<16xi32>
          %shift_right_arithmetic3A_146 = arith.shrsi %sub3A_143, %shift_right_arithmetic3A_145 : vector<16xi32>
          %or3A = arith.ori %shift_right_arithmetic3A_140, %shift_right_arithmetic3A_146 : vector<16xi32>
          %add3A_147 = arith.constant 1 : i32
          %add3A_148 = vector.broadcast %add3A_147 : i32 to vector<16xi32>
          %add3A_149 = arith.addi %or3A, %add3A_148 : vector<16xi32>
          %sub3A_150 = arith.constant 1 : i32
          %sub3A_151 = vector.broadcast %sub3A_150 : i32 to vector<16xi32>
          %sub3A_152 = arith.subi %iota3A, %sub3A_151 : vector<16xi32>
          %max3A = arith.constant 0 : i32
          %max3A_153 = vector.broadcast %max3A : i32 to vector<16xi32>
          %max3A_154 = arith.maxsi %sub3A_152, %max3A_153 : vector<16xi32>
          %lt3A_155 = arith.constant 0 : i32
          %lt3A_156 = vector.broadcast %lt3A_155 : i32 to vector<16xi32>
          %lt3A_157 = arith.cmpi slt, %max3A_154, %lt3A_156 : vector<16xi32>
          %add3A_158 = arith.constant 16 : i32
          %add3A_159 = vector.broadcast %add3A_158 : i32 to vector<16xi32>
          %add3A_160 = arith.addi %max3A_154, %add3A_159 : vector<16xi32>
          %select_n3A = arith.select %lt3A_157, %add3A_160, %max3A_154 : vector<16xi1>, vector<16xi32>
          %broadcast_in_dim3A_161 = vector.shape_cast %select_n3A : vector<16xi32> to vector<16x1xi32>
          %gather3A = vector.shape_cast %broadcast_in_dim3A_161 : vector<16x1xi32> to vector<16xi32>
          %gather3A_162 = tpu.dynamic_gather %add3A_149[%gather3A] in [0] : vector<16xi32>, vector<16xi32> -> vector<16xi32>
          %mul3A_163 = arith.muli %gather3A_162, %add3A_25 : vector<16xi32>
          %add3A_164 = arith.addi %add3A_149, %mul3A_163 : vector<16xi32>
          %sub3A_165 = arith.constant 2 : i32
          %sub3A_166 = vector.broadcast %sub3A_165 : i32 to vector<16xi32>
          %sub3A_167 = arith.subi %iota3A, %sub3A_166 : vector<16xi32>
          %max3A_168 = arith.constant 0 : i32
          %max3A_169 = vector.broadcast %max3A_168 : i32 to vector<16xi32>
          %max3A_170 = arith.maxsi %sub3A_167, %max3A_169 : vector<16xi32>
          %lt3A_171 = arith.constant 0 : i32
          %lt3A_172 = vector.broadcast %lt3A_171 : i32 to vector<16xi32>
          %lt3A_173 = arith.cmpi slt, %max3A_170, %lt3A_172 : vector<16xi32>
          %add3A_174 = arith.constant 16 : i32
          %add3A_175 = vector.broadcast %add3A_174 : i32 to vector<16xi32>
          %add3A_176 = arith.addi %max3A_170, %add3A_175 : vector<16xi32>
          %select_n3A_177 = arith.select %lt3A_173, %add3A_176, %max3A_170 : vector<16xi1>, vector<16xi32>
          %broadcast_in_dim3A_178 = vector.shape_cast %select_n3A_177 : vector<16xi32> to vector<16x1xi32>
          %gather3A_179 = vector.shape_cast %broadcast_in_dim3A_178 : vector<16x1xi32> to vector<16xi32>
          %gather3A_180 = tpu.dynamic_gather %add3A_164[%gather3A_179] in [0] : vector<16xi32>, vector<16xi32> -> vector<16xi32>
          %mul3A_181 = arith.muli %gather3A_180, %add3A_34 : vector<16xi32>
          %add3A_182 = arith.addi %add3A_164, %mul3A_181 : vector<16xi32>
          %sub3A_183 = arith.constant 4 : i32
          %sub3A_184 = vector.broadcast %sub3A_183 : i32 to vector<16xi32>
          %sub3A_185 = arith.subi %iota3A, %sub3A_184 : vector<16xi32>
          %max3A_186 = arith.constant 0 : i32
          %max3A_187 = vector.broadcast %max3A_186 : i32 to vector<16xi32>
          %max3A_188 = arith.maxsi %sub3A_185, %max3A_187 : vector<16xi32>
          %lt3A_189 = arith.constant 0 : i32
          %lt3A_190 = vector.broadcast %lt3A_189 : i32 to vector<16xi32>
          %lt3A_191 = arith.cmpi slt, %max3A_188, %lt3A_190 : vector<16xi32>
          %add3A_192 = arith.constant 16 : i32
          %add3A_193 = vector.broadcast %add3A_192 : i32 to vector<16xi32>
          %add3A_194 = arith.addi %max3A_188, %add3A_193 : vector<16xi32>
          %select_n3A_195 = arith.select %lt3A_191, %add3A_194, %max3A_188 : vector<16xi1>, vector<16xi32>
          %broadcast_in_dim3A_196 = vector.shape_cast %select_n3A_195 : vector<16xi32> to vector<16x1xi32>
          %gather3A_197 = vector.shape_cast %broadcast_in_dim3A_196 : vector<16x1xi32> to vector<16xi32>
          %gather3A_198 = tpu.dynamic_gather %add3A_182[%gather3A_197] in [0] : vector<16xi32>, vector<16xi32> -> vector<16xi32>
          %mul3A_199 = arith.muli %gather3A_198, %add3A_43 : vector<16xi32>
          %add3A_200 = arith.addi %add3A_182, %mul3A_199 : vector<16xi32>
          %sub3A_201 = arith.constant 8 : i32
          %sub3A_202 = vector.broadcast %sub3A_201 : i32 to vector<16xi32>
          %sub3A_203 = arith.subi %iota3A, %sub3A_202 : vector<16xi32>
          %max3A_204 = arith.constant 0 : i32
          %max3A_205 = vector.broadcast %max3A_204 : i32 to vector<16xi32>
          %max3A_206 = arith.maxsi %sub3A_203, %max3A_205 : vector<16xi32>
          %lt3A_207 = arith.constant 0 : i32
          %lt3A_208 = vector.broadcast %lt3A_207 : i32 to vector<16xi32>
          %lt3A_209 = arith.cmpi slt, %max3A_206, %lt3A_208 : vector<16xi32>
          %add3A_210 = arith.constant 16 : i32
          %add3A_211 = vector.broadcast %add3A_210 : i32 to vector<16xi32>
          %add3A_212 = arith.addi %max3A_206, %add3A_211 : vector<16xi32>
          %select_n3A_213 = arith.select %lt3A_209, %add3A_212, %max3A_206 : vector<16xi1>, vector<16xi32>
          %broadcast_in_dim3A_214 = vector.shape_cast %select_n3A_213 : vector<16xi32> to vector<16x1xi32>
          %gather3A_215 = vector.shape_cast %broadcast_in_dim3A_214 : vector<16x1xi32> to vector<16xi32>
          %gather3A_216 = tpu.dynamic_gather %add3A_200[%gather3A_215] in [0] : vector<16xi32>, vector<16xi32> -> vector<16xi32>
          %mul3A_217 = arith.muli %gather3A_216, %add3A_52 : vector<16xi32>
          %add3A_218 = arith.addi %add3A_200, %mul3A_217 : vector<16xi32>
          %slice3A = vector.extract_strided_slice %add3A_218 {offsets = [15], sizes = [1], strides = [1]} : vector<16xi32> to vector<1xi32>
          %squeeze3A = vector.extract %slice3A[0] : i32 from vector<1xi32>
          %gt3A_219 = arith.constant 0 : i32
          %gt3A_220 = arith.cmpi sgt, %squeeze3A, %gt3A_219 : i32
          %convert_element_type3A_221 = arith.extui %gt3A_220 : i1 to i32
          %cond3A_222 = arith.constant 0 : i32
          %cond3A_223 = arith.cmpi ne, %convert_element_type3A_221, %cond3A_222 : i32
          scf.if %cond3A_223 {
            %broadcast_in_dim3A_230 = arith.constant 0 : i32
            %broadcast_in_dim3A_231 = vector.broadcast %broadcast_in_dim3A_230 : i32 to vector<16xi32>
            %add3A_232 = arith.constant 7 : i32
            %add3A_233 = vector.broadcast %add3A_232 : i32 to vector<16xi32>
            %add3A_234 = arith.addi %broadcast_in_dim3A_231, %add3A_233 : vector<16xi32>
            %min3A = arith.constant 15 : i32
            %min3A_235 = vector.broadcast %min3A : i32 to vector<16xi32>
            %min3A_236 = arith.minsi %add3A_234, %min3A_235 : vector<16xi32>
            %lt3A_237 = arith.constant 0 : i32
            %lt3A_238 = vector.broadcast %lt3A_237 : i32 to vector<16xi32>
            %lt3A_239 = arith.cmpi slt, %min3A_236, %lt3A_238 : vector<16xi32>
            %add3A_240 = arith.constant 16 : i32
            %add3A_241 = vector.broadcast %add3A_240 : i32 to vector<16xi32>
            %add3A_242 = arith.addi %min3A_236, %add3A_241 : vector<16xi32>
            %select_n3A_243 = arith.select %lt3A_239, %add3A_242, %min3A_236 : vector<16xi1>, vector<16xi32>
            %broadcast_in_dim3A_244 = vector.shape_cast %select_n3A_243 : vector<16xi32> to vector<16x1xi32>
            %gather3A_245 = vector.shape_cast %broadcast_in_dim3A_244 : vector<16x1xi32> to vector<16xi32>
            %gather3A_246 = tpu.dynamic_gather %add3A_218[%gather3A_245] in [0] : vector<16xi32>, vector<16xi32> -> vector<16xi32>
            %sub3A_247 = arith.subi %iota3A, %gather3A_246 : vector<16xi32>
            %shift_right_arithmetic3A_248 = arith.constant 31 : i32
            %shift_right_arithmetic3A_249 = vector.broadcast %shift_right_arithmetic3A_248 : i32 to vector<16xi32>
            %shift_right_arithmetic3A_250 = arith.shrsi %sub3A_247, %shift_right_arithmetic3A_249 : vector<16xi32>
            %add3A_251 = arith.constant 1 : i32
            %add3A_252 = vector.broadcast %add3A_251 : i32 to vector<16xi32>
            %add3A_253 = arith.addi %shift_right_arithmetic3A_250, %add3A_252 : vector<16xi32>
            %mul3A_254 = arith.constant 8 : i32
            %mul3A_255 = vector.broadcast %mul3A_254 : i32 to vector<16xi32>
            %mul3A_256 = arith.muli %mul3A_255, %add3A_253 : vector<16xi32>
            %add3A_257 = arith.addi %broadcast_in_dim3A_231, %mul3A_256 : vector<16xi32>
            %add3A_258 = arith.constant 3 : i32
            %add3A_259 = vector.broadcast %add3A_258 : i32 to vector<16xi32>
            %add3A_260 = arith.addi %add3A_257, %add3A_259 : vector<16xi32>
            %min3A_261 = arith.constant 15 : i32
            %min3A_262 = vector.broadcast %min3A_261 : i32 to vector<16xi32>
            %min3A_263 = arith.minsi %add3A_260, %min3A_262 : vector<16xi32>
            %lt3A_264 = arith.constant 0 : i32
            %lt3A_265 = vector.broadcast %lt3A_264 : i32 to vector<16xi32>
            %lt3A_266 = arith.cmpi slt, %min3A_263, %lt3A_265 : vector<16xi32>
            %add3A_267 = arith.constant 16 : i32
            %add3A_268 = vector.broadcast %add3A_267 : i32 to vector<16xi32>
            %add3A_269 = arith.addi %min3A_263, %add3A_268 : vector<16xi32>
            %select_n3A_270 = arith.select %lt3A_266, %add3A_269, %min3A_263 : vector<16xi1>, vector<16xi32>
            %broadcast_in_dim3A_271 = vector.shape_cast %select_n3A_270 : vector<16xi32> to vector<16x1xi32>
            %gather3A_272 = vector.shape_cast %broadcast_in_dim3A_271 : vector<16x1xi32> to vector<16xi32>
            %gather3A_273 = tpu.dynamic_gather %add3A_218[%gather3A_272] in [0] : vector<16xi32>, vector<16xi32> -> vector<16xi32>
            %sub3A_274 = arith.subi %iota3A, %gather3A_273 : vector<16xi32>
            %shift_right_arithmetic3A_275 = arith.constant 31 : i32
            %shift_right_arithmetic3A_276 = vector.broadcast %shift_right_arithmetic3A_275 : i32 to vector<16xi32>
            %shift_right_arithmetic3A_277 = arith.shrsi %sub3A_274, %shift_right_arithmetic3A_276 : vector<16xi32>
            %add3A_278 = arith.constant 1 : i32
            %add3A_279 = vector.broadcast %add3A_278 : i32 to vector<16xi32>
            %add3A_280 = arith.addi %shift_right_arithmetic3A_277, %add3A_279 : vector<16xi32>
            %mul3A_281 = arith.constant 4 : i32
            %mul3A_282 = vector.broadcast %mul3A_281 : i32 to vector<16xi32>
            %mul3A_283 = arith.muli %mul3A_282, %add3A_280 : vector<16xi32>
            %add3A_284 = arith.addi %add3A_257, %mul3A_283 : vector<16xi32>
            %add3A_285 = arith.constant 1 : i32
            %add3A_286 = vector.broadcast %add3A_285 : i32 to vector<16xi32>
            %add3A_287 = arith.addi %add3A_284, %add3A_286 : vector<16xi32>
            %min3A_288 = arith.constant 15 : i32
            %min3A_289 = vector.broadcast %min3A_288 : i32 to vector<16xi32>
            %min3A_290 = arith.minsi %add3A_287, %min3A_289 : vector<16xi32>
            %lt3A_291 = arith.constant 0 : i32
            %lt3A_292 = vector.broadcast %lt3A_291 : i32 to vector<16xi32>
            %lt3A_293 = arith.cmpi slt, %min3A_290, %lt3A_292 : vector<16xi32>
            %add3A_294 = arith.constant 16 : i32
            %add3A_295 = vector.broadcast %add3A_294 : i32 to vector<16xi32>
            %add3A_296 = arith.addi %min3A_290, %add3A_295 : vector<16xi32>
            %select_n3A_297 = arith.select %lt3A_293, %add3A_296, %min3A_290 : vector<16xi1>, vector<16xi32>
            %broadcast_in_dim3A_298 = vector.shape_cast %select_n3A_297 : vector<16xi32> to vector<16x1xi32>
            %gather3A_299 = vector.shape_cast %broadcast_in_dim3A_298 : vector<16x1xi32> to vector<16xi32>
            %gather3A_300 = tpu.dynamic_gather %add3A_218[%gather3A_299] in [0] : vector<16xi32>, vector<16xi32> -> vector<16xi32>
            %sub3A_301 = arith.subi %iota3A, %gather3A_300 : vector<16xi32>
            %shift_right_arithmetic3A_302 = arith.constant 31 : i32
            %shift_right_arithmetic3A_303 = vector.broadcast %shift_right_arithmetic3A_302 : i32 to vector<16xi32>
            %shift_right_arithmetic3A_304 = arith.shrsi %sub3A_301, %shift_right_arithmetic3A_303 : vector<16xi32>
            %add3A_305 = arith.constant 1 : i32
            %add3A_306 = vector.broadcast %add3A_305 : i32 to vector<16xi32>
            %add3A_307 = arith.addi %shift_right_arithmetic3A_304, %add3A_306 : vector<16xi32>
            %mul3A_308 = arith.constant 2 : i32
            %mul3A_309 = vector.broadcast %mul3A_308 : i32 to vector<16xi32>
            %mul3A_310 = arith.muli %mul3A_309, %add3A_307 : vector<16xi32>
            %add3A_311 = arith.addi %add3A_284, %mul3A_310 : vector<16xi32>
            %add3A_312 = arith.constant 0 : i32
            %add3A_313 = vector.broadcast %add3A_312 : i32 to vector<16xi32>
            %add3A_314 = arith.addi %add3A_311, %add3A_313 : vector<16xi32>
            %min3A_315 = arith.constant 15 : i32
            %min3A_316 = vector.broadcast %min3A_315 : i32 to vector<16xi32>
            %min3A_317 = arith.minsi %add3A_314, %min3A_316 : vector<16xi32>
            %lt3A_318 = arith.constant 0 : i32
            %lt3A_319 = vector.broadcast %lt3A_318 : i32 to vector<16xi32>
            %lt3A_320 = arith.cmpi slt, %min3A_317, %lt3A_319 : vector<16xi32>
            %add3A_321 = arith.constant 16 : i32
            %add3A_322 = vector.broadcast %add3A_321 : i32 to vector<16xi32>
            %add3A_323 = arith.addi %min3A_317, %add3A_322 : vector<16xi32>
            %select_n3A_324 = arith.select %lt3A_320, %add3A_323, %min3A_317 : vector<16xi1>, vector<16xi32>
            %broadcast_in_dim3A_325 = vector.shape_cast %select_n3A_324 : vector<16xi32> to vector<16x1xi32>
            %gather3A_326 = vector.shape_cast %broadcast_in_dim3A_325 : vector<16x1xi32> to vector<16xi32>
            %gather3A_327 = tpu.dynamic_gather %add3A_218[%gather3A_326] in [0] : vector<16xi32>, vector<16xi32> -> vector<16xi32>
            %sub3A_328 = arith.subi %iota3A, %gather3A_327 : vector<16xi32>
            %shift_right_arithmetic3A_329 = arith.constant 31 : i32
            %shift_right_arithmetic3A_330 = vector.broadcast %shift_right_arithmetic3A_329 : i32 to vector<16xi32>
            %shift_right_arithmetic3A_331 = arith.shrsi %sub3A_328, %shift_right_arithmetic3A_330 : vector<16xi32>
            %add3A_332 = arith.constant 1 : i32
            %add3A_333 = vector.broadcast %add3A_332 : i32 to vector<16xi32>
            %add3A_334 = arith.addi %shift_right_arithmetic3A_331, %add3A_333 : vector<16xi32>
            %mul3A_335 = arith.constant 1 : i32
            %mul3A_336 = vector.broadcast %mul3A_335 : i32 to vector<16xi32>
            %mul3A_337 = arith.muli %mul3A_336, %add3A_334 : vector<16xi32>
            %add3A_338 = arith.addi %add3A_311, %mul3A_337 : vector<16xi32>
            %min3A_339 = arith.constant 15 : i32
            %min3A_340 = vector.broadcast %min3A_339 : i32 to vector<16xi32>
            %min3A_341 = arith.minsi %add3A_338, %min3A_340 : vector<16xi32>
            %mul3A_342 = arith.constant 4000 : i32
            %mul3A_343 = arith.muli %add3A_83, %mul3A_342 : i32
            %mul3A_344 = arith.constant 16 : i32
            %mul3A_345 = arith.muli %scan3A_130, %mul3A_344 : i32
            %add3A_346 = arith.addi %mul3A_343, %mul3A_345 : i32
            %add3A_347 = vector.broadcast %add3A_346 : i32 to vector<16xi32>
            %add3A_348 = arith.addi %add3A_347, %iota3A : vector<16xi32>
            %shift_left3A = arith.constant 9 : i32
            %shift_left3A_349 = vector.broadcast %shift_left3A : i32 to vector<16xi32>
            %shift_left3A_350 = arith.shli %add3A_348, %shift_left3A_349 : vector<16xi32>
            %mul3A_351 = arith.muli %sub3A_137, %add3A_149 : vector<16xi32>
            %or3A_352 = arith.ori %shift_left3A_350, %mul3A_351 : vector<16xi32>
            %lt3A_353 = arith.constant 0 : i32
            %lt3A_354 = vector.broadcast %lt3A_353 : i32 to vector<16xi32>
            %lt3A_355 = arith.cmpi slt, %min3A_341, %lt3A_354 : vector<16xi32>
            %add3A_356 = arith.constant 16 : i32
            %add3A_357 = vector.broadcast %add3A_356 : i32 to vector<16xi32>
            %add3A_358 = arith.addi %min3A_341, %add3A_357 : vector<16xi32>
            %select_n3A_359 = arith.select %lt3A_355, %add3A_358, %min3A_341 : vector<16xi1>, vector<16xi32>
            %broadcast_in_dim3A_360 = vector.shape_cast %select_n3A_359 : vector<16xi32> to vector<16x1xi32>
            %gather3A_361 = vector.shape_cast %broadcast_in_dim3A_360 : vector<16x1xi32> to vector<16xi32>
            %gather3A_362 = tpu.dynamic_gather %or3A_352[%gather3A_361] in [0] : vector<16xi32>, vector<16xi32> -> vector<16xi32>
            %shift_right_arithmetic3A_363 = arith.constant 9 : i32
            %shift_right_arithmetic3A_364 = vector.broadcast %shift_right_arithmetic3A_363 : i32 to vector<16xi32>
            %shift_right_arithmetic3A_365 = arith.shrsi %gather3A_362, %shift_right_arithmetic3A_364 : vector<16xi32>
            %swap3A = arith.index_cast %scan3A_131 : i32 to index
            %swap3A_366 = tpu.vector_load %arg7[%swap3A] {strides = array<i32>} : memref<528xi32, #tpu.memory_space<vmem>>, vector<16xi32>,
            %swap3A_367 = vector.shape_cast %swap3A_366 : vector<16xi32> to vector<16xi32>
            %swap3A_368 = vector.shape_cast %shift_right_arithmetic3A_365 : vector<16xi32> to vector<16xi32>
            tpu.vector_store %arg7[%swap3A], %swap3A_368 {strides = array<i32>} : memref<528xi32, #tpu.memory_space<vmem>>, vector<16xi32>,
            %and3A = arith.constant 511 : i32
            %and3A_369 = vector.broadcast %and3A : i32 to vector<16xi32>
            %and3A_370 = arith.andi %gather3A_362, %and3A_369 : vector<16xi32>
            %swap3A_371 = arith.index_cast %scan3A_131 : i32 to index
            %swap3A_372 = tpu.vector_load %arg8[%swap3A_371] {strides = array<i32>} : memref<544xi32, #tpu.memory_space<vmem>>, vector<16xi32>,
            %swap3A_373 = vector.shape_cast %swap3A_372 : vector<16xi32> to vector<16xi32>
            %swap3A_374 = vector.shape_cast %and3A_370 : vector<16xi32> to vector<16xi32>
            tpu.vector_store %arg8[%swap3A_371], %swap3A_374 {strides = array<i32>} : memref<544xi32, #tpu.memory_space<vmem>>, vector<16xi32>,
          } else {
          }
          %add3A_224 = arith.addi %scan3A_131, %squeeze3A : i32
          %ge3A = arith.constant 512 : i32
          %ge3A_225 = arith.cmpi sge, %add3A_224, %ge3A : i32
          %convert_element_type3A_226 = arith.extui %ge3A_225 : i1 to i32
          %cond3A_227 = arith.constant 0 : i32
          %cond3A_228 = arith.cmpi ne, %convert_element_type3A_226, %cond3A_227 : i32
          %cond3A_229 = scf.if %cond3A_228 -> (i32) {
            %dma_start3A_230 = arith.constant 0 : i32
            %dma_start3A_231 = arith.constant 0 : i32
            %dma_start3A_232 = tpu.memref_slice %arg2[%dma_start3A_230, %dma_start3A_231] : memref<320000x128xf32, #tpu.memory_space<hbm>> -> memref<320000x128xf32, #tpu.memory_space<hbm>>
            tpu.enqueue_indirect_dma source(%dma_start3A_232 : memref<320000x128xf32, #tpu.memory_space<hbm>>) target(%arg9 : memref<528x128xf32, #tpu.memory_space<vmem>>) offsets(%arg7 : memref<528xi32, #tpu.memory_space<vmem>>) semaphore(%arg11 : memref<!tpu.dma_semaphore, #tpu.memory_space<semaphore_mem>>)
            %dma_wait3A = arith.constant 0 : i32
            %dma_wait3A_233 = arith.constant 0 : i32
            %dma_wait3A_234 = tpu.memref_slice %arg2[%dma_wait3A, %dma_wait3A_233] : memref<320000x128xf32, #tpu.memory_space<hbm>> -> memref<320000x128xf32, #tpu.memory_space<hbm>>
            tpu.wait_indirect_dma semaphore(%arg11 : memref<!tpu.dma_semaphore, #tpu.memory_space<semaphore_mem>>) src(%dma_wait3A_234 : memref<320000x128xf32, #tpu.memory_space<hbm>>) dst(%arg9 : memref<528x128xf32, #tpu.memory_space<vmem>>)
            %while3A = arith.constant 0 : i32
            %while3A_235 = arith.constant 0 : i32
            %while3A_236 = arith.subi %add3A_224, %while3A : i32
            %while3A_237 = arith.addi %while3A, %while3A_236 : i32
            %while3A_238 = arith.constant 1 : i32
            %while3A_239 = arith.divsi %while3A_236, %while3A_238 : i32
            %while3A_240 = arith.muli %while3A_239, %while3A_238 : i32
            %while3A_241 = arith.addi %while3A, %while3A_240 : i32
            %while3A_242 = arith.constant 1 : i32
            %while3A_243 = scf.for %while3A_247 = %while3A to %while3A_241 step %while3A_242 iter_args(%while3A_248 = %while3A_235) -> (i32)  : i32 {
              %get3A_249 = arith.index_cast %while3A_247 : i32 to index
              %get3A_250 = tpu.vector_load %arg8[%get3A_249] {strides = array<i32>} : memref<544xi32, #tpu.memory_space<vmem>>, vector<16xi32>,
              %get3A_251 = vector.shape_cast %get3A_250 : vector<16xi32> to vector<16xi32>
              %slice3A_252 = vector.extract_strided_slice %get3A_251 {offsets = [0], sizes = [1], strides = [1]} : vector<16xi32> to vector<1xi32>
              %squeeze3A_253 = vector.extract %slice3A_252[0] : i32 from vector<1xi32>
              %get3A_254 = arith.index_cast %squeeze3A_253 : i32 to index
              %get3A_255 = arith.constant 0 : index
              %get3A_256 = tpu.vector_load %arg10[%get3A_254, %get3A_255] {strides = array<i32>} : memref<320x128xf32, #tpu.memory_space<vmem>>, vector<1x16xf32>,
              %get3A_257 = vector.shape_cast %get3A_256 : vector<1x16xf32> to vector<16xf32>
              %get3A_258 = arith.index_cast %while3A_247 : i32 to index
              %get3A_259 = arith.constant 0 : index
              %get3A_260 = tpu.vector_load %arg9[%get3A_258, %get3A_259] {strides = array<i32>} : memref<528x128xf32, #tpu.memory_space<vmem>>, vector<1x16xf32>,
              %get3A_261 = vector.shape_cast %get3A_260 : vector<1x16xf32> to vector<16xf32>
              %max3A_262 = arith.maximumf %get3A_257, %get3A_261 : vector<16xf32>
              %swap3A = arith.index_cast %squeeze3A_253 : i32 to index
              %swap3A_263 = arith.constant 0 : index
              %swap3A_264 = tpu.vector_load %arg10[%swap3A, %swap3A_263] {strides = array<i32>} : memref<320x128xf32, #tpu.memory_space<vmem>>, vector<1x16xf32>,
              %swap3A_265 = vector.shape_cast %swap3A_264 : vector<1x16xf32> to vector<16xf32>
              %swap3A_266 = vector.shape_cast %max3A_262 : vector<16xf32> to vector<1x16xf32>
              tpu.vector_store %arg10[%swap3A, %swap3A_263], %swap3A_266 {strides = array<i32>} : memref<320x128xf32, #tpu.memory_space<vmem>>, vector<1x16xf32>,
              %get3A_267 = arith.index_cast %squeeze3A_253 : i32 to index
              %get3A_268 = arith.constant 16 : index
              %get3A_269 = tpu.vector_load %arg10[%get3A_267, %get3A_268] {strides = array<i32>} : memref<320x128xf32, #tpu.memory_space<vmem>>, vector<1x16xf32>,
              %get3A_270 = vector.shape_cast %get3A_269 : vector<1x16xf32> to vector<16xf32>
              %get3A_271 = arith.index_cast %while3A_247 : i32 to index
              %get3A_272 = arith.constant 16 : index
              %get3A_273 = tpu.vector_load %arg9[%get3A_271, %get3A_272] {strides = array<i32>} : memref<528x128xf32, #tpu.memory_space<vmem>>, vector<1x16xf32>,
              %get3A_274 = vector.shape_cast %get3A_273 : vector<1x16xf32> to vector<16xf32>
              %max3A_275 = arith.maximumf %get3A_270, %get3A_274 : vector<16xf32>
              %swap3A_276 = arith.index_cast %squeeze3A_253 : i32 to index
              %swap3A_277 = arith.constant 16 : index
              %swap3A_278 = tpu.vector_load %arg10[%swap3A_276, %swap3A_277] {strides = array<i32>} : memref<320x128xf32, #tpu.memory_space<vmem>>, vector<1x16xf32>,
              %swap3A_279 = vector.shape_cast %swap3A_278 : vector<1x16xf32> to vector<16xf32>
              %swap3A_280 = vector.shape_cast %max3A_275 : vector<16xf32> to vector<1x16xf32>
              tpu.vector_store %arg10[%swap3A_276, %swap3A_277], %swap3A_280 {strides = array<i32>} : memref<320x128xf32, #tpu.memory_space<vmem>>, vector<1x16xf32>,
              %get3A_281 = arith.index_cast %squeeze3A_253 : i32 to index
              %get3A_282 = arith.constant 32 : index
              %get3A_283 = tpu.vector_load %arg10[%get3A_281, %get3A_282] {strides = array<i32>} : memref<320x128xf32, #tpu.memory_space<vmem>>, vector<1x16xf32>,
              %get3A_284 = vector.shape_cast %get3A_283 : vector<1x16xf32> to vector<16xf32>
              %get3A_285 = arith.index_cast %while3A_247 : i32 to index
              %get3A_286 = arith.constant 32 : index
              %get3A_287 = tpu.vector_load %arg9[%get3A_285, %get3A_286] {strides = array<i32>} : memref<528x128xf32, #tpu.memory_space<vmem>>, vector<1x16xf32>,
              %get3A_288 = vector.shape_cast %get3A_287 : vector<1x16xf32> to vector<16xf32>
              %max3A_289 = arith.maximumf %get3A_284, %get3A_288 : vector<16xf32>
              %swap3A_290 = arith.index_cast %squeeze3A_253 : i32 to index
              %swap3A_291 = arith.constant 32 : index
              %swap3A_292 = tpu.vector_load %arg10[%swap3A_290, %swap3A_291] {strides = array<i32>} : memref<320x128xf32, #tpu.memory_space<vmem>>, vector<1x16xf32>,
              %swap3A_293 = vector.shape_cast %swap3A_292 : vector<1x16xf32> to vector<16xf32>
              %swap3A_294 = vector.shape_cast %max3A_289 : vector<16xf32> to vector<1x16xf32>
              tpu.vector_store %arg10[%swap3A_290, %swap3A_291], %swap3A_294 {strides = array<i32>} : memref<320x128xf32, #tpu.memory_space<vmem>>, vector<1x16xf32>,
              %get3A_295 = arith.index_cast %squeeze3A_253 : i32 to index
              %get3A_296 = arith.constant 48 : index
              %get3A_297 = tpu.vector_load %arg10[%get3A_295, %get3A_296] {strides = array<i32>} : memref<320x128xf32, #tpu.memory_space<vmem>>, vector<1x16xf32>,
              %get3A_298 = vector.shape_cast %get3A_297 : vector<1x16xf32> to vector<16xf32>
              %get3A_299 = arith.index_cast %while3A_247 : i32 to index
              %get3A_300 = arith.constant 48 : index
              %get3A_301 = tpu.vector_load %arg9[%get3A_299, %get3A_300] {strides = array<i32>} : memref<528x128xf32, #tpu.memory_space<vmem>>, vector<1x16xf32>,
              %get3A_302 = vector.shape_cast %get3A_301 : vector<1x16xf32> to vector<16xf32>
              %max3A_303 = arith.maximumf %get3A_298, %get3A_302 : vector<16xf32>
              %swap3A_304 = arith.index_cast %squeeze3A_253 : i32 to index
              %swap3A_305 = arith.constant 48 : index
              %swap3A_306 = tpu.vector_load %arg10[%swap3A_304, %swap3A_305] {strides = array<i32>} : memref<320x128xf32, #tpu.memory_space<vmem>>, vector<1x16xf32>,
              %swap3A_307 = vector.shape_cast %swap3A_306 : vector<1x16xf32> to vector<16xf32>
              %swap3A_308 = vector.shape_cast %max3A_303 : vector<16xf32> to vector<1x16xf32>
              tpu.vector_store %arg10[%swap3A_304, %swap3A_305], %swap3A_308 {strides = array<i32>} : memref<320x128xf32, #tpu.memory_space<vmem>>, vector<1x16xf32>,
              %while3A_309 = arith.constant 0 : i32
              scf.yield %while3A_309 : i32
            }
            %while3A_244 = arith.constant 1 : i32
            %while3A_245 = scf.for %while3A_247 = %while3A_241 to %while3A_237 step %while3A_244 iter_args(%while3A_248 = %while3A_243) -> (i32)  : i32 {
              %get3A_249 = arith.index_cast %while3A_247 : i32 to index
              %get3A_250 = tpu.vector_load %arg8[%get3A_249] {strides = array<i32>} : memref<544xi32, #tpu.memory_space<vmem>>, vector<16xi32>,
              %get3A_251 = vector.shape_cast %get3A_250 : vector<16xi32> to vector<16xi32>
              %slice3A_252 = vector.extract_strided_slice %get3A_251 {offsets = [0], sizes = [1], strides = [1]} : vector<16xi32> to vector<1xi32>
              %squeeze3A_253 = vector.extract %slice3A_252[0] : i32 from vector<1xi32>
              %get3A_254 = arith.index_cast %squeeze3A_253 : i32 to index
              %get3A_255 = arith.constant 0 : index
              %get3A_256 = tpu.vector_load %arg10[%get3A_254, %get3A_255] {strides = array<i32>} : memref<320x128xf32, #tpu.memory_space<vmem>>, vector<1x16xf32>,
              %get3A_257 = vector.shape_cast %get3A_256 : vector<1x16xf32> to vector<16xf32>
              %get3A_258 = arith.index_cast %while3A_247 : i32 to index
              %get3A_259 = arith.constant 0 : index
              %get3A_260 = tpu.vector_load %arg9[%get3A_258, %get3A_259] {strides = array<i32>} : memref<528x128xf32, #tpu.memory_space<vmem>>, vector<1x16xf32>,
              %get3A_261 = vector.shape_cast %get3A_260 : vector<1x16xf32> to vector<16xf32>
              %max3A_262 = arith.maximumf %get3A_257, %get3A_261 : vector<16xf32>
              %swap3A = arith.index_cast %squeeze3A_253 : i32 to index
              %swap3A_263 = arith.constant 0 : index
              %swap3A_264 = tpu.vector_load %arg10[%swap3A, %swap3A_263] {strides = array<i32>} : memref<320x128xf32, #tpu.memory_space<vmem>>, vector<1x16xf32>,
              %swap3A_265 = vector.shape_cast %swap3A_264 : vector<1x16xf32> to vector<16xf32>
              %swap3A_266 = vector.shape_cast %max3A_262 : vector<16xf32> to vector<1x16xf32>
              tpu.vector_store %arg10[%swap3A, %swap3A_263], %swap3A_266 {strides = array<i32>} : memref<320x128xf32, #tpu.memory_space<vmem>>, vector<1x16xf32>,
              %get3A_267 = arith.index_cast %squeeze3A_253 : i32 to index
              %get3A_268 = arith.constant 16 : index
              %get3A_269 = tpu.vector_load %arg10[%get3A_267, %get3A_268] {strides = array<i32>} : memref<320x128xf32, #tpu.memory_space<vmem>>, vector<1x16xf32>,
              %get3A_270 = vector.shape_cast %get3A_269 : vector<1x16xf32> to vector<16xf32>
              %get3A_271 = arith.index_cast %while3A_247 : i32 to index
              %get3A_272 = arith.constant 16 : index
              %get3A_273 = tpu.vector_load %arg9[%get3A_271, %get3A_272] {strides = array<i32>} : memref<528x128xf32, #tpu.memory_space<vmem>>, vector<1x16xf32>,
              %get3A_274 = vector.shape_cast %get3A_273 : vector<1x16xf32> to vector<16xf32>
              %max3A_275 = arith.maximumf %get3A_270, %get3A_274 : vector<16xf32>
              %swap3A_276 = arith.index_cast %squeeze3A_253 : i32 to index
              %swap3A_277 = arith.constant 16 : index
              %swap3A_278 = tpu.vector_load %arg10[%swap3A_276, %swap3A_277] {strides = array<i32>} : memref<320x128xf32, #tpu.memory_space<vmem>>, vector<1x16xf32>,
              %swap3A_279 = vector.shape_cast %swap3A_278 : vector<1x16xf32> to vector<16xf32>
              %swap3A_280 = vector.shape_cast %max3A_275 : vector<16xf32> to vector<1x16xf32>
              tpu.vector_store %arg10[%swap3A_276, %swap3A_277], %swap3A_280 {strides = array<i32>} : memref<320x128xf32, #tpu.memory_space<vmem>>, vector<1x16xf32>,
              %get3A_281 = arith.index_cast %squeeze3A_253 : i32 to index
              %get3A_282 = arith.constant 32 : index
              %get3A_283 = tpu.vector_load %arg10[%get3A_281, %get3A_282] {strides = array<i32>} : memref<320x128xf32, #tpu.memory_space<vmem>>, vector<1x16xf32>,
              %get3A_284 = vector.shape_cast %get3A_283 : vector<1x16xf32> to vector<16xf32>
              %get3A_285 = arith.index_cast %while3A_247 : i32 to index
              %get3A_286 = arith.constant 32 : index
              %get3A_287 = tpu.vector_load %arg9[%get3A_285, %get3A_286] {strides = array<i32>} : memref<528x128xf32, #tpu.memory_space<vmem>>, vector<1x16xf32>,
              %get3A_288 = vector.shape_cast %get3A_287 : vector<1x16xf32> to vector<16xf32>
              %max3A_289 = arith.maximumf %get3A_284, %get3A_288 : vector<16xf32>
              %swap3A_290 = arith.index_cast %squeeze3A_253 : i32 to index
              %swap3A_291 = arith.constant 32 : index
              %swap3A_292 = tpu.vector_load %arg10[%swap3A_290, %swap3A_291] {strides = array<i32>} : memref<320x128xf32, #tpu.memory_space<vmem>>, vector<1x16xf32>,
              %swap3A_293 = vector.shape_cast %swap3A_292 : vector<1x16xf32> to vector<16xf32>
              %swap3A_294 = vector.shape_cast %max3A_289 : vector<16xf32> to vector<1x16xf32>
              tpu.vector_store %arg10[%swap3A_290, %swap3A_291], %swap3A_294 {strides = array<i32>} : memref<320x128xf32, #tpu.memory_space<vmem>>, vector<1x16xf32>,
              %get3A_295 = arith.index_cast %squeeze3A_253 : i32 to index
              %get3A_296 = arith.constant 48 : index
              %get3A_297 = tpu.vector_load %arg10[%get3A_295, %get3A_296] {strides = array<i32>} : memref<320x128xf32, #tpu.memory_space<vmem>>, vector<1x16xf32>,
              %get3A_298 = vector.shape_cast %get3A_297 : vector<1x16xf32> to vector<16xf32>
              %get3A_299 = arith.index_cast %while3A_247 : i32 to index
              %get3A_300 = arith.constant 48 : index
              %get3A_301 = tpu.vector_load %arg9[%get3A_299, %get3A_300] {strides = array<i32>} : memref<528x128xf32, #tpu.memory_space<vmem>>, vector<1x16xf32>,
              %get3A_302 = vector.shape_cast %get3A_301 : vector<1x16xf32> to vector<16xf32>
              %max3A_303 = arith.maximumf %get3A_298, %get3A_302 : vector<16xf32>
              %swap3A_304 = arith.index_cast %squeeze3A_253 : i32 to index
              %swap3A_305 = arith.constant 48 : index
              %swap3A_306 = tpu.vector_load %arg10[%swap3A_304, %swap3A_305] {strides = array<i32>} : memref<320x128xf32, #tpu.memory_space<vmem>>, vector<1x16xf32>,
              %swap3A_307 = vector.shape_cast %swap3A_306 : vector<1x16xf32> to vector<16xf32>
              %swap3A_308 = vector.shape_cast %max3A_303 : vector<16xf32> to vector<1x16xf32>
              tpu.vector_store %arg10[%swap3A_304, %swap3A_305], %swap3A_308 {strides = array<i32>} : memref<320x128xf32, #tpu.memory_space<vmem>>, vector<1x16xf32>,
              %while3A_309 = arith.constant 0 : i32
              scf.yield %while3A_309 : i32
            }
            %cond3A_246 = arith.constant 0 : i32
            scf.yield %cond3A_246 : i32
          } else {
            scf.yield %add3A_224 : i32
          }
          scf.yield %cond3A_229 : i32
        }
        %scan3A_129 = arith.constant 250 : i32
        scf.yield %scan3A_128 : i32
      } else {
        scf.yield %scan3A_79 : i32
      }
      %add3A_95 = arith.constant 2 : i32
      %add3A_96 = arith.addi %add3A_83, %add3A_95 : i32
      %lt3A_97 = arith.constant 80 : i32
      %lt3A_98 = arith.cmpi slt, %add3A_96, %lt3A_97 : i32
      %convert_element_type3A_99 = arith.extui %lt3A_98 : i1 to i32
      %cond3A_100 = arith.constant 0 : i32
      %cond3A_101 = arith.cmpi ne, %convert_element_type3A_99, %cond3A_100 : i32
      scf.if %cond3A_101 {
        %add3A_124 = arith.constant 2 : i32
        %add3A_125 = arith.addi %add3A_83, %add3A_124 : i32
        %mul3A_126 = arith.constant 4000 : i32
        %mul3A_127 = arith.muli %add3A_125, %mul3A_126 : i32
        %dma_start3A_128 = tpu.memref_slice %arg3[%mul3A_127] : memref<320000xi32, #tpu.memory_space<hbm>> -> memref<4000xi32, #tpu.memory_space<hbm>>
        %dma_start3A_129 = tpu.memref_slice %arg3[%mul3A_127] : memref<320000xi32, #tpu.memory_space<hbm>> -> memref<4000xi32, #tpu.memory_space<hbm>>
        tpu.enqueue_dma source(%dma_start3A_129 : memref<4000xi32, #tpu.memory_space<hbm>>) target(%arg5 : memref<4000xi32, #tpu.memory_space<vmem>>) target_semaphore(%arg12 : memref<!tpu.dma_semaphore, #tpu.memory_space<semaphore_mem>>)
      } else {
      }
      %mul3A_102 = arith.constant 2 : i32
      %mul3A_103 = arith.muli %scan3A_78, %mul3A_102 : i32
      %add3A_104 = arith.constant 1 : i32
      %add3A_105 = arith.addi %mul3A_103, %add3A_104 : i32
      %lt3A_106 = arith.constant 80 : i32
      %lt3A_107 = arith.cmpi slt, %add3A_105, %lt3A_106 : i32
      %convert_element_type3A_108 = arith.extui %lt3A_107 : i1 to i32
      %cond3A_109 = arith.constant 0 : i32
      %cond3A_110 = arith.cmpi ne, %convert_element_type3A_108, %cond3A_109 : i32
      scf.if %cond3A_110 {
        %mul3A_124 = arith.constant 4000 : i32
        %mul3A_125 = arith.muli %add3A_105, %mul3A_124 : i32
        %dma_wait3A = tpu.memref_slice %arg3[%mul3A_125] : memref<320000xi32, #tpu.memory_space<hbm>> -> memref<4000xi32, #tpu.memory_space<hbm>>
        %dma_wait3A_126 = tpu.memref_slice %arg3[%mul3A_125] : memref<320000xi32, #tpu.memory_space<hbm>> -> memref<4000xi32, #tpu.memory_space<hbm>>
        tpu.wait_dma2 semaphore(%arg13 : memref<!tpu.dma_semaphore, #tpu.memory_space<semaphore_mem>>) src(%dma_wait3A_126 : memref<4000xi32, #tpu.memory_space<hbm>>) dst(%arg6 : memref<4000xi32, #tpu.memory_space<vmem>>)
      } else {
      }
      %lt3A_111 = arith.constant 80 : i32
      %lt3A_112 = arith.cmpi slt, %add3A_105, %lt3A_111 : i32
      %convert_element_type3A_113 = arith.extui %lt3A_112 : i1 to i32
      %cond3A_114 = arith.constant 0 : i32
      %cond3A_115 = arith.cmpi ne, %convert_element_type3A_113, %cond3A_114 : i32
      %cond3A_116 = scf.if %cond3A_115 -> (i32) {
        %scan3A_124 = arith.constant 0 : i32
        %scan3A_125 = arith.constant 250 : i32
        %scan3A_126 = arith.addi %scan3A_124, %scan3A_125 : i32
        %scan3A_127 = arith.constant 1 : i32
        %scan3A_128 = scf.for %scan3A_130 = %scan3A_124 to %scan3A_126 step %scan3A_127 iter_args(%scan3A_131 = %cond3A_94) -> (i32)  : i32 {
          %mul3A_132 = arith.constant 16 : i32
          %mul3A_133 = arith.muli %scan3A_130, %mul3A_132 : i32
          %get3A = arith.index_cast %mul3A_133 : i32 to index
          %get3A_134 = tpu.vector_load %arg6[%get3A] {strides = array<i32>} : memref<4000xi32, #tpu.memory_space<vmem>>, vector<16xi32>,
          %get3A_135 = vector.shape_cast %get3A_134 : vector<16xi32> to vector<16xi32>
          %sub3A_136 = vector.broadcast %mul3A_2 : i32 to vector<16xi32>
          %sub3A_137 = arith.subi %get3A_135, %sub3A_136 : vector<16xi32>
          %shift_right_arithmetic3A_138 = arith.constant 31 : i32
          %shift_right_arithmetic3A_139 = vector.broadcast %shift_right_arithmetic3A_138 : i32 to vector<16xi32>
          %shift_right_arithmetic3A_140 = arith.shrsi %sub3A_137, %shift_right_arithmetic3A_139 : vector<16xi32>
          %sub3A_141 = arith.constant 319 : i32
          %sub3A_142 = vector.broadcast %sub3A_141 : i32 to vector<16xi32>
          %sub3A_143 = arith.subi %sub3A_142, %sub3A_137 : vector<16xi32>
          %shift_right_arithmetic3A_144 = arith.constant 31 : i32
          %shift_right_arithmetic3A_145 = vector.broadcast %shift_right_arithmetic3A_144 : i32 to vector<16xi32>
          %shift_right_arithmetic3A_146 = arith.shrsi %sub3A_143, %shift_right_arithmetic3A_145 : vector<16xi32>
          %or3A = arith.ori %shift_right_arithmetic3A_140, %shift_right_arithmetic3A_146 : vector<16xi32>
          %add3A_147 = arith.constant 1 : i32
          %add3A_148 = vector.broadcast %add3A_147 : i32 to vector<16xi32>
          %add3A_149 = arith.addi %or3A, %add3A_148 : vector<16xi32>
          %sub3A_150 = arith.constant 1 : i32
          %sub3A_151 = vector.broadcast %sub3A_150 : i32 to vector<16xi32>
          %sub3A_152 = arith.subi %iota3A, %sub3A_151 : vector<16xi32>
          %max3A = arith.constant 0 : i32
          %max3A_153 = vector.broadcast %max3A : i32 to vector<16xi32>
          %max3A_154 = arith.maxsi %sub3A_152, %max3A_153 : vector<16xi32>
          %lt3A_155 = arith.constant 0 : i32
          %lt3A_156 = vector.broadcast %lt3A_155 : i32 to vector<16xi32>
          %lt3A_157 = arith.cmpi slt, %max3A_154, %lt3A_156 : vector<16xi32>
          %add3A_158 = arith.constant 16 : i32
          %add3A_159 = vector.broadcast %add3A_158 : i32 to vector<16xi32>
          %add3A_160 = arith.addi %max3A_154, %add3A_159 : vector<16xi32>
          %select_n3A = arith.select %lt3A_157, %add3A_160, %max3A_154 : vector<16xi1>, vector<16xi32>
          %broadcast_in_dim3A_161 = vector.shape_cast %select_n3A : vector<16xi32> to vector<16x1xi32>
          %gather3A = vector.shape_cast %broadcast_in_dim3A_161 : vector<16x1xi32> to vector<16xi32>
          %gather3A_162 = tpu.dynamic_gather %add3A_149[%gather3A] in [0] : vector<16xi32>, vector<16xi32> -> vector<16xi32>
          %mul3A_163 = arith.muli %gather3A_162, %add3A_25 : vector<16xi32>
          %add3A_164 = arith.addi %add3A_149, %mul3A_163 : vector<16xi32>
          %sub3A_165 = arith.constant 2 : i32
          %sub3A_166 = vector.broadcast %sub3A_165 : i32 to vector<16xi32>
          %sub3A_167 = arith.subi %iota3A, %sub3A_166 : vector<16xi32>
          %max3A_168 = arith.constant 0 : i32
          %max3A_169 = vector.broadcast %max3A_168 : i32 to vector<16xi32>
          %max3A_170 = arith.maxsi %sub3A_167, %max3A_169 : vector<16xi32>
          %lt3A_171 = arith.constant 0 : i32
          %lt3A_172 = vector.broadcast %lt3A_171 : i32 to vector<16xi32>
          %lt3A_173 = arith.cmpi slt, %max3A_170, %lt3A_172 : vector<16xi32>
          %add3A_174 = arith.constant 16 : i32
          %add3A_175 = vector.broadcast %add3A_174 : i32 to vector<16xi32>
          %add3A_176 = arith.addi %max3A_170, %add3A_175 : vector<16xi32>
          %select_n3A_177 = arith.select %lt3A_173, %add3A_176, %max3A_170 : vector<16xi1>, vector<16xi32>
          %broadcast_in_dim3A_178 = vector.shape_cast %select_n3A_177 : vector<16xi32> to vector<16x1xi32>
          %gather3A_179 = vector.shape_cast %broadcast_in_dim3A_178 : vector<16x1xi32> to vector<16xi32>
          %gather3A_180 = tpu.dynamic_gather %add3A_164[%gather3A_179] in [0] : vector<16xi32>, vector<16xi32> -> vector<16xi32>
          %mul3A_181 = arith.muli %gather3A_180, %add3A_34 : vector<16xi32>
          %add3A_182 = arith.addi %add3A_164, %mul3A_181 : vector<16xi32>
          %sub3A_183 = arith.constant 4 : i32
          %sub3A_184 = vector.broadcast %sub3A_183 : i32 to vector<16xi32>
          %sub3A_185 = arith.subi %iota3A, %sub3A_184 : vector<16xi32>
          %max3A_186 = arith.constant 0 : i32
          %max3A_187 = vector.broadcast %max3A_186 : i32 to vector<16xi32>
          %max3A_188 = arith.maxsi %sub3A_185, %max3A_187 : vector<16xi32>
          %lt3A_189 = arith.constant 0 : i32
          %lt3A_190 = vector.broadcast %lt3A_189 : i32 to vector<16xi32>
          %lt3A_191 = arith.cmpi slt, %max3A_188, %lt3A_190 : vector<16xi32>
          %add3A_192 = arith.constant 16 : i32
          %add3A_193 = vector.broadcast %add3A_192 : i32 to vector<16xi32>
          %add3A_194 = arith.addi %max3A_188, %add3A_193 : vector<16xi32>
          %select_n3A_195 = arith.select %lt3A_191, %add3A_194, %max3A_188 : vector<16xi1>, vector<16xi32>
          %broadcast_in_dim3A_196 = vector.shape_cast %select_n3A_195 : vector<16xi32> to vector<16x1xi32>
          %gather3A_197 = vector.shape_cast %broadcast_in_dim3A_196 : vector<16x1xi32> to vector<16xi32>
          %gather3A_198 = tpu.dynamic_gather %add3A_182[%gather3A_197] in [0] : vector<16xi32>, vector<16xi32> -> vector<16xi32>
          %mul3A_199 = arith.muli %gather3A_198, %add3A_43 : vector<16xi32>
          %add3A_200 = arith.addi %add3A_182, %mul3A_199 : vector<16xi32>
          %sub3A_201 = arith.constant 8 : i32
          %sub3A_202 = vector.broadcast %sub3A_201 : i32 to vector<16xi32>
          %sub3A_203 = arith.subi %iota3A, %sub3A_202 : vector<16xi32>
          %max3A_204 = arith.constant 0 : i32
          %max3A_205 = vector.broadcast %max3A_204 : i32 to vector<16xi32>
          %max3A_206 = arith.maxsi %sub3A_203, %max3A_205 : vector<16xi32>
          %lt3A_207 = arith.constant 0 : i32
          %lt3A_208 = vector.broadcast %lt3A_207 : i32 to vector<16xi32>
          %lt3A_209 = arith.cmpi slt, %max3A_206, %lt3A_208 : vector<16xi32>
          %add3A_210 = arith.constant 16 : i32
          %add3A_211 = vector.broadcast %add3A_210 : i32 to vector<16xi32>
          %add3A_212 = arith.addi %max3A_206, %add3A_211 : vector<16xi32>
          %select_n3A_213 = arith.select %lt3A_209, %add3A_212, %max3A_206 : vector<16xi1>, vector<16xi32>
          %broadcast_in_dim3A_214 = vector.shape_cast %select_n3A_213 : vector<16xi32> to vector<16x1xi32>
          %gather3A_215 = vector.shape_cast %broadcast_in_dim3A_214 : vector<16x1xi32> to vector<16xi32>
          %gather3A_216 = tpu.dynamic_gather %add3A_200[%gather3A_215] in [0] : vector<16xi32>, vector<16xi32> -> vector<16xi32>
          %mul3A_217 = arith.muli %gather3A_216, %add3A_52 : vector<16xi32>
          %add3A_218 = arith.addi %add3A_200, %mul3A_217 : vector<16xi32>
          %slice3A = vector.extract_strided_slice %add3A_218 {offsets = [15], sizes = [1], strides = [1]} : vector<16xi32> to vector<1xi32>
          %squeeze3A = vector.extract %slice3A[0] : i32 from vector<1xi32>
          %gt3A_219 = arith.constant 0 : i32
          %gt3A_220 = arith.cmpi sgt, %squeeze3A, %gt3A_219 : i32
          %convert_element_type3A_221 = arith.extui %gt3A_220 : i1 to i32
          %cond3A_222 = arith.constant 0 : i32
          %cond3A_223 = arith.cmpi ne, %convert_element_type3A_221, %cond3A_222 : i32
          scf.if %cond3A_223 {
            %broadcast_in_dim3A_230 = arith.constant 0 : i32
            %broadcast_in_dim3A_231 = vector.broadcast %broadcast_in_dim3A_230 : i32 to vector<16xi32>
            %add3A_232 = arith.constant 7 : i32
            %add3A_233 = vector.broadcast %add3A_232 : i32 to vector<16xi32>
            %add3A_234 = arith.addi %broadcast_in_dim3A_231, %add3A_233 : vector<16xi32>
            %min3A = arith.constant 15 : i32
            %min3A_235 = vector.broadcast %min3A : i32 to vector<16xi32>
            %min3A_236 = arith.minsi %add3A_234, %min3A_235 : vector<16xi32>
            %lt3A_237 = arith.constant 0 : i32
            %lt3A_238 = vector.broadcast %lt3A_237 : i32 to vector<16xi32>
            %lt3A_239 = arith.cmpi slt, %min3A_236, %lt3A_238 : vector<16xi32>
            %add3A_240 = arith.constant 16 : i32
            %add3A_241 = vector.broadcast %add3A_240 : i32 to vector<16xi32>
            %add3A_242 = arith.addi %min3A_236, %add3A_241 : vector<16xi32>
            %select_n3A_243 = arith.select %lt3A_239, %add3A_242, %min3A_236 : vector<16xi1>, vector<16xi32>
            %broadcast_in_dim3A_244 = vector.shape_cast %select_n3A_243 : vector<16xi32> to vector<16x1xi32>
            %gather3A_245 = vector.shape_cast %broadcast_in_dim3A_244 : vector<16x1xi32> to vector<16xi32>
            %gather3A_246 = tpu.dynamic_gather %add3A_218[%gather3A_245] in [0] : vector<16xi32>, vector<16xi32> -> vector<16xi32>
            %sub3A_247 = arith.subi %iota3A, %gather3A_246 : vector<16xi32>
            %shift_right_arithmetic3A_248 = arith.constant 31 : i32
            %shift_right_arithmetic3A_249 = vector.broadcast %shift_right_arithmetic3A_248 : i32 to vector<16xi32>
            %shift_right_arithmetic3A_250 = arith.shrsi %sub3A_247, %shift_right_arithmetic3A_249 : vector<16xi32>
            %add3A_251 = arith.constant 1 : i32
            %add3A_252 = vector.broadcast %add3A_251 : i32 to vector<16xi32>
            %add3A_253 = arith.addi %shift_right_arithmetic3A_250, %add3A_252 : vector<16xi32>
            %mul3A_254 = arith.constant 8 : i32
            %mul3A_255 = vector.broadcast %mul3A_254 : i32 to vector<16xi32>
            %mul3A_256 = arith.muli %mul3A_255, %add3A_253 : vector<16xi32>
            %add3A_257 = arith.addi %broadcast_in_dim3A_231, %mul3A_256 : vector<16xi32>
            %add3A_258 = arith.constant 3 : i32
            %add3A_259 = vector.broadcast %add3A_258 : i32 to vector<16xi32>
            %add3A_260 = arith.addi %add3A_257, %add3A_259 : vector<16xi32>
            %min3A_261 = arith.constant 15 : i32
            %min3A_262 = vector.broadcast %min3A_261 : i32 to vector<16xi32>
            %min3A_263 = arith.minsi %add3A_260, %min3A_262 : vector<16xi32>
            %lt3A_264 = arith.constant 0 : i32
            %lt3A_265 = vector.broadcast %lt3A_264 : i32 to vector<16xi32>
            %lt3A_266 = arith.cmpi slt, %min3A_263, %lt3A_265 : vector<16xi32>
            %add3A_267 = arith.constant 16 : i32
            %add3A_268 = vector.broadcast %add3A_267 : i32 to vector<16xi32>
            %add3A_269 = arith.addi %min3A_263, %add3A_268 : vector<16xi32>
            %select_n3A_270 = arith.select %lt3A_266, %add3A_269, %min3A_263 : vector<16xi1>, vector<16xi32>
            %broadcast_in_dim3A_271 = vector.shape_cast %select_n3A_270 : vector<16xi32> to vector<16x1xi32>
            %gather3A_272 = vector.shape_cast %broadcast_in_dim3A_271 : vector<16x1xi32> to vector<16xi32>
            %gather3A_273 = tpu.dynamic_gather %add3A_218[%gather3A_272] in [0] : vector<16xi32>, vector<16xi32> -> vector<16xi32>
            %sub3A_274 = arith.subi %iota3A, %gather3A_273 : vector<16xi32>
            %shift_right_arithmetic3A_275 = arith.constant 31 : i32
            %shift_right_arithmetic3A_276 = vector.broadcast %shift_right_arithmetic3A_275 : i32 to vector<16xi32>
            %shift_right_arithmetic3A_277 = arith.shrsi %sub3A_274, %shift_right_arithmetic3A_276 : vector<16xi32>
            %add3A_278 = arith.constant 1 : i32
            %add3A_279 = vector.broadcast %add3A_278 : i32 to vector<16xi32>
            %add3A_280 = arith.addi %shift_right_arithmetic3A_277, %add3A_279 : vector<16xi32>
            %mul3A_281 = arith.constant 4 : i32
            %mul3A_282 = vector.broadcast %mul3A_281 : i32 to vector<16xi32>
            %mul3A_283 = arith.muli %mul3A_282, %add3A_280 : vector<16xi32>
            %add3A_284 = arith.addi %add3A_257, %mul3A_283 : vector<16xi32>
            %add3A_285 = arith.constant 1 : i32
            %add3A_286 = vector.broadcast %add3A_285 : i32 to vector<16xi32>
            %add3A_287 = arith.addi %add3A_284, %add3A_286 : vector<16xi32>
            %min3A_288 = arith.constant 15 : i32
            %min3A_289 = vector.broadcast %min3A_288 : i32 to vector<16xi32>
            %min3A_290 = arith.minsi %add3A_287, %min3A_289 : vector<16xi32>
            %lt3A_291 = arith.constant 0 : i32
            %lt3A_292 = vector.broadcast %lt3A_291 : i32 to vector<16xi32>
            %lt3A_293 = arith.cmpi slt, %min3A_290, %lt3A_292 : vector<16xi32>
            %add3A_294 = arith.constant 16 : i32
            %add3A_295 = vector.broadcast %add3A_294 : i32 to vector<16xi32>
            %add3A_296 = arith.addi %min3A_290, %add3A_295 : vector<16xi32>
            %select_n3A_297 = arith.select %lt3A_293, %add3A_296, %min3A_290 : vector<16xi1>, vector<16xi32>
            %broadcast_in_dim3A_298 = vector.shape_cast %select_n3A_297 : vector<16xi32> to vector<16x1xi32>
            %gather3A_299 = vector.shape_cast %broadcast_in_dim3A_298 : vector<16x1xi32> to vector<16xi32>
            %gather3A_300 = tpu.dynamic_gather %add3A_218[%gather3A_299] in [0] : vector<16xi32>, vector<16xi32> -> vector<16xi32>
            %sub3A_301 = arith.subi %iota3A, %gather3A_300 : vector<16xi32>
            %shift_right_arithmetic3A_302 = arith.constant 31 : i32
            %shift_right_arithmetic3A_303 = vector.broadcast %shift_right_arithmetic3A_302 : i32 to vector<16xi32>
            %shift_right_arithmetic3A_304 = arith.shrsi %sub3A_301, %shift_right_arithmetic3A_303 : vector<16xi32>
            %add3A_305 = arith.constant 1 : i32
            %add3A_306 = vector.broadcast %add3A_305 : i32 to vector<16xi32>
            %add3A_307 = arith.addi %shift_right_arithmetic3A_304, %add3A_306 : vector<16xi32>
            %mul3A_308 = arith.constant 2 : i32
            %mul3A_309 = vector.broadcast %mul3A_308 : i32 to vector<16xi32>
            %mul3A_310 = arith.muli %mul3A_309, %add3A_307 : vector<16xi32>
            %add3A_311 = arith.addi %add3A_284, %mul3A_310 : vector<16xi32>
            %add3A_312 = arith.constant 0 : i32
            %add3A_313 = vector.broadcast %add3A_312 : i32 to vector<16xi32>
            %add3A_314 = arith.addi %add3A_311, %add3A_313 : vector<16xi32>
            %min3A_315 = arith.constant 15 : i32
            %min3A_316 = vector.broadcast %min3A_315 : i32 to vector<16xi32>
            %min3A_317 = arith.minsi %add3A_314, %min3A_316 : vector<16xi32>
            %lt3A_318 = arith.constant 0 : i32
            %lt3A_319 = vector.broadcast %lt3A_318 : i32 to vector<16xi32>
            %lt3A_320 = arith.cmpi slt, %min3A_317, %lt3A_319 : vector<16xi32>
            %add3A_321 = arith.constant 16 : i32
            %add3A_322 = vector.broadcast %add3A_321 : i32 to vector<16xi32>
            %add3A_323 = arith.addi %min3A_317, %add3A_322 : vector<16xi32>
            %select_n3A_324 = arith.select %lt3A_320, %add3A_323, %min3A_317 : vector<16xi1>, vector<16xi32>
            %broadcast_in_dim3A_325 = vector.shape_cast %select_n3A_324 : vector<16xi32> to vector<16x1xi32>
            %gather3A_326 = vector.shape_cast %broadcast_in_dim3A_325 : vector<16x1xi32> to vector<16xi32>
            %gather3A_327 = tpu.dynamic_gather %add3A_218[%gather3A_326] in [0] : vector<16xi32>, vector<16xi32> -> vector<16xi32>
            %sub3A_328 = arith.subi %iota3A, %gather3A_327 : vector<16xi32>
            %shift_right_arithmetic3A_329 = arith.constant 31 : i32
            %shift_right_arithmetic3A_330 = vector.broadcast %shift_right_arithmetic3A_329 : i32 to vector<16xi32>
            %shift_right_arithmetic3A_331 = arith.shrsi %sub3A_328, %shift_right_arithmetic3A_330 : vector<16xi32>
            %add3A_332 = arith.constant 1 : i32
            %add3A_333 = vector.broadcast %add3A_332 : i32 to vector<16xi32>
            %add3A_334 = arith.addi %shift_right_arithmetic3A_331, %add3A_333 : vector<16xi32>
            %mul3A_335 = arith.constant 1 : i32
            %mul3A_336 = vector.broadcast %mul3A_335 : i32 to vector<16xi32>
            %mul3A_337 = arith.muli %mul3A_336, %add3A_334 : vector<16xi32>
            %add3A_338 = arith.addi %add3A_311, %mul3A_337 : vector<16xi32>
            %min3A_339 = arith.constant 15 : i32
            %min3A_340 = vector.broadcast %min3A_339 : i32 to vector<16xi32>
            %min3A_341 = arith.minsi %add3A_338, %min3A_340 : vector<16xi32>
            %mul3A_342 = arith.constant 4000 : i32
            %mul3A_343 = arith.muli %add3A_105, %mul3A_342 : i32
            %mul3A_344 = arith.constant 16 : i32
            %mul3A_345 = arith.muli %scan3A_130, %mul3A_344 : i32
            %add3A_346 = arith.addi %mul3A_343, %mul3A_345 : i32
            %add3A_347 = vector.broadcast %add3A_346 : i32 to vector<16xi32>
            %add3A_348 = arith.addi %add3A_347, %iota3A : vector<16xi32>
            %shift_left3A = arith.constant 9 : i32
            %shift_left3A_349 = vector.broadcast %shift_left3A : i32 to vector<16xi32>
            %shift_left3A_350 = arith.shli %add3A_348, %shift_left3A_349 : vector<16xi32>
            %mul3A_351 = arith.muli %sub3A_137, %add3A_149 : vector<16xi32>
            %or3A_352 = arith.ori %shift_left3A_350, %mul3A_351 : vector<16xi32>
            %lt3A_353 = arith.constant 0 : i32
            %lt3A_354 = vector.broadcast %lt3A_353 : i32 to vector<16xi32>
            %lt3A_355 = arith.cmpi slt, %min3A_341, %lt3A_354 : vector<16xi32>
            %add3A_356 = arith.constant 16 : i32
            %add3A_357 = vector.broadcast %add3A_356 : i32 to vector<16xi32>
            %add3A_358 = arith.addi %min3A_341, %add3A_357 : vector<16xi32>
            %select_n3A_359 = arith.select %lt3A_355, %add3A_358, %min3A_341 : vector<16xi1>, vector<16xi32>
            %broadcast_in_dim3A_360 = vector.shape_cast %select_n3A_359 : vector<16xi32> to vector<16x1xi32>
            %gather3A_361 = vector.shape_cast %broadcast_in_dim3A_360 : vector<16x1xi32> to vector<16xi32>
            %gather3A_362 = tpu.dynamic_gather %or3A_352[%gather3A_361] in [0] : vector<16xi32>, vector<16xi32> -> vector<16xi32>
            %shift_right_arithmetic3A_363 = arith.constant 9 : i32
            %shift_right_arithmetic3A_364 = vector.broadcast %shift_right_arithmetic3A_363 : i32 to vector<16xi32>
            %shift_right_arithmetic3A_365 = arith.shrsi %gather3A_362, %shift_right_arithmetic3A_364 : vector<16xi32>
            %swap3A = arith.index_cast %scan3A_131 : i32 to index
            %swap3A_366 = tpu.vector_load %arg7[%swap3A] {strides = array<i32>} : memref<528xi32, #tpu.memory_space<vmem>>, vector<16xi32>,
            %swap3A_367 = vector.shape_cast %swap3A_366 : vector<16xi32> to vector<16xi32>
            %swap3A_368 = vector.shape_cast %shift_right_arithmetic3A_365 : vector<16xi32> to vector<16xi32>
            tpu.vector_store %arg7[%swap3A], %swap3A_368 {strides = array<i32>} : memref<528xi32, #tpu.memory_space<vmem>>, vector<16xi32>,
            %and3A = arith.constant 511 : i32
            %and3A_369 = vector.broadcast %and3A : i32 to vector<16xi32>
            %and3A_370 = arith.andi %gather3A_362, %and3A_369 : vector<16xi32>
            %swap3A_371 = arith.index_cast %scan3A_131 : i32 to index
            %swap3A_372 = tpu.vector_load %arg8[%swap3A_371] {strides = array<i32>} : memref<544xi32, #tpu.memory_space<vmem>>, vector<16xi32>,
            %swap3A_373 = vector.shape_cast %swap3A_372 : vector<16xi32> to vector<16xi32>
            %swap3A_374 = vector.shape_cast %and3A_370 : vector<16xi32> to vector<16xi32>
            tpu.vector_store %arg8[%swap3A_371], %swap3A_374 {strides = array<i32>} : memref<544xi32, #tpu.memory_space<vmem>>, vector<16xi32>,
          } else {
          }
          %add3A_224 = arith.addi %scan3A_131, %squeeze3A : i32
          %ge3A = arith.constant 512 : i32
          %ge3A_225 = arith.cmpi sge, %add3A_224, %ge3A : i32
          %convert_element_type3A_226 = arith.extui %ge3A_225 : i1 to i32
          %cond3A_227 = arith.constant 0 : i32
          %cond3A_228 = arith.cmpi ne, %convert_element_type3A_226, %cond3A_227 : i32
          %cond3A_229 = scf.if %cond3A_228 -> (i32) {
            %dma_start3A_230 = arith.constant 0 : i32
            %dma_start3A_231 = arith.constant 0 : i32
            %dma_start3A_232 = tpu.memref_slice %arg2[%dma_start3A_230, %dma_start3A_231] : memref<320000x128xf32, #tpu.memory_space<hbm>> -> memref<320000x128xf32, #tpu.memory_space<hbm>>
            tpu.enqueue_indirect_dma source(%dma_start3A_232 : memref<320000x128xf32, #tpu.memory_space<hbm>>) target(%arg9 : memref<528x128xf32, #tpu.memory_space<vmem>>) offsets(%arg7 : memref<528xi32, #tpu.memory_space<vmem>>) semaphore(%arg11 : memref<!tpu.dma_semaphore, #tpu.memory_space<semaphore_mem>>)
            %dma_wait3A = arith.constant 0 : i32
            %dma_wait3A_233 = arith.constant 0 : i32
            %dma_wait3A_234 = tpu.memref_slice %arg2[%dma_wait3A, %dma_wait3A_233] : memref<320000x128xf32, #tpu.memory_space<hbm>> -> memref<320000x128xf32, #tpu.memory_space<hbm>>
            tpu.wait_indirect_dma semaphore(%arg11 : memref<!tpu.dma_semaphore, #tpu.memory_space<semaphore_mem>>) src(%dma_wait3A_234 : memref<320000x128xf32, #tpu.memory_space<hbm>>) dst(%arg9 : memref<528x128xf32, #tpu.memory_space<vmem>>)
            %while3A = arith.constant 0 : i32
            %while3A_235 = arith.constant 0 : i32
            %while3A_236 = arith.subi %add3A_224, %while3A : i32
            %while3A_237 = arith.addi %while3A, %while3A_236 : i32
            %while3A_238 = arith.constant 1 : i32
            %while3A_239 = arith.divsi %while3A_236, %while3A_238 : i32
            %while3A_240 = arith.muli %while3A_239, %while3A_238 : i32
            %while3A_241 = arith.addi %while3A, %while3A_240 : i32
            %while3A_242 = arith.constant 1 : i32
            %while3A_243 = scf.for %while3A_247 = %while3A to %while3A_241 step %while3A_242 iter_args(%while3A_248 = %while3A_235) -> (i32)  : i32 {
              %get3A_249 = arith.index_cast %while3A_247 : i32 to index
              %get3A_250 = tpu.vector_load %arg8[%get3A_249] {strides = array<i32>} : memref<544xi32, #tpu.memory_space<vmem>>, vector<16xi32>,
              %get3A_251 = vector.shape_cast %get3A_250 : vector<16xi32> to vector<16xi32>
              %slice3A_252 = vector.extract_strided_slice %get3A_251 {offsets = [0], sizes = [1], strides = [1]} : vector<16xi32> to vector<1xi32>
              %squeeze3A_253 = vector.extract %slice3A_252[0] : i32 from vector<1xi32>
              %get3A_254 = arith.index_cast %squeeze3A_253 : i32 to index
              %get3A_255 = arith.constant 0 : index
              %get3A_256 = tpu.vector_load %arg10[%get3A_254, %get3A_255] {strides = array<i32>} : memref<320x128xf32, #tpu.memory_space<vmem>>, vector<1x16xf32>,
              %get3A_257 = vector.shape_cast %get3A_256 : vector<1x16xf32> to vector<16xf32>
              %get3A_258 = arith.index_cast %while3A_247 : i32 to index
              %get3A_259 = arith.constant 0 : index
              %get3A_260 = tpu.vector_load %arg9[%get3A_258, %get3A_259] {strides = array<i32>} : memref<528x128xf32, #tpu.memory_space<vmem>>, vector<1x16xf32>,
              %get3A_261 = vector.shape_cast %get3A_260 : vector<1x16xf32> to vector<16xf32>
              %max3A_262 = arith.maximumf %get3A_257, %get3A_261 : vector<16xf32>
              %swap3A = arith.index_cast %squeeze3A_253 : i32 to index
              %swap3A_263 = arith.constant 0 : index
              %swap3A_264 = tpu.vector_load %arg10[%swap3A, %swap3A_263] {strides = array<i32>} : memref<320x128xf32, #tpu.memory_space<vmem>>, vector<1x16xf32>,
              %swap3A_265 = vector.shape_cast %swap3A_264 : vector<1x16xf32> to vector<16xf32>
              %swap3A_266 = vector.shape_cast %max3A_262 : vector<16xf32> to vector<1x16xf32>
              tpu.vector_store %arg10[%swap3A, %swap3A_263], %swap3A_266 {strides = array<i32>} : memref<320x128xf32, #tpu.memory_space<vmem>>, vector<1x16xf32>,
              %get3A_267 = arith.index_cast %squeeze3A_253 : i32 to index
              %get3A_268 = arith.constant 16 : index
              %get3A_269 = tpu.vector_load %arg10[%get3A_267, %get3A_268] {strides = array<i32>} : memref<320x128xf32, #tpu.memory_space<vmem>>, vector<1x16xf32>,
              %get3A_270 = vector.shape_cast %get3A_269 : vector<1x16xf32> to vector<16xf32>
              %get3A_271 = arith.index_cast %while3A_247 : i32 to index
              %get3A_272 = arith.constant 16 : index
              %get3A_273 = tpu.vector_load %arg9[%get3A_271, %get3A_272] {strides = array<i32>} : memref<528x128xf32, #tpu.memory_space<vmem>>, vector<1x16xf32>,
              %get3A_274 = vector.shape_cast %get3A_273 : vector<1x16xf32> to vector<16xf32>
              %max3A_275 = arith.maximumf %get3A_270, %get3A_274 : vector<16xf32>
              %swap3A_276 = arith.index_cast %squeeze3A_253 : i32 to index
              %swap3A_277 = arith.constant 16 : index
              %swap3A_278 = tpu.vector_load %arg10[%swap3A_276, %swap3A_277] {strides = array<i32>} : memref<320x128xf32, #tpu.memory_space<vmem>>, vector<1x16xf32>,
              %swap3A_279 = vector.shape_cast %swap3A_278 : vector<1x16xf32> to vector<16xf32>
              %swap3A_280 = vector.shape_cast %max3A_275 : vector<16xf32> to vector<1x16xf32>
              tpu.vector_store %arg10[%swap3A_276, %swap3A_277], %swap3A_280 {strides = array<i32>} : memref<320x128xf32, #tpu.memory_space<vmem>>, vector<1x16xf32>,
              %get3A_281 = arith.index_cast %squeeze3A_253 : i32 to index
              %get3A_282 = arith.constant 32 : index
              %get3A_283 = tpu.vector_load %arg10[%get3A_281, %get3A_282] {strides = array<i32>} : memref<320x128xf32, #tpu.memory_space<vmem>>, vector<1x16xf32>,
              %get3A_284 = vector.shape_cast %get3A_283 : vector<1x16xf32> to vector<16xf32>
              %get3A_285 = arith.index_cast %while3A_247 : i32 to index
              %get3A_286 = arith.constant 32 : index
              %get3A_287 = tpu.vector_load %arg9[%get3A_285, %get3A_286] {strides = array<i32>} : memref<528x128xf32, #tpu.memory_space<vmem>>, vector<1x16xf32>,
              %get3A_288 = vector.shape_cast %get3A_287 : vector<1x16xf32> to vector<16xf32>
              %max3A_289 = arith.maximumf %get3A_284, %get3A_288 : vector<16xf32>
              %swap3A_290 = arith.index_cast %squeeze3A_253 : i32 to index
              %swap3A_291 = arith.constant 32 : index
              %swap3A_292 = tpu.vector_load %arg10[%swap3A_290, %swap3A_291] {strides = array<i32>} : memref<320x128xf32, #tpu.memory_space<vmem>>, vector<1x16xf32>,
              %swap3A_293 = vector.shape_cast %swap3A_292 : vector<1x16xf32> to vector<16xf32>
              %swap3A_294 = vector.shape_cast %max3A_289 : vector<16xf32> to vector<1x16xf32>
              tpu.vector_store %arg10[%swap3A_290, %swap3A_291], %swap3A_294 {strides = array<i32>} : memref<320x128xf32, #tpu.memory_space<vmem>>, vector<1x16xf32>,
              %get3A_295 = arith.index_cast %squeeze3A_253 : i32 to index
              %get3A_296 = arith.constant 48 : index
              %get3A_297 = tpu.vector_load %arg10[%get3A_295, %get3A_296] {strides = array<i32>} : memref<320x128xf32, #tpu.memory_space<vmem>>, vector<1x16xf32>,
              %get3A_298 = vector.shape_cast %get3A_297 : vector<1x16xf32> to vector<16xf32>
              %get3A_299 = arith.index_cast %while3A_247 : i32 to index
              %get3A_300 = arith.constant 48 : index
              %get3A_301 = tpu.vector_load %arg9[%get3A_299, %get3A_300] {strides = array<i32>} : memref<528x128xf32, #tpu.memory_space<vmem>>, vector<1x16xf32>,
              %get3A_302 = vector.shape_cast %get3A_301 : vector<1x16xf32> to vector<16xf32>
              %max3A_303 = arith.maximumf %get3A_298, %get3A_302 : vector<16xf32>
              %swap3A_304 = arith.index_cast %squeeze3A_253 : i32 to index
              %swap3A_305 = arith.constant 48 : index
              %swap3A_306 = tpu.vector_load %arg10[%swap3A_304, %swap3A_305] {strides = array<i32>} : memref<320x128xf32, #tpu.memory_space<vmem>>, vector<1x16xf32>,
              %swap3A_307 = vector.shape_cast %swap3A_306 : vector<1x16xf32> to vector<16xf32>
              %swap3A_308 = vector.shape_cast %max3A_303 : vector<16xf32> to vector<1x16xf32>
              tpu.vector_store %arg10[%swap3A_304, %swap3A_305], %swap3A_308 {strides = array<i32>} : memref<320x128xf32, #tpu.memory_space<vmem>>, vector<1x16xf32>,
              %while3A_309 = arith.constant 0 : i32
              scf.yield %while3A_309 : i32
            }
            %while3A_244 = arith.constant 1 : i32
            %while3A_245 = scf.for %while3A_247 = %while3A_241 to %while3A_237 step %while3A_244 iter_args(%while3A_248 = %while3A_243) -> (i32)  : i32 {
              %get3A_249 = arith.index_cast %while3A_247 : i32 to index
              %get3A_250 = tpu.vector_load %arg8[%get3A_249] {strides = array<i32>} : memref<544xi32, #tpu.memory_space<vmem>>, vector<16xi32>,
              %get3A_251 = vector.shape_cast %get3A_250 : vector<16xi32> to vector<16xi32>
              %slice3A_252 = vector.extract_strided_slice %get3A_251 {offsets = [0], sizes = [1], strides = [1]} : vector<16xi32> to vector<1xi32>
              %squeeze3A_253 = vector.extract %slice3A_252[0] : i32 from vector<1xi32>
              %get3A_254 = arith.index_cast %squeeze3A_253 : i32 to index
              %get3A_255 = arith.constant 0 : index
              %get3A_256 = tpu.vector_load %arg10[%get3A_254, %get3A_255] {strides = array<i32>} : memref<320x128xf32, #tpu.memory_space<vmem>>, vector<1x16xf32>,
              %get3A_257 = vector.shape_cast %get3A_256 : vector<1x16xf32> to vector<16xf32>
              %get3A_258 = arith.index_cast %while3A_247 : i32 to index
              %get3A_259 = arith.constant 0 : index
              %get3A_260 = tpu.vector_load %arg9[%get3A_258, %get3A_259] {strides = array<i32>} : memref<528x128xf32, #tpu.memory_space<vmem>>, vector<1x16xf32>,
              %get3A_261 = vector.shape_cast %get3A_260 : vector<1x16xf32> to vector<16xf32>
              %max3A_262 = arith.maximumf %get3A_257, %get3A_261 : vector<16xf32>
              %swap3A = arith.index_cast %squeeze3A_253 : i32 to index
              %swap3A_263 = arith.constant 0 : index
              %swap3A_264 = tpu.vector_load %arg10[%swap3A, %swap3A_263] {strides = array<i32>} : memref<320x128xf32, #tpu.memory_space<vmem>>, vector<1x16xf32>,
              %swap3A_265 = vector.shape_cast %swap3A_264 : vector<1x16xf32> to vector<16xf32>
              %swap3A_266 = vector.shape_cast %max3A_262 : vector<16xf32> to vector<1x16xf32>
              tpu.vector_store %arg10[%swap3A, %swap3A_263], %swap3A_266 {strides = array<i32>} : memref<320x128xf32, #tpu.memory_space<vmem>>, vector<1x16xf32>,
              %get3A_267 = arith.index_cast %squeeze3A_253 : i32 to index
              %get3A_268 = arith.constant 16 : index
              %get3A_269 = tpu.vector_load %arg10[%get3A_267, %get3A_268] {strides = array<i32>} : memref<320x128xf32, #tpu.memory_space<vmem>>, vector<1x16xf32>,
              %get3A_270 = vector.shape_cast %get3A_269 : vector<1x16xf32> to vector<16xf32>
              %get3A_271 = arith.index_cast %while3A_247 : i32 to index
              %get3A_272 = arith.constant 16 : index
              %get3A_273 = tpu.vector_load %arg9[%get3A_271, %get3A_272] {strides = array<i32>} : memref<528x128xf32, #tpu.memory_space<vmem>>, vector<1x16xf32>,
              %get3A_274 = vector.shape_cast %get3A_273 : vector<1x16xf32> to vector<16xf32>
              %max3A_275 = arith.maximumf %get3A_270, %get3A_274 : vector<16xf32>
              %swap3A_276 = arith.index_cast %squeeze3A_253 : i32 to index
              %swap3A_277 = arith.constant 16 : index
              %swap3A_278 = tpu.vector_load %arg10[%swap3A_276, %swap3A_277] {strides = array<i32>} : memref<320x128xf32, #tpu.memory_space<vmem>>, vector<1x16xf32>,
              %swap3A_279 = vector.shape_cast %swap3A_278 : vector<1x16xf32> to vector<16xf32>
              %swap3A_280 = vector.shape_cast %max3A_275 : vector<16xf32> to vector<1x16xf32>
              tpu.vector_store %arg10[%swap3A_276, %swap3A_277], %swap3A_280 {strides = array<i32>} : memref<320x128xf32, #tpu.memory_space<vmem>>, vector<1x16xf32>,
              %get3A_281 = arith.index_cast %squeeze3A_253 : i32 to index
              %get3A_282 = arith.constant 32 : index
              %get3A_283 = tpu.vector_load %arg10[%get3A_281, %get3A_282] {strides = array<i32>} : memref<320x128xf32, #tpu.memory_space<vmem>>, vector<1x16xf32>,
              %get3A_284 = vector.shape_cast %get3A_283 : vector<1x16xf32> to vector<16xf32>
              %get3A_285 = arith.index_cast %while3A_247 : i32 to index
              %get3A_286 = arith.constant 32 : index
              %get3A_287 = tpu.vector_load %arg9[%get3A_285, %get3A_286] {strides = array<i32>} : memref<528x128xf32, #tpu.memory_space<vmem>>, vector<1x16xf32>,
              %get3A_288 = vector.shape_cast %get3A_287 : vector<1x16xf32> to vector<16xf32>
              %max3A_289 = arith.maximumf %get3A_284, %get3A_288 : vector<16xf32>
              %swap3A_290 = arith.index_cast %squeeze3A_253 : i32 to index
              %swap3A_291 = arith.constant 32 : index
              %swap3A_292 = tpu.vector_load %arg10[%swap3A_290, %swap3A_291] {strides = array<i32>} : memref<320x128xf32, #tpu.memory_space<vmem>>, vector<1x16xf32>,
              %swap3A_293 = vector.shape_cast %swap3A_292 : vector<1x16xf32> to vector<16xf32>
              %swap3A_294 = vector.shape_cast %max3A_289 : vector<16xf32> to vector<1x16xf32>
              tpu.vector_store %arg10[%swap3A_290, %swap3A_291], %swap3A_294 {strides = array<i32>} : memref<320x128xf32, #tpu.memory_space<vmem>>, vector<1x16xf32>,
              %get3A_295 = arith.index_cast %squeeze3A_253 : i32 to index
              %get3A_296 = arith.constant 48 : index
              %get3A_297 = tpu.vector_load %arg10[%get3A_295, %get3A_296] {strides = array<i32>} : memref<320x128xf32, #tpu.memory_space<vmem>>, vector<1x16xf32>,
              %get3A_298 = vector.shape_cast %get3A_297 : vector<1x16xf32> to vector<16xf32>
              %get3A_299 = arith.index_cast %while3A_247 : i32 to index
              %get3A_300 = arith.constant 48 : index
              %get3A_301 = tpu.vector_load %arg9[%get3A_299, %get3A_300] {strides = array<i32>} : memref<528x128xf32, #tpu.memory_space<vmem>>, vector<1x16xf32>,
              %get3A_302 = vector.shape_cast %get3A_301 : vector<1x16xf32> to vector<16xf32>
              %max3A_303 = arith.maximumf %get3A_298, %get3A_302 : vector<16xf32>
              %swap3A_304 = arith.index_cast %squeeze3A_253 : i32 to index
              %swap3A_305 = arith.constant 48 : index
              %swap3A_306 = tpu.vector_load %arg10[%swap3A_304, %swap3A_305] {strides = array<i32>} : memref<320x128xf32, #tpu.memory_space<vmem>>, vector<1x16xf32>,
              %swap3A_307 = vector.shape_cast %swap3A_306 : vector<1x16xf32> to vector<16xf32>
              %swap3A_308 = vector.shape_cast %max3A_303 : vector<16xf32> to vector<1x16xf32>
              tpu.vector_store %arg10[%swap3A_304, %swap3A_305], %swap3A_308 {strides = array<i32>} : memref<320x128xf32, #tpu.memory_space<vmem>>, vector<1x16xf32>,
              %while3A_309 = arith.constant 0 : i32
              scf.yield %while3A_309 : i32
            }
            %cond3A_246 = arith.constant 0 : i32
            scf.yield %cond3A_246 : i32
          } else {
            scf.yield %add3A_224 : i32
          }
          scf.yield %cond3A_229 : i32
        }
        %scan3A_129 = arith.constant 250 : i32
        scf.yield %scan3A_128 : i32
      } else {
        scf.yield %cond3A_94 : i32
      }
      %add3A_117 = arith.constant 2 : i32
      %add3A_118 = arith.addi %add3A_105, %add3A_117 : i32
      %lt3A_119 = arith.constant 80 : i32
      %lt3A_120 = arith.cmpi slt, %add3A_118, %lt3A_119 : i32
      %convert_element_type3A_121 = arith.extui %lt3A_120 : i1 to i32
      %cond3A_122 = arith.constant 0 : i32
      %cond3A_123 = arith.cmpi ne, %convert_element_type3A_121, %cond3A_122 : i32
      scf.if %cond3A_123 {
        %add3A_124 = arith.constant 2 : i32
        %add3A_125 = arith.addi %add3A_105, %add3A_124 : i32
        %mul3A_126 = arith.constant 4000 : i32
        %mul3A_127 = arith.muli %add3A_125, %mul3A_126 : i32
        %dma_start3A_128 = tpu.memref_slice %arg3[%mul3A_127] : memref<320000xi32, #tpu.memory_space<hbm>> -> memref<4000xi32, #tpu.memory_space<hbm>>
        %dma_start3A_129 = tpu.memref_slice %arg3[%mul3A_127] : memref<320000xi32, #tpu.memory_space<hbm>> -> memref<4000xi32, #tpu.memory_space<hbm>>
        tpu.enqueue_dma source(%dma_start3A_129 : memref<4000xi32, #tpu.memory_space<hbm>>) target(%arg6 : memref<4000xi32, #tpu.memory_space<vmem>>) target_semaphore(%arg13 : memref<!tpu.dma_semaphore, #tpu.memory_space<semaphore_mem>>)
      } else {
      }
      scf.yield %cond3A_116 : i32
    }
    %scan3A_66 = arith.constant 40 : i32
    %gt3A = arith.constant 0 : i32
    %gt3A_67 = arith.cmpi sgt, %scan3A_65, %gt3A : i32
    %convert_element_type3A = arith.extui %gt3A_67 : i1 to i32
    %cond3A = arith.constant 0 : i32
    %cond3A_68 = arith.cmpi ne, %convert_element_type3A, %cond3A : i32
    %cond3A_69 = scf.if %cond3A_68 -> (i32) {
      %dma_start3A_78 = arith.constant 0 : i32
      %dma_start3A_79 = arith.constant 0 : i32
      %dma_start3A_80 = tpu.memref_slice %arg2[%dma_start3A_78, %dma_start3A_79] : memref<320000x128xf32, #tpu.memory_space<hbm>> -> memref<320000x128xf32, #tpu.memory_space<hbm>>
      tpu.enqueue_indirect_dma source(%dma_start3A_80 : memref<320000x128xf32, #tpu.memory_space<hbm>>) target(%arg9 : memref<528x128xf32, #tpu.memory_space<vmem>>) offsets(%arg7 : memref<528xi32, #tpu.memory_space<vmem>>) semaphore(%arg11 : memref<!tpu.dma_semaphore, #tpu.memory_space<semaphore_mem>>)
      %dma_wait3A = arith.constant 0 : i32
      %dma_wait3A_81 = arith.constant 0 : i32
      %dma_wait3A_82 = tpu.memref_slice %arg2[%dma_wait3A, %dma_wait3A_81] : memref<320000x128xf32, #tpu.memory_space<hbm>> -> memref<320000x128xf32, #tpu.memory_space<hbm>>
      tpu.wait_indirect_dma semaphore(%arg11 : memref<!tpu.dma_semaphore, #tpu.memory_space<semaphore_mem>>) src(%dma_wait3A_82 : memref<320000x128xf32, #tpu.memory_space<hbm>>) dst(%arg9 : memref<528x128xf32, #tpu.memory_space<vmem>>)
      %while3A = arith.constant 0 : i32
      %while3A_83 = arith.constant 0 : i32
      %while3A_84 = arith.subi %scan3A_65, %while3A : i32
      %while3A_85 = arith.addi %while3A, %while3A_84 : i32
      %while3A_86 = arith.constant 1 : i32
      %while3A_87 = arith.divsi %while3A_84, %while3A_86 : i32
      %while3A_88 = arith.muli %while3A_87, %while3A_86 : i32
      %while3A_89 = arith.addi %while3A, %while3A_88 : i32
      %while3A_90 = arith.constant 1 : i32
      %while3A_91 = scf.for %while3A_95 = %while3A to %while3A_89 step %while3A_90 iter_args(%while3A_96 = %while3A_83) -> (i32)  : i32 {
        %get3A = arith.index_cast %while3A_95 : i32 to index
        %get3A_97 = tpu.vector_load %arg8[%get3A] {strides = array<i32>} : memref<544xi32, #tpu.memory_space<vmem>>, vector<16xi32>,
        %get3A_98 = vector.shape_cast %get3A_97 : vector<16xi32> to vector<16xi32>
        %slice3A = vector.extract_strided_slice %get3A_98 {offsets = [0], sizes = [1], strides = [1]} : vector<16xi32> to vector<1xi32>
        %squeeze3A = vector.extract %slice3A[0] : i32 from vector<1xi32>
        %get3A_99 = arith.index_cast %squeeze3A : i32 to index
        %get3A_100 = arith.constant 0 : index
        %get3A_101 = tpu.vector_load %arg10[%get3A_99, %get3A_100] {strides = array<i32>} : memref<320x128xf32, #tpu.memory_space<vmem>>, vector<1x16xf32>,
        %get3A_102 = vector.shape_cast %get3A_101 : vector<1x16xf32> to vector<16xf32>
        %get3A_103 = arith.index_cast %while3A_95 : i32 to index
        %get3A_104 = arith.constant 0 : index
        %get3A_105 = tpu.vector_load %arg9[%get3A_103, %get3A_104] {strides = array<i32>} : memref<528x128xf32, #tpu.memory_space<vmem>>, vector<1x16xf32>,
        %get3A_106 = vector.shape_cast %get3A_105 : vector<1x16xf32> to vector<16xf32>
        %max3A = arith.maximumf %get3A_102, %get3A_106 : vector<16xf32>
        %swap3A = arith.index_cast %squeeze3A : i32 to index
        %swap3A_107 = arith.constant 0 : index
        %swap3A_108 = tpu.vector_load %arg10[%swap3A, %swap3A_107] {strides = array<i32>} : memref<320x128xf32, #tpu.memory_space<vmem>>, vector<1x16xf32>,
        %swap3A_109 = vector.shape_cast %swap3A_108 : vector<1x16xf32> to vector<16xf32>
        %swap3A_110 = vector.shape_cast %max3A : vector<16xf32> to vector<1x16xf32>
        tpu.vector_store %arg10[%swap3A, %swap3A_107], %swap3A_110 {strides = array<i32>} : memref<320x128xf32, #tpu.memory_space<vmem>>, vector<1x16xf32>,
        %get3A_111 = arith.index_cast %squeeze3A : i32 to index
        %get3A_112 = arith.constant 16 : index
        %get3A_113 = tpu.vector_load %arg10[%get3A_111, %get3A_112] {strides = array<i32>} : memref<320x128xf32, #tpu.memory_space<vmem>>, vector<1x16xf32>,
        %get3A_114 = vector.shape_cast %get3A_113 : vector<1x16xf32> to vector<16xf32>
        %get3A_115 = arith.index_cast %while3A_95 : i32 to index
        %get3A_116 = arith.constant 16 : index
        %get3A_117 = tpu.vector_load %arg9[%get3A_115, %get3A_116] {strides = array<i32>} : memref<528x128xf32, #tpu.memory_space<vmem>>, vector<1x16xf32>,
        %get3A_118 = vector.shape_cast %get3A_117 : vector<1x16xf32> to vector<16xf32>
        %max3A_119 = arith.maximumf %get3A_114, %get3A_118 : vector<16xf32>
        %swap3A_120 = arith.index_cast %squeeze3A : i32 to index
        %swap3A_121 = arith.constant 16 : index
        %swap3A_122 = tpu.vector_load %arg10[%swap3A_120, %swap3A_121] {strides = array<i32>} : memref<320x128xf32, #tpu.memory_space<vmem>>, vector<1x16xf32>,
        %swap3A_123 = vector.shape_cast %swap3A_122 : vector<1x16xf32> to vector<16xf32>
        %swap3A_124 = vector.shape_cast %max3A_119 : vector<16xf32> to vector<1x16xf32>
        tpu.vector_store %arg10[%swap3A_120, %swap3A_121], %swap3A_124 {strides = array<i32>} : memref<320x128xf32, #tpu.memory_space<vmem>>, vector<1x16xf32>,
        %get3A_125 = arith.index_cast %squeeze3A : i32 to index
        %get3A_126 = arith.constant 32 : index
        %get3A_127 = tpu.vector_load %arg10[%get3A_125, %get3A_126] {strides = array<i32>} : memref<320x128xf32, #tpu.memory_space<vmem>>, vector<1x16xf32>,
        %get3A_128 = vector.shape_cast %get3A_127 : vector<1x16xf32> to vector<16xf32>
        %get3A_129 = arith.index_cast %while3A_95 : i32 to index
        %get3A_130 = arith.constant 32 : index
        %get3A_131 = tpu.vector_load %arg9[%get3A_129, %get3A_130] {strides = array<i32>} : memref<528x128xf32, #tpu.memory_space<vmem>>, vector<1x16xf32>,
        %get3A_132 = vector.shape_cast %get3A_131 : vector<1x16xf32> to vector<16xf32>
        %max3A_133 = arith.maximumf %get3A_128, %get3A_132 : vector<16xf32>
        %swap3A_134 = arith.index_cast %squeeze3A : i32 to index
        %swap3A_135 = arith.constant 32 : index
        %swap3A_136 = tpu.vector_load %arg10[%swap3A_134, %swap3A_135] {strides = array<i32>} : memref<320x128xf32, #tpu.memory_space<vmem>>, vector<1x16xf32>,
        %swap3A_137 = vector.shape_cast %swap3A_136 : vector<1x16xf32> to vector<16xf32>
        %swap3A_138 = vector.shape_cast %max3A_133 : vector<16xf32> to vector<1x16xf32>
        tpu.vector_store %arg10[%swap3A_134, %swap3A_135], %swap3A_138 {strides = array<i32>} : memref<320x128xf32, #tpu.memory_space<vmem>>, vector<1x16xf32>,
        %get3A_139 = arith.index_cast %squeeze3A : i32 to index
        %get3A_140 = arith.constant 48 : index
        %get3A_141 = tpu.vector_load %arg10[%get3A_139, %get3A_140] {strides = array<i32>} : memref<320x128xf32, #tpu.memory_space<vmem>>, vector<1x16xf32>,
        %get3A_142 = vector.shape_cast %get3A_141 : vector<1x16xf32> to vector<16xf32>
        %get3A_143 = arith.index_cast %while3A_95 : i32 to index
        %get3A_144 = arith.constant 48 : index
        %get3A_145 = tpu.vector_load %arg9[%get3A_143, %get3A_144] {strides = array<i32>} : memref<528x128xf32, #tpu.memory_space<vmem>>, vector<1x16xf32>,
        %get3A_146 = vector.shape_cast %get3A_145 : vector<1x16xf32> to vector<16xf32>
        %max3A_147 = arith.maximumf %get3A_142, %get3A_146 : vector<16xf32>
        %swap3A_148 = arith.index_cast %squeeze3A : i32 to index
        %swap3A_149 = arith.constant 48 : index
        %swap3A_150 = tpu.vector_load %arg10[%swap3A_148, %swap3A_149] {strides = array<i32>} : memref<320x128xf32, #tpu.memory_space<vmem>>, vector<1x16xf32>,
        %swap3A_151 = vector.shape_cast %swap3A_150 : vector<1x16xf32> to vector<16xf32>
        %swap3A_152 = vector.shape_cast %max3A_147 : vector<16xf32> to vector<1x16xf32>
        tpu.vector_store %arg10[%swap3A_148, %swap3A_149], %swap3A_152 {strides = array<i32>} : memref<320x128xf32, #tpu.memory_space<vmem>>, vector<1x16xf32>,
        %while3A_153 = arith.constant 0 : i32
        scf.yield %while3A_153 : i32
      }
      %while3A_92 = arith.constant 1 : i32
      %while3A_93 = scf.for %while3A_95 = %while3A_89 to %while3A_85 step %while3A_92 iter_args(%while3A_96 = %while3A_91) -> (i32)  : i32 {
        %get3A = arith.index_cast %while3A_95 : i32 to index
        %get3A_97 = tpu.vector_load %arg8[%get3A] {strides = array<i32>} : memref<544xi32, #tpu.memory_space<vmem>>, vector<16xi32>,
        %get3A_98 = vector.shape_cast %get3A_97 : vector<16xi32> to vector<16xi32>
        %slice3A = vector.extract_strided_slice %get3A_98 {offsets = [0], sizes = [1], strides = [1]} : vector<16xi32> to vector<1xi32>
        %squeeze3A = vector.extract %slice3A[0] : i32 from vector<1xi32>
        %get3A_99 = arith.index_cast %squeeze3A : i32 to index
        %get3A_100 = arith.constant 0 : index
        %get3A_101 = tpu.vector_load %arg10[%get3A_99, %get3A_100] {strides = array<i32>} : memref<320x128xf32, #tpu.memory_space<vmem>>, vector<1x16xf32>,
        %get3A_102 = vector.shape_cast %get3A_101 : vector<1x16xf32> to vector<16xf32>
        %get3A_103 = arith.index_cast %while3A_95 : i32 to index
        %get3A_104 = arith.constant 0 : index
        %get3A_105 = tpu.vector_load %arg9[%get3A_103, %get3A_104] {strides = array<i32>} : memref<528x128xf32, #tpu.memory_space<vmem>>, vector<1x16xf32>,
        %get3A_106 = vector.shape_cast %get3A_105 : vector<1x16xf32> to vector<16xf32>
        %max3A = arith.maximumf %get3A_102, %get3A_106 : vector<16xf32>
        %swap3A = arith.index_cast %squeeze3A : i32 to index
        %swap3A_107 = arith.constant 0 : index
        %swap3A_108 = tpu.vector_load %arg10[%swap3A, %swap3A_107] {strides = array<i32>} : memref<320x128xf32, #tpu.memory_space<vmem>>, vector<1x16xf32>,
        %swap3A_109 = vector.shape_cast %swap3A_108 : vector<1x16xf32> to vector<16xf32>
        %swap3A_110 = vector.shape_cast %max3A : vector<16xf32> to vector<1x16xf32>
        tpu.vector_store %arg10[%swap3A, %swap3A_107], %swap3A_110 {strides = array<i32>} : memref<320x128xf32, #tpu.memory_space<vmem>>, vector<1x16xf32>,
        %get3A_111 = arith.index_cast %squeeze3A : i32 to index
        %get3A_112 = arith.constant 16 : index
        %get3A_113 = tpu.vector_load %arg10[%get3A_111, %get3A_112] {strides = array<i32>} : memref<320x128xf32, #tpu.memory_space<vmem>>, vector<1x16xf32>,
        %get3A_114 = vector.shape_cast %get3A_113 : vector<1x16xf32> to vector<16xf32>
        %get3A_115 = arith.index_cast %while3A_95 : i32 to index
        %get3A_116 = arith.constant 16 : index
        %get3A_117 = tpu.vector_load %arg9[%get3A_115, %get3A_116] {strides = array<i32>} : memref<528x128xf32, #tpu.memory_space<vmem>>, vector<1x16xf32>,
        %get3A_118 = vector.shape_cast %get3A_117 : vector<1x16xf32> to vector<16xf32>
        %max3A_119 = arith.maximumf %get3A_114, %get3A_118 : vector<16xf32>
        %swap3A_120 = arith.index_cast %squeeze3A : i32 to index
        %swap3A_121 = arith.constant 16 : index
        %swap3A_122 = tpu.vector_load %arg10[%swap3A_120, %swap3A_121] {strides = array<i32>} : memref<320x128xf32, #tpu.memory_space<vmem>>, vector<1x16xf32>,
        %swap3A_123 = vector.shape_cast %swap3A_122 : vector<1x16xf32> to vector<16xf32>
        %swap3A_124 = vector.shape_cast %max3A_119 : vector<16xf32> to vector<1x16xf32>
        tpu.vector_store %arg10[%swap3A_120, %swap3A_121], %swap3A_124 {strides = array<i32>} : memref<320x128xf32, #tpu.memory_space<vmem>>, vector<1x16xf32>,
        %get3A_125 = arith.index_cast %squeeze3A : i32 to index
        %get3A_126 = arith.constant 32 : index
        %get3A_127 = tpu.vector_load %arg10[%get3A_125, %get3A_126] {strides = array<i32>} : memref<320x128xf32, #tpu.memory_space<vmem>>, vector<1x16xf32>,
        %get3A_128 = vector.shape_cast %get3A_127 : vector<1x16xf32> to vector<16xf32>
        %get3A_129 = arith.index_cast %while3A_95 : i32 to index
        %get3A_130 = arith.constant 32 : index
        %get3A_131 = tpu.vector_load %arg9[%get3A_129, %get3A_130] {strides = array<i32>} : memref<528x128xf32, #tpu.memory_space<vmem>>, vector<1x16xf32>,
        %get3A_132 = vector.shape_cast %get3A_131 : vector<1x16xf32> to vector<16xf32>
        %max3A_133 = arith.maximumf %get3A_128, %get3A_132 : vector<16xf32>
        %swap3A_134 = arith.index_cast %squeeze3A : i32 to index
        %swap3A_135 = arith.constant 32 : index
        %swap3A_136 = tpu.vector_load %arg10[%swap3A_134, %swap3A_135] {strides = array<i32>} : memref<320x128xf32, #tpu.memory_space<vmem>>, vector<1x16xf32>,
        %swap3A_137 = vector.shape_cast %swap3A_136 : vector<1x16xf32> to vector<16xf32>
        %swap3A_138 = vector.shape_cast %max3A_133 : vector<16xf32> to vector<1x16xf32>
        tpu.vector_store %arg10[%swap3A_134, %swap3A_135], %swap3A_138 {strides = array<i32>} : memref<320x128xf32, #tpu.memory_space<vmem>>, vector<1x16xf32>,
        %get3A_139 = arith.index_cast %squeeze3A : i32 to index
        %get3A_140 = arith.constant 48 : index
        %get3A_141 = tpu.vector_load %arg10[%get3A_139, %get3A_140] {strides = array<i32>} : memref<320x128xf32, #tpu.memory_space<vmem>>, vector<1x16xf32>,
        %get3A_142 = vector.shape_cast %get3A_141 : vector<1x16xf32> to vector<16xf32>
        %get3A_143 = arith.index_cast %while3A_95 : i32 to index
        %get3A_144 = arith.constant 48 : index
        %get3A_145 = tpu.vector_load %arg9[%get3A_143, %get3A_144] {strides = array<i32>} : memref<528x128xf32, #tpu.memory_space<vmem>>, vector<1x16xf32>,
        %get3A_146 = vector.shape_cast %get3A_145 : vector<1x16xf32> to vector<16xf32>
        %max3A_147 = arith.maximumf %get3A_142, %get3A_146 : vector<16xf32>
        %swap3A_148 = arith.index_cast %squeeze3A : i32 to index
        %swap3A_149 = arith.constant 48 : index
        %swap3A_150 = tpu.vector_load %arg10[%swap3A_148, %swap3A_149] {strides = array<i32>} : memref<320x128xf32, #tpu.memory_space<vmem>>, vector<1x16xf32>,
        %swap3A_151 = vector.shape_cast %swap3A_150 : vector<1x16xf32> to vector<16xf32>
        %swap3A_152 = vector.shape_cast %max3A_147 : vector<16xf32> to vector<1x16xf32>
        tpu.vector_store %arg10[%swap3A_148, %swap3A_149], %swap3A_152 {strides = array<i32>} : memref<320x128xf32, #tpu.memory_space<vmem>>, vector<1x16xf32>,
        %while3A_153 = arith.constant 0 : i32
        scf.yield %while3A_153 : i32
      }
      %cond3A_94 = arith.constant 0 : i32
      scf.yield %cond3A_94 : i32
    } else {
      %cond3A_78 = arith.constant 0 : i32
      scf.yield %cond3A_78 : i32
    }
    %lt3A = arith.constant 31 : i32
    %lt3A_70 = arith.cmpi slt, %add3A, %lt3A : i32
    %convert_element_type3A_71 = arith.extui %lt3A_70 : i1 to i32
    %cond3A_72 = arith.constant 0 : i32
    %cond3A_73 = arith.cmpi ne, %convert_element_type3A_71, %cond3A_72 : i32
    scf.if %cond3A_73 {
      "tpu.region"() ({
        %run_scoped3A = tpu.sem_alloc : memref<!tpu.dma_semaphore, #tpu.memory_space<semaphore_mem>>
        %dma_start3A_78 = arith.constant 0 : i32
        %dma_start3A_79 = arith.constant 0 : i32
        %dma_start3A_80 = tpu.memref_slice %arg10[%dma_start3A_78, %dma_start3A_79] : memref<320x128xf32, #tpu.memory_space<vmem>> -> memref<320x128xf32, #tpu.memory_space<vmem>>
        %dma_start3A_81 = arith.constant 0 : i32
        %dma_start3A_82 = tpu.memref_slice %arg4[%mul3A_2, %dma_start3A_81] : memref<10000x128xf32, #tpu.memory_space<hbm>> -> memref<320x128xf32, #tpu.memory_space<hbm>>
        %dma_start3A_83 = arith.constant 0 : i32
        %dma_start3A_84 = tpu.memref_slice %arg4[%mul3A_2, %dma_start3A_83] : memref<10000x128xf32, #tpu.memory_space<hbm>> -> memref<320x128xf32, #tpu.memory_space<hbm>>
        %dma_start3A_85 = arith.constant 0 : i32
        %dma_start3A_86 = arith.constant 0 : i32
        %dma_start3A_87 = tpu.memref_slice %arg10[%dma_start3A_85, %dma_start3A_86] : memref<320x128xf32, #tpu.memory_space<vmem>> -> memref<320x128xf32, #tpu.memory_space<vmem>>
        tpu.enqueue_dma source(%dma_start3A_87 : memref<320x128xf32, #tpu.memory_space<vmem>>) target(%dma_start3A_84 : memref<320x128xf32, #tpu.memory_space<hbm>>) target_semaphore(%run_scoped3A : memref<!tpu.dma_semaphore, #tpu.memory_space<semaphore_mem>>)
        %dma_wait3A = arith.constant 0 : i32
        %dma_wait3A_88 = arith.constant 0 : i32
        %dma_wait3A_89 = tpu.memref_slice %arg10[%dma_wait3A, %dma_wait3A_88] : memref<320x128xf32, #tpu.memory_space<vmem>> -> memref<320x128xf32, #tpu.memory_space<vmem>>
        %dma_wait3A_90 = arith.constant 0 : i32
        %dma_wait3A_91 = tpu.memref_slice %arg4[%mul3A_2, %dma_wait3A_90] : memref<10000x128xf32, #tpu.memory_space<hbm>> -> memref<320x128xf32, #tpu.memory_space<hbm>>
        %dma_wait3A_92 = arith.constant 0 : i32
        %dma_wait3A_93 = tpu.memref_slice %arg4[%mul3A_2, %dma_wait3A_92] : memref<10000x128xf32, #tpu.memory_space<hbm>> -> memref<320x128xf32, #tpu.memory_space<hbm>>
        %dma_wait3A_94 = arith.constant 0 : i32
        %dma_wait3A_95 = arith.constant 0 : i32
        %dma_wait3A_96 = tpu.memref_slice %arg10[%dma_wait3A_94, %dma_wait3A_95] : memref<320x128xf32, #tpu.memory_space<vmem>> -> memref<320x128xf32, #tpu.memory_space<vmem>>
        tpu.wait_dma2 semaphore(%run_scoped3A : memref<!tpu.dma_semaphore, #tpu.memory_space<semaphore_mem>>) src(%dma_wait3A_96 : memref<320x128xf32, #tpu.memory_space<vmem>>) dst(%dma_wait3A_93 : memref<320x128xf32, #tpu.memory_space<hbm>>)
        tpu.yield
      }) : () -> ()
    } else {
    }
    %eq3A = arith.constant 31 : i32
    %eq3A_74 = arith.cmpi eq, %add3A, %eq3A : i32
    %convert_element_type3A_75 = arith.extui %eq3A_74 : i1 to i32
    %cond3A_76 = arith.constant 0 : i32
    %cond3A_77 = arith.cmpi ne, %convert_element_type3A_75, %cond3A_76 : i32
    scf.if %cond3A_77 {
      "tpu.region"() ({
        %run_scoped3A = tpu.sem_alloc : memref<!tpu.dma_semaphore, #tpu.memory_space<semaphore_mem>>
        %dma_start3A_78 = arith.constant 0 : i32
        %dma_start3A_79 = arith.constant 0 : i32
        %dma_start3A_80 = tpu.memref_slice %arg10[%dma_start3A_78, %dma_start3A_79] : memref<320x128xf32, #tpu.memory_space<vmem>> -> memref<80x128xf32, #tpu.memory_space<vmem>>
        %dma_start3A_81 = arith.constant 0 : i32
        %dma_start3A_82 = tpu.memref_slice %arg4[%mul3A_2, %dma_start3A_81] : memref<10000x128xf32, #tpu.memory_space<hbm>> -> memref<80x128xf32, #tpu.memory_space<hbm>>
        %dma_start3A_83 = arith.constant 0 : i32
        %dma_start3A_84 = tpu.memref_slice %arg4[%mul3A_2, %dma_start3A_83] : memref<10000x128xf32, #tpu.memory_space<hbm>> -> memref<80x128xf32, #tpu.memory_space<hbm>>
        %dma_start3A_85 = arith.constant 0 : i32
        %dma_start3A_86 = arith.constant 0 : i32
        %dma_start3A_87 = tpu.memref_slice %arg10[%dma_start3A_85, %dma_start3A_86] : memref<320x128xf32, #tpu.memory_space<vmem>> -> memref<80x128xf32, #tpu.memory_space<vmem>>
        tpu.enqueue_dma source(%dma_start3A_87 : memref<80x128xf32, #tpu.memory_space<vmem>>) target(%dma_start3A_84 : memref<80x128xf32, #tpu.memory_space<hbm>>) target_semaphore(%run_scoped3A : memref<!tpu.dma_semaphore, #tpu.memory_space<semaphore_mem>>)
        %dma_wait3A = arith.constant 0 : i32
        %dma_wait3A_88 = arith.constant 0 : i32
        %dma_wait3A_89 = tpu.memref_slice %arg10[%dma_wait3A, %dma_wait3A_88] : memref<320x128xf32, #tpu.memory_space<vmem>> -> memref<80x128xf32, #tpu.memory_space<vmem>>
        %dma_wait3A_90 = arith.constant 0 : i32
        %dma_wait3A_91 = tpu.memref_slice %arg4[%mul3A_2, %dma_wait3A_90] : memref<10000x128xf32, #tpu.memory_space<hbm>> -> memref<80x128xf32, #tpu.memory_space<hbm>>
        %dma_wait3A_92 = arith.constant 0 : i32
        %dma_wait3A_93 = tpu.memref_slice %arg4[%mul3A_2, %dma_wait3A_92] : memref<10000x128xf32, #tpu.memory_space<hbm>> -> memref<80x128xf32, #tpu.memory_space<hbm>>
        %dma_wait3A_94 = arith.constant 0 : i32
        %dma_wait3A_95 = arith.constant 0 : i32
        %dma_wait3A_96 = tpu.memref_slice %arg10[%dma_wait3A_94, %dma_wait3A_95] : memref<320x128xf32, #tpu.memory_space<vmem>> -> memref<80x128xf32, #tpu.memory_space<vmem>>
        tpu.wait_dma2 semaphore(%run_scoped3A : memref<!tpu.dma_semaphore, #tpu.memory_space<semaphore_mem>>) src(%dma_wait3A_96 : memref<80x128xf32, #tpu.memory_space<vmem>>) dst(%dma_wait3A_93 : memref<80x128xf32, #tpu.memory_space<hbm>>)
        tpu.yield
      }) : () -> ()
    } else {
    }
    return
  }
}

module attributes {stable_mosaic.version = 14 : i64} {
  func.func @_prep1_body(%arg0: memref<10000x3xf32, #tpu.memory_space<vmem>>, %arg1: memref<3x64xf32, #tpu.memory_space<vmem>>, %arg2: memref<3x64xf32, #tpu.memory_space<vmem>>, %arg3: memref<64xf32, #tpu.memory_space<vmem>>, %arg4: memref<10000x128xf32, #tpu.memory_space<vmem>>) attributes {dimension_semantics = [], scalar_prefetch = 0 : i64, scratch_operands = 0 : i64, tpu.core_type = #tpu.core_type<tc>} {
    %get3A = arith.constant 0 : index
    %get3A_0 = arith.constant 0 : index
    %get3A_1 = vector.load %arg0[%get3A, %get3A_0] : memref<10000x3xf32, #tpu.memory_space<vmem>>, vector<10000x3xf32>
    %get3A_2 = arith.constant 0 : index
    %get3A_3 = arith.constant 0 : index
    %get3A_4 = vector.load %arg1[%get3A_2, %get3A_3] : memref<3x64xf32, #tpu.memory_space<vmem>>, vector<3x64xf32>
    %dot_general3A = arith.constant dense<0.000000e+00> : vector<10000x64xf32>
    %dot_general3A_5 = tpu.matmul %get3A_1, %get3A_4, %dot_general3A {dimension_numbers = #tpu.dot_dimension_numbers<[1], [0], [0], [1], [0, 0, 1, 1], [], []>, transpose_lhs_hint = false} : vector<10000x3xf32>, vector<3x64xf32>, vector<10000x64xf32> -> vector<10000x64xf32>
    %get3A_6 = arith.constant 0 : index
    %get3A_7 = vector.load %arg3[%get3A_6] : memref<64xf32, #tpu.memory_space<vmem>>, vector<64xf32>
    %broadcast_in_dim3A = vector.shape_cast %get3A_7 : vector<64xf32> to vector<1x64xf32>
    %add3A = vector.broadcast %broadcast_in_dim3A : vector<1x64xf32> to vector<10000x64xf32>
    %add3A_8 = arith.addf %dot_general3A_5, %add3A : vector<10000x64xf32>
    %swap3A = arith.constant 0 : index
    %swap3A_9 = arith.constant 0 : index
    %swap3A_10 = vector.load %arg4[%swap3A, %swap3A_9] : memref<10000x128xf32, #tpu.memory_space<vmem>>, vector<10000x64xf32>
    tpu.vector_store %arg4[%swap3A, %swap3A_9], %add3A_8 {strides = array<i32>} : memref<10000x128xf32, #tpu.memory_space<vmem>>, vector<10000x64xf32>,
    %get3A_11 = arith.constant 0 : index
    %get3A_12 = arith.constant 0 : index
    %get3A_13 = vector.load %arg2[%get3A_11, %get3A_12] : memref<3x64xf32, #tpu.memory_space<vmem>>, vector<3x64xf32>
    %dot_general3A_14 = arith.constant dense<0.000000e+00> : vector<10000x64xf32>
    %dot_general3A_15 = tpu.matmul %get3A_1, %get3A_13, %dot_general3A_14 {dimension_numbers = #tpu.dot_dimension_numbers<[1], [0], [0], [1], [0, 0, 1, 1], [], []>, transpose_lhs_hint = false} : vector<10000x3xf32>, vector<3x64xf32>, vector<10000x64xf32> -> vector<10000x64xf32>
    %swap3A_16 = arith.constant 0 : index
    %swap3A_17 = arith.constant 64 : index
    %swap3A_18 = vector.load %arg4[%swap3A_16, %swap3A_17] : memref<10000x128xf32, #tpu.memory_space<vmem>>, vector<10000x64xf32>
    tpu.vector_store %arg4[%swap3A_16, %swap3A_17], %dot_general3A_15 {strides = array<i32>} : memref<10000x128xf32, #tpu.memory_space<vmem>>, vector<10000x64xf32>,
    return
  }
}

module attributes {stable_mosaic.version = 14 : i64} {
  func.func @_edgemm_body(%arg0: i32, %arg1: memref<3200x128xf32, #tpu.memory_space<vmem>>, %arg2: memref<64x64xf32, #tpu.memory_space<vmem>>, %arg3: memref<64xf32, #tpu.memory_space<vmem>>, %arg4: memref<3200x128xf32, #tpu.memory_space<vmem>>) attributes {dimension_semantics = [#tpu.dimension_semantics<arbitrary>], iteration_bounds = array<i64: 100>, scalar_prefetch = 0 : i64, scratch_operands = 0 : i64, tpu.core_type = #tpu.core_type<tc>, window_params = [{transform_indices = @transform_0, window_bounds = array<i64: 3200, 128>}, {pipeline_mode = #tpu.pipeline_mode<synchronous>, transform_indices = @transform_1, window_bounds = array<i64: 64, 64>}, {pipeline_mode = #tpu.pipeline_mode<synchronous>, transform_indices = @transform_2, window_bounds = array<i64: 64>}, {transform_indices = @transform_3, window_bounds = array<i64: 3200, 128>}]} {
    %get3A = arith.constant 0 : index
    %get3A_0 = arith.constant 0 : index
    %get3A_1 = vector.load %arg1[%get3A, %get3A_0] : memref<3200x128xf32, #tpu.memory_space<vmem>>, vector<3200x128xf32>
    %slice3A = vector.extract_strided_slice %get3A_1 {offsets = [0, 0], sizes = [3200, 64], strides = [1, 1]} : vector<3200x128xf32> to vector<3200x64xf32>
    %max3A = arith.constant 0.000000e+00 : f32
    %max3A_2 = vector.broadcast %max3A : f32 to vector<3200x64xf32>
    %max3A_3 = arith.maximumf %slice3A, %max3A_2 : vector<3200x64xf32>
    %get3A_4 = arith.constant 0 : index
    %get3A_5 = arith.constant 0 : index
    %get3A_6 = vector.load %arg2[%get3A_4, %get3A_5] : memref<64x64xf32, #tpu.memory_space<vmem>>, vector<64x64xf32>
    %dot_general3A = arith.constant dense<0.000000e+00> : vector<3200x64xf32>
    %dot_general3A_7 = tpu.matmul %max3A_3, %get3A_6, %dot_general3A {dimension_numbers = #tpu.dot_dimension_numbers<[1], [0], [0], [1], [0, 0, 1, 1], [], []>, transpose_lhs_hint = false} : vector<3200x64xf32>, vector<64x64xf32>, vector<3200x64xf32> -> vector<3200x64xf32>
    %get3A_8 = arith.constant 0 : index
    %get3A_9 = vector.load %arg3[%get3A_8] : memref<64xf32, #tpu.memory_space<vmem>>, vector<64xf32>
    %broadcast_in_dim3A = vector.shape_cast %get3A_9 : vector<64xf32> to vector<1x64xf32>
    %add3A = vector.broadcast %broadcast_in_dim3A : vector<1x64xf32> to vector<3200x64xf32>
    %add3A_10 = arith.addf %dot_general3A_7, %add3A : vector<3200x64xf32>
    %swap3A = arith.constant 0 : index
    %swap3A_11 = arith.constant 0 : index
    %swap3A_12 = vector.load %arg4[%swap3A, %swap3A_11] : memref<3200x128xf32, #tpu.memory_space<vmem>>, vector<3200x64xf32>
    tpu.vector_store %arg4[%swap3A, %swap3A_11], %add3A_10 {strides = array<i32>} : memref<3200x128xf32, #tpu.memory_space<vmem>>, vector<3200x64xf32>,
    return
  }
  func.func @transform_0(%arg0: i32) -> (i32, i32) {
    %c0_i32 = arith.constant 0 : i32
    %c0_i32_0 = arith.constant 0 : i32
    return %arg0, %c0_i32 : i32, i32
  }
  func.func @transform_1(%arg0: i32) -> (i32, i32) {
    %c0_i32 = arith.constant 0 : i32
    %c0_i32_0 = arith.constant 0 : i32
    %c0_i32_1 = arith.constant 0 : i32
    return %c0_i32, %c0_i32_0 : i32, i32
  }
  func.func @transform_2(%arg0: i32) -> i32 {
    %c0_i32 = arith.constant 0 : i32
    %c0_i32_0 = arith.constant 0 : i32
    return %c0_i32 : i32
  }
  func.func @transform_3(%arg0: i32) -> (i32, i32) {
    %c0_i32 = arith.constant 0 : i32
    %c0_i32_0 = arith.constant 0 : i32
    return %arg0, %c0_i32 : i32, i32
  }
}

module attributes {stable_mosaic.version = 14 : i64} {
  func.func @_prep2_body(%arg0: memref<10000x128xf32, #tpu.memory_space<vmem>>, %arg1: memref<10000x3xf32, #tpu.memory_space<vmem>>, %arg2: memref<64x64xf32, #tpu.memory_space<vmem>>, %arg3: memref<3x64xf32, #tpu.memory_space<vmem>>, %arg4: memref<64xf32, #tpu.memory_space<vmem>>, %arg5: memref<10000x128xf32, #tpu.memory_space<vmem>>) attributes {dimension_semantics = [], scalar_prefetch = 0 : i64, scratch_operands = 0 : i64, tpu.core_type = #tpu.core_type<tc>} {
    %get3A = arith.constant 0 : index
    %get3A_0 = arith.constant 0 : index
    %get3A_1 = vector.load %arg1[%get3A, %get3A_0] : memref<10000x3xf32, #tpu.memory_space<vmem>>, vector<10000x3xf32>
    %get3A_2 = arith.constant 0 : index
    %get3A_3 = arith.constant 0 : index
    %get3A_4 = vector.load %arg3[%get3A_2, %get3A_3] : memref<3x64xf32, #tpu.memory_space<vmem>>, vector<3x64xf32>
    %dot_general3A = arith.constant dense<0.000000e+00> : vector<10000x64xf32>
    %dot_general3A_5 = tpu.matmul %get3A_1, %get3A_4, %dot_general3A {dimension_numbers = #tpu.dot_dimension_numbers<[1], [0], [0], [1], [0, 0, 1, 1], [], []>, transpose_lhs_hint = false} : vector<10000x3xf32>, vector<3x64xf32>, vector<10000x64xf32> -> vector<10000x64xf32>
    %get3A_6 = arith.constant 0 : index
    %get3A_7 = arith.constant 0 : index
    %get3A_8 = vector.load %arg0[%get3A_6, %get3A_7] : memref<10000x128xf32, #tpu.memory_space<vmem>>, vector<10000x128xf32>
    %slice3A = vector.extract_strided_slice %get3A_8 {offsets = [0, 0], sizes = [10000, 64], strides = [1, 1]} : vector<10000x128xf32> to vector<10000x64xf32>
    %get3A_9 = arith.constant 0 : index
    %get3A_10 = arith.constant 0 : index
    %get3A_11 = vector.load %arg2[%get3A_9, %get3A_10] : memref<64x64xf32, #tpu.memory_space<vmem>>, vector<64x64xf32>
    %dot_general3A_12 = arith.constant dense<0.000000e+00> : vector<10000x64xf32>
    %dot_general3A_13 = tpu.matmul %slice3A, %get3A_11, %dot_general3A_12 {dimension_numbers = #tpu.dot_dimension_numbers<[1], [0], [0], [1], [0, 0, 1, 1], [], []>, transpose_lhs_hint = false} : vector<10000x64xf32>, vector<64x64xf32>, vector<10000x64xf32> -> vector<10000x64xf32>
    %add3A = arith.addf %dot_general3A_13, %dot_general3A_5 : vector<10000x64xf32>
    %get3A_14 = arith.constant 0 : index
    %get3A_15 = vector.load %arg4[%get3A_14] : memref<64xf32, #tpu.memory_space<vmem>>, vector<64xf32>
    %broadcast_in_dim3A = vector.shape_cast %get3A_15 : vector<64xf32> to vector<1x64xf32>
    %add3A_16 = vector.broadcast %broadcast_in_dim3A : vector<1x64xf32> to vector<10000x64xf32>
    %add3A_17 = arith.addf %add3A, %add3A_16 : vector<10000x64xf32>
    %swap3A = arith.constant 0 : index
    %swap3A_18 = arith.constant 0 : index
    %swap3A_19 = vector.load %arg5[%swap3A, %swap3A_18] : memref<10000x128xf32, #tpu.memory_space<vmem>>, vector<10000x64xf32>
    tpu.vector_store %arg5[%swap3A, %swap3A_18], %add3A_17 {strides = array<i32>} : memref<10000x128xf32, #tpu.memory_space<vmem>>, vector<10000x64xf32>,
    %swap3A_20 = arith.constant 0 : index
    %swap3A_21 = arith.constant 64 : index
    %swap3A_22 = vector.load %arg5[%swap3A_20, %swap3A_21] : memref<10000x128xf32, #tpu.memory_space<vmem>>, vector<10000x64xf32>
    tpu.vector_store %arg5[%swap3A_20, %swap3A_21], %dot_general3A_5 {strides = array<i32>} : memref<10000x128xf32, #tpu.memory_space<vmem>>, vector<10000x64xf32>,
    return
  }
}

module attributes {stable_mosaic.version = 14 : i64} {
  func.func @_pool_body(%arg0: i32, %arg1: memref<2000x128xf32, #tpu.memory_space<vmem>>, %arg2: memref<2000x1xf32, #tpu.memory_space<vmem>>, %arg3: memref<64x128xf32, #tpu.memory_space<vmem>>, %arg4: memref<128xf32, #tpu.memory_space<vmem>>, %arg5: memref<16x128xf32, #tpu.memory_space<vmem>>, %arg6: memref<16x64xf32, #tpu.memory_space<vmem>>) attributes {dimension_semantics = [#tpu.dimension_semantics<arbitrary>], iteration_bounds = array<i64: 5>, scalar_prefetch = 0 : i64, scratch_operands = 1 : i64, tpu.core_type = #tpu.core_type<tc>, window_params = [{transform_indices = @transform_0, window_bounds = array<i64: 2000, 128>}, {transform_indices = @transform_1, window_bounds = array<i64: 2000, 1>}, {pipeline_mode = #tpu.pipeline_mode<synchronous>, transform_indices = @transform_2, window_bounds = array<i64: 64, 128>}, {pipeline_mode = #tpu.pipeline_mode<synchronous>, transform_indices = @transform_3, window_bounds = array<i64: 128>}, {pipeline_mode = #tpu.pipeline_mode<synchronous>, transform_indices = @transform_4, window_bounds = array<i64: 16, 128>}]} {
    %eq3A = arith.constant 0 : i32
    %eq3A_0 = arith.cmpi eq, %arg0, %eq3A : i32
    %convert_element_type3A = arith.extui %eq3A_0 : i1 to i32
    %cond3A = arith.constant 0 : i32
    %cond3A_1 = arith.cmpi ne, %convert_element_type3A, %cond3A : i32
    scf.if %cond3A_1 {
      %broadcast_in_dim3A_326 = arith.constant 0.000000e+00 : f32
      %broadcast_in_dim3A_327 = vector.broadcast %broadcast_in_dim3A_326 : f32 to vector<16x64xf32>
      %swap3A_328 = arith.constant 0 : index
      %swap3A_329 = arith.constant 0 : index
      %swap3A_330 = vector.load %arg6[%swap3A_328, %swap3A_329] : memref<16x64xf32, #tpu.memory_space<vmem>>, vector<16x64xf32>
      tpu.vector_store %arg6[%swap3A_328, %swap3A_329], %broadcast_in_dim3A_327 {strides = array<i32>} : memref<16x64xf32, #tpu.memory_space<vmem>>, vector<16x64xf32>,
    } else {
    }
    %get3A = arith.constant 0 : index
    %get3A_2 = arith.constant 0 : index
    %get3A_3 = vector.load %arg1[%get3A, %get3A_2] : memref<2000x128xf32, #tpu.memory_space<vmem>>, vector<2000x128xf32>
    %slice3A = vector.extract_strided_slice %get3A_3 {offsets = [0, 0], sizes = [2000, 64], strides = [1, 1]} : vector<2000x128xf32> to vector<2000x64xf32>
    %get3A_4 = arith.constant 0 : index
    %get3A_5 = arith.constant 0 : index
    %get3A_6 = vector.load %arg2[%get3A_4, %get3A_5] : memref<2000x1xf32, #tpu.memory_space<vmem>>, vector<2000x1xf32>
    %eq3A_7 = arith.constant 0.000000e+00 : f32
    %eq3A_8 = vector.broadcast %eq3A_7 : f32 to vector<2000x1xf32>
    %eq3A_9 = arith.cmpf oeq, %get3A_6, %eq3A_8 : vector<2000x1xf32>
    %jit3A = arith.constant 0.000000e+00 : f32
    %broadcast_in_dim3A = vector.shape_cast %eq3A_9 : vector<2000x1xi1> to vector<2000x1xi1>
    %broadcast_in_dim3A_10 = vector.broadcast %broadcast_in_dim3A : vector<2000x1xi1> to vector<2000x64xi1>
    %broadcast_in_dim3A_11 = vector.broadcast %jit3A : f32 to vector<2000x64xf32>
    %select_n3A = arith.select %broadcast_in_dim3A_10, %slice3A, %broadcast_in_dim3A_11 : vector<2000x64xi1>, vector<2000x64xf32>
    %reduce_max3A = arith.constant dense<0xFF800000> : vector<64xf32>
    %reduce_max3A_12 = vector.multi_reduction <maximumf>, %select_n3A, %reduce_max3A [0] : vector<2000x64xf32> to vector<64xf32>
    %get3A_13 = arith.constant 0 : index
    %get3A_14 = arith.constant 0 : index
    %get3A_15 = vector.load %arg6[%get3A_13, %get3A_14] : memref<16x64xf32, #tpu.memory_space<vmem>>, vector<1x64xf32>
    %get3A_16 = vector.shape_cast %get3A_15 : vector<1x64xf32> to vector<64xf32>
    %max3A = arith.maximumf %get3A_16, %reduce_max3A_12 : vector<64xf32>
    %swap3A = arith.constant 0 : index
    %swap3A_17 = arith.constant 0 : index
    %swap3A_18 = vector.load %arg6[%swap3A, %swap3A_17] : memref<16x64xf32, #tpu.memory_space<vmem>>, vector<1x64xf32>
    %swap3A_19 = vector.shape_cast %swap3A_18 : vector<1x64xf32> to vector<64xf32>
    %swap3A_20 = vector.shape_cast %max3A : vector<64xf32> to vector<1x64xf32>
    tpu.vector_store %arg6[%swap3A, %swap3A_17], %swap3A_20 {strides = array<i32>} : memref<16x64xf32, #tpu.memory_space<vmem>>, vector<1x64xf32>,
    %eq3A_21 = arith.constant 1.000000e+00 : f32
    %eq3A_22 = vector.broadcast %eq3A_21 : f32 to vector<2000x1xf32>
    %eq3A_23 = arith.cmpf oeq, %get3A_6, %eq3A_22 : vector<2000x1xf32>
    %jit3A_24 = arith.constant 0.000000e+00 : f32
    %broadcast_in_dim3A_25 = vector.shape_cast %eq3A_23 : vector<2000x1xi1> to vector<2000x1xi1>
    %broadcast_in_dim3A_26 = vector.broadcast %broadcast_in_dim3A_25 : vector<2000x1xi1> to vector<2000x64xi1>
    %broadcast_in_dim3A_27 = vector.broadcast %jit3A_24 : f32 to vector<2000x64xf32>
    %select_n3A_28 = arith.select %broadcast_in_dim3A_26, %slice3A, %broadcast_in_dim3A_27 : vector<2000x64xi1>, vector<2000x64xf32>
    %reduce_max3A_29 = arith.constant dense<0xFF800000> : vector<64xf32>
    %reduce_max3A_30 = vector.multi_reduction <maximumf>, %select_n3A_28, %reduce_max3A_29 [0] : vector<2000x64xf32> to vector<64xf32>
    %get3A_31 = arith.constant 1 : index
    %get3A_32 = arith.constant 0 : index
    %get3A_33 = vector.load %arg6[%get3A_31, %get3A_32] : memref<16x64xf32, #tpu.memory_space<vmem>>, vector<1x64xf32>
    %get3A_34 = vector.shape_cast %get3A_33 : vector<1x64xf32> to vector<64xf32>
    %max3A_35 = arith.maximumf %get3A_34, %reduce_max3A_30 : vector<64xf32>
    %swap3A_36 = arith.constant 1 : index
    %swap3A_37 = arith.constant 0 : index
    %swap3A_38 = vector.load %arg6[%swap3A_36, %swap3A_37] : memref<16x64xf32, #tpu.memory_space<vmem>>, vector<1x64xf32>
    %swap3A_39 = vector.shape_cast %swap3A_38 : vector<1x64xf32> to vector<64xf32>
    %swap3A_40 = vector.shape_cast %max3A_35 : vector<64xf32> to vector<1x64xf32>
    tpu.vector_store %arg6[%swap3A_36, %swap3A_37], %swap3A_40 {strides = array<i32>} : memref<16x64xf32, #tpu.memory_space<vmem>>, vector<1x64xf32>,
    %eq3A_41 = arith.constant 2.000000e+00 : f32
    %eq3A_42 = vector.broadcast %eq3A_41 : f32 to vector<2000x1xf32>
    %eq3A_43 = arith.cmpf oeq, %get3A_6, %eq3A_42 : vector<2000x1xf32>
    %jit3A_44 = arith.constant 0.000000e+00 : f32
    %broadcast_in_dim3A_45 = vector.shape_cast %eq3A_43 : vector<2000x1xi1> to vector<2000x1xi1>
    %broadcast_in_dim3A_46 = vector.broadcast %broadcast_in_dim3A_45 : vector<2000x1xi1> to vector<2000x64xi1>
    %broadcast_in_dim3A_47 = vector.broadcast %jit3A_44 : f32 to vector<2000x64xf32>
    %select_n3A_48 = arith.select %broadcast_in_dim3A_46, %slice3A, %broadcast_in_dim3A_47 : vector<2000x64xi1>, vector<2000x64xf32>
    %reduce_max3A_49 = arith.constant dense<0xFF800000> : vector<64xf32>
    %reduce_max3A_50 = vector.multi_reduction <maximumf>, %select_n3A_48, %reduce_max3A_49 [0] : vector<2000x64xf32> to vector<64xf32>
    %get3A_51 = arith.constant 2 : index
    %get3A_52 = arith.constant 0 : index
    %get3A_53 = vector.load %arg6[%get3A_51, %get3A_52] : memref<16x64xf32, #tpu.memory_space<vmem>>, vector<1x64xf32>
    %get3A_54 = vector.shape_cast %get3A_53 : vector<1x64xf32> to vector<64xf32>
    %max3A_55 = arith.maximumf %get3A_54, %reduce_max3A_50 : vector<64xf32>
    %swap3A_56 = arith.constant 2 : index
    %swap3A_57 = arith.constant 0 : index
    %swap3A_58 = vector.load %arg6[%swap3A_56, %swap3A_57] : memref<16x64xf32, #tpu.memory_space<vmem>>, vector<1x64xf32>
    %swap3A_59 = vector.shape_cast %swap3A_58 : vector<1x64xf32> to vector<64xf32>
    %swap3A_60 = vector.shape_cast %max3A_55 : vector<64xf32> to vector<1x64xf32>
    tpu.vector_store %arg6[%swap3A_56, %swap3A_57], %swap3A_60 {strides = array<i32>} : memref<16x64xf32, #tpu.memory_space<vmem>>, vector<1x64xf32>,
    %eq3A_61 = arith.constant 3.000000e+00 : f32
    %eq3A_62 = vector.broadcast %eq3A_61 : f32 to vector<2000x1xf32>
    %eq3A_63 = arith.cmpf oeq, %get3A_6, %eq3A_62 : vector<2000x1xf32>
    %jit3A_64 = arith.constant 0.000000e+00 : f32
    %broadcast_in_dim3A_65 = vector.shape_cast %eq3A_63 : vector<2000x1xi1> to vector<2000x1xi1>
    %broadcast_in_dim3A_66 = vector.broadcast %broadcast_in_dim3A_65 : vector<2000x1xi1> to vector<2000x64xi1>
    %broadcast_in_dim3A_67 = vector.broadcast %jit3A_64 : f32 to vector<2000x64xf32>
    %select_n3A_68 = arith.select %broadcast_in_dim3A_66, %slice3A, %broadcast_in_dim3A_67 : vector<2000x64xi1>, vector<2000x64xf32>
    %reduce_max3A_69 = arith.constant dense<0xFF800000> : vector<64xf32>
    %reduce_max3A_70 = vector.multi_reduction <maximumf>, %select_n3A_68, %reduce_max3A_69 [0] : vector<2000x64xf32> to vector<64xf32>
    %get3A_71 = arith.constant 3 : index
    %get3A_72 = arith.constant 0 : index
    %get3A_73 = vector.load %arg6[%get3A_71, %get3A_72] : memref<16x64xf32, #tpu.memory_space<vmem>>, vector<1x64xf32>
    %get3A_74 = vector.shape_cast %get3A_73 : vector<1x64xf32> to vector<64xf32>
    %max3A_75 = arith.maximumf %get3A_74, %reduce_max3A_70 : vector<64xf32>
    %swap3A_76 = arith.constant 3 : index
    %swap3A_77 = arith.constant 0 : index
    %swap3A_78 = vector.load %arg6[%swap3A_76, %swap3A_77] : memref<16x64xf32, #tpu.memory_space<vmem>>, vector<1x64xf32>
    %swap3A_79 = vector.shape_cast %swap3A_78 : vector<1x64xf32> to vector<64xf32>
    %swap3A_80 = vector.shape_cast %max3A_75 : vector<64xf32> to vector<1x64xf32>
    tpu.vector_store %arg6[%swap3A_76, %swap3A_77], %swap3A_80 {strides = array<i32>} : memref<16x64xf32, #tpu.memory_space<vmem>>, vector<1x64xf32>,
    %eq3A_81 = arith.constant 4.000000e+00 : f32
    %eq3A_82 = vector.broadcast %eq3A_81 : f32 to vector<2000x1xf32>
    %eq3A_83 = arith.cmpf oeq, %get3A_6, %eq3A_82 : vector<2000x1xf32>
    %jit3A_84 = arith.constant 0.000000e+00 : f32
    %broadcast_in_dim3A_85 = vector.shape_cast %eq3A_83 : vector<2000x1xi1> to vector<2000x1xi1>
    %broadcast_in_dim3A_86 = vector.broadcast %broadcast_in_dim3A_85 : vector<2000x1xi1> to vector<2000x64xi1>
    %broadcast_in_dim3A_87 = vector.broadcast %jit3A_84 : f32 to vector<2000x64xf32>
    %select_n3A_88 = arith.select %broadcast_in_dim3A_86, %slice3A, %broadcast_in_dim3A_87 : vector<2000x64xi1>, vector<2000x64xf32>
    %reduce_max3A_89 = arith.constant dense<0xFF800000> : vector<64xf32>
    %reduce_max3A_90 = vector.multi_reduction <maximumf>, %select_n3A_88, %reduce_max3A_89 [0] : vector<2000x64xf32> to vector<64xf32>
    %get3A_91 = arith.constant 4 : index
    %get3A_92 = arith.constant 0 : index
    %get3A_93 = vector.load %arg6[%get3A_91, %get3A_92] : memref<16x64xf32, #tpu.memory_space<vmem>>, vector<1x64xf32>
    %get3A_94 = vector.shape_cast %get3A_93 : vector<1x64xf32> to vector<64xf32>
    %max3A_95 = arith.maximumf %get3A_94, %reduce_max3A_90 : vector<64xf32>
    %swap3A_96 = arith.constant 4 : index
    %swap3A_97 = arith.constant 0 : index
    %swap3A_98 = vector.load %arg6[%swap3A_96, %swap3A_97] : memref<16x64xf32, #tpu.memory_space<vmem>>, vector<1x64xf32>
    %swap3A_99 = vector.shape_cast %swap3A_98 : vector<1x64xf32> to vector<64xf32>
    %swap3A_100 = vector.shape_cast %max3A_95 : vector<64xf32> to vector<1x64xf32>
    tpu.vector_store %arg6[%swap3A_96, %swap3A_97], %swap3A_100 {strides = array<i32>} : memref<16x64xf32, #tpu.memory_space<vmem>>, vector<1x64xf32>,
    %eq3A_101 = arith.constant 5.000000e+00 : f32
    %eq3A_102 = vector.broadcast %eq3A_101 : f32 to vector<2000x1xf32>
    %eq3A_103 = arith.cmpf oeq, %get3A_6, %eq3A_102 : vector<2000x1xf32>
    %jit3A_104 = arith.constant 0.000000e+00 : f32
    %broadcast_in_dim3A_105 = vector.shape_cast %eq3A_103 : vector<2000x1xi1> to vector<2000x1xi1>
    %broadcast_in_dim3A_106 = vector.broadcast %broadcast_in_dim3A_105 : vector<2000x1xi1> to vector<2000x64xi1>
    %broadcast_in_dim3A_107 = vector.broadcast %jit3A_104 : f32 to vector<2000x64xf32>
    %select_n3A_108 = arith.select %broadcast_in_dim3A_106, %slice3A, %broadcast_in_dim3A_107 : vector<2000x64xi1>, vector<2000x64xf32>
    %reduce_max3A_109 = arith.constant dense<0xFF800000> : vector<64xf32>
    %reduce_max3A_110 = vector.multi_reduction <maximumf>, %select_n3A_108, %reduce_max3A_109 [0] : vector<2000x64xf32> to vector<64xf32>
    %get3A_111 = arith.constant 5 : index
    %get3A_112 = arith.constant 0 : index
    %get3A_113 = vector.load %arg6[%get3A_111, %get3A_112] : memref<16x64xf32, #tpu.memory_space<vmem>>, vector<1x64xf32>
    %get3A_114 = vector.shape_cast %get3A_113 : vector<1x64xf32> to vector<64xf32>
    %max3A_115 = arith.maximumf %get3A_114, %reduce_max3A_110 : vector<64xf32>
    %swap3A_116 = arith.constant 5 : index
    %swap3A_117 = arith.constant 0 : index
    %swap3A_118 = vector.load %arg6[%swap3A_116, %swap3A_117] : memref<16x64xf32, #tpu.memory_space<vmem>>, vector<1x64xf32>
    %swap3A_119 = vector.shape_cast %swap3A_118 : vector<1x64xf32> to vector<64xf32>
    %swap3A_120 = vector.shape_cast %max3A_115 : vector<64xf32> to vector<1x64xf32>
    tpu.vector_store %arg6[%swap3A_116, %swap3A_117], %swap3A_120 {strides = array<i32>} : memref<16x64xf32, #tpu.memory_space<vmem>>, vector<1x64xf32>,
    %eq3A_121 = arith.constant 6.000000e+00 : f32
    %eq3A_122 = vector.broadcast %eq3A_121 : f32 to vector<2000x1xf32>
    %eq3A_123 = arith.cmpf oeq, %get3A_6, %eq3A_122 : vector<2000x1xf32>
    %jit3A_124 = arith.constant 0.000000e+00 : f32
    %broadcast_in_dim3A_125 = vector.shape_cast %eq3A_123 : vector<2000x1xi1> to vector<2000x1xi1>
    %broadcast_in_dim3A_126 = vector.broadcast %broadcast_in_dim3A_125 : vector<2000x1xi1> to vector<2000x64xi1>
    %broadcast_in_dim3A_127 = vector.broadcast %jit3A_124 : f32 to vector<2000x64xf32>
    %select_n3A_128 = arith.select %broadcast_in_dim3A_126, %slice3A, %broadcast_in_dim3A_127 : vector<2000x64xi1>, vector<2000x64xf32>
    %reduce_max3A_129 = arith.constant dense<0xFF800000> : vector<64xf32>
    %reduce_max3A_130 = vector.multi_reduction <maximumf>, %select_n3A_128, %reduce_max3A_129 [0] : vector<2000x64xf32> to vector<64xf32>
    %get3A_131 = arith.constant 6 : index
    %get3A_132 = arith.constant 0 : index
    %get3A_133 = vector.load %arg6[%get3A_131, %get3A_132] : memref<16x64xf32, #tpu.memory_space<vmem>>, vector<1x64xf32>
    %get3A_134 = vector.shape_cast %get3A_133 : vector<1x64xf32> to vector<64xf32>
    %max3A_135 = arith.maximumf %get3A_134, %reduce_max3A_130 : vector<64xf32>
    %swap3A_136 = arith.constant 6 : index
    %swap3A_137 = arith.constant 0 : index
    %swap3A_138 = vector.load %arg6[%swap3A_136, %swap3A_137] : memref<16x64xf32, #tpu.memory_space<vmem>>, vector<1x64xf32>
    %swap3A_139 = vector.shape_cast %swap3A_138 : vector<1x64xf32> to vector<64xf32>
    %swap3A_140 = vector.shape_cast %max3A_135 : vector<64xf32> to vector<1x64xf32>
    tpu.vector_store %arg6[%swap3A_136, %swap3A_137], %swap3A_140 {strides = array<i32>} : memref<16x64xf32, #tpu.memory_space<vmem>>, vector<1x64xf32>,
    %eq3A_141 = arith.constant 7.000000e+00 : f32
    %eq3A_142 = vector.broadcast %eq3A_141 : f32 to vector<2000x1xf32>
    %eq3A_143 = arith.cmpf oeq, %get3A_6, %eq3A_142 : vector<2000x1xf32>
    %jit3A_144 = arith.constant 0.000000e+00 : f32
    %broadcast_in_dim3A_145 = vector.shape_cast %eq3A_143 : vector<2000x1xi1> to vector<2000x1xi1>
    %broadcast_in_dim3A_146 = vector.broadcast %broadcast_in_dim3A_145 : vector<2000x1xi1> to vector<2000x64xi1>
    %broadcast_in_dim3A_147 = vector.broadcast %jit3A_144 : f32 to vector<2000x64xf32>
    %select_n3A_148 = arith.select %broadcast_in_dim3A_146, %slice3A, %broadcast_in_dim3A_147 : vector<2000x64xi1>, vector<2000x64xf32>
    %reduce_max3A_149 = arith.constant dense<0xFF800000> : vector<64xf32>
    %reduce_max3A_150 = vector.multi_reduction <maximumf>, %select_n3A_148, %reduce_max3A_149 [0] : vector<2000x64xf32> to vector<64xf32>
    %get3A_151 = arith.constant 7 : index
    %get3A_152 = arith.constant 0 : index
    %get3A_153 = vector.load %arg6[%get3A_151, %get3A_152] : memref<16x64xf32, #tpu.memory_space<vmem>>, vector<1x64xf32>
    %get3A_154 = vector.shape_cast %get3A_153 : vector<1x64xf32> to vector<64xf32>
    %max3A_155 = arith.maximumf %get3A_154, %reduce_max3A_150 : vector<64xf32>
    %swap3A_156 = arith.constant 7 : index
    %swap3A_157 = arith.constant 0 : index
    %swap3A_158 = vector.load %arg6[%swap3A_156, %swap3A_157] : memref<16x64xf32, #tpu.memory_space<vmem>>, vector<1x64xf32>
    %swap3A_159 = vector.shape_cast %swap3A_158 : vector<1x64xf32> to vector<64xf32>
    %swap3A_160 = vector.shape_cast %max3A_155 : vector<64xf32> to vector<1x64xf32>
    tpu.vector_store %arg6[%swap3A_156, %swap3A_157], %swap3A_160 {strides = array<i32>} : memref<16x64xf32, #tpu.memory_space<vmem>>, vector<1x64xf32>,
    %eq3A_161 = arith.constant 8.000000e+00 : f32
    %eq3A_162 = vector.broadcast %eq3A_161 : f32 to vector<2000x1xf32>
    %eq3A_163 = arith.cmpf oeq, %get3A_6, %eq3A_162 : vector<2000x1xf32>
    %jit3A_164 = arith.constant 0.000000e+00 : f32
    %broadcast_in_dim3A_165 = vector.shape_cast %eq3A_163 : vector<2000x1xi1> to vector<2000x1xi1>
    %broadcast_in_dim3A_166 = vector.broadcast %broadcast_in_dim3A_165 : vector<2000x1xi1> to vector<2000x64xi1>
    %broadcast_in_dim3A_167 = vector.broadcast %jit3A_164 : f32 to vector<2000x64xf32>
    %select_n3A_168 = arith.select %broadcast_in_dim3A_166, %slice3A, %broadcast_in_dim3A_167 : vector<2000x64xi1>, vector<2000x64xf32>
    %reduce_max3A_169 = arith.constant dense<0xFF800000> : vector<64xf32>
    %reduce_max3A_170 = vector.multi_reduction <maximumf>, %select_n3A_168, %reduce_max3A_169 [0] : vector<2000x64xf32> to vector<64xf32>
    %get3A_171 = arith.constant 8 : index
    %get3A_172 = arith.constant 0 : index
    %get3A_173 = vector.load %arg6[%get3A_171, %get3A_172] : memref<16x64xf32, #tpu.memory_space<vmem>>, vector<1x64xf32>
    %get3A_174 = vector.shape_cast %get3A_173 : vector<1x64xf32> to vector<64xf32>
    %max3A_175 = arith.maximumf %get3A_174, %reduce_max3A_170 : vector<64xf32>
    %swap3A_176 = arith.constant 8 : index
    %swap3A_177 = arith.constant 0 : index
    %swap3A_178 = vector.load %arg6[%swap3A_176, %swap3A_177] : memref<16x64xf32, #tpu.memory_space<vmem>>, vector<1x64xf32>
    %swap3A_179 = vector.shape_cast %swap3A_178 : vector<1x64xf32> to vector<64xf32>
    %swap3A_180 = vector.shape_cast %max3A_175 : vector<64xf32> to vector<1x64xf32>
    tpu.vector_store %arg6[%swap3A_176, %swap3A_177], %swap3A_180 {strides = array<i32>} : memref<16x64xf32, #tpu.memory_space<vmem>>, vector<1x64xf32>,
    %eq3A_181 = arith.constant 9.000000e+00 : f32
    %eq3A_182 = vector.broadcast %eq3A_181 : f32 to vector<2000x1xf32>
    %eq3A_183 = arith.cmpf oeq, %get3A_6, %eq3A_182 : vector<2000x1xf32>
    %jit3A_184 = arith.constant 0.000000e+00 : f32
    %broadcast_in_dim3A_185 = vector.shape_cast %eq3A_183 : vector<2000x1xi1> to vector<2000x1xi1>
    %broadcast_in_dim3A_186 = vector.broadcast %broadcast_in_dim3A_185 : vector<2000x1xi1> to vector<2000x64xi1>
    %broadcast_in_dim3A_187 = vector.broadcast %jit3A_184 : f32 to vector<2000x64xf32>
    %select_n3A_188 = arith.select %broadcast_in_dim3A_186, %slice3A, %broadcast_in_dim3A_187 : vector<2000x64xi1>, vector<2000x64xf32>
    %reduce_max3A_189 = arith.constant dense<0xFF800000> : vector<64xf32>
    %reduce_max3A_190 = vector.multi_reduction <maximumf>, %select_n3A_188, %reduce_max3A_189 [0] : vector<2000x64xf32> to vector<64xf32>
    %get3A_191 = arith.constant 9 : index
    %get3A_192 = arith.constant 0 : index
    %get3A_193 = vector.load %arg6[%get3A_191, %get3A_192] : memref<16x64xf32, #tpu.memory_space<vmem>>, vector<1x64xf32>
    %get3A_194 = vector.shape_cast %get3A_193 : vector<1x64xf32> to vector<64xf32>
    %max3A_195 = arith.maximumf %get3A_194, %reduce_max3A_190 : vector<64xf32>
    %swap3A_196 = arith.constant 9 : index
    %swap3A_197 = arith.constant 0 : index
    %swap3A_198 = vector.load %arg6[%swap3A_196, %swap3A_197] : memref<16x64xf32, #tpu.memory_space<vmem>>, vector<1x64xf32>
    %swap3A_199 = vector.shape_cast %swap3A_198 : vector<1x64xf32> to vector<64xf32>
    %swap3A_200 = vector.shape_cast %max3A_195 : vector<64xf32> to vector<1x64xf32>
    tpu.vector_store %arg6[%swap3A_196, %swap3A_197], %swap3A_200 {strides = array<i32>} : memref<16x64xf32, #tpu.memory_space<vmem>>, vector<1x64xf32>,
    %eq3A_201 = arith.constant 1.000000e+01 : f32
    %eq3A_202 = vector.broadcast %eq3A_201 : f32 to vector<2000x1xf32>
    %eq3A_203 = arith.cmpf oeq, %get3A_6, %eq3A_202 : vector<2000x1xf32>
    %jit3A_204 = arith.constant 0.000000e+00 : f32
    %broadcast_in_dim3A_205 = vector.shape_cast %eq3A_203 : vector<2000x1xi1> to vector<2000x1xi1>
    %broadcast_in_dim3A_206 = vector.broadcast %broadcast_in_dim3A_205 : vector<2000x1xi1> to vector<2000x64xi1>
    %broadcast_in_dim3A_207 = vector.broadcast %jit3A_204 : f32 to vector<2000x64xf32>
    %select_n3A_208 = arith.select %broadcast_in_dim3A_206, %slice3A, %broadcast_in_dim3A_207 : vector<2000x64xi1>, vector<2000x64xf32>
    %reduce_max3A_209 = arith.constant dense<0xFF800000> : vector<64xf32>
    %reduce_max3A_210 = vector.multi_reduction <maximumf>, %select_n3A_208, %reduce_max3A_209 [0] : vector<2000x64xf32> to vector<64xf32>
    %get3A_211 = arith.constant 10 : index
    %get3A_212 = arith.constant 0 : index
    %get3A_213 = vector.load %arg6[%get3A_211, %get3A_212] : memref<16x64xf32, #tpu.memory_space<vmem>>, vector<1x64xf32>
    %get3A_214 = vector.shape_cast %get3A_213 : vector<1x64xf32> to vector<64xf32>
    %max3A_215 = arith.maximumf %get3A_214, %reduce_max3A_210 : vector<64xf32>
    %swap3A_216 = arith.constant 10 : index
    %swap3A_217 = arith.constant 0 : index
    %swap3A_218 = vector.load %arg6[%swap3A_216, %swap3A_217] : memref<16x64xf32, #tpu.memory_space<vmem>>, vector<1x64xf32>
    %swap3A_219 = vector.shape_cast %swap3A_218 : vector<1x64xf32> to vector<64xf32>
    %swap3A_220 = vector.shape_cast %max3A_215 : vector<64xf32> to vector<1x64xf32>
    tpu.vector_store %arg6[%swap3A_216, %swap3A_217], %swap3A_220 {strides = array<i32>} : memref<16x64xf32, #tpu.memory_space<vmem>>, vector<1x64xf32>,
    %eq3A_221 = arith.constant 1.100000e+01 : f32
    %eq3A_222 = vector.broadcast %eq3A_221 : f32 to vector<2000x1xf32>
    %eq3A_223 = arith.cmpf oeq, %get3A_6, %eq3A_222 : vector<2000x1xf32>
    %jit3A_224 = arith.constant 0.000000e+00 : f32
    %broadcast_in_dim3A_225 = vector.shape_cast %eq3A_223 : vector<2000x1xi1> to vector<2000x1xi1>
    %broadcast_in_dim3A_226 = vector.broadcast %broadcast_in_dim3A_225 : vector<2000x1xi1> to vector<2000x64xi1>
    %broadcast_in_dim3A_227 = vector.broadcast %jit3A_224 : f32 to vector<2000x64xf32>
    %select_n3A_228 = arith.select %broadcast_in_dim3A_226, %slice3A, %broadcast_in_dim3A_227 : vector<2000x64xi1>, vector<2000x64xf32>
    %reduce_max3A_229 = arith.constant dense<0xFF800000> : vector<64xf32>
    %reduce_max3A_230 = vector.multi_reduction <maximumf>, %select_n3A_228, %reduce_max3A_229 [0] : vector<2000x64xf32> to vector<64xf32>
    %get3A_231 = arith.constant 11 : index
    %get3A_232 = arith.constant 0 : index
    %get3A_233 = vector.load %arg6[%get3A_231, %get3A_232] : memref<16x64xf32, #tpu.memory_space<vmem>>, vector<1x64xf32>
    %get3A_234 = vector.shape_cast %get3A_233 : vector<1x64xf32> to vector<64xf32>
    %max3A_235 = arith.maximumf %get3A_234, %reduce_max3A_230 : vector<64xf32>
    %swap3A_236 = arith.constant 11 : index
    %swap3A_237 = arith.constant 0 : index
    %swap3A_238 = vector.load %arg6[%swap3A_236, %swap3A_237] : memref<16x64xf32, #tpu.memory_space<vmem>>, vector<1x64xf32>
    %swap3A_239 = vector.shape_cast %swap3A_238 : vector<1x64xf32> to vector<64xf32>
    %swap3A_240 = vector.shape_cast %max3A_235 : vector<64xf32> to vector<1x64xf32>
    tpu.vector_store %arg6[%swap3A_236, %swap3A_237], %swap3A_240 {strides = array<i32>} : memref<16x64xf32, #tpu.memory_space<vmem>>, vector<1x64xf32>,
    %eq3A_241 = arith.constant 1.200000e+01 : f32
    %eq3A_242 = vector.broadcast %eq3A_241 : f32 to vector<2000x1xf32>
    %eq3A_243 = arith.cmpf oeq, %get3A_6, %eq3A_242 : vector<2000x1xf32>
    %jit3A_244 = arith.constant 0.000000e+00 : f32
    %broadcast_in_dim3A_245 = vector.shape_cast %eq3A_243 : vector<2000x1xi1> to vector<2000x1xi1>
    %broadcast_in_dim3A_246 = vector.broadcast %broadcast_in_dim3A_245 : vector<2000x1xi1> to vector<2000x64xi1>
    %broadcast_in_dim3A_247 = vector.broadcast %jit3A_244 : f32 to vector<2000x64xf32>
    %select_n3A_248 = arith.select %broadcast_in_dim3A_246, %slice3A, %broadcast_in_dim3A_247 : vector<2000x64xi1>, vector<2000x64xf32>
    %reduce_max3A_249 = arith.constant dense<0xFF800000> : vector<64xf32>
    %reduce_max3A_250 = vector.multi_reduction <maximumf>, %select_n3A_248, %reduce_max3A_249 [0] : vector<2000x64xf32> to vector<64xf32>
    %get3A_251 = arith.constant 12 : index
    %get3A_252 = arith.constant 0 : index
    %get3A_253 = vector.load %arg6[%get3A_251, %get3A_252] : memref<16x64xf32, #tpu.memory_space<vmem>>, vector<1x64xf32>
    %get3A_254 = vector.shape_cast %get3A_253 : vector<1x64xf32> to vector<64xf32>
    %max3A_255 = arith.maximumf %get3A_254, %reduce_max3A_250 : vector<64xf32>
    %swap3A_256 = arith.constant 12 : index
    %swap3A_257 = arith.constant 0 : index
    %swap3A_258 = vector.load %arg6[%swap3A_256, %swap3A_257] : memref<16x64xf32, #tpu.memory_space<vmem>>, vector<1x64xf32>
    %swap3A_259 = vector.shape_cast %swap3A_258 : vector<1x64xf32> to vector<64xf32>
    %swap3A_260 = vector.shape_cast %max3A_255 : vector<64xf32> to vector<1x64xf32>
    tpu.vector_store %arg6[%swap3A_256, %swap3A_257], %swap3A_260 {strides = array<i32>} : memref<16x64xf32, #tpu.memory_space<vmem>>, vector<1x64xf32>,
    %eq3A_261 = arith.constant 1.300000e+01 : f32
    %eq3A_262 = vector.broadcast %eq3A_261 : f32 to vector<2000x1xf32>
    %eq3A_263 = arith.cmpf oeq, %get3A_6, %eq3A_262 : vector<2000x1xf32>
    %jit3A_264 = arith.constant 0.000000e+00 : f32
    %broadcast_in_dim3A_265 = vector.shape_cast %eq3A_263 : vector<2000x1xi1> to vector<2000x1xi1>
    %broadcast_in_dim3A_266 = vector.broadcast %broadcast_in_dim3A_265 : vector<2000x1xi1> to vector<2000x64xi1>
    %broadcast_in_dim3A_267 = vector.broadcast %jit3A_264 : f32 to vector<2000x64xf32>
    %select_n3A_268 = arith.select %broadcast_in_dim3A_266, %slice3A, %broadcast_in_dim3A_267 : vector<2000x64xi1>, vector<2000x64xf32>
    %reduce_max3A_269 = arith.constant dense<0xFF800000> : vector<64xf32>
    %reduce_max3A_270 = vector.multi_reduction <maximumf>, %select_n3A_268, %reduce_max3A_269 [0] : vector<2000x64xf32> to vector<64xf32>
    %get3A_271 = arith.constant 13 : index
    %get3A_272 = arith.constant 0 : index
    %get3A_273 = vector.load %arg6[%get3A_271, %get3A_272] : memref<16x64xf32, #tpu.memory_space<vmem>>, vector<1x64xf32>
    %get3A_274 = vector.shape_cast %get3A_273 : vector<1x64xf32> to vector<64xf32>
    %max3A_275 = arith.maximumf %get3A_274, %reduce_max3A_270 : vector<64xf32>
    %swap3A_276 = arith.constant 13 : index
    %swap3A_277 = arith.constant 0 : index
    %swap3A_278 = vector.load %arg6[%swap3A_276, %swap3A_277] : memref<16x64xf32, #tpu.memory_space<vmem>>, vector<1x64xf32>
    %swap3A_279 = vector.shape_cast %swap3A_278 : vector<1x64xf32> to vector<64xf32>
    %swap3A_280 = vector.shape_cast %max3A_275 : vector<64xf32> to vector<1x64xf32>
    tpu.vector_store %arg6[%swap3A_276, %swap3A_277], %swap3A_280 {strides = array<i32>} : memref<16x64xf32, #tpu.memory_space<vmem>>, vector<1x64xf32>,
    %eq3A_281 = arith.constant 1.400000e+01 : f32
    %eq3A_282 = vector.broadcast %eq3A_281 : f32 to vector<2000x1xf32>
    %eq3A_283 = arith.cmpf oeq, %get3A_6, %eq3A_282 : vector<2000x1xf32>
    %jit3A_284 = arith.constant 0.000000e+00 : f32
    %broadcast_in_dim3A_285 = vector.shape_cast %eq3A_283 : vector<2000x1xi1> to vector<2000x1xi1>
    %broadcast_in_dim3A_286 = vector.broadcast %broadcast_in_dim3A_285 : vector<2000x1xi1> to vector<2000x64xi1>
    %broadcast_in_dim3A_287 = vector.broadcast %jit3A_284 : f32 to vector<2000x64xf32>
    %select_n3A_288 = arith.select %broadcast_in_dim3A_286, %slice3A, %broadcast_in_dim3A_287 : vector<2000x64xi1>, vector<2000x64xf32>
    %reduce_max3A_289 = arith.constant dense<0xFF800000> : vector<64xf32>
    %reduce_max3A_290 = vector.multi_reduction <maximumf>, %select_n3A_288, %reduce_max3A_289 [0] : vector<2000x64xf32> to vector<64xf32>
    %get3A_291 = arith.constant 14 : index
    %get3A_292 = arith.constant 0 : index
    %get3A_293 = vector.load %arg6[%get3A_291, %get3A_292] : memref<16x64xf32, #tpu.memory_space<vmem>>, vector<1x64xf32>
    %get3A_294 = vector.shape_cast %get3A_293 : vector<1x64xf32> to vector<64xf32>
    %max3A_295 = arith.maximumf %get3A_294, %reduce_max3A_290 : vector<64xf32>
    %swap3A_296 = arith.constant 14 : index
    %swap3A_297 = arith.constant 0 : index
    %swap3A_298 = vector.load %arg6[%swap3A_296, %swap3A_297] : memref<16x64xf32, #tpu.memory_space<vmem>>, vector<1x64xf32>
    %swap3A_299 = vector.shape_cast %swap3A_298 : vector<1x64xf32> to vector<64xf32>
    %swap3A_300 = vector.shape_cast %max3A_295 : vector<64xf32> to vector<1x64xf32>
    tpu.vector_store %arg6[%swap3A_296, %swap3A_297], %swap3A_300 {strides = array<i32>} : memref<16x64xf32, #tpu.memory_space<vmem>>, vector<1x64xf32>,
    %eq3A_301 = arith.constant 1.500000e+01 : f32
    %eq3A_302 = vector.broadcast %eq3A_301 : f32 to vector<2000x1xf32>
    %eq3A_303 = arith.cmpf oeq, %get3A_6, %eq3A_302 : vector<2000x1xf32>
    %jit3A_304 = arith.constant 0.000000e+00 : f32
    %broadcast_in_dim3A_305 = vector.shape_cast %eq3A_303 : vector<2000x1xi1> to vector<2000x1xi1>
    %broadcast_in_dim3A_306 = vector.broadcast %broadcast_in_dim3A_305 : vector<2000x1xi1> to vector<2000x64xi1>
    %broadcast_in_dim3A_307 = vector.broadcast %jit3A_304 : f32 to vector<2000x64xf32>
    %select_n3A_308 = arith.select %broadcast_in_dim3A_306, %slice3A, %broadcast_in_dim3A_307 : vector<2000x64xi1>, vector<2000x64xf32>
    %reduce_max3A_309 = arith.constant dense<0xFF800000> : vector<64xf32>
    %reduce_max3A_310 = vector.multi_reduction <maximumf>, %select_n3A_308, %reduce_max3A_309 [0] : vector<2000x64xf32> to vector<64xf32>
    %get3A_311 = arith.constant 15 : index
    %get3A_312 = arith.constant 0 : index
    %get3A_313 = vector.load %arg6[%get3A_311, %get3A_312] : memref<16x64xf32, #tpu.memory_space<vmem>>, vector<1x64xf32>
    %get3A_314 = vector.shape_cast %get3A_313 : vector<1x64xf32> to vector<64xf32>
    %max3A_315 = arith.maximumf %get3A_314, %reduce_max3A_310 : vector<64xf32>
    %swap3A_316 = arith.constant 15 : index
    %swap3A_317 = arith.constant 0 : index
    %swap3A_318 = vector.load %arg6[%swap3A_316, %swap3A_317] : memref<16x64xf32, #tpu.memory_space<vmem>>, vector<1x64xf32>
    %swap3A_319 = vector.shape_cast %swap3A_318 : vector<1x64xf32> to vector<64xf32>
    %swap3A_320 = vector.shape_cast %max3A_315 : vector<64xf32> to vector<1x64xf32>
    tpu.vector_store %arg6[%swap3A_316, %swap3A_317], %swap3A_320 {strides = array<i32>} : memref<16x64xf32, #tpu.memory_space<vmem>>, vector<1x64xf32>,
    %eq3A_321 = arith.constant 4 : i32
    %eq3A_322 = arith.cmpi eq, %arg0, %eq3A_321 : i32
    %convert_element_type3A_323 = arith.extui %eq3A_322 : i1 to i32
    %cond3A_324 = arith.constant 0 : i32
    %cond3A_325 = arith.cmpi ne, %convert_element_type3A_323, %cond3A_324 : i32
    scf.if %cond3A_325 {
      %get3A_326 = arith.constant 0 : index
      %get3A_327 = arith.constant 0 : index
      %get3A_328 = vector.load %arg6[%get3A_326, %get3A_327] : memref<16x64xf32, #tpu.memory_space<vmem>>, vector<16x64xf32>
      %get3A_329 = arith.constant 0 : index
      %get3A_330 = arith.constant 0 : index
      %get3A_331 = vector.load %arg3[%get3A_329, %get3A_330] : memref<64x128xf32, #tpu.memory_space<vmem>>, vector<64x128xf32>
      %dot_general3A = arith.constant dense<0.000000e+00> : vector<16x128xf32>
      %dot_general3A_332 = tpu.matmul %get3A_328, %get3A_331, %dot_general3A {dimension_numbers = #tpu.dot_dimension_numbers<[1], [0], [0], [1], [0, 0, 1, 1], [], []>, transpose_lhs_hint = false} : vector<16x64xf32>, vector<64x128xf32>, vector<16x128xf32> -> vector<16x128xf32>
      %get3A_333 = arith.constant 0 : index
      %get3A_334 = vector.load %arg4[%get3A_333] : memref<128xf32, #tpu.memory_space<vmem>>, vector<128xf32>
      %broadcast_in_dim3A_335 = vector.shape_cast %get3A_334 : vector<128xf32> to vector<1x128xf32>
      %add3A = vector.broadcast %broadcast_in_dim3A_335 : vector<1x128xf32> to vector<16x128xf32>
      %add3A_336 = arith.addf %dot_general3A_332, %add3A : vector<16x128xf32>
      %swap3A_337 = arith.constant 0 : index
      %swap3A_338 = arith.constant 0 : index
      %swap3A_339 = vector.load %arg5[%swap3A_337, %swap3A_338] : memref<16x128xf32, #tpu.memory_space<vmem>>, vector<16x128xf32>
      tpu.vector_store %arg5[%swap3A_337, %swap3A_338], %add3A_336 {strides = array<i32>} : memref<16x128xf32, #tpu.memory_space<vmem>>, vector<16x128xf32>,
    } else {
    }
    return
  }
  func.func @transform_0(%arg0: i32) -> (i32, i32) {
    %c0_i32 = arith.constant 0 : i32
    %c0_i32_0 = arith.constant 0 : i32
    return %arg0, %c0_i32 : i32, i32
  }
  func.func @transform_1(%arg0: i32) -> (i32, i32) {
    %c0_i32 = arith.constant 0 : i32
    %c0_i32_0 = arith.constant 0 : i32
    return %arg0, %c0_i32 : i32, i32
  }
  func.func @transform_2(%arg0: i32) -> (i32, i32) {
    %c0_i32 = arith.constant 0 : i32
    %c0_i32_0 = arith.constant 0 : i32
    %c0_i32_1 = arith.constant 0 : i32
    return %c0_i32, %c0_i32_0 : i32, i32
  }
  func.func @transform_3(%arg0: i32) -> i32 {
    %c0_i32 = arith.constant 0 : i32
    %c0_i32_0 = arith.constant 0 : i32
    return %c0_i32 : i32
  }
  func.func @transform_4(%arg0: i32) -> (i32, i32) {
    %c0_i32 = arith.constant 0 : i32
    %c0_i32_0 = arith.constant 0 : i32
    %c0_i32_1 = arith.constant 0 : i32
    return %c0_i32, %c0_i32_0 : i32, i32
  }
}

</mosaic_0001>

<sc_bundles>
// kernel: kernel.11.cloned.1.call-start
scs
__scs_entry_jumppad:
0x0: {  	(pc) =	sbr.rel $0x88, $3  }
0x1: {  	(tag) =	ssettag $0x0;
	lr =	simm.s32 $0x1  }
0x2: {  	[smem:$0x3F94] =	sst lr;
	_ =	strace $0xD0000000  }
0x3: {  	_ = 	snop  }
0x4: {  	_ = 	snop  }
0x5: {  	_ = 	snop  }
0x6: {  	_ = 	snop  }
0x7: {  	_ = 	snop  }
__scs_overlays_trampoline_lowered:
0x8: {  	[smem:$0x3FA3] =	sst s0  }
0x9: {  	[smem:$0x3FA4] =	sst s1  }
0xa: {  	[smem:$0x3FA5] =	sst s2  }
0xb: {  	[smem:$0x3FA6] =	sst s3  }
0xc: {  	[smem:$0x3FA7] =	sst s4  }
0xd: {  	[smem:$0x3FA8] =	sst s5  }
0xe: {  	[smem:$0x3FA9] =	sst s6  }
0xf: {  	[smem:$0x3FAA] =	sst s7  }
0x10: {  	[smem:$0x3FAB] =	sst s8  }
0x11: {  	[smem:$0x3FAC] =	sst s9;
	s0 =	simm.s32 @!p0 $0x0  }
0x12: {  	s1 =	sld [smem:$0x3F92];
	s0 =	simm.s32 @p0 $0x1  }
0x13: {  	[smem:$0x3FAD] =	sst s0;
	s0 =	simm.s32 @!p1 $0x0  }
0x14: {  	s2 =	sld [smem:$0x3F91];
	s0 =	simm.s32 @p1 $0x1  }
0x15: {  	[smem:$0x3FAE] =	sst s0;
	s0 =	simm.s32 @!p2 $0x0  }
0x16: {  	s3 =	sld [smem:$0x3FDB];
	s0 =	simm.s32 @p2 $0x1  }
0x17: {  	s4 =	simm.s32 $0x1BF5;
	[smem:$0x3FB0] =	sst s0  }
0x18: {  	s0 =	sld [smem:$0x3F93];
	_ =	swait.ge [sflag:s4], $0x0  }
0x19: {  	s7 =	sld [smem:$0x3F94]  }
0x1a: {  	s8 =	sadd.s32 $0xFFFFE003, lr  }
0x1b: {  	s9 =	sadd.s32 $0xFFFFFEF7, lr;
	s5 =	simm.s32 $0xFFFFFFFF;
	p2 =	slt.u32 s8, $0xFFFFF086  }
0x1c: {  	p1 =	slt.u32 s9, $0xF7A;
	s5 =	simm.s32 @!p2 $0x0  }
0x1d: {  	s5 =	simm.s32 @p1 $0x1;
	p0 =	seq.s32 s7, s2  }
0x1e: {  	s7 =	smul.u32 @!p0 $0xF7A, s2;
	p2 =	seq.s32 @!p0 s5, $0x0  }
0x1f: {  	s9 =	smul.u32 $0xF7A, s1;
	s8 =	simm.s32 @!p0 $0x1BF5;
	p2 =	por !p2, p0  }
0x20: {  	[sflag:s8] =	ssyncset.s32 @!p0 $0xFFFFF086;
	s6 =	sadd.s32 @!p0 s3, s7;
	s7 =	simm.s32 @!p0 $0x108  }
0x21: {  	s3 =	sadd.s32 s3, s9;
	s6 =	sadd.s32 @!p0 $0x88, s6;
	s7 =	simm.s32 @p2 $0x1082  }
0x22: {  	[simem:s7], [sflag:s8] =	dma.local @!p0 [hbm:s6], $0xF7A  }
0x23: {  	s9 =	sor.u32 $0xD0000000, s2;
	s6 =	simm.s32 $0x108;
	_ =	swait.ge @!p0 [sflag:s8], $0x0  }
0x24: {  	s3 =	sadd.s32 $0x88, s3;
	s6 =	simm.s32 @!p1 $0x1082;
	[sflag:s4] =	ssyncset.s32 $0xFFFFF086  }
0x25: {  	[simem:s6], [sflag:s4] =	dma.local [hbm:s3], $0xF7A  }
0x26: {  	[smem:$0x3F94] =	sst s1;
	(tag) =	ssettag s2;
	_ =	strace s9  }
0x27: {  	s1 =	sld [smem:$0x3FA4]  }
0x28: {  	s2 =	sld [smem:$0x3FA5]  }
0x29: {  	s4 =	sld [smem:$0x3FA7]  }
0x2a: {  	p0 =	seq.s32 s5, $0x0;
	s5 =	sld [smem:$0x3FA8]  }
0x2b: {  	s6 =	sld [smem:$0x3FA9]  }
0x2c: {  	s7 =	sld [smem:$0x3FAA]  }
0x2d: {  	s3 =	simm.s32 $0x108;
	s8 =	sld [smem:$0x3FAB]  }
0x2e: {  	s3 =	simm.s32 @!p0 $0x1082;
	s9 =	sld [smem:$0x3FAC]  }
0x2f: {  	lr =	sadd.s32 s0, s3;
	s0 =	sld [smem:$0x3FA3]  }
0x30: {  	s3 =	sld [smem:$0x3FA6]  }
0x31: {  	[smem:$0x3FAF] =	sst s10  }
0x32: {  	s10 =	sld [smem:$0x3FAD];
	_ =	sdelay $0x3  }
0x33: {  	p0 =	seq.s32 s10, $0x1;
	s10 =	sld [smem:$0x3FAF];
	_ =	sdelay $0x3  }
0x34: {  	[smem:$0x3FAF] =	sst s10  }
0x35: {  	s10 =	sld [smem:$0x3FAE];
	_ =	sdelay $0x3  }
0x36: {  	p1 =	seq.s32 s10, $0x1;
	s10 =	sld [smem:$0x3FAF];
	_ =	sdelay $0x3  }
0x37: {  	[smem:$0x3FAF] =	sst s10  }
0x38: {  	s10 =	sld [smem:$0x3FB0]  }
0x39: {  	_ = 	snop;
	(pc) =	sbr.ind lr, $3  }
0x3a: {  	_ = 	snop  }
0x3b: {  	_ = 	snop  }
0x3c: {  	p2 =	seq.s32 s10, $0x1;
	s10 =	sld [smem:$0x3FAF]  }
0x3d: {  	_ =	shalt  }
0x3e: {  	_ =	shalt  }
0x3f: {  	_ =	shalt  }
0x40: {  	_ =	shalt  }
0x41: {  	_ =	shalt  }
0x42: {  	_ =	shalt  }
0x43: {  	_ =	shalt  }
0x44: {  	_ =	shalt  }
0x45: {  	_ =	shalt  }
0x46: {  	_ =	shalt  }
0x47: {  	_ =	shalt  }
0x48: {  	_ =	shalt  }
0x49: {  	_ =	shalt  }
0x4a: {  	_ =	shalt  }
0x4b: {  	_ =	shalt  }
0x4c: {  	_ =	shalt  }
0x4d: {  	_ =	shalt  }
0x4e: {  	_ =	shalt  }
0x4f: {  	_ =	shalt  }
0x50: {  	_ =	shalt  }
0x51: {  	_ =	shalt  }
0x52: {  	_ =	shalt  }
0x53: {  	_ =	shalt  }
0x54: {  	_ =	shalt  }
0x55: {  	_ =	shalt  }
0x56: {  	_ =	shalt  }
0x57: {  	_ =	shalt  }
0x58: {  	_ =	shalt  }
0x59: {  	_ =	shalt  }
0x5a: {  	_ =	shalt  }
0x5b: {  	_ =	shalt  }
0x5c: {  	_ =	shalt  }
0x5d: {  	_ =	shalt  }
0x5e: {  	_ =	shalt  }
0x5f: {  	_ =	shalt  }
0x60: {  	_ =	shalt  }
0x61: {  	_ =	shalt  }
0x62: {  	_ =	shalt  }
0x63: {  	_ =	shalt  }
0x64: {  	_ =	shalt  }
0x65: {  	_ =	shalt  }
0x66: {  	_ =	shalt  }
0x67: {  	_ =	shalt  }
0x68: {  	_ =	shalt  }
0x69: {  	_ =	shalt  }
0x6a: {  	_ =	shalt  }
0x6b: {  	_ =	shalt  }
0x6c: {  	_ =	shalt  }
0x6d: {  	_ =	shalt  }
0x6e: {  	_ =	shalt  }
0x6f: {  	_ =	shalt  }
0x70: {  	_ =	shalt  }
0x71: {  	_ =	shalt  }
0x72: {  	_ =	shalt  }
0x73: {  	_ =	shalt  }
0x74: {  	_ =	shalt  }
0x75: {  	_ =	shalt  }
0x76: {  	_ =	shalt  }
0x77: {  	_ =	shalt  }
0x78: {  	_ =	shalt  }
0x79: {  	_ =	shalt  }
0x7a: {  	_ =	shalt  }
0x7b: {  	_ =	shalt  }
0x7c: {  	_ =	shalt  }
0x7d: {  	_ =	shalt  }
0x7e: {  	_ =	shalt  }
0x7f: {  	_ =	shalt  }
0x80: {  	_ =	shalt  }
0x81: {  	_ =	shalt  }
0x82: {  	_ =	shalt  }
0x83: {  	_ =	shalt  }
0x84: {  	_ =	shalt  }
0x85: {  	_ =	shalt  }
0x86: {  	_ =	shalt  }
0x87: {  	_ =	shalt  }
.Lfunc_end0:
.L_simem_size_0:
called_computation_lowered:
.L_overlay_start_0:
0x88: {  	s2 =	sld [smem:$0x3FD9]  }
0x89: {  	s3 =	sld [smem:$0x3FFE];
	_ =	sdelay $0x1  }
0x8a: {  	s1 =	srdreg.scid  }
0x8b: {  	s0 =	sand.u32 $0x1, s1  }
0x8c: {  	s16 =	sshll.u32 s0, $0xA;
	s2 =	sadd.s32 s3, s2  }
0x8d: {  	s2 =	sadd.s32 s2, s16  }
0x8e: {  	[smem:$0x3FBB] =	sst s2  }
0x8f: {  	_ = 	snop  }
0x90: {  	(tm) =	ssettm $0x1  }
0x91: {  	s17 =	sld [smem:$0x3FFB];
	_ =	sdelay $0x3  }
0x92: {  	_ =	strace s17  }
0x93: {  	s2 =	sld [smem:$0x3FFC];
	_ =	sdelay $0x3  }
0x94: {  	_ =	strace s2  }
0x95: {  	s2 =	sld [smem:$0x3FFD];
	_ =	sdelay $0x3  }
0x96: {  	_ =	strace s2  }
0x97: {  	_ =	strace $0x8FFFFFFF  }
0x98: {  	s18 =	sld [smem:$0x3FDB];
	_ =	sdelay $0x1  }
0x99: {  	s19 =	simm.s32 $_scs_section_size  }
0x9a: {  	s4 =	simm.s32 $_size__tile_overlayer_lowered;
	s5 =	simm.s32 $_tile_overlayer_lowered  }
0x9b: {  	s22 =	simm.s32 $0x1BFF;
	s21 =	sshll.u32 s5, $0x1;
	s2 =	sadd.s32 s19, s18  }
0x9c: {  	s6 =	simm.s32 $0x0;
	s20 =	sshll.u32 s4, $0x1;
	s4 =	sadd.s32 s21, s2  }
0x9d: {  	[timem:s6], [sflag:s22] =	dma.local [hbm:s4], s20  }
0x9e: {  	_ =	swait.ge [sflag:s22], s20  }
0x9f: {  	s3 =	ssub.s32 $0x0, s20;
	[sflag:s22] =	ssyncset.done $0x0  }
0xa0: {  	[sflag:s22] =	ssyncadd.s32 s3;
	_ =	sdelay $0x1  }
0xa1: {  	s23 =	simm.s32 $0x1B8B  }
0xa2: {  	_ =	swait.ge [sflag:s23], $0x1  }
0xa3: {  	[sflag:s23] =	ssyncset.done $0x0  }
0xa4: {  	s25 =	simm.s32 $0x1B8E;
	s24 =	sld [smem:$0x3FFE];
	[sflag:s23] =	ssyncadd.s32 $0xFFFFFFFF  }
0xa5: {  	s26 =	simm.s32 $execute0_lowered;
	[smem:$0x3FD2] =	sst s25  }
0xa6: {  	s4 =	sshll.u32 s26, $0x1;
	_ =	strace $0x80000046;
	[dreg:$0x1] =	wrdreg $0xFFFFFFFF  }
0xa7: {  	s28 =	simm.s32 $_size_execute0_lowered;
	s2 =	sadd.s32 s2, s4;
	[dreg:$0x0] =	wrdreg $0x0  }
0xa8: {  	s4 =	sshll.u32 s28, $0x1;
	[dreg:$0x2] =	wrdreg s2  }
0xa9: {  	[dreg:$0x3] =	wrdreg s4  }
0xaa: {  	[dreg:$0x4] =	wrdreg $0xC0  }
0xab: {  	_ =	task [dreg:s6], $0x5FFFF  }
0xac: {  	[dreg:$0x1] =	wrdreg $0xFFFFFFFF  }
0xad: {  	[dreg:$0x0] =	wrdreg $0x60  }
0xae: {  	[dreg:$0x2] =	wrdreg s24  }
0xaf: {  	[dreg:$0x3] =	wrdreg $0x9  }
0xb0: {  	_ =	task.clear_ibuf [dreg:s6], $0x4FFFF;
	_ =	strace $0x90000046  }
0xb1: {  	s29 =	simm.s32 $0x9;
	_ =	strace $0x80000048  }
0xb2: {  	_ =	swait.ge [sflag:s29], $0x1  }
0xb3: {  	[sflag:s29] =	ssyncadd.s32 $0xFFFFFFFF  }
0xb4: {  	_ =	strace $0x90000048  }
0xb5: {  	_ =	sfence  }
0xb6: {  	s30 =	sld [smem:$0x0];
	_ =	sdelay $0x2  }
0xb7: {  	s31 =	sshll.u32 s1, $0xD;
	s1 =	sshrl.u32 s1, $0x2  }
0xb8: {  	s3 =	sand.u32 $0x4000, s31;
	s1 =	sadd.s32 s1, s30  }
0xb9: {  	s0 =	sor.u32 s3, s0;
	s1 =	sshll.u32 s1, $0x11  }
0xba: {  	s0 =	sor.u32 s1, s0  }
0xbb: {  	s0 =	sadd.s32 $0x8F2B, s0  }
0xbc: {  	[sflag:s0] =	ssyncadd.remote.s32 $0x1  }
0xbd: {  	_ =	sfence.sel $0xFFFF  }
0xbe: {  	[dreg:$0x0] =	wrdreg $0xFFFFFFFF;
	(pc) =	sbr.abs _section_cstart, $3  }
0xbf: {  	[dreg:$0x1] =	wrdreg $0xFFFFFFFF  }
0xc0: {  	_ =	task.clear_ibuf [dreg:s6], $0x2FFFF;
	_ =	strace $0x9FFFFFFF  }
0xc1: {  	(tm) =	ssettm $0x7FFFFFFF  }
tec
execute0_lowered:
.L_overlay_start_1:
0x0: {  	(tag) =	ssettag $0x1  }
0x1: {  	s0 =	rddreg [dreg:$0x0]  }
0x2: {  	s2 =	simm.s32 $0x0;
	s3 =	srdreg.scid;
	s1 =	stileid.u32  }
0x3: {  	s12 =	simm.s32 $0x5;
	s13 =	simm.s32 $0x100;
	s14 =	simm.s32 $0x80  }
0x4: {  	s15 =	simm.s32 $0x200;
	s16 =	simm.s32 $0x8200;
	s17 =	simm.s32 $0x1  }
0x5: {  	s18 =	simm.s32 $0x3;
	s19 =	simm.s32 $0x10200;
	s20 =	simm.s32 $0x6  }
0x6: {  	s21 =	simm.s32 $0x2;
	s22 =	simm.s32 $0x4;
	s23 =	simm.s32 $0x0  }
0x7: {  	[smem:$0x7FF] =	sst s2;
	s6 =	sand.u32 $0x1, s3;
	s30 =	sshll.u32 s1, $0x1  }
0x8: {  	s3 =	sadd.s32 $0x3DC00, s0;
	s4 =	sadd.s32 $0x2E00, s0;
	s5 =	sadd.s32 $0xCC00, s0  }
.Ltmp0:
0x9: {  	s7 =	sor.u32 s6, s30;
	s31 =	ssub.s32 $0x2, s6;
	(pc) =	sbr.rel .LBB2_1-.Ltmp0, $4  }
0xa: {  	_ =	strace $0x80000047;
	s8 =	sshll.u32 s7, $0xB;
	s9 =	sshrl.u32 s31, $0x1  }
0xb: {  	s10 =	ssub.s32 $0x9E3, s7;
	s6 =	sshll.u32 s7, $0x4;
	s0 =	sadd.s32 s8, s0  }
0xc: {  	s11 =	ssub.s32 s31, s9;
	s7 =	sshrl.u32 s10, $0x5;
	s8 =	sadd.s32 s4, s6  }
0xd: {  	v0 =	vimm.f32 $0.0e+00;
	s9 =	sadd.s32 s5, s6;
	s10 =	sadd.s32 $0x64E00, s0;
	s11 =	smax.u32 s11, $0x1  }
.LBB2_13:
0xe: {  	s23 =	sadd.s32 $0x1, s23  }
0xf: {  	p0 =	sne.s32 s23, s11  }
.Ltmp1:
0x10: {  	_ = 	snop;
	(pc) =	sbr.rel @!p0 .LBB2_14-.Ltmp1, $1  }
0x11: {  	_ =	sdelay $0x3  }
.LBB2_1:
0x12: {  	s24 =	simm.s32 $0xFFFF0200;
	s0 =	simm.s32 $0xFFFFC000  }
.LBB2_2:
0x13: {  	p0 =	sne.s32 s24, $0xFFFFFE00;
	[tilespmem:s0+$0x14270] =	vst v0;
	s25 =	smov.u32 s24;
	s24 =	sadd.s32 $0x200, s24  }
.Ltmp2:
0x14: {  	[tilespmem:s0+$0x14260] =	vst v0;
	(pc) =	sbr.rel @p0 .LBB2_2-.Ltmp2, $3  }
0x15: {  	[tilespmem:s0+$0x14240] =	vst v0  }
0x16: {  	[tilespmem:s0+$0x14250] =	vst v0;
	_ =	sdelay $0x1  }
0x17: {  	s0 =	sshra.s32 s25, $0x2  }
0x18: {  	[tilespmem:s0+$0x14270] =	vst v0  }
0x19: {  	[tilespmem:s0+$0x14260] =	vst v0  }
0x1a: {  	[tilespmem:s0+$0x14240] =	vst v0  }
0x1b: {  	[tilespmem:s0+$0x14250] =	vst v0;
	s24 =	simm.s32 $0x0  }
0x1c: {  	[tilespmem:s24], [sflag:$0x5] =	stream.linear.gather [hbm4b:s8+s24], $0x80, $0x38;
	[tilespmem:$0x14200] =	vst v63  }
0x1d: {  	_ =	swait.ge [sflag:s12], $0x80  }
0x1e: {  	[sflag:s12] =	ssyncset.done $0x0  }
0x1f: {  	[sflag:s12] =	ssyncadd.s32 $0xFFFFFF80  }
0x20: {  	[tilespmem:s13], [sflag:$0x5] =	stream.linear.gather [hbm4b:s9+s24], $0x80, $0x38;
	[tilespmem:$0x14200] =	vst v63  }
0x21: {  	_ =	swait.ge [sflag:s12], $0x80  }
.Ltmp3:
0x22: {  	[sflag:s12] =	ssyncset.done $0x0;
	(pc) =	sbr.rel .LBB2_4-.Ltmp3, $4  }
0x23: {  	[sflag:s12] =	ssyncadd.s32 $0xFFFFFF80  }
0x24: {  	[tilespmem:s15], [sflag:$0x1] =	stream.indirect.gather [hbm4b:s3+s14], $0x80, s24, s14, $0xb8;
	[tilespmem:$0x14200] =	vst v63  }
0x25: {  	_ = 	snop  }
0x26: {  	[tilespmem:s16], [sflag:$0x3] =	stream.indirect.gather [hbm4b:s3+s14], $0x80, s13, s14, $0xb8;
	[tilespmem:$0x14200] =	vst v63  }
.LBB2_12:
0x27: {  	s24 =	sadd.s32 $0x1, s24  }
0x28: {  	p0 =	sne.s32 s24, $0x28  }
.Ltmp4:
0x29: {  	_ = 	snop;
	(pc) =	sbr.rel @!p0 .LBB2_13-.Ltmp4, $1  }
0x2a: {  	_ =	sdelay $0x3  }
.LBB2_4:
0x2b: {  	s25 =	sshllo.u32 s24, $0x1  }
0x2c: {  	p0 =	sge.u32 s25, s7  }
0x2d: {  	s0 =	sshll.u32 @!p0 s25, $0x9  }
0x2e: {  	s0 =	sor.u32 @!p0 s6, s0  }
0x2f: {  	s28 =	simm.s32 @!p0 $0x0;
	s29 =	simm.s32 @!p0 $0x80;
	s26 =	sadd.s32 @!p0 s4, s0  }
0x30: {  	[tilespmem:s29], [sflag:$0x6] =	stream.linear.gather @!p0 [hbm4b:s26+s28], $0x80, $0x38;
	[tilespmem:$0x14200] =	vst v63  }
0x31: {  	s26 =	simm.s32 @!p0 $0x6  }
0x32: {  	_ =	swait.ge @!p0 [sflag:s26], $0x80  }
0x33: {  	[sflag:s26] =	ssyncset.done @!p0 $0x0  }
0x34: {  	s30 =	simm.s32 @!p0 $0x180;
	s0 =	sadd.s32 @!p0 s5, s0;
	[sflag:s26] =	ssyncadd.s32 @!p0 $0xFFFFFF80  }
0x35: {  	[tilespmem:s30], [sflag:$0x6] =	stream.linear.gather @!p0 [hbm4b:s0+s28], $0x80, $0x38;
	[tilespmem:$0x14200] =	vst v63  }
0x36: {  	_ =	swait.ge @!p0 [sflag:s26], $0x80  }
0x37: {  	[sflag:s26] =	ssyncset.done @!p0 $0x0  }
0x38: {  	[sflag:s26] =	ssyncadd.s32 @!p0 $0xFFFFFF80;
	s26 =	sshll.u32 s24, $0x1  }
0x39: {  	p1 =	sge.u32 s26, s7  }
.Ltmp5:
0x3a: {  	_ = 	snop;
	(pc) =	sbr.rel @p1 .LBB2_8-.Ltmp5, $4  }
0x3b: {  	s0 =	simm.s32 @!p0 $0x4200  }
0x3c: {  	[tilespmem:s0], [sflag:$0x2] =	stream.indirect.gather @!p0 [hbm4b:s3+s29], $0x80, s29, s29, $0xb8;
	[tilespmem:$0x14200] =	vst v63  }
0x3d: {  	s0 =	simm.s32 @!p0 $0xC200  }
0x3e: {  	[tilespmem:s0], [sflag:$0x4] =	stream.indirect.gather @!p0 [hbm4b:s3+s29], $0x80, s30, s29, $0xb8;
	[tilespmem:$0x14200] =	vst v63  }
0x3f: {  	_ =	swait.ge [sflag:s17], $0x4000  }
0x40: {  	[sflag:s17] =	ssyncset.done $0x0  }
0x41: {  	[sflag:s17] =	ssyncadd.s32 $0xFFFFC000  }
0x42: {  	_ =	swait.ge [sflag:s18], $0x4000  }
0x43: {  	[sflag:s18] =	ssyncset.done $0x0  }
0x44: {  	s29 =	simm.s32 $0x280;
	[sflag:s18] =	ssyncadd.s32 $0xFFFFC000  }
0x45: {  	s28 =	simm.s32 $0x82C0;
	v1 =	vld [tilespmem:s29+$0xFFFFFF80]  }
0x46: {  	v2 =	vld [tilespmem:s28+$0xFFFFFF80];
	_ =	sdelay $0x4  }
0x47: {  	v1 =	vsub.f32 v1, v2  }
0x48: {  	s30 =	simm.s32 $0x10280  }
0x49: {  	[tilespmem:s30+$0xFFFFFF80] =	vst v1  }
0x4a: {  	v1 =	vld [tilespmem:s28+$0xFFFFFF90]  }
0x4b: {  	v2 =	vld [tilespmem:s29+$0xFFFFFF90];
	_ =	sdelay $0x4  }
0x4c: {  	v1 =	vsub.f32 v2, v1;
	_ =	sdelay $0x1  }
0x4d: {  	[tilespmem:s30+$0xFFFFFF90] =	vst v1  }
0x4e: {  	v1 =	vld [tilespmem:s29+$0xFFFFFFA0]  }
0x4f: {  	v2 =	vld [tilespmem:s28+$0xFFFFFFA0];
	_ =	sdelay $0x4  }
0x50: {  	v1 =	vsub.f32 v1, v2;
	_ =	sdelay $0x1  }
0x51: {  	[tilespmem:s30+$0xFFFFFFA0] =	vst v1  }
0x52: {  	v1 =	vld [tilespmem:s29+$0xFFFFFFB0]  }
0x53: {  	v2 =	vld [tilespmem:s28+$0xFFFFFFB0];
	_ =	sdelay $0x4  }
0x54: {  	v1 =	vsub.f32 v1, v2;
	_ =	sdelay $0x1  }
0x55: {  	[tilespmem:s30+$0xFFFFFFB0] =	vst v1  }
0x56: {  	v1 =	vld [tilespmem:s29+$0x0]  }
0x57: {  	v2 =	vld [tilespmem:s28+$0x0];
	_ =	sdelay $0x4  }
0x58: {  	v1 =	vsub.f32 v1, v2;
	_ =	sdelay $0x1  }
0x59: {  	[tilespmem:s30+$0x0] =	vst v1  }
0x5a: {  	v1 =	vld [tilespmem:s29+$0x10]  }
0x5b: {  	v2 =	vld [tilespmem:s28+$0x10];
	_ =	sdelay $0x4  }
0x5c: {  	v1 =	vsub.f32 v1, v2;
	_ =	sdelay $0x1  }
0x5d: {  	[tilespmem:s30+$0x10] =	vst v1  }
0x5e: {  	v1 =	vld [tilespmem:s29+$0x20]  }
0x5f: {  	v2 =	vld [tilespmem:s28+$0x20];
	_ =	sdelay $0x4  }
0x60: {  	v1 =	vsub.f32 v1, v2;
	_ =	sdelay $0x1  }
0x61: {  	[tilespmem:s30+$0x20] =	vst v1  }
0x62: {  	s31 =	simm.s32 $0x0;
	s0 =	simm.s32 $0x10380;
	v1 =	vld [tilespmem:s29+$0x30]  }
.LBB2_6:
0x63: {  	s31 =	sadd.s32 $0x2, s31;
	v2 =	vld [tilespmem:s28+$0x30];
	s28 =	sadd.s32 $0x100, s28;
	s29 =	sadd.s32 $0x100, s29  }
0x64: {  	p1 =	slt.u32 s31, $0x7E;
	_ =	sdelay $0x3  }
0x65: {  	v1 =	vsub.f32 v1, v2;
	_ =	sdelay $0x1  }
0x66: {  	[tilespmem:s30+$0x30] =	vst v1;
	s30 =	smov.u32 s0  }
0x67: {  	v1 =	vld [tilespmem:s29+$0xFFFFFF80]  }
0x68: {  	v2 =	vld [tilespmem:s28+$0xFFFFFF80];
	_ =	sdelay $0x4  }
0x69: {  	v1 =	vsub.f32 v1, v2;
	_ =	sdelay $0x1  }
0x6a: {  	[tilespmem:s0+$0xFFFFFF80] =	vst v1  }
0x6b: {  	v1 =	vld [tilespmem:s28+$0xFFFFFF90]  }
0x6c: {  	v2 =	vld [tilespmem:s29+$0xFFFFFF90];
	_ =	sdelay $0x4  }
0x6d: {  	v1 =	vsub.f32 v2, v1;
	_ =	sdelay $0x1  }
0x6e: {  	[tilespmem:s0+$0xFFFFFF90] =	vst v1  }
0x6f: {  	v1 =	vld [tilespmem:s29+$0xFFFFFFA0]  }
0x70: {  	v2 =	vld [tilespmem:s28+$0xFFFFFFA0];
	_ =	sdelay $0x4  }
0x71: {  	v1 =	vsub.f32 v1, v2;
	_ =	sdelay $0x1  }
0x72: {  	[tilespmem:s0+$0xFFFFFFA0] =	vst v1  }
0x73: {  	v1 =	vld [tilespmem:s29+$0xFFFFFFB0]  }
0x74: {  	v2 =	vld [tilespmem:s28+$0xFFFFFFB0];
	_ =	sdelay $0x4  }
0x75: {  	v1 =	vsub.f32 v1, v2;
	_ =	sdelay $0x1  }
0x76: {  	[tilespmem:s0+$0xFFFFFFB0] =	vst v1  }
0x77: {  	v1 =	vld [tilespmem:s29+$0x0]  }
0x78: {  	v2 =	vld [tilespmem:s28+$0x0];
	_ =	sdelay $0x4  }
0x79: {  	v1 =	vsub.f32 v1, v2;
	_ =	sdelay $0x1  }
0x7a: {  	[tilespmem:s0+$0x0] =	vst v1  }
0x7b: {  	v1 =	vld [tilespmem:s29+$0x10]  }
0x7c: {  	v2 =	vld [tilespmem:s28+$0x10];
	_ =	sdelay $0x4  }
0x7d: {  	v1 =	vsub.f32 v1, v2;
	_ =	sdelay $0x1  }
0x7e: {  	[tilespmem:s0+$0x10] =	vst v1  }
0x7f: {  	v1 =	vld [tilespmem:s29+$0x20]  }
0x80: {  	v2 =	vld [tilespmem:s28+$0x20];
	_ =	sdelay $0x3  }
.Ltmp6:
0x81: {  	(pc) =	sbr.rel @p1 .LBB2_6-.Ltmp6, $3  }
0x82: {  	v1 =	vsub.f32 v1, v2;
	_ =	sdelay $0x1  }
0x83: {  	[tilespmem:s0+$0x20] =	vst v1  }
0x84: {  	s0 =	sadd.s32 $0x100, s0;
	v1 =	vld [tilespmem:s29+$0x30]  }
0x85: {  	v2 =	vld [tilespmem:s28+$0x30];
	_ =	sdelay $0x4  }
0x86: {  	v1 =	vsub.f32 v1, v2  }
0x87: {  	s0 =	sshll.u32 s24, $0x11  }
0x88: {  	s0 =	sadd.s32 s0, s10;
	[tilespmem:s30+$0x30] =	vst v1  }
0x89: {  	[hbm4b:s0+s2] =	stream.linear.scatter [tilespmem:s19], [sflag:$0x6], $0x4000, $0x38;
	[tilespmem:$0x14200] =	vst v63  }
0x8a: {  	_ =	swait.ge [sflag:s20], $0x4000  }
0x8b: {  	[sflag:s20] =	ssyncset.done $0x0  }
0x8c: {  	[sflag:s20] =	ssyncadd.s32 $0xFFFFC000  }
.LBB2_8:
0x8d: {  	s0 =	sadd.s32 $0x2, s26  }
0x8e: {  	p1 =	sge.u32 s0, s7  }
0x8f: {  	s0 =	sshll.u32 @!p1 s0, $0x9  }
0x90: {  	s0 =	sor.u32 @!p1 s6, s0  }
0x91: {  	s28 =	simm.s32 @!p1 $0x0;
	s26 =	sadd.s32 @!p1 s4, s0  }
0x92: {  	[tilespmem:s28], [sflag:$0x6] =	stream.linear.gather @!p1 [hbm4b:s26+s28], $0x80, $0x38;
	[tilespmem:$0x14200] =	vst v63  }
0x93: {  	s26 =	simm.s32 @!p1 $0x6  }
0x94: {  	_ =	swait.ge @!p1 [sflag:s26], $0x80  }
0x95: {  	[sflag:s26] =	ssyncset.done @!p1 $0x0  }
0x96: {  	s29 =	simm.s32 @!p1 $0x100;
	s0 =	sadd.s32 @!p1 s5, s0;
	[sflag:s26] =	ssyncadd.s32 @!p1 $0xFFFFFF80  }
0x97: {  	[tilespmem:s29], [sflag:$0x6] =	stream.linear.gather @!p1 [hbm4b:s0+s28], $0x80, $0x38;
	[tilespmem:$0x14200] =	vst v63  }
0x98: {  	_ =	swait.ge @!p1 [sflag:s26], $0x80  }
.Ltmp7:
0x99: {  	[sflag:s26] =	ssyncset.done @!p1 $0x0;
	(pc) =	sbr.rel @p0 .LBB2_12-.Ltmp7, $4  }
0x9a: {  	s0 =	simm.s32 @!p1 $0x80;
	[sflag:s26] =	ssyncadd.s32 @!p1 $0xFFFFFF80;
	s26 =	simm.s32 @!p1 $0x200  }
0x9b: {  	[tilespmem:s26], [sflag:$0x1] =	stream.indirect.gather @!p1 [hbm4b:s3+s0], $0x80, s28, s0, $0xb8;
	[tilespmem:$0x14200] =	vst v63  }
0x9c: {  	s26 =	simm.s32 @!p1 $0x8200  }
0x9d: {  	[tilespmem:s26], [sflag:$0x3] =	stream.indirect.gather @!p1 [hbm4b:s3+s0], $0x80, s29, s0, $0xb8;
	[tilespmem:$0x14200] =	vst v63  }
0x9e: {  	_ =	swait.ge [sflag:s21], $0x4000  }
0x9f: {  	[sflag:s21] =	ssyncset.done $0x0  }
0xa0: {  	[sflag:s21] =	ssyncadd.s32 $0xFFFFC000  }
0xa1: {  	_ =	swait.ge [sflag:s22], $0x4000  }
0xa2: {  	[sflag:s22] =	ssyncset.done $0x0  }
0xa3: {  	s28 =	simm.s32 $0x4280;
	[sflag:s22] =	ssyncadd.s32 $0xFFFFC000  }
0xa4: {  	s26 =	simm.s32 $0xC2C0;
	v1 =	vld [tilespmem:s28+$0xFFFFFF80]  }
0xa5: {  	v2 =	vld [tilespmem:s26+$0xFFFFFF80];
	_ =	sdelay $0x4  }
0xa6: {  	v1 =	vsub.f32 v1, v2  }
0xa7: {  	s29 =	simm.s32 $0x10280  }
0xa8: {  	[tilespmem:s29+$0xFFFFFF80] =	vst v1  }
0xa9: {  	v1 =	vld [tilespmem:s26+$0xFFFFFF90]  }
0xaa: {  	v2 =	vld [tilespmem:s28+$0xFFFFFF90];
	_ =	sdelay $0x4  }
0xab: {  	v1 =	vsub.f32 v2, v1;
	_ =	sdelay $0x1  }
0xac: {  	[tilespmem:s29+$0xFFFFFF90] =	vst v1  }
0xad: {  	v1 =	vld [tilespmem:s28+$0xFFFFFFA0]  }
0xae: {  	v2 =	vld [tilespmem:s26+$0xFFFFFFA0];
	_ =	sdelay $0x4  }
0xaf: {  	v1 =	vsub.f32 v1, v2;
	_ =	sdelay $0x1  }
0xb0: {  	[tilespmem:s29+$0xFFFFFFA0] =	vst v1  }
0xb1: {  	v1 =	vld [tilespmem:s28+$0xFFFFFFB0]  }
0xb2: {  	v2 =	vld [tilespmem:s26+$0xFFFFFFB0];
	_ =	sdelay $0x4  }
0xb3: {  	v1 =	vsub.f32 v1, v2;
	_ =	sdelay $0x1  }
0xb4: {  	[tilespmem:s29+$0xFFFFFFB0] =	vst v1  }
0xb5: {  	v1 =	vld [tilespmem:s28+$0x0]  }
0xb6: {  	v2 =	vld [tilespmem:s26+$0x0];
	_ =	sdelay $0x4  }
0xb7: {  	v1 =	vsub.f32 v1, v2;
	_ =	sdelay $0x1  }
0xb8: {  	[tilespmem:s29+$0x0] =	vst v1  }
0xb9: {  	v1 =	vld [tilespmem:s28+$0x10]  }
0xba: {  	v2 =	vld [tilespmem:s26+$0x10];
	_ =	sdelay $0x4  }
0xbb: {  	v1 =	vsub.f32 v1, v2;
	_ =	sdelay $0x1  }
0xbc: {  	[tilespmem:s29+$0x10] =	vst v1  }
0xbd: {  	v1 =	vld [tilespmem:s28+$0x20]  }
0xbe: {  	v2 =	vld [tilespmem:s26+$0x20];
	_ =	sdelay $0x4  }
0xbf: {  	v1 =	vsub.f32 v1, v2;
	_ =	sdelay $0x1  }
0xc0: {  	[tilespmem:s29+$0x20] =	vst v1  }
0xc1: {  	s30 =	simm.s32 $0x0;
	s0 =	simm.s32 $0x10380;
	v1 =	vld [tilespmem:s28+$0x30]  }
.LBB2_10:
0xc2: {  	s30 =	sadd.s32 $0x2, s30;
	v2 =	vld [tilespmem:s26+$0x30];
	s26 =	sadd.s32 $0x100, s26;
	s28 =	sadd.s32 $0x100, s28  }
0xc3: {  	p0 =	slt.u32 s30, $0x7E;
	_ =	sdelay $0x3  }
0xc4: {  	v1 =	vsub.f32 v1, v2;
	_ =	sdelay $0x1  }
0xc5: {  	[tilespmem:s29+$0x30] =	vst v1;
	s29 =	smov.u32 s0  }
0xc6: {  	v1 =	vld [tilespmem:s28+$0xFFFFFF80]  }
0xc7: {  	v2 =	vld [tilespmem:s26+$0xFFFFFF80];
	_ =	sdelay $0x4  }
0xc8: {  	v1 =	vsub.f32 v1, v2;
	_ =	sdelay $0x1  }
0xc9: {  	[tilespmem:s0+$0xFFFFFF80] =	vst v1  }
0xca: {  	v1 =	vld [tilespmem:s26+$0xFFFFFF90]  }
0xcb: {  	v2 =	vld [tilespmem:s28+$0xFFFFFF90];
	_ =	sdelay $0x4  }
0xcc: {  	v1 =	vsub.f32 v2, v1;
	_ =	sdelay $0x1  }
0xcd: {  	[tilespmem:s0+$0xFFFFFF90] =	vst v1  }
0xce: {  	v1 =	vld [tilespmem:s28+$0xFFFFFFA0]  }
0xcf: {  	v2 =	vld [tilespmem:s26+$0xFFFFFFA0];
	_ =	sdelay $0x4  }
0xd0: {  	v1 =	vsub.f32 v1, v2;
	_ =	sdelay $0x1  }
0xd1: {  	[tilespmem:s0+$0xFFFFFFA0] =	vst v1  }
0xd2: {  	v1 =	vld [tilespmem:s28+$0xFFFFFFB0]  }
0xd3: {  	v2 =	vld [tilespmem:s26+$0xFFFFFFB0];
	_ =	sdelay $0x4  }
0xd4: {  	v1 =	vsub.f32 v1, v2;
	_ =	sdelay $0x1  }
0xd5: {  	[tilespmem:s0+$0xFFFFFFB0] =	vst v1  }
0xd6: {  	v1 =	vld [tilespmem:s28+$0x0]  }
0xd7: {  	v2 =	vld [tilespmem:s26+$0x0];
	_ =	sdelay $0x4  }
0xd8: {  	v1 =	vsub.f32 v1, v2;
	_ =	sdelay $0x1  }
0xd9: {  	[tilespmem:s0+$0x0] =	vst v1  }
0xda: {  	v1 =	vld [tilespmem:s28+$0x10]  }
0xdb: {  	v2 =	vld [tilespmem:s26+$0x10];
	_ =	sdelay $0x4  }
0xdc: {  	v1 =	vsub.f32 v1, v2;
	_ =	sdelay $0x1  }
0xdd: {  	[tilespmem:s0+$0x10] =	vst v1  }
0xde: {  	v1 =	vld [tilespmem:s28+$0x20]  }
0xdf: {  	v2 =	vld [tilespmem:s26+$0x20];
	_ =	sdelay $0x3  }
.Ltmp8:
0xe0: {  	(pc) =	sbr.rel @p0 .LBB2_10-.Ltmp8, $3  }
0xe1: {  	v1 =	vsub.f32 v1, v2;
	_ =	sdelay $0x1  }
0xe2: {  	[tilespmem:s0+$0x20] =	vst v1  }
0xe3: {  	s0 =	sadd.s32 $0x100, s0;
	v1 =	vld [tilespmem:s28+$0x30]  }
0xe4: {  	v2 =	vld [tilespmem:s26+$0x30];
	_ =	sdelay $0x4  }
0xe5: {  	v1 =	vsub.f32 v1, v2  }
0xe6: {  	s0 =	sshll.u32 s25, $0x10  }
.Ltmp9:
0xe7: {  	s0 =	sadd.s32 s0, s10;
	[tilespmem:s29+$0x30] =	vst v1;
	(pc) =	sbr.rel .LBB2_12-.Ltmp9, $4  }
0xe8: {  	[hbm4b:s0+s2] =	stream.linear.scatter [tilespmem:s19], [sflag:$0x5], $0x4000, $0x38;
	[tilespmem:$0x14200] =	vst v63  }
0xe9: {  	_ =	swait.ge [sflag:s12], $0x4000  }
0xea: {  	[sflag:s12] =	ssyncset.done $0x0  }
0xeb: {  	[sflag:s12] =	ssyncadd.s32 $0xFFFFC000  }
.LBB2_14:
0xec: {  	_ =	sfence.sel $0x180000  }
0xed: {  	[bflag:$0x0] =	sbarrier.arrive $0xFFFF  }
0xee: {  	_ =	strace $0x90000047  }
0xef: {  	[bflag:$0x2] =	sbarrier.arrive $0xFFFF  }
0xf0: {  	p0 =	sne.s32 s1, $0x0;
	s0 =	rddreg [dreg:$0x1]  }
0xf1: {  	s0 =	sadd.s32 @!p0 $0x100000, s0  }
0xf2: {  	[sflag:s0] =	ssyncadd.tile.s32 @!p0 $0x1;
	_ =	shalt  }
.Lfunc_end2:
_tile_overlayer_lowered:
.L_overlay_start_2:
0xf3: {  	(tag) =	ssettag $0x2  }
0xf4: {  	s0 =	rddreg [dreg:$0x0];
	s2 =	stileid.u32  }
0xf5: {  	s1 =	rddreg [dreg:$0x1];
	p0 =	sne.s32 s2, $0x0  }
0xf6: {  	s3 =	rddreg [dreg:$0x2];
	[bflag:$0x3] =	sbarrier.arrive $0xFFFF;
	s2 =	simm.s32 @!p0 $0x1C05  }
0xf7: {  	[timem:s3], [sflag:s2] =	dma.local @!p0 [hbm:s0], s1  }
0xf8: {  	s0 =	simm.s32 @!p0 $0x5  }
0xf9: {  	_ =	swait.ge @!p0 [sflag:s0], s1  }
0xfa: {  	s1 =	ssub.s32 @!p0 $0x0, s1;
	[sflag:s0] =	ssyncset.done @!p0 $0x0  }
0xfb: {  	[sflag:s0] =	ssyncadd.s32 @!p0 s1  }
0xfc: {  	[bflag:$0x3] =	sbarrier.arrive $0xFFFF  }
0xfd: {  	_ =	shalt  }

// kernel: kernel.14.cloned.1.call-start
scs
__scs_entry_jumppad:
0x0: {  	(pc) =	sbr.rel $0x88, $3  }
0x1: {  	(tag) =	ssettag $0x0;
	lr =	simm.s32 $0x1  }
0x2: {  	[smem:$0x3F94] =	sst lr;
	_ =	strace $0xD0000000  }
0x3: {  	_ = 	snop  }
0x4: {  	_ = 	snop  }
0x5: {  	_ = 	snop  }
0x6: {  	_ = 	snop  }
0x7: {  	_ = 	snop  }
__scs_overlays_trampoline_lowered:
0x8: {  	[smem:$0x3FA3] =	sst s0  }
0x9: {  	[smem:$0x3FA4] =	sst s1  }
0xa: {  	[smem:$0x3FA5] =	sst s2  }
0xb: {  	[smem:$0x3FA6] =	sst s3  }
0xc: {  	[smem:$0x3FA7] =	sst s4  }
0xd: {  	[smem:$0x3FA8] =	sst s5  }
0xe: {  	[smem:$0x3FA9] =	sst s6  }
0xf: {  	[smem:$0x3FAA] =	sst s7  }
0x10: {  	[smem:$0x3FAB] =	sst s8  }
0x11: {  	[smem:$0x3FAC] =	sst s9;
	s0 =	simm.s32 @!p0 $0x0  }
0x12: {  	s1 =	sld [smem:$0x3F92];
	s0 =	simm.s32 @p0 $0x1  }
0x13: {  	[smem:$0x3FAD] =	sst s0;
	s0 =	simm.s32 @!p1 $0x0  }
0x14: {  	s2 =	sld [smem:$0x3F91];
	s0 =	simm.s32 @p1 $0x1  }
0x15: {  	[smem:$0x3FAE] =	sst s0;
	s0 =	simm.s32 @!p2 $0x0  }
0x16: {  	s3 =	sld [smem:$0x3FDB];
	s0 =	simm.s32 @p2 $0x1  }
0x17: {  	s4 =	simm.s32 $0x1BF5;
	[smem:$0x3FB0] =	sst s0  }
0x18: {  	s0 =	sld [smem:$0x3F93];
	_ =	swait.ge [sflag:s4], $0x0  }
0x19: {  	s7 =	sld [smem:$0x3F94]  }
0x1a: {  	s8 =	sadd.s32 $0xFFFFE003, lr  }
0x1b: {  	s9 =	sadd.s32 $0xFFFFFEF7, lr;
	s5 =	simm.s32 $0xFFFFFFFF;
	p2 =	slt.u32 s8, $0xFFFFF086  }
0x1c: {  	p1 =	slt.u32 s9, $0xF7A;
	s5 =	simm.s32 @!p2 $0x0  }
0x1d: {  	s5 =	simm.s32 @p1 $0x1;
	p0 =	seq.s32 s7, s2  }
0x1e: {  	s7 =	smul.u32 @!p0 $0xF7A, s2;
	p2 =	seq.s32 @!p0 s5, $0x0  }
0x1f: {  	s9 =	smul.u32 $0xF7A, s1;
	s8 =	simm.s32 @!p0 $0x1BF5;
	p2 =	por !p2, p0  }
0x20: {  	[sflag:s8] =	ssyncset.s32 @!p0 $0xFFFFF086;
	s6 =	sadd.s32 @!p0 s3, s7;
	s7 =	simm.s32 @!p0 $0x108  }
0x21: {  	s3 =	sadd.s32 s3, s9;
	s6 =	sadd.s32 @!p0 $0x88, s6;
	s7 =	simm.s32 @p2 $0x1082  }
0x22: {  	[simem:s7], [sflag:s8] =	dma.local @!p0 [hbm:s6], $0xF7A  }
0x23: {  	s9 =	sor.u32 $0xD0000000, s2;
	s6 =	simm.s32 $0x108;
	_ =	swait.ge @!p0 [sflag:s8], $0x0  }
0x24: {  	s3 =	sadd.s32 $0x88, s3;
	s6 =	simm.s32 @!p1 $0x1082;
	[sflag:s4] =	ssyncset.s32 $0xFFFFF086  }
0x25: {  	[simem:s6], [sflag:s4] =	dma.local [hbm:s3], $0xF7A  }
0x26: {  	[smem:$0x3F94] =	sst s1;
	(tag) =	ssettag s2;
	_ =	strace s9  }
0x27: {  	s1 =	sld [smem:$0x3FA4]  }
0x28: {  	s2 =	sld [smem:$0x3FA5]  }
0x29: {  	s4 =	sld [smem:$0x3FA7]  }
0x2a: {  	p0 =	seq.s32 s5, $0x0;
	s5 =	sld [smem:$0x3FA8]  }
0x2b: {  	s6 =	sld [smem:$0x3FA9]  }
0x2c: {  	s7 =	sld [smem:$0x3FAA]  }
0x2d: {  	s3 =	simm.s32 $0x108;
	s8 =	sld [smem:$0x3FAB]  }
0x2e: {  	s3 =	simm.s32 @!p0 $0x1082;
	s9 =	sld [smem:$0x3FAC]  }
0x2f: {  	lr =	sadd.s32 s0, s3;
	s0 =	sld [smem:$0x3FA3]  }
0x30: {  	s3 =	sld [smem:$0x3FA6]  }
0x31: {  	[smem:$0x3FAF] =	sst s10  }
0x32: {  	s10 =	sld [smem:$0x3FAD];
	_ =	sdelay $0x3  }
0x33: {  	p0 =	seq.s32 s10, $0x1;
	s10 =	sld [smem:$0x3FAF];
	_ =	sdelay $0x3  }
0x34: {  	[smem:$0x3FAF] =	sst s10  }
0x35: {  	s10 =	sld [smem:$0x3FAE];
	_ =	sdelay $0x3  }
0x36: {  	p1 =	seq.s32 s10, $0x1;
	s10 =	sld [smem:$0x3FAF];
	_ =	sdelay $0x3  }
0x37: {  	[smem:$0x3FAF] =	sst s10  }
0x38: {  	s10 =	sld [smem:$0x3FB0]  }
0x39: {  	_ = 	snop;
	(pc) =	sbr.ind lr, $3  }
0x3a: {  	_ = 	snop  }
0x3b: {  	_ = 	snop  }
0x3c: {  	p2 =	seq.s32 s10, $0x1;
	s10 =	sld [smem:$0x3FAF]  }
0x3d: {  	_ =	shalt  }
0x3e: {  	_ =	shalt  }
0x3f: {  	_ =	shalt  }
0x40: {  	_ =	shalt  }
0x41: {  	_ =	shalt  }
0x42: {  	_ =	shalt  }
0x43: {  	_ =	shalt  }
0x44: {  	_ =	shalt  }
0x45: {  	_ =	shalt  }
0x46: {  	_ =	shalt  }
0x47: {  	_ =	shalt  }
0x48: {  	_ =	shalt  }
0x49: {  	_ =	shalt  }
0x4a: {  	_ =	shalt  }
0x4b: {  	_ =	shalt  }
0x4c: {  	_ =	shalt  }
0x4d: {  	_ =	shalt  }
0x4e: {  	_ =	shalt  }
0x4f: {  	_ =	shalt  }
0x50: {  	_ =	shalt  }
0x51: {  	_ =	shalt  }
0x52: {  	_ =	shalt  }
0x53: {  	_ =	shalt  }
0x54: {  	_ =	shalt  }
0x55: {  	_ =	shalt  }
0x56: {  	_ =	shalt  }
0x57: {  	_ =	shalt  }
0x58: {  	_ =	shalt  }
0x59: {  	_ =	shalt  }
0x5a: {  	_ =	shalt  }
0x5b: {  	_ =	shalt  }
0x5c: {  	_ =	shalt  }
0x5d: {  	_ =	shalt  }
0x5e: {  	_ =	shalt  }
0x5f: {  	_ =	shalt  }
0x60: {  	_ =	shalt  }
0x61: {  	_ =	shalt  }
0x62: {  	_ =	shalt  }
0x63: {  	_ =	shalt  }
0x64: {  	_ =	shalt  }
0x65: {  	_ =	shalt  }
0x66: {  	_ =	shalt  }
0x67: {  	_ =	shalt  }
0x68: {  	_ =	shalt  }
0x69: {  	_ =	shalt  }
0x6a: {  	_ =	shalt  }
0x6b: {  	_ =	shalt  }
0x6c: {  	_ =	shalt  }
0x6d: {  	_ =	shalt  }
0x6e: {  	_ =	shalt  }
0x6f: {  	_ =	shalt  }
0x70: {  	_ =	shalt  }
0x71: {  	_ =	shalt  }
0x72: {  	_ =	shalt  }
0x73: {  	_ =	shalt  }
0x74: {  	_ =	shalt  }
0x75: {  	_ =	shalt  }
0x76: {  	_ =	shalt  }
0x77: {  	_ =	shalt  }
0x78: {  	_ =	shalt  }
0x79: {  	_ =	shalt  }
0x7a: {  	_ =	shalt  }
0x7b: {  	_ =	shalt  }
0x7c: {  	_ =	shalt  }
0x7d: {  	_ =	shalt  }
0x7e: {  	_ =	shalt  }
0x7f: {  	_ =	shalt  }
0x80: {  	_ =	shalt  }
0x81: {  	_ =	shalt  }
0x82: {  	_ =	shalt  }
0x83: {  	_ =	shalt  }
0x84: {  	_ =	shalt  }
0x85: {  	_ =	shalt  }
0x86: {  	_ =	shalt  }
0x87: {  	_ =	shalt  }
.Lfunc_end0:
.L_simem_size_0:
called_computation.1_lowered:
.L_overlay_start_0:
0x88: {  	s2 =	sld [smem:$0x3FD9]  }
0x89: {  	s3 =	sld [smem:$0x3FFE];
	_ =	sdelay $0x1  }
0x8a: {  	s1 =	srdreg.scid  }
0x8b: {  	s0 =	sand.u32 $0x1, s1  }
0x8c: {  	s16 =	sshll.u32 s0, $0xA;
	s2 =	sadd.s32 s3, s2  }
0x8d: {  	s2 =	sadd.s32 s2, s16  }
0x8e: {  	[smem:$0x3FBB] =	sst s2  }
0x8f: {  	_ = 	snop  }
0x90: {  	(tm) =	ssettm $0x1  }
0x91: {  	s17 =	sld [smem:$0x3FFB];
	_ =	sdelay $0x3  }
0x92: {  	_ =	strace s17  }
0x93: {  	s2 =	sld [smem:$0x3FFC];
	_ =	sdelay $0x3  }
0x94: {  	_ =	strace s2  }
0x95: {  	s2 =	sld [smem:$0x3FFD];
	_ =	sdelay $0x3  }
0x96: {  	_ =	strace s2  }
0x97: {  	_ =	strace $0x8FFFFFFF  }
0x98: {  	s18 =	sld [smem:$0x3FDB];
	_ =	sdelay $0x1  }
0x99: {  	s19 =	simm.s32 $_scs_section_size  }
0x9a: {  	s4 =	simm.s32 $_size__tile_overlayer_lowered;
	s5 =	simm.s32 $_tile_overlayer_lowered  }
0x9b: {  	s22 =	simm.s32 $0x1BFF;
	s21 =	sshll.u32 s5, $0x1;
	s2 =	sadd.s32 s19, s18  }
0x9c: {  	s6 =	simm.s32 $0x0;
	s20 =	sshll.u32 s4, $0x1;
	s4 =	sadd.s32 s21, s2  }
0x9d: {  	[timem:s6], [sflag:s22] =	dma.local [hbm:s4], s20  }
0x9e: {  	_ =	swait.ge [sflag:s22], s20  }
0x9f: {  	s3 =	ssub.s32 $0x0, s20;
	[sflag:s22] =	ssyncset.done $0x0  }
0xa0: {  	[sflag:s22] =	ssyncadd.s32 s3;
	_ =	sdelay $0x1  }
0xa1: {  	s23 =	simm.s32 $0x1B8B  }
0xa2: {  	_ =	swait.ge [sflag:s23], $0x1  }
0xa3: {  	[sflag:s23] =	ssyncset.done $0x0  }
0xa4: {  	s25 =	simm.s32 $0x1B8E;
	s24 =	sld [smem:$0x3FFE];
	[sflag:s23] =	ssyncadd.s32 $0xFFFFFFFF  }
0xa5: {  	s26 =	simm.s32 $execute0_lowered;
	[smem:$0x3FD2] =	sst s25  }
0xa6: {  	s4 =	sshll.u32 s26, $0x1;
	_ =	strace $0x80000049;
	[dreg:$0x1] =	wrdreg $0xFFFFFFFF  }
0xa7: {  	s28 =	simm.s32 $_size_execute0_lowered;
	s2 =	sadd.s32 s2, s4;
	[dreg:$0x0] =	wrdreg $0x0  }
0xa8: {  	s4 =	sshll.u32 s28, $0x1;
	[dreg:$0x2] =	wrdreg s2  }
0xa9: {  	[dreg:$0x3] =	wrdreg s4  }
0xaa: {  	[dreg:$0x4] =	wrdreg $0xC0  }
0xab: {  	_ =	task [dreg:s6], $0x5FFFF  }
0xac: {  	[dreg:$0x1] =	wrdreg $0xFFFFFFFF  }
0xad: {  	[dreg:$0x0] =	wrdreg $0x60  }
0xae: {  	[dreg:$0x2] =	wrdreg s24  }
0xaf: {  	[dreg:$0x3] =	wrdreg $0x9  }
0xb0: {  	_ =	task.clear_ibuf [dreg:s6], $0x4FFFF;
	_ =	strace $0x90000049  }
0xb1: {  	s29 =	simm.s32 $0x9;
	_ =	strace $0x8000004B  }
0xb2: {  	_ =	swait.ge [sflag:s29], $0x1  }
0xb3: {  	[sflag:s29] =	ssyncadd.s32 $0xFFFFFFFF  }
0xb4: {  	_ =	strace $0x9000004B  }
0xb5: {  	_ =	sfence  }
0xb6: {  	s30 =	sld [smem:$0x0];
	_ =	sdelay $0x2  }
0xb7: {  	s31 =	sshll.u32 s1, $0xD;
	s1 =	sshrl.u32 s1, $0x2  }
0xb8: {  	s3 =	sand.u32 $0x4000, s31;
	s1 =	sadd.s32 s1, s30  }
0xb9: {  	s0 =	sor.u32 s3, s0;
	s1 =	sshll.u32 s1, $0x11  }
0xba: {  	s0 =	sor.u32 s1, s0  }
0xbb: {  	s0 =	sadd.s32 $0x8F2B, s0  }
0xbc: {  	[sflag:s0] =	ssyncadd.remote.s32 $0x1  }
0xbd: {  	_ =	sfence.sel $0xFFFF  }
0xbe: {  	[dreg:$0x0] =	wrdreg $0xFFFFFFFF;
	(pc) =	sbr.abs _section_cstart, $3  }
0xbf: {  	[dreg:$0x1] =	wrdreg $0xFFFFFFFF  }
0xc0: {  	_ =	task.clear_ibuf [dreg:s6], $0x2FFFF;
	_ =	strace $0x9FFFFFFF  }
0xc1: {  	(tm) =	ssettm $0x7FFFFFFF  }
tec
execute0_lowered:
.L_overlay_start_1:
0x0: {  	(tag) =	ssettag $0x1  }
0x1: {  	v0 =	vimm.s32 $0xEDCBA987  }
0x2: {  	v1 =	vimm.s32 $0x65432100;
	v4 =	vimm.s32 $0xDCBA9876;
	v0 =	vunpack.c.l.s4.s8 v0  }
0x3: {  	vm0 =	vcmask $0x300;
	v9 =	vimm.s32 $0xFFFFFFFF;
	v1 =	vunpack.c.l.s4.s8 v1  }
0x4: {  	v6 =	vimm.s32 $0xE40000;
	v7 =	vimm.s32 $0x32100000;
	v2 =	vunpack.c.0.s8.s32 v0  }
0x5: {  	vm13 =	vcmask $0x700;
	v10 =	vimm.s32 $0x7060504;
	v3 =	vunpack.c.0.s8.s32 v1  }
0x6: {  	s1 =	srdreg.scid;
	s0 =	stileid.u32;
	vm14 =	vcmask $0x3F30;
	v4 =	vunpack.c.l.s4.s8 v4;
	v2 =	vand.u32 $0xF, v2  }
0x7: {  	s7 =	rddreg [dreg:$0x0];
	s3 =	sand.u32 $0x1, s1;
	s31 =	sshll.u32 s0, $0x1;
	v6 =	vunpack.c.l.s2.s4 v6;
	v2 =	vcombine.low v3, v2;
	v3 =	vimm.s32 $0x54321000  }
0x8: {  	s2 =	simm.s32 $0x0;
	s10 =	simm.s32 $0x2;
	v7 =	vunpack.c.l.s4.s8 v7;
	s16 =	sor.u32 s3, s31;
	v5 =	vunpack.c.l.s4.s8 v3;
	v3 =	vimm.s32 $0xBA987654  }
0x9: {  	s11 =	simm.s32 $0x210;
	vm15 =	vcmask $0xF00;
	s12 =	simm.s32 $0x2000;
	s1 =	smul.u32 $0x140, s16;
	v1 =	vimm.f32 $0.0e+00;
	v8 =	vunpack.c.l.s4.s8 v3  }
0xa: {  	s13 =	simm.s32 $0x2500;
	s14 =	simm.s32 $0x1;
	s15 =	simm.s32 $0x3;
	v4 =	vunpack.c.0.s8.s32 v4;
	v6 =	vunpack.c.l.s4.s8 v6;
	v7 =	vunpack.c.0.s8.s32 v7  }
0xb: {  	[smem:$0x7FF] =	sst s2;
	s4 =	sadd.s32 $0xCC00, s7;
	s5 =	smul.u32 $0x1400, s16;
	v0 =	vmov s1;
	v5 =	vunpack.c.0.s8.s32 v5;
	v8 =	vunpack.c.0.s8.s32 v8  }
.Ltmp0:
0xc: {  	s6 =	ssub.s32 $0x2, s3;
	s3 =	sadd.s32 $0x546E00, s7;
	v4 =	vand.u32 $0xF, v4;
	v11 =	vunpack.c.0.s8.s32 v6;
	v3 =	vsel vm0, $0x0, v9;
	(pc) =	sbr.rel .LBB2_1-.Ltmp0, $4  }
0xd: {  	s8 =	sshrl.u32 s6, $0x1;
	p0 =	seq.s32 s16, $0x1F;
	s16 =	simm.s32 $0x0;
	v4 =	vcombine.low v5, v4;
	v5 =	vsel vm13, $0x0, v9;
	v8 =	vand.u32 $0xF, v8  }
0xe: {  	s8 =	ssub.s32 s6, s8;
	s1 =	rddreg [dreg:$0x1];
	_ =	strace $0x8000004A;
	v6 =	vcombine.low v7, v8;
	v7 =	vunpack.c.0.s8.s32 v10;
	v10 =	vlaneseq.u32  }
0xf: {  	s9 =	sadd.s32 s5, s7;
	s5 =	sadd.s32 $0xCDF4, s7;
	s7 =	sadd.s32 $0x64800, s7;
	v9 =	vsel vm15, $0x0, v9;
	v8 =	vand.u32 $0x3, v11;
	v10 =	vshrl.u32 v10, $0x3  }
0x10: {  	s8 =	smax.u32 s8, $0x1;
	s6 =	sadd.s32 $0x3DC00, s9;
	s9 =	simm.s32 $0x1000;
	v7 =	vsel vm14, v7, v8;
	v8 =	vimm.s32 $0x0;
	v10 =	vmul.u32 $0xFFFFFFFF, v10  }
.LBB2_21:
0x11: {  	[tilespmem:s20+$0x12D30] =	vst v11  }
.LBB2_22:
0x12: {  	s17 =	simm.s32 @p0 $0x0;
	s18 =	simm.s32 @p0 $0x12D00  }
0x13: {  	[hbm4b:s7+s17] =	stream.linear.scatter @p0 [tilespmem:s18], [sflag:$0x4], $0x2800, $0x38;
	[tilespmem:$0x1CD00] =	vst v63  }
0x14: {  	s17 =	simm.s32 @p0 $0x4  }
0x15: {  	_ =	swait.ge @p0 [sflag:s17], $0x2800  }
0x16: {  	s16 =	sadd.s32 $0x1, s16;
	s18 =	simm.s32 @!p0 $0x12D00;
	[sflag:s17] =	ssyncset.done @p0 $0x0  }
0x17: {  	p1 =	sne.s32 s16, s8;
	[sflag:s17] =	ssyncadd.s32 @p0 $0xFFFFD800;
	s17 =	simm.s32 @!p0 $0x0  }
0x18: {  	[hbm4b:s6+s17] =	stream.linear.scatter @!p0 [tilespmem:s18], [sflag:$0x4], $0xA000, $0x38;
	[tilespmem:$0x1CD00] =	vst v63  }
.Ltmp1:
0x19: {  	_ = 	snop;
	(pc) =	sbr.rel @!p1 .LBB2_23-.Ltmp1, $4  }
0x1a: {  	s17 =	simm.s32 @!p0 $0x4  }
0x1b: {  	_ =	swait.ge @!p0 [sflag:s17], $0xA000  }
0x1c: {  	[sflag:s17] =	ssyncset.done @!p0 $0x0  }
0x1d: {  	[sflag:s17] =	ssyncadd.s32 @!p0 $0xFFFF6000  }
.LBB2_1:
0x1e: {  	s17 =	simm.s32 $0x0;
	s18 =	simm.s32 $0x200  }
.LBB2_2:
0x1f: {  	p1 =	sne.s32 s18, $0x27E00;
	[tilespmem:s17+$0x12D70] =	vst v1  }
0x20: {  	[tilespmem:s17+$0x12D00] =	vst v1  }
0x21: {  	[tilespmem:s17+$0x12D10] =	vst v1  }
.Ltmp2:
0x22: {  	[tilespmem:s17+$0x12D20] =	vst v1;
	(pc) =	sbr.rel @p1 .LBB2_2-.Ltmp2, $4  }
0x23: {  	[tilespmem:s17+$0x12D30] =	vst v1  }
0x24: {  	[tilespmem:s17+$0x12D40] =	vst v1  }
0x25: {  	[tilespmem:s17+$0x12D50] =	vst v1  }
0x26: {  	[tilespmem:s17+$0x12D60] =	vst v1;
	s17 =	sshra.s32 s18, $0x2;
	s18 =	sadd.s32 $0x200, s18  }
0x27: {  	[tilespmem:s17+$0x12D70] =	vst v1  }
0x28: {  	[tilespmem:s17+$0x12D00] =	vst v1  }
0x29: {  	[tilespmem:s17+$0x12D10] =	vst v1  }
0x2a: {  	[tilespmem:s17+$0x12D20] =	vst v1  }
0x2b: {  	[tilespmem:s17+$0x12D30] =	vst v1  }
0x2c: {  	[tilespmem:s17+$0x12D40] =	vst v1  }
0x2d: {  	[tilespmem:s17+$0x12D50] =	vst v1  }
0x2e: {  	[tilespmem:s17+$0x12D60] =	vst v1  }
0x2f: {  	[tilespmem:$0x2000] =	vst v8  }
0x30: {  	[tilespmem:$0x2010] =	vst v8  }
0x31: {  	[tilespmem:$0x2020] =	vst v8  }
0x32: {  	[tilespmem:$0x2030] =	vst v8  }
0x33: {  	[tilespmem:$0x2040] =	vst v8  }
0x34: {  	[tilespmem:$0x2050] =	vst v8  }
0x35: {  	[tilespmem:$0x2060] =	vst v8  }
0x36: {  	[tilespmem:$0x2070] =	vst v8  }
0x37: {  	[tilespmem:$0x2080] =	vst v8  }
0x38: {  	[tilespmem:$0x2090] =	vst v8  }
0x39: {  	[tilespmem:$0x20A0] =	vst v8  }
0x3a: {  	[tilespmem:$0x20B0] =	vst v8  }
0x3b: {  	[tilespmem:$0x20C0] =	vst v8  }
0x3c: {  	[tilespmem:$0x20D0] =	vst v8  }
0x3d: {  	[tilespmem:$0x20E0] =	vst v8  }
0x3e: {  	[tilespmem:$0x20F0] =	vst v8  }
0x3f: {  	[tilespmem:$0x2100] =	vst v8  }
0x40: {  	[tilespmem:$0x2110] =	vst v8  }
0x41: {  	[tilespmem:$0x2120] =	vst v8  }
0x42: {  	[tilespmem:$0x2130] =	vst v8  }
0x43: {  	[tilespmem:$0x2140] =	vst v8  }
0x44: {  	[tilespmem:$0x2150] =	vst v8  }
0x45: {  	[tilespmem:$0x2160] =	vst v8  }
0x46: {  	[tilespmem:$0x2170] =	vst v8  }
0x47: {  	[tilespmem:$0x2180] =	vst v8  }
0x48: {  	[tilespmem:$0x2190] =	vst v8  }
0x49: {  	[tilespmem:$0x21A0] =	vst v8  }
0x4a: {  	[tilespmem:$0x21B0] =	vst v8  }
0x4b: {  	[tilespmem:$0x21C0] =	vst v8  }
0x4c: {  	[tilespmem:$0x21D0] =	vst v8  }
0x4d: {  	[tilespmem:$0x21E0] =	vst v8  }
0x4e: {  	[tilespmem:$0x21F0] =	vst v8  }
0x4f: {  	s17 =	simm.s32 $0x0;
	[tilespmem:$0x2200] =	vst v8  }
0x50: {  	[tilespmem:s17], [sflag:$0x2] =	stream.linear.gather [hbm4b:s4+s17], $0xFA0, $0x38;
	[tilespmem:$0x1CD00] =	vst v63  }
0x51: {  	s18 =	simm.s32 $0x0  }
0x52: {  	[tilespmem:s9], [sflag:$0x3] =	stream.linear.gather [hbm4b:s5+s17], $0xFA0, $0x38;
	[tilespmem:$0x1CD00] =	vst v63  }
.LBB2_4:
.Ltmp3:
0x53: {  	(pc) =	sbr.rel .LBB2_5-.Ltmp3, $4  }
0x54: {  	_ = 	snop  }
0x55: {  	_ =	swait.ge [sflag:s10], $0xFA0  }
0x56: {  	[sflag:s10] =	ssyncset.done $0x0  }
0x57: {  	s19 =	smul.u32 $0x1F40, s18;
	s20 =	simm.s32 $0x0;
	[sflag:s10] =	ssyncadd.s32 $0xFFFFF060  }
.LBB2_8:
0x58: {  	[tilespmem:s24+$0x12D30] =	vst v11  }
.LBB2_9:
0x59: {  	s20 =	sadd.s32 $0x1, s20  }
0x5a: {  	p2 =	sne.s32 s20, $0xFA  }
.Ltmp4:
0x5b: {  	_ = 	snop;
	(pc) =	sbr.rel @!p2 .LBB2_10-.Ltmp4, $3  }
0x5c: {  	_ =	sdelay $0x1  }
0x5d: {  	p1 =	sgt.s32 s17, $0x1FF  }
0x5e: {  	s17 =	simm.s32 @p1 $0x0  }
.LBB2_5:
0x5f: {  	s21 =	sshll.u32 s20, $0x4  }
0x60: {  	v11 =	vld [tilespmem:s21+$0x0];
	_ =	sdelay $0x4  }
0x61: {  	v11 =	vsub.s32 v11, v0  }
0x62: {  	v12 =	vsub.s32 $0x13F, v11  }
0x63: {  	v12 =	vor.u32 v11, v12  }
0x64: {  	vm0 =	vgt.s32 v12, $0xFFFFFFFF  }
0x65: {  	v13 =	vsel vm0, $0x1, v8  }
0x66: {  	v14 =	vperm.xlane v13, v2;
	_ =	sdelay $0x1  }
0x67: {  	v14 =	vand.u32 v3, v14  }
0x68: {  	v13 =	vadd.s32 v13, v14  }
0x69: {  	v14 =	vperm.xlane v13, v4;
	_ =	sdelay $0x1  }
0x6a: {  	v14 =	vand.u32 v5, v14  }
0x6b: {  	v13 =	vadd.s32 v14, v13  }
0x6c: {  	v14 =	vperm.xlane v13, v6;
	_ =	sdelay $0x1  }
0x6d: {  	v14 =	vand.u32 v9, v14  }
0x6e: {  	v13 =	vadd.s32 v14, v13  }
0x6f: {  	v14 =	vperm.xlane v13, v7;
	_ =	sdelay $0x1  }
0x70: {  	v14 =	vand.u32 v10, v14  }
0x71: {  	v13 =	vadd.s32 v14, v13  }
0x72: {  	(v2sf) =	vpush v13, $0xF;
	_ =	sdelay $0xe  }
0x73: {  	s22 =	spop (v2sf)  }
0x74: {  	p1 =	slt.s32 s22, $0x1  }
0x75: {  	v14 =	vimm.s32 @!p1 $0x7  }
0x76: {  	v14 =	vperm.xlane @!p1 v13, v14  }
0x77: {  	v15 =	vlaneseq.u32 @!p1  }
0x78: {  	v14 =	vsub.s32 @!p1 v15, v14  }
0x79: {  	vm0 =	vlt.s32 @!p1 v14, $0x0;
	v14 =	vimm.s32 @!p1 $0x8  }
0x7a: {  	v14 =	vsel @!p1 vm0, $0x0, v14  }
0x7b: {  	v16 =	vor.u32 @!p1 $0x3, v14  }
0x7c: {  	v16 =	vperm.xlane @!p1 v13, v16;
	_ =	sdelay $0x1  }
0x7d: {  	v16 =	vsub.s32 @!p1 v15, v16  }
0x7e: {  	vm0 =	vlt.s32 @!p1 v16, $0x0;
	v16 =	vimm.s32 @!p1 $0x4  }
0x7f: {  	v16 =	vsel @!p1 vm0, $0x0, v16  }
0x80: {  	v14 =	vor.u32 @!p1 v14, v16  }
0x81: {  	v16 =	vor.u32 @!p1 $0x1, v14  }
0x82: {  	v16 =	vperm.xlane @!p1 v13, v16;
	_ =	sdelay $0x1  }
0x83: {  	v16 =	vsub.s32 @!p1 v15, v16  }
0x84: {  	vm0 =	vlt.s32 @!p1 v16, $0x0;
	v16 =	vimm.s32 @!p1 $0x2  }
0x85: {  	v16 =	vsel @!p1 vm0, $0x0, v16  }
0x86: {  	v14 =	vor.u32 @!p1 v16, v14  }
0x87: {  	v13 =	vperm.xlane @!p1 v13, v14  }
0x88: {  	s21 =	sadd.s32 @!p1 s19, s21;
	vm0 =	vgt.s32 @!p1 v12, $0xFFFFFFFF  }
0x89: {  	v12 =	vsub.s32 @!p1 v15, v13;
	v13 =	vmov @!p1 s21;
	v15 =	vmul.u32 @!p1 $0x200, v15  }
0x8a: {  	vm1 =	vgt.s32 @!p1 v12, $0xFFFFFFFF;
	v12 =	vimm.s32 @!p1 $0x0;
	v13 =	vshll.u32 @!p1 v13, $0x9  }
0x8b: {  	v11 =	vnsel @!p1 vm0, $0x0, v11;
	v12 =	vsel @!p1 vm1, $0x1, v12;
	v13 =	vor.u32 @!p1 v15, v13  }
0x8c: {  	v12 =	vor.u32 @!p1 v12, v14;
	v11 =	vor.u32 @!p1 v13, v11  }
0x8d: {  	v11 =	vperm.xlane @!p1 v11, v12;
	_ =	sdelay $0x1  }
0x8e: {  	v12 =	vshra.s32 @!p1 v11, $0x9  }
0x8f: {  	v11 =	vand.u32 @!p1 $0x1FF, v11;
	[tilespmem:s17+$0x2000] =	vst @!p1 v12  }
0x90: {  	[tilespmem:s17+$0x2280] =	vst @!p1 v11;
	s17 =	sadd.s32 s17, s22  }
0x91: {  	p1 =	slt.s32 s17, $0x200  }
.Ltmp5:
0x92: {  	_ = 	snop;
	(pc) =	sbr.rel @p1 .LBB2_9-.Ltmp5, $1  }
0x93: {  	_ =	sdelay $0x3  }
0x94: {  	[tilespmem:s13], [sflag:$0x1] =	stream.indirect.gather [hbm4b:s3+s11], $0x80, s12, s11, $0xb8;
	[tilespmem:$0x1CD00] =	vst v63  }
0x95: {  	_ =	swait.ge [sflag:s14], $0x10800  }
0x96: {  	[sflag:s14] =	ssyncset.done $0x0  }
0x97: {  	s21 =	simm.s32 $0x2280;
	[sflag:s14] =	ssyncadd.s32 $0xFFFEF800  }
0x98: {  	v11 =	vld [tilespmem:s21+$0x0];
	_ =	sdelay $0x4  }
0x99: {  	(v2sf) =	vpush v11, $0x0;
	_ =	sdelay $0xe  }
0x9a: {  	s23 =	spop (v2sf)  }
0x9b: {  	s22 =	simm.s32 $0x2520;
	s23 =	sshll.u32 s23, $0x9  }
0x9c: {  	v11 =	vld [tilespmem:s22+$0xFFFFFFE0];
	s24 =	sshra.s32 s23, $0x2  }
0x9d: {  	v12 =	vld [tilespmem:s24+$0x12D00];
	_ =	sdelay $0x4  }
0x9e: {  	v11 =	vmax.f32 v12, v11  }
0x9f: {  	[tilespmem:s24+$0x12D00] =	vst v11;
	v11 =	vld [tilespmem:s24+$0x12D10]  }
0xa0: {  	v61 =	vld [tilespmem:s22+$0xFFFFFFF0];
	_ =	sdelay $0x4  }
0xa1: {  	v11 =	vmax.f32 v11, v61  }
0xa2: {  	[tilespmem:s24+$0x12D10] =	vst v11;
	v11 =	vld [tilespmem:s24+$0x12D20]  }
0xa3: {  	v62 =	vld [tilespmem:s22+$0x0];
	_ =	sdelay $0x4  }
0xa4: {  	v11 =	vmax.f32 v11, v62  }
0xa5: {  	[tilespmem:s24+$0x12D20] =	vst v11;
	v11 =	vld [tilespmem:s24+$0x12D30]  }
0xa6: {  	p1 =	sne.s32 s17, $0x1;
	v63 =	vld [tilespmem:s22+$0x10]  }
.Ltmp6:
0xa7: {  	_ = 	snop;
	(pc) =	sbr.rel @!p1 .LBB2_8-.Ltmp6, $2  }
0xa8: {  	_ =	sdelay $0x2  }
0xa9: {  	s23 =	sadd.s32 $0xFFFFFFFF, s17;
	v11 =	vmax.f32 v11, v63  }
.LBB2_7:
0xaa: {  	p1 =	sne.s32 s23, $0x1;
	[tilespmem:s24+$0x12D30] =	vst v11;
	s21 =	sadd.s32 $0x1, s21;
	s22 =	sadd.s32 $0x80, s22  }
0xab: {  	s23 =	sadd.s32 $0xFFFFFFFF, s23;
	v11 =	vld [tilespmem:s21+$0x0];
	_ =	sdelay $0x4  }
0xac: {  	(v2sf) =	vpush v11, $0x0;
	_ =	sdelay $0xe  }
0xad: {  	s24 =	spop (v2sf)  }
0xae: {  	s24 =	sshll.u32 s24, $0x9  }
0xaf: {  	s24 =	sshra.s32 s24, $0x2;
	v11 =	vld [tilespmem:s22+$0xFFFFFFE0]  }
0xb0: {  	v12 =	vld [tilespmem:s24+$0x12D00];
	_ =	sdelay $0x4  }
0xb1: {  	v11 =	vmax.f32 v12, v11  }
0xb2: {  	[tilespmem:s24+$0x12D00] =	vst v11;
	v11 =	vld [tilespmem:s24+$0x12D10]  }
0xb3: {  	v12 =	vld [tilespmem:s22+$0xFFFFFFF0];
	_ =	sdelay $0x4  }
0xb4: {  	v11 =	vmax.f32 v11, v12  }
0xb5: {  	[tilespmem:s24+$0x12D10] =	vst v11;
	v11 =	vld [tilespmem:s24+$0x12D20]  }
0xb6: {  	v12 =	vld [tilespmem:s22+$0x0];
	_ =	sdelay $0x4  }
0xb7: {  	v11 =	vmax.f32 v11, v12  }
0xb8: {  	[tilespmem:s24+$0x12D20] =	vst v11;
	v11 =	vld [tilespmem:s24+$0x12D30]  }
0xb9: {  	v12 =	vld [tilespmem:s22+$0x10]  }
.Ltmp7:
0xba: {  	(pc) =	sbr.rel @p1 .LBB2_7-.Ltmp7, $2  }
0xbb: {  	_ =	sdelay $0x2  }
0xbc: {  	v11 =	vmax.f32 v11, v12  }
.Ltmp8:
0xbd: {  	_ = 	snop;
	(pc) =	sbr.rel .LBB2_8-.Ltmp8, $1  }
0xbe: {  	_ =	sdelay $0x3  }
.LBB2_10:
0xbf: {  	p1 =	seq.s32 s18, $0x27  }
0xc0: {  	s20 =	sshrl.u32 @!p1 s19, $0x3  }
0xc1: {  	s20 =	sadd.s32 @!p1 s4, s20  }
.Ltmp9:
0xc2: {  	s21 =	simm.s32 @!p1 $0x0;
	s20 =	sadd.s32 @!p1 $0x3E8, s20;
	(pc) =	sbr.rel .LBB2_11-.Ltmp9, $4  }
0xc3: {  	[tilespmem:s21], [sflag:$0x2] =	stream.linear.gather @!p1 [hbm4b:s20+s21], $0xFA0, $0x38;
	[tilespmem:$0x1CD00] =	vst v63  }
0xc4: {  	_ =	swait.ge [sflag:s15], $0xFA0  }
0xc5: {  	[sflag:s15] =	ssyncset.done $0x0  }
0xc6: {  	s20 =	sadd.s32 $0xFA0, s19;
	s21 =	simm.s32 $0x0;
	[sflag:s15] =	ssyncadd.s32 $0xFFFFF060  }
.LBB2_14:
0xc7: {  	[tilespmem:s25+$0x12D30] =	vst v11  }
.LBB2_15:
0xc8: {  	s21 =	sadd.s32 $0x1, s21  }
0xc9: {  	p3 =	sne.s32 s21, $0xFA  }
.Ltmp10:
0xca: {  	_ = 	snop;
	(pc) =	sbr.rel @!p3 .LBB2_16-.Ltmp10, $3  }
0xcb: {  	_ =	sdelay $0x1  }
0xcc: {  	p2 =	sgt.s32 s17, $0x1FF  }
0xcd: {  	s17 =	simm.s32 @p2 $0x0  }
.LBB2_11:
0xce: {  	s22 =	sshll.u32 s21, $0x4  }
0xcf: {  	v11 =	vld [tilespmem:s22+$0x1000];
	_ =	sdelay $0x4  }
0xd0: {  	v11 =	vsub.s32 v11, v0  }
0xd1: {  	v12 =	vsub.s32 $0x13F, v11  }
0xd2: {  	v12 =	vor.u32 v11, v12  }
0xd3: {  	vm0 =	vgt.s32 v12, $0xFFFFFFFF  }
0xd4: {  	v13 =	vsel vm0, $0x1, v8  }
0xd5: {  	v14 =	vperm.xlane v13, v2;
	_ =	sdelay $0x1  }
0xd6: {  	v14 =	vand.u32 v3, v14  }
0xd7: {  	v13 =	vadd.s32 v13, v14  }
0xd8: {  	v14 =	vperm.xlane v13, v4;
	_ =	sdelay $0x1  }
0xd9: {  	v14 =	vand.u32 v5, v14  }
0xda: {  	v13 =	vadd.s32 v14, v13  }
0xdb: {  	v14 =	vperm.xlane v13, v6;
	_ =	sdelay $0x1  }
0xdc: {  	v14 =	vand.u32 v9, v14  }
0xdd: {  	v13 =	vadd.s32 v14, v13  }
0xde: {  	v14 =	vperm.xlane v13, v7;
	_ =	sdelay $0x1  }
0xdf: {  	v14 =	vand.u32 v10, v14  }
0xe0: {  	v13 =	vadd.s32 v14, v13  }
0xe1: {  	(v2sf) =	vpush v13, $0xF;
	_ =	sdelay $0xe  }
0xe2: {  	s23 =	spop (v2sf)  }
0xe3: {  	p2 =	slt.s32 s23, $0x1  }
0xe4: {  	v14 =	vimm.s32 @!p2 $0x7  }
0xe5: {  	v14 =	vperm.xlane @!p2 v13, v14  }
0xe6: {  	v15 =	vlaneseq.u32 @!p2  }
0xe7: {  	v14 =	vsub.s32 @!p2 v15, v14  }
0xe8: {  	vm0 =	vlt.s32 @!p2 v14, $0x0;
	v14 =	vimm.s32 @!p2 $0x8  }
0xe9: {  	v14 =	vsel @!p2 vm0, $0x0, v14  }
0xea: {  	v16 =	vor.u32 @!p2 $0x3, v14  }
0xeb: {  	v16 =	vperm.xlane @!p2 v13, v16;
	_ =	sdelay $0x1  }
0xec: {  	v16 =	vsub.s32 @!p2 v15, v16  }
0xed: {  	vm0 =	vlt.s32 @!p2 v16, $0x0;
	v16 =	vimm.s32 @!p2 $0x4  }
0xee: {  	v16 =	vsel @!p2 vm0, $0x0, v16  }
0xef: {  	v14 =	vor.u32 @!p2 v14, v16  }
0xf0: {  	v16 =	vor.u32 @!p2 $0x1, v14  }
0xf1: {  	v16 =	vperm.xlane @!p2 v13, v16;
	_ =	sdelay $0x1  }
0xf2: {  	v16 =	vsub.s32 @!p2 v15, v16  }
0xf3: {  	vm0 =	vlt.s32 @!p2 v16, $0x0;
	v16 =	vimm.s32 @!p2 $0x2  }
0xf4: {  	v16 =	vsel @!p2 vm0, $0x0, v16  }
0xf5: {  	v14 =	vor.u32 @!p2 v16, v14  }
0xf6: {  	v13 =	vperm.xlane @!p2 v13, v14  }
0xf7: {  	s22 =	sadd.s32 @!p2 s22, s20;
	vm0 =	vgt.s32 @!p2 v12, $0xFFFFFFFF  }
0xf8: {  	v12 =	vsub.s32 @!p2 v15, v13;
	v13 =	vmov @!p2 s22;
	v15 =	vmul.u32 @!p2 $0x200, v15  }
0xf9: {  	vm1 =	vgt.s32 @!p2 v12, $0xFFFFFFFF;
	v12 =	vimm.s32 @!p2 $0x0;
	v13 =	vshll.u32 @!p2 v13, $0x9  }
0xfa: {  	v11 =	vnsel @!p2 vm0, $0x0, v11;
	v12 =	vsel @!p2 vm1, $0x1, v12;
	v13 =	vor.u32 @!p2 v15, v13  }
0xfb: {  	v12 =	vor.u32 @!p2 v12, v14;
	v11 =	vor.u32 @!p2 v13, v11  }
0xfc: {  	v11 =	vperm.xlane @!p2 v11, v12;
	_ =	sdelay $0x1  }
0xfd: {  	v12 =	vshra.s32 @!p2 v11, $0x9  }
0xfe: {  	v11 =	vand.u32 @!p2 $0x1FF, v11;
	[tilespmem:s17+$0x2000] =	vst @!p2 v12  }
0xff: {  	[tilespmem:s17+$0x2280] =	vst @!p2 v11;
	s17 =	sadd.s32 s17, s23  }
0x100: {  	p2 =	slt.s32 s17, $0x200  }
.Ltmp11:
0x101: {  	_ = 	snop;
	(pc) =	sbr.rel @p2 .LBB2_15-.Ltmp11, $1  }
0x102: {  	_ =	sdelay $0x3  }
0x103: {  	[tilespmem:s13], [sflag:$0x1] =	stream.indirect.gather [hbm4b:s3+s11], $0x80, s12, s11, $0xb8;
	[tilespmem:$0x1CD00] =	vst v63  }
0x104: {  	_ =	swait.ge [sflag:s14], $0x10800  }
0x105: {  	[sflag:s14] =	ssyncset.done $0x0  }
0x106: {  	s22 =	simm.s32 $0x2280;
	[sflag:s14] =	ssyncadd.s32 $0xFFFEF800  }
0x107: {  	v11 =	vld [tilespmem:s22+$0x0];
	_ =	sdelay $0x4  }
0x108: {  	(v2sf) =	vpush v11, $0x0;
	_ =	sdelay $0xe  }
0x109: {  	s24 =	spop (v2sf)  }
0x10a: {  	s23 =	simm.s32 $0x2520;
	s24 =	sshll.u32 s24, $0x9  }
0x10b: {  	v11 =	vld [tilespmem:s23+$0xFFFFFFE0];
	s25 =	sshra.s32 s24, $0x2  }
0x10c: {  	v12 =	vld [tilespmem:s25+$0x12D00];
	_ =	sdelay $0x4  }
0x10d: {  	v11 =	vmax.f32 v12, v11  }
0x10e: {  	[tilespmem:s25+$0x12D00] =	vst v11;
	v11 =	vld [tilespmem:s25+$0x12D10]  }
0x10f: {  	v61 =	vld [tilespmem:s23+$0xFFFFFFF0];
	_ =	sdelay $0x4  }
0x110: {  	v11 =	vmax.f32 v11, v61  }
0x111: {  	[tilespmem:s25+$0x12D10] =	vst v11;
	v11 =	vld [tilespmem:s25+$0x12D20]  }
0x112: {  	v62 =	vld [tilespmem:s23+$0x0];
	_ =	sdelay $0x4  }
0x113: {  	v11 =	vmax.f32 v11, v62  }
0x114: {  	[tilespmem:s25+$0x12D20] =	vst v11;
	v11 =	vld [tilespmem:s25+$0x12D30]  }
0x115: {  	p2 =	sne.s32 s17, $0x1;
	v63 =	vld [tilespmem:s23+$0x10]  }
.Ltmp12:
0x116: {  	_ = 	snop;
	(pc) =	sbr.rel @!p2 .LBB2_14-.Ltmp12, $2  }
0x117: {  	_ =	sdelay $0x2  }
0x118: {  	s24 =	sadd.s32 $0xFFFFFFFF, s17;
	v11 =	vmax.f32 v11, v63  }
.LBB2_13:
0x119: {  	p2 =	sne.s32 s24, $0x1;
	[tilespmem:s25+$0x12D30] =	vst v11;
	s22 =	sadd.s32 $0x1, s22;
	s23 =	sadd.s32 $0x80, s23  }
0x11a: {  	s24 =	sadd.s32 $0xFFFFFFFF, s24;
	v11 =	vld [tilespmem:s22+$0x0];
	_ =	sdelay $0x4  }
0x11b: {  	(v2sf) =	vpush v11, $0x0;
	_ =	sdelay $0xe  }
0x11c: {  	s25 =	spop (v2sf)  }
0x11d: {  	s25 =	sshll.u32 s25, $0x9  }
0x11e: {  	s25 =	sshra.s32 s25, $0x2;
	v11 =	vld [tilespmem:s23+$0xFFFFFFE0]  }
0x11f: {  	v12 =	vld [tilespmem:s25+$0x12D00];
	_ =	sdelay $0x4  }
0x120: {  	v11 =	vmax.f32 v12, v11  }
0x121: {  	[tilespmem:s25+$0x12D00] =	vst v11;
	v11 =	vld [tilespmem:s25+$0x12D10]  }
0x122: {  	v12 =	vld [tilespmem:s23+$0xFFFFFFF0];
	_ =	sdelay $0x4  }
0x123: {  	v11 =	vmax.f32 v11, v12  }
0x124: {  	[tilespmem:s25+$0x12D10] =	vst v11;
	v11 =	vld [tilespmem:s25+$0x12D20]  }
0x125: {  	v12 =	vld [tilespmem:s23+$0x0];
	_ =	sdelay $0x4  }
0x126: {  	v11 =	vmax.f32 v11, v12  }
0x127: {  	[tilespmem:s25+$0x12D20] =	vst v11;
	v11 =	vld [tilespmem:s25+$0x12D30]  }
0x128: {  	v12 =	vld [tilespmem:s23+$0x10]  }
.Ltmp13:
0x129: {  	(pc) =	sbr.rel @p2 .LBB2_13-.Ltmp13, $2  }
0x12a: {  	_ =	sdelay $0x2  }
0x12b: {  	v11 =	vmax.f32 v11, v12  }
.Ltmp14:
0x12c: {  	_ = 	snop;
	(pc) =	sbr.rel .LBB2_14-.Ltmp14, $1  }
0x12d: {  	_ =	sdelay $0x3  }
.LBB2_16:
.Ltmp15:
0x12e: {  	(pc) =	sbr.rel @p1 .LBB2_18-.Ltmp15, $1  }
0x12f: {  	_ =	sdelay $0x3  }
.Ltmp16:
0x130: {  	(pc) =	sbr.rel .LBB2_4-.Ltmp16, $4  }
0x131: {  	s19 =	sshrl.u32 s19, $0x3  }
0x132: {  	s19 =	sadd.s32 s4, s19  }
0x133: {  	s18 =	sadd.s32 $0x1, s18;
	s19 =	sadd.s32 $0x5DC, s19  }
0x134: {  	[tilespmem:s9], [sflag:$0x3] =	stream.linear.gather [hbm4b:s19+s2], $0xFA0, $0x38;
	[tilespmem:$0x1CD00] =	vst v63  }
.LBB2_18:
0x135: {  	p1 =	slt.s32 s17, $0x1  }
.Ltmp17:
0x136: {  	_ = 	snop;
	(pc) =	sbr.rel @p1 .LBB2_22-.Ltmp17, $1  }
0x137: {  	_ =	sdelay $0x3  }
0x138: {  	[tilespmem:s13], [sflag:$0x1] =	stream.indirect.gather [hbm4b:s3+s11], $0x80, s12, s11, $0xb8;
	[tilespmem:$0x1CD00] =	vst v63  }
0x139: {  	_ =	swait.ge [sflag:s14], $0x10800  }
0x13a: {  	[sflag:s14] =	ssyncset.done $0x0  }
0x13b: {  	s18 =	simm.s32 $0x2280;
	[sflag:s14] =	ssyncadd.s32 $0xFFFEF800  }
0x13c: {  	v11 =	vld [tilespmem:s18+$0x0];
	_ =	sdelay $0x4  }
0x13d: {  	(v2sf) =	vpush v11, $0x0;
	_ =	sdelay $0xe  }
0x13e: {  	s20 =	spop (v2sf)  }
0x13f: {  	s19 =	simm.s32 $0x2520;
	s20 =	sshll.u32 s20, $0x9  }
0x140: {  	v11 =	vld [tilespmem:s19+$0xFFFFFFE0];
	s20 =	sshra.s32 s20, $0x2  }
0x141: {  	v12 =	vld [tilespmem:s20+$0x12D00];
	_ =	sdelay $0x4  }
0x142: {  	v11 =	vmax.f32 v12, v11  }
0x143: {  	[tilespmem:s20+$0x12D00] =	vst v11;
	v11 =	vld [tilespmem:s20+$0x12D10]  }
0x144: {  	v61 =	vld [tilespmem:s19+$0xFFFFFFF0];
	_ =	sdelay $0x4  }
0x145: {  	v11 =	vmax.f32 v11, v61  }
0x146: {  	[tilespmem:s20+$0x12D10] =	vst v11;
	v11 =	vld [tilespmem:s20+$0x12D20]  }
0x147: {  	v62 =	vld [tilespmem:s19+$0x0];
	_ =	sdelay $0x4  }
0x148: {  	v11 =	vmax.f32 v11, v62  }
0x149: {  	[tilespmem:s20+$0x12D20] =	vst v11;
	v11 =	vld [tilespmem:s20+$0x12D30]  }
0x14a: {  	p1 =	sne.s32 s17, $0x1;
	v63 =	vld [tilespmem:s19+$0x10]  }
.Ltmp18:
0x14b: {  	_ = 	snop;
	(pc) =	sbr.rel @!p1 .LBB2_21-.Ltmp18, $2  }
0x14c: {  	_ =	sdelay $0x2  }
0x14d: {  	s17 =	sadd.s32 $0xFFFFFFFF, s17;
	v11 =	vmax.f32 v11, v63  }
.LBB2_20:
0x14e: {  	p1 =	sne.s32 s17, $0x1;
	[tilespmem:s20+$0x12D30] =	vst v11;
	s18 =	sadd.s32 $0x1, s18;
	s19 =	sadd.s32 $0x80, s19  }
0x14f: {  	s17 =	sadd.s32 $0xFFFFFFFF, s17;
	v11 =	vld [tilespmem:s18+$0x0];
	_ =	sdelay $0x4  }
0x150: {  	(v2sf) =	vpush v11, $0x0;
	_ =	sdelay $0xe  }
0x151: {  	s20 =	spop (v2sf)  }
0x152: {  	s20 =	sshll.u32 s20, $0x9  }
0x153: {  	s20 =	sshra.s32 s20, $0x2;
	v11 =	vld [tilespmem:s19+$0xFFFFFFE0]  }
0x154: {  	v12 =	vld [tilespmem:s20+$0x12D00];
	_ =	sdelay $0x4  }
0x155: {  	v11 =	vmax.f32 v12, v11  }
0x156: {  	[tilespmem:s20+$0x12D00] =	vst v11;
	v11 =	vld [tilespmem:s20+$0x12D10]  }
0x157: {  	v12 =	vld [tilespmem:s19+$0xFFFFFFF0];
	_ =	sdelay $0x4  }
0x158: {  	v11 =	vmax.f32 v11, v12  }
0x159: {  	[tilespmem:s20+$0x12D10] =	vst v11;
	v11 =	vld [tilespmem:s20+$0x12D20]  }
0x15a: {  	v12 =	vld [tilespmem:s19+$0x0];
	_ =	sdelay $0x4  }
0x15b: {  	v11 =	vmax.f32 v11, v12  }
0x15c: {  	[tilespmem:s20+$0x12D20] =	vst v11;
	v11 =	vld [tilespmem:s20+$0x12D30]  }
0x15d: {  	v12 =	vld [tilespmem:s19+$0x10]  }
.Ltmp19:
0x15e: {  	(pc) =	sbr.rel @p1 .LBB2_20-.Ltmp19, $2  }
0x15f: {  	_ =	sdelay $0x2  }
0x160: {  	v11 =	vmax.f32 v11, v12  }
.Ltmp20:
0x161: {  	_ = 	snop;
	(pc) =	sbr.rel .LBB2_21-.Ltmp20, $1  }
0x162: {  	_ =	sdelay $0x3  }
.LBB2_23:
0x163: {  	_ =	sfence.sel $0x180000  }
0x164: {  	[bflag:$0x0] =	sbarrier.arrive $0xFFFF  }
0x165: {  	p0 =	sne.s32 s0, $0x0;
	_ =	strace $0x9000004A  }
0x166: {  	s0 =	sadd.s32 @!p0 $0x100000, s1;
	[bflag:$0x2] =	sbarrier.arrive $0xFFFF  }
0x167: {  	[sflag:s0] =	ssyncadd.tile.s32 @!p0 $0x1;
	_ =	shalt  }
.Lfunc_end2:
_tile_overlayer_lowered:
.L_overlay_start_2:
0x168: {  	(tag) =	ssettag $0x2  }
0x169: {  	s0 =	rddreg [dreg:$0x0];
	s2 =	stileid.u32  }
0x16a: {  	s1 =	rddreg [dreg:$0x1];
	p0 =	sne.s32 s2, $0x0  }
0x16b: {  	s3 =	rddreg [dreg:$0x2];
	[bflag:$0x3] =	sbarrier.arrive $0xFFFF;
	s2 =	simm.s32 @!p0 $0x1C04  }
0x16c: {  	[timem:s3], [sflag:s2] =	dma.local @!p0 [hbm:s0], s1  }
0x16d: {  	s0 =	simm.s32 @!p0 $0x4  }
0x16e: {  	_ =	swait.ge @!p0 [sflag:s0], s1  }
0x16f: {  	s1 =	ssub.s32 @!p0 $0x0, s1;
	[sflag:s0] =	ssyncset.done @!p0 $0x0  }
0x170: {  	[sflag:s0] =	ssyncadd.s32 @!p0 s1  }
0x171: {  	[bflag:$0x3] =	sbarrier.arrive $0xFFFF  }
0x172: {  	_ =	shalt  }

// kernel: kernel.17.cloned.1.call-start
scs
__scs_entry_jumppad:
0x0: {  	(pc) =	sbr.rel $0x88, $3  }
0x1: {  	(tag) =	ssettag $0x0;
	lr =	simm.s32 $0x1  }
0x2: {  	[smem:$0x3F94] =	sst lr;
	_ =	strace $0xD0000000  }
0x3: {  	_ = 	snop  }
0x4: {  	_ = 	snop  }
0x5: {  	_ = 	snop  }
0x6: {  	_ = 	snop  }
0x7: {  	_ = 	snop  }
__scs_overlays_trampoline_lowered:
0x8: {  	[smem:$0x3FA3] =	sst s0  }
0x9: {  	[smem:$0x3FA4] =	sst s1  }
0xa: {  	[smem:$0x3FA5] =	sst s2  }
0xb: {  	[smem:$0x3FA6] =	sst s3  }
0xc: {  	[smem:$0x3FA7] =	sst s4  }
0xd: {  	[smem:$0x3FA8] =	sst s5  }
0xe: {  	[smem:$0x3FA9] =	sst s6  }
0xf: {  	[smem:$0x3FAA] =	sst s7  }
0x10: {  	[smem:$0x3FAB] =	sst s8  }
0x11: {  	[smem:$0x3FAC] =	sst s9;
	s0 =	simm.s32 @!p0 $0x0  }
0x12: {  	s1 =	sld [smem:$0x3F92];
	s0 =	simm.s32 @p0 $0x1  }
0x13: {  	[smem:$0x3FAD] =	sst s0;
	s0 =	simm.s32 @!p1 $0x0  }
0x14: {  	s2 =	sld [smem:$0x3F91];
	s0 =	simm.s32 @p1 $0x1  }
0x15: {  	[smem:$0x3FAE] =	sst s0;
	s0 =	simm.s32 @!p2 $0x0  }
0x16: {  	s3 =	sld [smem:$0x3FDB];
	s0 =	simm.s32 @p2 $0x1  }
0x17: {  	s4 =	simm.s32 $0x1BF5;
	[smem:$0x3FB0] =	sst s0  }
0x18: {  	s0 =	sld [smem:$0x3F93];
	_ =	swait.ge [sflag:s4], $0x0  }
0x19: {  	s7 =	sld [smem:$0x3F94]  }
0x1a: {  	s8 =	sadd.s32 $0xFFFFE003, lr  }
0x1b: {  	s9 =	sadd.s32 $0xFFFFFEF7, lr;
	s5 =	simm.s32 $0xFFFFFFFF;
	p2 =	slt.u32 s8, $0xFFFFF086  }
0x1c: {  	p1 =	slt.u32 s9, $0xF7A;
	s5 =	simm.s32 @!p2 $0x0  }
0x1d: {  	s5 =	simm.s32 @p1 $0x1;
	p0 =	seq.s32 s7, s2  }
0x1e: {  	s7 =	smul.u32 @!p0 $0xF7A, s2;
	p2 =	seq.s32 @!p0 s5, $0x0  }
0x1f: {  	s9 =	smul.u32 $0xF7A, s1;
	s8 =	simm.s32 @!p0 $0x1BF5;
	p2 =	por !p2, p0  }
0x20: {  	[sflag:s8] =	ssyncset.s32 @!p0 $0xFFFFF086;
	s6 =	sadd.s32 @!p0 s3, s7;
	s7 =	simm.s32 @!p0 $0x108  }
0x21: {  	s3 =	sadd.s32 s3, s9;
	s6 =	sadd.s32 @!p0 $0x88, s6;
	s7 =	simm.s32 @p2 $0x1082  }
0x22: {  	[simem:s7], [sflag:s8] =	dma.local @!p0 [hbm:s6], $0xF7A  }
0x23: {  	s9 =	sor.u32 $0xD0000000, s2;
	s6 =	simm.s32 $0x108;
	_ =	swait.ge @!p0 [sflag:s8], $0x0  }
0x24: {  	s3 =	sadd.s32 $0x88, s3;
	s6 =	simm.s32 @!p1 $0x1082;
	[sflag:s4] =	ssyncset.s32 $0xFFFFF086  }
0x25: {  	[simem:s6], [sflag:s4] =	dma.local [hbm:s3], $0xF7A  }
0x26: {  	[smem:$0x3F94] =	sst s1;
	(tag) =	ssettag s2;
	_ =	strace s9  }
0x27: {  	s1 =	sld [smem:$0x3FA4]  }
0x28: {  	s2 =	sld [smem:$0x3FA5]  }
0x29: {  	s4 =	sld [smem:$0x3FA7]  }
0x2a: {  	p0 =	seq.s32 s5, $0x0;
	s5 =	sld [smem:$0x3FA8]  }
0x2b: {  	s6 =	sld [smem:$0x3FA9]  }
0x2c: {  	s7 =	sld [smem:$0x3FAA]  }
0x2d: {  	s3 =	simm.s32 $0x108;
	s8 =	sld [smem:$0x3FAB]  }
0x2e: {  	s3 =	simm.s32 @!p0 $0x1082;
	s9 =	sld [smem:$0x3FAC]  }
0x2f: {  	lr =	sadd.s32 s0, s3;
	s0 =	sld [smem:$0x3FA3]  }
0x30: {  	s3 =	sld [smem:$0x3FA6]  }
0x31: {  	[smem:$0x3FAF] =	sst s10  }
0x32: {  	s10 =	sld [smem:$0x3FAD];
	_ =	sdelay $0x3  }
0x33: {  	p0 =	seq.s32 s10, $0x1;
	s10 =	sld [smem:$0x3FAF];
	_ =	sdelay $0x3  }
0x34: {  	[smem:$0x3FAF] =	sst s10  }
0x35: {  	s10 =	sld [smem:$0x3FAE];
	_ =	sdelay $0x3  }
0x36: {  	p1 =	seq.s32 s10, $0x1;
	s10 =	sld [smem:$0x3FAF];
	_ =	sdelay $0x3  }
0x37: {  	[smem:$0x3FAF] =	sst s10  }
0x38: {  	s10 =	sld [smem:$0x3FB0]  }
0x39: {  	_ = 	snop;
	(pc) =	sbr.ind lr, $3  }
0x3a: {  	_ = 	snop  }
0x3b: {  	_ = 	snop  }
0x3c: {  	p2 =	seq.s32 s10, $0x1;
	s10 =	sld [smem:$0x3FAF]  }
0x3d: {  	_ =	shalt  }
0x3e: {  	_ =	shalt  }
0x3f: {  	_ =	shalt  }
0x40: {  	_ =	shalt  }
0x41: {  	_ =	shalt  }
0x42: {  	_ =	shalt  }
0x43: {  	_ =	shalt  }
0x44: {  	_ =	shalt  }
0x45: {  	_ =	shalt  }
0x46: {  	_ =	shalt  }
0x47: {  	_ =	shalt  }
0x48: {  	_ =	shalt  }
0x49: {  	_ =	shalt  }
0x4a: {  	_ =	shalt  }
0x4b: {  	_ =	shalt  }
0x4c: {  	_ =	shalt  }
0x4d: {  	_ =	shalt  }
0x4e: {  	_ =	shalt  }
0x4f: {  	_ =	shalt  }
0x50: {  	_ =	shalt  }
0x51: {  	_ =	shalt  }
0x52: {  	_ =	shalt  }
0x53: {  	_ =	shalt  }
0x54: {  	_ =	shalt  }
0x55: {  	_ =	shalt  }
0x56: {  	_ =	shalt  }
0x57: {  	_ =	shalt  }
0x58: {  	_ =	shalt  }
0x59: {  	_ =	shalt  }
0x5a: {  	_ =	shalt  }
0x5b: {  	_ =	shalt  }
0x5c: {  	_ =	shalt  }
0x5d: {  	_ =	shalt  }
0x5e: {  	_ =	shalt  }
0x5f: {  	_ =	shalt  }
0x60: {  	_ =	shalt  }
0x61: {  	_ =	shalt  }
0x62: {  	_ =	shalt  }
0x63: {  	_ =	shalt  }
0x64: {  	_ =	shalt  }
0x65: {  	_ =	shalt  }
0x66: {  	_ =	shalt  }
0x67: {  	_ =	shalt  }
0x68: {  	_ =	shalt  }
0x69: {  	_ =	shalt  }
0x6a: {  	_ =	shalt  }
0x6b: {  	_ =	shalt  }
0x6c: {  	_ =	shalt  }
0x6d: {  	_ =	shalt  }
0x6e: {  	_ =	shalt  }
0x6f: {  	_ =	shalt  }
0x70: {  	_ =	shalt  }
0x71: {  	_ =	shalt  }
0x72: {  	_ =	shalt  }
0x73: {  	_ =	shalt  }
0x74: {  	_ =	shalt  }
0x75: {  	_ =	shalt  }
0x76: {  	_ =	shalt  }
0x77: {  	_ =	shalt  }
0x78: {  	_ =	shalt  }
0x79: {  	_ =	shalt  }
0x7a: {  	_ =	shalt  }
0x7b: {  	_ =	shalt  }
0x7c: {  	_ =	shalt  }
0x7d: {  	_ =	shalt  }
0x7e: {  	_ =	shalt  }
0x7f: {  	_ =	shalt  }
0x80: {  	_ =	shalt  }
0x81: {  	_ =	shalt  }
0x82: {  	_ =	shalt  }
0x83: {  	_ =	shalt  }
0x84: {  	_ =	shalt  }
0x85: {  	_ =	shalt  }
0x86: {  	_ =	shalt  }
0x87: {  	_ =	shalt  }
.Lfunc_end0:
.L_simem_size_0:
called_computation.2_lowered:
.L_overlay_start_0:
0x88: {  	s2 =	sld [smem:$0x3FD9]  }
0x89: {  	s3 =	sld [smem:$0x3FFE];
	_ =	sdelay $0x1  }
0x8a: {  	s1 =	srdreg.scid  }
0x8b: {  	s0 =	sand.u32 $0x1, s1  }
0x8c: {  	s16 =	sshll.u32 s0, $0xA;
	s2 =	sadd.s32 s3, s2  }
0x8d: {  	s2 =	sadd.s32 s2, s16  }
0x8e: {  	[smem:$0x3FBB] =	sst s2  }
0x8f: {  	_ = 	snop  }
0x90: {  	(tm) =	ssettm $0x1  }
0x91: {  	s17 =	sld [smem:$0x3FFB];
	_ =	sdelay $0x3  }
0x92: {  	_ =	strace s17  }
0x93: {  	s2 =	sld [smem:$0x3FFC];
	_ =	sdelay $0x3  }
0x94: {  	_ =	strace s2  }
0x95: {  	s2 =	sld [smem:$0x3FFD];
	_ =	sdelay $0x3  }
0x96: {  	_ =	strace s2  }
0x97: {  	_ =	strace $0x8FFFFFFF  }
0x98: {  	s18 =	sld [smem:$0x3FDB];
	_ =	sdelay $0x1  }
0x99: {  	s19 =	simm.s32 $_scs_section_size  }
0x9a: {  	s4 =	simm.s32 $_size__tile_overlayer_lowered;
	s5 =	simm.s32 $_tile_overlayer_lowered  }
0x9b: {  	s22 =	simm.s32 $0x1BFF;
	s21 =	sshll.u32 s5, $0x1;
	s2 =	sadd.s32 s19, s18  }
0x9c: {  	s6 =	simm.s32 $0x0;
	s20 =	sshll.u32 s4, $0x1;
	s4 =	sadd.s32 s21, s2  }
0x9d: {  	[timem:s6], [sflag:s22] =	dma.local [hbm:s4], s20  }
0x9e: {  	_ =	swait.ge [sflag:s22], s20  }
0x9f: {  	s3 =	ssub.s32 $0x0, s20;
	[sflag:s22] =	ssyncset.done $0x0  }
0xa0: {  	[sflag:s22] =	ssyncadd.s32 s3;
	_ =	sdelay $0x1  }
0xa1: {  	s23 =	simm.s32 $0x1B8B  }
0xa2: {  	_ =	swait.ge [sflag:s23], $0x1  }
0xa3: {  	[sflag:s23] =	ssyncset.done $0x0  }
0xa4: {  	s25 =	simm.s32 $0x1B8E;
	s24 =	sld [smem:$0x3FFE];
	[sflag:s23] =	ssyncadd.s32 $0xFFFFFFFF  }
0xa5: {  	s26 =	simm.s32 $execute0_lowered;
	[smem:$0x3FD2] =	sst s25  }
0xa6: {  	s4 =	sshll.u32 s26, $0x1;
	_ =	strace $0x8000004C;
	[dreg:$0x1] =	wrdreg $0xFFFFFFFF  }
0xa7: {  	s28 =	simm.s32 $_size_execute0_lowered;
	s2 =	sadd.s32 s2, s4;
	[dreg:$0x0] =	wrdreg $0x0  }
0xa8: {  	s4 =	sshll.u32 s28, $0x1;
	[dreg:$0x2] =	wrdreg s2  }
0xa9: {  	[dreg:$0x3] =	wrdreg s4  }
0xaa: {  	[dreg:$0x4] =	wrdreg $0xC0  }
0xab: {  	_ =	task [dreg:s6], $0x5FFFF  }
0xac: {  	[dreg:$0x1] =	wrdreg $0xFFFFFFFF  }
0xad: {  	[dreg:$0x0] =	wrdreg $0x60  }
0xae: {  	[dreg:$0x2] =	wrdreg s24  }
0xaf: {  	[dreg:$0x3] =	wrdreg $0x9  }
0xb0: {  	_ =	task.clear_ibuf [dreg:s6], $0x4FFFF;
	_ =	strace $0x9000004C  }
0xb1: {  	s29 =	simm.s32 $0x9;
	_ =	strace $0x8000004E  }
0xb2: {  	_ =	swait.ge [sflag:s29], $0x1  }
0xb3: {  	[sflag:s29] =	ssyncadd.s32 $0xFFFFFFFF  }
0xb4: {  	_ =	strace $0x9000004E  }
0xb5: {  	_ =	sfence  }
0xb6: {  	s30 =	sld [smem:$0x0];
	_ =	sdelay $0x2  }
0xb7: {  	s31 =	sshll.u32 s1, $0xD;
	s1 =	sshrl.u32 s1, $0x2  }
0xb8: {  	s3 =	sand.u32 $0x4000, s31;
	s1 =	sadd.s32 s1, s30  }
0xb9: {  	s0 =	sor.u32 s3, s0;
	s1 =	sshll.u32 s1, $0x11  }
0xba: {  	s0 =	sor.u32 s1, s0  }
0xbb: {  	s0 =	sadd.s32 $0x8F2B, s0  }
0xbc: {  	[sflag:s0] =	ssyncadd.remote.s32 $0x1  }
0xbd: {  	_ =	sfence.sel $0xFFFF  }
0xbe: {  	[dreg:$0x0] =	wrdreg $0xFFFFFFFF;
	(pc) =	sbr.abs _section_cstart, $3  }
0xbf: {  	[dreg:$0x1] =	wrdreg $0xFFFFFFFF  }
0xc0: {  	_ =	task.clear_ibuf [dreg:s6], $0x2FFFF;
	_ =	strace $0x9FFFFFFF  }
0xc1: {  	(tm) =	ssettm $0x7FFFFFFF  }
tec
execute0_lowered:
.L_overlay_start_1:
0x0: {  	(tag) =	ssettag $0x1  }
0x1: {  	s0 =	rddreg [dreg:$0x0]  }
0x2: {  	s2 =	simm.s32 $0x0;
	s3 =	srdreg.scid;
	s1 =	stileid.u32  }
0x3: {  	s12 =	simm.s32 $0x5;
	s13 =	simm.s32 $0x100;
	s14 =	simm.s32 $0x80  }
0x4: {  	s15 =	simm.s32 $0x200;
	s16 =	simm.s32 $0x8200;
	s17 =	simm.s32 $0x1  }
0x5: {  	s18 =	simm.s32 $0x3;
	s19 =	simm.s32 $0x10200;
	s20 =	simm.s32 $0x6  }
0x6: {  	s21 =	simm.s32 $0x2;
	s22 =	simm.s32 $0x4;
	s23 =	simm.s32 $0x0  }
0x7: {  	[smem:$0x7FF] =	sst s2;
	s6 =	sand.u32 $0x1, s3;
	s30 =	sshll.u32 s1, $0x1  }
0x8: {  	s3 =	sadd.s32 $0x16A00, s0;
	s4 =	sadd.s32 $0x2E00, s0;
	s5 =	sadd.s32 $0xCC00, s0  }
.Ltmp0:
0x9: {  	s7 =	sor.u32 s6, s30;
	s31 =	ssub.s32 $0x2, s6;
	(pc) =	sbr.rel .LBB2_1-.Ltmp0, $4  }
0xa: {  	_ =	strace $0x8000004D;
	s8 =	sshll.u32 s7, $0xB;
	s9 =	sshrl.u32 s31, $0x1  }
0xb: {  	s10 =	ssub.s32 $0x9E3, s7;
	s6 =	sshll.u32 s7, $0x4;
	s0 =	sadd.s32 s8, s0  }
0xc: {  	s11 =	ssub.s32 s31, s9;
	s7 =	sshrl.u32 s10, $0x5;
	s8 =	sadd.s32 s4, s6  }
0xd: {  	v0 =	vimm.f32 $0.0e+00;
	s9 =	sadd.s32 s5, s6;
	s10 =	sadd.s32 $0x3DC00, s0;
	s11 =	smax.u32 s11, $0x1  }
.LBB2_13:
0xe: {  	s23 =	sadd.s32 $0x1, s23  }
0xf: {  	p0 =	sne.s32 s23, s11  }
.Ltmp1:
0x10: {  	_ = 	snop;
	(pc) =	sbr.rel @!p0 .LBB2_14-.Ltmp1, $1  }
0x11: {  	_ =	sdelay $0x3  }
.LBB2_1:
0x12: {  	s24 =	simm.s32 $0xFFFF0200;
	s0 =	simm.s32 $0xFFFFC000  }
.LBB2_2:
0x13: {  	p0 =	sne.s32 s24, $0xFFFFFE00;
	[tilespmem:s0+$0x14270] =	vst v0;
	s25 =	smov.u32 s24;
	s24 =	sadd.s32 $0x200, s24  }
.Ltmp2:
0x14: {  	[tilespmem:s0+$0x14260] =	vst v0;
	(pc) =	sbr.rel @p0 .LBB2_2-.Ltmp2, $3  }
0x15: {  	[tilespmem:s0+$0x14240] =	vst v0  }
0x16: {  	[tilespmem:s0+$0x14250] =	vst v0;
	_ =	sdelay $0x1  }
0x17: {  	s0 =	sshra.s32 s25, $0x2  }
0x18: {  	[tilespmem:s0+$0x14270] =	vst v0  }
0x19: {  	[tilespmem:s0+$0x14260] =	vst v0  }
0x1a: {  	[tilespmem:s0+$0x14240] =	vst v0  }
0x1b: {  	[tilespmem:s0+$0x14250] =	vst v0;
	s24 =	simm.s32 $0x0  }
0x1c: {  	[tilespmem:s24], [sflag:$0x5] =	stream.linear.gather [hbm4b:s8+s24], $0x80, $0x38;
	[tilespmem:$0x14200] =	vst v63  }
0x1d: {  	_ =	swait.ge [sflag:s12], $0x80  }
0x1e: {  	[sflag:s12] =	ssyncset.done $0x0  }
0x1f: {  	[sflag:s12] =	ssyncadd.s32 $0xFFFFFF80  }
0x20: {  	[tilespmem:s13], [sflag:$0x5] =	stream.linear.gather [hbm4b:s9+s24], $0x80, $0x38;
	[tilespmem:$0x14200] =	vst v63  }
0x21: {  	_ =	swait.ge [sflag:s12], $0x80  }
.Ltmp3:
0x22: {  	[sflag:s12] =	ssyncset.done $0x0;
	(pc) =	sbr.rel .LBB2_4-.Ltmp3, $4  }
0x23: {  	[sflag:s12] =	ssyncadd.s32 $0xFFFFFF80  }
0x24: {  	[tilespmem:s15], [sflag:$0x1] =	stream.indirect.gather [hbm4b:s3+s14], $0x80, s24, s14, $0xb8;
	[tilespmem:$0x14200] =	vst v63  }
0x25: {  	_ = 	snop  }
0x26: {  	[tilespmem:s16], [sflag:$0x3] =	stream.indirect.gather [hbm4b:s3+s14], $0x80, s13, s14, $0xb8;
	[tilespmem:$0x14200] =	vst v63  }
.LBB2_12:
0x27: {  	s24 =	sadd.s32 $0x1, s24  }
0x28: {  	p0 =	sne.s32 s24, $0x28  }
.Ltmp4:
0x29: {  	_ = 	snop;
	(pc) =	sbr.rel @!p0 .LBB2_13-.Ltmp4, $1  }
0x2a: {  	_ =	sdelay $0x3  }
.LBB2_4:
0x2b: {  	s25 =	sshllo.u32 s24, $0x1  }
0x2c: {  	p0 =	sge.u32 s25, s7  }
0x2d: {  	s0 =	sshll.u32 @!p0 s25, $0x9  }
0x2e: {  	s0 =	sor.u32 @!p0 s6, s0  }
0x2f: {  	s28 =	simm.s32 @!p0 $0x0;
	s29 =	simm.s32 @!p0 $0x80;
	s26 =	sadd.s32 @!p0 s4, s0  }
0x30: {  	[tilespmem:s29], [sflag:$0x6] =	stream.linear.gather @!p0 [hbm4b:s26+s28], $0x80, $0x38;
	[tilespmem:$0x14200] =	vst v63  }
0x31: {  	s26 =	simm.s32 @!p0 $0x6  }
0x32: {  	_ =	swait.ge @!p0 [sflag:s26], $0x80  }
0x33: {  	[sflag:s26] =	ssyncset.done @!p0 $0x0  }
0x34: {  	s30 =	simm.s32 @!p0 $0x180;
	s0 =	sadd.s32 @!p0 s5, s0;
	[sflag:s26] =	ssyncadd.s32 @!p0 $0xFFFFFF80  }
0x35: {  	[tilespmem:s30], [sflag:$0x6] =	stream.linear.gather @!p0 [hbm4b:s0+s28], $0x80, $0x38;
	[tilespmem:$0x14200] =	vst v63  }
0x36: {  	_ =	swait.ge @!p0 [sflag:s26], $0x80  }
0x37: {  	[sflag:s26] =	ssyncset.done @!p0 $0x0  }
0x38: {  	[sflag:s26] =	ssyncadd.s32 @!p0 $0xFFFFFF80;
	s26 =	sshll.u32 s24, $0x1  }
0x39: {  	p1 =	sge.u32 s26, s7  }
.Ltmp5:
0x3a: {  	_ = 	snop;
	(pc) =	sbr.rel @p1 .LBB2_8-.Ltmp5, $4  }
0x3b: {  	s0 =	simm.s32 @!p0 $0x4200  }
0x3c: {  	[tilespmem:s0], [sflag:$0x2] =	stream.indirect.gather @!p0 [hbm4b:s3+s29], $0x80, s29, s29, $0xb8;
	[tilespmem:$0x14200] =	vst v63  }
0x3d: {  	s0 =	simm.s32 @!p0 $0xC200  }
0x3e: {  	[tilespmem:s0], [sflag:$0x4] =	stream.indirect.gather @!p0 [hbm4b:s3+s29], $0x80, s30, s29, $0xb8;
	[tilespmem:$0x14200] =	vst v63  }
0x3f: {  	_ =	swait.ge [sflag:s17], $0x4000  }
0x40: {  	[sflag:s17] =	ssyncset.done $0x0  }
0x41: {  	[sflag:s17] =	ssyncadd.s32 $0xFFFFC000  }
0x42: {  	_ =	swait.ge [sflag:s18], $0x4000  }
0x43: {  	[sflag:s18] =	ssyncset.done $0x0  }
0x44: {  	s29 =	simm.s32 $0x280;
	[sflag:s18] =	ssyncadd.s32 $0xFFFFC000  }
0x45: {  	s28 =	simm.s32 $0x82C0;
	v1 =	vld [tilespmem:s29+$0xFFFFFF80]  }
0x46: {  	v2 =	vld [tilespmem:s28+$0xFFFFFF80];
	_ =	sdelay $0x4  }
0x47: {  	v1 =	vsub.f32 v1, v2  }
0x48: {  	s30 =	simm.s32 $0x10280  }
0x49: {  	[tilespmem:s30+$0xFFFFFF80] =	vst v1  }
0x4a: {  	v1 =	vld [tilespmem:s28+$0xFFFFFF90]  }
0x4b: {  	v2 =	vld [tilespmem:s29+$0xFFFFFF90];
	_ =	sdelay $0x4  }
0x4c: {  	v1 =	vsub.f32 v2, v1;
	_ =	sdelay $0x1  }
0x4d: {  	[tilespmem:s30+$0xFFFFFF90] =	vst v1  }
0x4e: {  	v1 =	vld [tilespmem:s29+$0xFFFFFFA0]  }
0x4f: {  	v2 =	vld [tilespmem:s28+$0xFFFFFFA0];
	_ =	sdelay $0x4  }
0x50: {  	v1 =	vsub.f32 v1, v2;
	_ =	sdelay $0x1  }
0x51: {  	[tilespmem:s30+$0xFFFFFFA0] =	vst v1  }
0x52: {  	v1 =	vld [tilespmem:s29+$0xFFFFFFB0]  }
0x53: {  	v2 =	vld [tilespmem:s28+$0xFFFFFFB0];
	_ =	sdelay $0x4  }
0x54: {  	v1 =	vsub.f32 v1, v2;
	_ =	sdelay $0x1  }
0x55: {  	[tilespmem:s30+$0xFFFFFFB0] =	vst v1  }
0x56: {  	v1 =	vld [tilespmem:s29+$0x0]  }
0x57: {  	v2 =	vld [tilespmem:s28+$0x0];
	_ =	sdelay $0x4  }
0x58: {  	v1 =	vsub.f32 v1, v2;
	_ =	sdelay $0x1  }
0x59: {  	[tilespmem:s30+$0x0] =	vst v1  }
0x5a: {  	v1 =	vld [tilespmem:s29+$0x10]  }
0x5b: {  	v2 =	vld [tilespmem:s28+$0x10];
	_ =	sdelay $0x4  }
0x5c: {  	v1 =	vsub.f32 v1, v2;
	_ =	sdelay $0x1  }
0x5d: {  	[tilespmem:s30+$0x10] =	vst v1  }
0x5e: {  	v1 =	vld [tilespmem:s29+$0x20]  }
0x5f: {  	v2 =	vld [tilespmem:s28+$0x20];
	_ =	sdelay $0x4  }
0x60: {  	v1 =	vsub.f32 v1, v2;
	_ =	sdelay $0x1  }
0x61: {  	[tilespmem:s30+$0x20] =	vst v1  }
0x62: {  	s31 =	simm.s32 $0x0;
	s0 =	simm.s32 $0x10380;
	v1 =	vld [tilespmem:s29+$0x30]  }
.LBB2_6:
0x63: {  	s31 =	sadd.s32 $0x2, s31;
	v2 =	vld [tilespmem:s28+$0x30];
	s28 =	sadd.s32 $0x100, s28;
	s29 =	sadd.s32 $0x100, s29  }
0x64: {  	p1 =	slt.u32 s31, $0x7E;
	_ =	sdelay $0x3  }
0x65: {  	v1 =	vsub.f32 v1, v2;
	_ =	sdelay $0x1  }
0x66: {  	[tilespmem:s30+$0x30] =	vst v1;
	s30 =	smov.u32 s0  }
0x67: {  	v1 =	vld [tilespmem:s29+$0xFFFFFF80]  }
0x68: {  	v2 =	vld [tilespmem:s28+$0xFFFFFF80];
	_ =	sdelay $0x4  }
0x69: {  	v1 =	vsub.f32 v1, v2;
	_ =	sdelay $0x1  }
0x6a: {  	[tilespmem:s0+$0xFFFFFF80] =	vst v1  }
0x6b: {  	v1 =	vld [tilespmem:s28+$0xFFFFFF90]  }
0x6c: {  	v2 =	vld [tilespmem:s29+$0xFFFFFF90];
	_ =	sdelay $0x4  }
0x6d: {  	v1 =	vsub.f32 v2, v1;
	_ =	sdelay $0x1  }
0x6e: {  	[tilespmem:s0+$0xFFFFFF90] =	vst v1  }
0x6f: {  	v1 =	vld [tilespmem:s29+$0xFFFFFFA0]  }
0x70: {  	v2 =	vld [tilespmem:s28+$0xFFFFFFA0];
	_ =	sdelay $0x4  }
0x71: {  	v1 =	vsub.f32 v1, v2;
	_ =	sdelay $0x1  }
0x72: {  	[tilespmem:s0+$0xFFFFFFA0] =	vst v1  }
0x73: {  	v1 =	vld [tilespmem:s29+$0xFFFFFFB0]  }
0x74: {  	v2 =	vld [tilespmem:s28+$0xFFFFFFB0];
	_ =	sdelay $0x4  }
0x75: {  	v1 =	vsub.f32 v1, v2;
	_ =	sdelay $0x1  }
0x76: {  	[tilespmem:s0+$0xFFFFFFB0] =	vst v1  }
0x77: {  	v1 =	vld [tilespmem:s29+$0x0]  }
0x78: {  	v2 =	vld [tilespmem:s28+$0x0];
	_ =	sdelay $0x4  }
0x79: {  	v1 =	vsub.f32 v1, v2;
	_ =	sdelay $0x1  }
0x7a: {  	[tilespmem:s0+$0x0] =	vst v1  }
0x7b: {  	v1 =	vld [tilespmem:s29+$0x10]  }
0x7c: {  	v2 =	vld [tilespmem:s28+$0x10];
	_ =	sdelay $0x4  }
0x7d: {  	v1 =	vsub.f32 v1, v2;
	_ =	sdelay $0x1  }
0x7e: {  	[tilespmem:s0+$0x10] =	vst v1  }
0x7f: {  	v1 =	vld [tilespmem:s29+$0x20]  }
0x80: {  	v2 =	vld [tilespmem:s28+$0x20];
	_ =	sdelay $0x3  }
.Ltmp6:
0x81: {  	(pc) =	sbr.rel @p1 .LBB2_6-.Ltmp6, $3  }
0x82: {  	v1 =	vsub.f32 v1, v2;
	_ =	sdelay $0x1  }
0x83: {  	[tilespmem:s0+$0x20] =	vst v1  }
0x84: {  	s0 =	sadd.s32 $0x100, s0;
	v1 =	vld [tilespmem:s29+$0x30]  }
0x85: {  	v2 =	vld [tilespmem:s28+$0x30];
	_ =	sdelay $0x4  }
0x86: {  	v1 =	vsub.f32 v1, v2  }
0x87: {  	s0 =	sshll.u32 s24, $0x11  }
0x88: {  	s0 =	sadd.s32 s0, s10;
	[tilespmem:s30+$0x30] =	vst v1  }
0x89: {  	[hbm4b:s0+s2] =	stream.linear.scatter [tilespmem:s19], [sflag:$0x6], $0x4000, $0x38;
	[tilespmem:$0x14200] =	vst v63  }
0x8a: {  	_ =	swait.ge [sflag:s20], $0x4000  }
0x8b: {  	[sflag:s20] =	ssyncset.done $0x0  }
0x8c: {  	[sflag:s20] =	ssyncadd.s32 $0xFFFFC000  }
.LBB2_8:
0x8d: {  	s0 =	sadd.s32 $0x2, s26  }
0x8e: {  	p1 =	sge.u32 s0, s7  }
0x8f: {  	s0 =	sshll.u32 @!p1 s0, $0x9  }
0x90: {  	s0 =	sor.u32 @!p1 s6, s0  }
0x91: {  	s28 =	simm.s32 @!p1 $0x0;
	s26 =	sadd.s32 @!p1 s4, s0  }
0x92: {  	[tilespmem:s28], [sflag:$0x6] =	stream.linear.gather @!p1 [hbm4b:s26+s28], $0x80, $0x38;
	[tilespmem:$0x14200] =	vst v63  }
0x93: {  	s26 =	simm.s32 @!p1 $0x6  }
0x94: {  	_ =	swait.ge @!p1 [sflag:s26], $0x80  }
0x95: {  	[sflag:s26] =	ssyncset.done @!p1 $0x0  }
0x96: {  	s29 =	simm.s32 @!p1 $0x100;
	s0 =	sadd.s32 @!p1 s5, s0;
	[sflag:s26] =	ssyncadd.s32 @!p1 $0xFFFFFF80  }
0x97: {  	[tilespmem:s29], [sflag:$0x6] =	stream.linear.gather @!p1 [hbm4b:s0+s28], $0x80, $0x38;
	[tilespmem:$0x14200] =	vst v63  }
0x98: {  	_ =	swait.ge @!p1 [sflag:s26], $0x80  }
.Ltmp7:
0x99: {  	[sflag:s26] =	ssyncset.done @!p1 $0x0;
	(pc) =	sbr.rel @p0 .LBB2_12-.Ltmp7, $4  }
0x9a: {  	s0 =	simm.s32 @!p1 $0x80;
	[sflag:s26] =	ssyncadd.s32 @!p1 $0xFFFFFF80;
	s26 =	simm.s32 @!p1 $0x200  }
0x9b: {  	[tilespmem:s26], [sflag:$0x1] =	stream.indirect.gather @!p1 [hbm4b:s3+s0], $0x80, s28, s0, $0xb8;
	[tilespmem:$0x14200] =	vst v63  }
0x9c: {  	s26 =	simm.s32 @!p1 $0x8200  }
0x9d: {  	[tilespmem:s26], [sflag:$0x3] =	stream.indirect.gather @!p1 [hbm4b:s3+s0], $0x80, s29, s0, $0xb8;
	[tilespmem:$0x14200] =	vst v63  }
0x9e: {  	_ =	swait.ge [sflag:s21], $0x4000  }
0x9f: {  	[sflag:s21] =	ssyncset.done $0x0  }
0xa0: {  	[sflag:s21] =	ssyncadd.s32 $0xFFFFC000  }
0xa1: {  	_ =	swait.ge [sflag:s22], $0x4000  }
0xa2: {  	[sflag:s22] =	ssyncset.done $0x0  }
0xa3: {  	s28 =	simm.s32 $0x4280;
	[sflag:s22] =	ssyncadd.s32 $0xFFFFC000  }
0xa4: {  	s26 =	simm.s32 $0xC2C0;
	v1 =	vld [tilespmem:s28+$0xFFFFFF80]  }
0xa5: {  	v2 =	vld [tilespmem:s26+$0xFFFFFF80];
	_ =	sdelay $0x4  }
0xa6: {  	v1 =	vsub.f32 v1, v2  }
0xa7: {  	s29 =	simm.s32 $0x10280  }
0xa8: {  	[tilespmem:s29+$0xFFFFFF80] =	vst v1  }
0xa9: {  	v1 =	vld [tilespmem:s26+$0xFFFFFF90]  }
0xaa: {  	v2 =	vld [tilespmem:s28+$0xFFFFFF90];
	_ =	sdelay $0x4  }
0xab: {  	v1 =	vsub.f32 v2, v1;
	_ =	sdelay $0x1  }
0xac: {  	[tilespmem:s29+$0xFFFFFF90] =	vst v1  }
0xad: {  	v1 =	vld [tilespmem:s28+$0xFFFFFFA0]  }
0xae: {  	v2 =	vld [tilespmem:s26+$0xFFFFFFA0];
	_ =	sdelay $0x4  }
0xaf: {  	v1 =	vsub.f32 v1, v2;
	_ =	sdelay $0x1  }
0xb0: {  	[tilespmem:s29+$0xFFFFFFA0] =	vst v1  }
0xb1: {  	v1 =	vld [tilespmem:s28+$0xFFFFFFB0]  }
0xb2: {  	v2 =	vld [tilespmem:s26+$0xFFFFFFB0];
	_ =	sdelay $0x4  }
0xb3: {  	v1 =	vsub.f32 v1, v2;
	_ =	sdelay $0x1  }
0xb4: {  	[tilespmem:s29+$0xFFFFFFB0] =	vst v1  }
0xb5: {  	v1 =	vld [tilespmem:s28+$0x0]  }
0xb6: {  	v2 =	vld [tilespmem:s26+$0x0];
	_ =	sdelay $0x4  }
0xb7: {  	v1 =	vsub.f32 v1, v2;
	_ =	sdelay $0x1  }
0xb8: {  	[tilespmem:s29+$0x0] =	vst v1  }
0xb9: {  	v1 =	vld [tilespmem:s28+$0x10]  }
0xba: {  	v2 =	vld [tilespmem:s26+$0x10];
	_ =	sdelay $0x4  }
0xbb: {  	v1 =	vsub.f32 v1, v2;
	_ =	sdelay $0x1  }
0xbc: {  	[tilespmem:s29+$0x10] =	vst v1  }
0xbd: {  	v1 =	vld [tilespmem:s28+$0x20]  }
0xbe: {  	v2 =	vld [tilespmem:s26+$0x20];
	_ =	sdelay $0x4  }
0xbf: {  	v1 =	vsub.f32 v1, v2;
	_ =	sdelay $0x1  }
0xc0: {  	[tilespmem:s29+$0x20] =	vst v1  }
0xc1: {  	s30 =	simm.s32 $0x0;
	s0 =	simm.s32 $0x10380;
	v1 =	vld [tilespmem:s28+$0x30]  }
.LBB2_10:
0xc2: {  	s30 =	sadd.s32 $0x2, s30;
	v2 =	vld [tilespmem:s26+$0x30];
	s26 =	sadd.s32 $0x100, s26;
	s28 =	sadd.s32 $0x100, s28  }
0xc3: {  	p0 =	slt.u32 s30, $0x7E;
	_ =	sdelay $0x3  }
0xc4: {  	v1 =	vsub.f32 v1, v2;
	_ =	sdelay $0x1  }
0xc5: {  	[tilespmem:s29+$0x30] =	vst v1;
	s29 =	smov.u32 s0  }
0xc6: {  	v1 =	vld [tilespmem:s28+$0xFFFFFF80]  }
0xc7: {  	v2 =	vld [tilespmem:s26+$0xFFFFFF80];
	_ =	sdelay $0x4  }
0xc8: {  	v1 =	vsub.f32 v1, v2;
	_ =	sdelay $0x1  }
0xc9: {  	[tilespmem:s0+$0xFFFFFF80] =	vst v1  }
0xca: {  	v1 =	vld [tilespmem:s26+$0xFFFFFF90]  }
0xcb: {  	v2 =	vld [tilespmem:s28+$0xFFFFFF90];
	_ =	sdelay $0x4  }
0xcc: {  	v1 =	vsub.f32 v2, v1;
	_ =	sdelay $0x1  }
0xcd: {  	[tilespmem:s0+$0xFFFFFF90] =	vst v1  }
0xce: {  	v1 =	vld [tilespmem:s28+$0xFFFFFFA0]  }
0xcf: {  	v2 =	vld [tilespmem:s26+$0xFFFFFFA0];
	_ =	sdelay $0x4  }
0xd0: {  	v1 =	vsub.f32 v1, v2;
	_ =	sdelay $0x1  }
0xd1: {  	[tilespmem:s0+$0xFFFFFFA0] =	vst v1  }
0xd2: {  	v1 =	vld [tilespmem:s28+$0xFFFFFFB0]  }
0xd3: {  	v2 =	vld [tilespmem:s26+$0xFFFFFFB0];
	_ =	sdelay $0x4  }
0xd4: {  	v1 =	vsub.f32 v1, v2;
	_ =	sdelay $0x1  }
0xd5: {  	[tilespmem:s0+$0xFFFFFFB0] =	vst v1  }
0xd6: {  	v1 =	vld [tilespmem:s28+$0x0]  }
0xd7: {  	v2 =	vld [tilespmem:s26+$0x0];
	_ =	sdelay $0x4  }
0xd8: {  	v1 =	vsub.f32 v1, v2;
	_ =	sdelay $0x1  }
0xd9: {  	[tilespmem:s0+$0x0] =	vst v1  }
0xda: {  	v1 =	vld [tilespmem:s28+$0x10]  }
0xdb: {  	v2 =	vld [tilespmem:s26+$0x10];
	_ =	sdelay $0x4  }
0xdc: {  	v1 =	vsub.f32 v1, v2;
	_ =	sdelay $0x1  }
0xdd: {  	[tilespmem:s0+$0x10] =	vst v1  }
0xde: {  	v1 =	vld [tilespmem:s28+$0x20]  }
0xdf: {  	v2 =	vld [tilespmem:s26+$0x20];
	_ =	sdelay $0x3  }
.Ltmp8:
0xe0: {  	(pc) =	sbr.rel @p0 .LBB2_10-.Ltmp8, $3  }
0xe1: {  	v1 =	vsub.f32 v1, v2;
	_ =	sdelay $0x1  }
0xe2: {  	[tilespmem:s0+$0x20] =	vst v1  }
0xe3: {  	s0 =	sadd.s32 $0x100, s0;
	v1 =	vld [tilespmem:s28+$0x30]  }
0xe4: {  	v2 =	vld [tilespmem:s26+$0x30];
	_ =	sdelay $0x4  }
0xe5: {  	v1 =	vsub.f32 v1, v2  }
0xe6: {  	s0 =	sshll.u32 s25, $0x10  }
.Ltmp9:
0xe7: {  	s0 =	sadd.s32 s0, s10;
	[tilespmem:s29+$0x30] =	vst v1;
	(pc) =	sbr.rel .LBB2_12-.Ltmp9, $4  }
0xe8: {  	[hbm4b:s0+s2] =	stream.linear.scatter [tilespmem:s19], [sflag:$0x5], $0x4000, $0x38;
	[tilespmem:$0x14200] =	vst v63  }
0xe9: {  	_ =	swait.ge [sflag:s12], $0x4000  }
0xea: {  	[sflag:s12] =	ssyncset.done $0x0  }
0xeb: {  	[sflag:s12] =	ssyncadd.s32 $0xFFFFC000  }
.LBB2_14:
0xec: {  	_ =	sfence.sel $0x180000  }
0xed: {  	[bflag:$0x0] =	sbarrier.arrive $0xFFFF  }
0xee: {  	_ =	strace $0x9000004D  }
0xef: {  	[bflag:$0x2] =	sbarrier.arrive $0xFFFF  }
0xf0: {  	p0 =	sne.s32 s1, $0x0;
	s0 =	rddreg [dreg:$0x1]  }
0xf1: {  	s0 =	sadd.s32 @!p0 $0x100000, s0  }
0xf2: {  	[sflag:s0] =	ssyncadd.tile.s32 @!p0 $0x1;
	_ =	shalt  }
.Lfunc_end2:
_tile_overlayer_lowered:
.L_overlay_start_2:
0xf3: {  	(tag) =	ssettag $0x2  }
0xf4: {  	s0 =	rddreg [dreg:$0x0];
	s2 =	stileid.u32  }
0xf5: {  	s1 =	rddreg [dreg:$0x1];
	p0 =	sne.s32 s2, $0x0  }
0xf6: {  	s3 =	rddreg [dreg:$0x2];
	[bflag:$0x3] =	sbarrier.arrive $0xFFFF;
	s2 =	simm.s32 @!p0 $0x1C05  }
0xf7: {  	[timem:s3], [sflag:s2] =	dma.local @!p0 [hbm:s0], s1  }
0xf8: {  	s0 =	simm.s32 @!p0 $0x5  }
0xf9: {  	_ =	swait.ge @!p0 [sflag:s0], s1  }
0xfa: {  	s1 =	ssub.s32 @!p0 $0x0, s1;
	[sflag:s0] =	ssyncset.done @!p0 $0x0  }
0xfb: {  	[sflag:s0] =	ssyncadd.s32 @!p0 s1  }
0xfc: {  	[bflag:$0x3] =	sbarrier.arrive $0xFFFF  }
0xfd: {  	_ =	shalt  }

// kernel: kernel.20.cloned.1.call-start
scs
__scs_entry_jumppad:
0x0: {  	(pc) =	sbr.rel $0x88, $3  }
0x1: {  	(tag) =	ssettag $0x0;
	lr =	simm.s32 $0x1  }
0x2: {  	[smem:$0x3F94] =	sst lr;
	_ =	strace $0xD0000000  }
0x3: {  	_ = 	snop  }
0x4: {  	_ = 	snop  }
0x5: {  	_ = 	snop  }
0x6: {  	_ = 	snop  }
0x7: {  	_ = 	snop  }
__scs_overlays_trampoline_lowered:
0x8: {  	[smem:$0x3FA3] =	sst s0  }
0x9: {  	[smem:$0x3FA4] =	sst s1  }
0xa: {  	[smem:$0x3FA5] =	sst s2  }
0xb: {  	[smem:$0x3FA6] =	sst s3  }
0xc: {  	[smem:$0x3FA7] =	sst s4  }
0xd: {  	[smem:$0x3FA8] =	sst s5  }
0xe: {  	[smem:$0x3FA9] =	sst s6  }
0xf: {  	[smem:$0x3FAA] =	sst s7  }
0x10: {  	[smem:$0x3FAB] =	sst s8  }
0x11: {  	[smem:$0x3FAC] =	sst s9;
	s0 =	simm.s32 @!p0 $0x0  }
0x12: {  	s1 =	sld [smem:$0x3F92];
	s0 =	simm.s32 @p0 $0x1  }
0x13: {  	[smem:$0x3FAD] =	sst s0;
	s0 =	simm.s32 @!p1 $0x0  }
0x14: {  	s2 =	sld [smem:$0x3F91];
	s0 =	simm.s32 @p1 $0x1  }
0x15: {  	[smem:$0x3FAE] =	sst s0;
	s0 =	simm.s32 @!p2 $0x0  }
0x16: {  	s3 =	sld [smem:$0x3FDB];
	s0 =	simm.s32 @p2 $0x1  }
0x17: {  	s4 =	simm.s32 $0x1BF5;
	[smem:$0x3FB0] =	sst s0  }
0x18: {  	s0 =	sld [smem:$0x3F93];
	_ =	swait.ge [sflag:s4], $0x0  }
0x19: {  	s7 =	sld [smem:$0x3F94]  }
0x1a: {  	s8 =	sadd.s32 $0xFFFFE003, lr  }
0x1b: {  	s9 =	sadd.s32 $0xFFFFFEF7, lr;
	s5 =	simm.s32 $0xFFFFFFFF;
	p2 =	slt.u32 s8, $0xFFFFF086  }
0x1c: {  	p1 =	slt.u32 s9, $0xF7A;
	s5 =	simm.s32 @!p2 $0x0  }
0x1d: {  	s5 =	simm.s32 @p1 $0x1;
	p0 =	seq.s32 s7, s2  }
0x1e: {  	s7 =	smul.u32 @!p0 $0xF7A, s2;
	p2 =	seq.s32 @!p0 s5, $0x0  }
0x1f: {  	s9 =	smul.u32 $0xF7A, s1;
	s8 =	simm.s32 @!p0 $0x1BF5;
	p2 =	por !p2, p0  }
0x20: {  	[sflag:s8] =	ssyncset.s32 @!p0 $0xFFFFF086;
	s6 =	sadd.s32 @!p0 s3, s7;
	s7 =	simm.s32 @!p0 $0x108  }
0x21: {  	s3 =	sadd.s32 s3, s9;
	s6 =	sadd.s32 @!p0 $0x88, s6;
	s7 =	simm.s32 @p2 $0x1082  }
0x22: {  	[simem:s7], [sflag:s8] =	dma.local @!p0 [hbm:s6], $0xF7A  }
0x23: {  	s9 =	sor.u32 $0xD0000000, s2;
	s6 =	simm.s32 $0x108;
	_ =	swait.ge @!p0 [sflag:s8], $0x0  }
0x24: {  	s3 =	sadd.s32 $0x88, s3;
	s6 =	simm.s32 @!p1 $0x1082;
	[sflag:s4] =	ssyncset.s32 $0xFFFFF086  }
0x25: {  	[simem:s6], [sflag:s4] =	dma.local [hbm:s3], $0xF7A  }
0x26: {  	[smem:$0x3F94] =	sst s1;
	(tag) =	ssettag s2;
	_ =	strace s9  }
0x27: {  	s1 =	sld [smem:$0x3FA4]  }
0x28: {  	s2 =	sld [smem:$0x3FA5]  }
0x29: {  	s4 =	sld [smem:$0x3FA7]  }
0x2a: {  	p0 =	seq.s32 s5, $0x0;
	s5 =	sld [smem:$0x3FA8]  }
0x2b: {  	s6 =	sld [smem:$0x3FA9]  }
0x2c: {  	s7 =	sld [smem:$0x3FAA]  }
0x2d: {  	s3 =	simm.s32 $0x108;
	s8 =	sld [smem:$0x3FAB]  }
0x2e: {  	s3 =	simm.s32 @!p0 $0x1082;
	s9 =	sld [smem:$0x3FAC]  }
0x2f: {  	lr =	sadd.s32 s0, s3;
	s0 =	sld [smem:$0x3FA3]  }
0x30: {  	s3 =	sld [smem:$0x3FA6]  }
0x31: {  	[smem:$0x3FAF] =	sst s10  }
0x32: {  	s10 =	sld [smem:$0x3FAD];
	_ =	sdelay $0x3  }
0x33: {  	p0 =	seq.s32 s10, $0x1;
	s10 =	sld [smem:$0x3FAF];
	_ =	sdelay $0x3  }
0x34: {  	[smem:$0x3FAF] =	sst s10  }
0x35: {  	s10 =	sld [smem:$0x3FAE];
	_ =	sdelay $0x3  }
0x36: {  	p1 =	seq.s32 s10, $0x1;
	s10 =	sld [smem:$0x3FAF];
	_ =	sdelay $0x3  }
0x37: {  	[smem:$0x3FAF] =	sst s10  }
0x38: {  	s10 =	sld [smem:$0x3FB0]  }
0x39: {  	_ = 	snop;
	(pc) =	sbr.ind lr, $3  }
0x3a: {  	_ = 	snop  }
0x3b: {  	_ = 	snop  }
0x3c: {  	p2 =	seq.s32 s10, $0x1;
	s10 =	sld [smem:$0x3FAF]  }
0x3d: {  	_ =	shalt  }
0x3e: {  	_ =	shalt  }
0x3f: {  	_ =	shalt  }
0x40: {  	_ =	shalt  }
0x41: {  	_ =	shalt  }
0x42: {  	_ =	shalt  }
0x43: {  	_ =	shalt  }
0x44: {  	_ =	shalt  }
0x45: {  	_ =	shalt  }
0x46: {  	_ =	shalt  }
0x47: {  	_ =	shalt  }
0x48: {  	_ =	shalt  }
0x49: {  	_ =	shalt  }
0x4a: {  	_ =	shalt  }
0x4b: {  	_ =	shalt  }
0x4c: {  	_ =	shalt  }
0x4d: {  	_ =	shalt  }
0x4e: {  	_ =	shalt  }
0x4f: {  	_ =	shalt  }
0x50: {  	_ =	shalt  }
0x51: {  	_ =	shalt  }
0x52: {  	_ =	shalt  }
0x53: {  	_ =	shalt  }
0x54: {  	_ =	shalt  }
0x55: {  	_ =	shalt  }
0x56: {  	_ =	shalt  }
0x57: {  	_ =	shalt  }
0x58: {  	_ =	shalt  }
0x59: {  	_ =	shalt  }
0x5a: {  	_ =	shalt  }
0x5b: {  	_ =	shalt  }
0x5c: {  	_ =	shalt  }
0x5d: {  	_ =	shalt  }
0x5e: {  	_ =	shalt  }
0x5f: {  	_ =	shalt  }
0x60: {  	_ =	shalt  }
0x61: {  	_ =	shalt  }
0x62: {  	_ =	shalt  }
0x63: {  	_ =	shalt  }
0x64: {  	_ =	shalt  }
0x65: {  	_ =	shalt  }
0x66: {  	_ =	shalt  }
0x67: {  	_ =	shalt  }
0x68: {  	_ =	shalt  }
0x69: {  	_ =	shalt  }
0x6a: {  	_ =	shalt  }
0x6b: {  	_ =	shalt  }
0x6c: {  	_ =	shalt  }
0x6d: {  	_ =	shalt  }
0x6e: {  	_ =	shalt  }
0x6f: {  	_ =	shalt  }
0x70: {  	_ =	shalt  }
0x71: {  	_ =	shalt  }
0x72: {  	_ =	shalt  }
0x73: {  	_ =	shalt  }
0x74: {  	_ =	shalt  }
0x75: {  	_ =	shalt  }
0x76: {  	_ =	shalt  }
0x77: {  	_ =	shalt  }
0x78: {  	_ =	shalt  }
0x79: {  	_ =	shalt  }
0x7a: {  	_ =	shalt  }
0x7b: {  	_ =	shalt  }
0x7c: {  	_ =	shalt  }
0x7d: {  	_ =	shalt  }
0x7e: {  	_ =	shalt  }
0x7f: {  	_ =	shalt  }
0x80: {  	_ =	shalt  }
0x81: {  	_ =	shalt  }
0x82: {  	_ =	shalt  }
0x83: {  	_ =	shalt  }
0x84: {  	_ =	shalt  }
0x85: {  	_ =	shalt  }
0x86: {  	_ =	shalt  }
0x87: {  	_ =	shalt  }
.Lfunc_end0:
.L_simem_size_0:
called_computation.3_lowered:
.L_overlay_start_0:
0x88: {  	s2 =	sld [smem:$0x3FD9]  }
0x89: {  	s3 =	sld [smem:$0x3FFE];
	_ =	sdelay $0x1  }
0x8a: {  	s1 =	srdreg.scid  }
0x8b: {  	s0 =	sand.u32 $0x1, s1  }
0x8c: {  	s16 =	sshll.u32 s0, $0xA;
	s2 =	sadd.s32 s3, s2  }
0x8d: {  	s2 =	sadd.s32 s2, s16  }
0x8e: {  	[smem:$0x3FBB] =	sst s2  }
0x8f: {  	_ = 	snop  }
0x90: {  	(tm) =	ssettm $0x1  }
0x91: {  	s17 =	sld [smem:$0x3FFB];
	_ =	sdelay $0x3  }
0x92: {  	_ =	strace s17  }
0x93: {  	s2 =	sld [smem:$0x3FFC];
	_ =	sdelay $0x3  }
0x94: {  	_ =	strace s2  }
0x95: {  	s2 =	sld [smem:$0x3FFD];
	_ =	sdelay $0x3  }
0x96: {  	_ =	strace s2  }
0x97: {  	_ =	strace $0x8FFFFFFF  }
0x98: {  	s18 =	sld [smem:$0x3FDB];
	_ =	sdelay $0x1  }
0x99: {  	s19 =	simm.s32 $_scs_section_size  }
0x9a: {  	s4 =	simm.s32 $_size__tile_overlayer_lowered;
	s5 =	simm.s32 $_tile_overlayer_lowered  }
0x9b: {  	s22 =	simm.s32 $0x1BFF;
	s21 =	sshll.u32 s5, $0x1;
	s2 =	sadd.s32 s19, s18  }
0x9c: {  	s6 =	simm.s32 $0x0;
	s20 =	sshll.u32 s4, $0x1;
	s4 =	sadd.s32 s21, s2  }
0x9d: {  	[timem:s6], [sflag:s22] =	dma.local [hbm:s4], s20  }
0x9e: {  	_ =	swait.ge [sflag:s22], s20  }
0x9f: {  	s3 =	ssub.s32 $0x0, s20;
	[sflag:s22] =	ssyncset.done $0x0  }
0xa0: {  	[sflag:s22] =	ssyncadd.s32 s3;
	_ =	sdelay $0x1  }
0xa1: {  	s23 =	simm.s32 $0x1B8B  }
0xa2: {  	_ =	swait.ge [sflag:s23], $0x1  }
0xa3: {  	[sflag:s23] =	ssyncset.done $0x0  }
0xa4: {  	s25 =	simm.s32 $0x1B8E;
	s24 =	sld [smem:$0x3FFE];
	[sflag:s23] =	ssyncadd.s32 $0xFFFFFFFF  }
0xa5: {  	s26 =	simm.s32 $execute0_lowered;
	[smem:$0x3FD2] =	sst s25  }
0xa6: {  	s4 =	sshll.u32 s26, $0x1;
	_ =	strace $0x8000004F;
	[dreg:$0x1] =	wrdreg $0xFFFFFFFF  }
0xa7: {  	s28 =	simm.s32 $_size_execute0_lowered;
	s2 =	sadd.s32 s2, s4;
	[dreg:$0x0] =	wrdreg $0x0  }
0xa8: {  	s4 =	sshll.u32 s28, $0x1;
	[dreg:$0x2] =	wrdreg s2  }
0xa9: {  	[dreg:$0x3] =	wrdreg s4  }
0xaa: {  	[dreg:$0x4] =	wrdreg $0xC0  }
0xab: {  	_ =	task [dreg:s6], $0x5FFFF  }
0xac: {  	[dreg:$0x1] =	wrdreg $0xFFFFFFFF  }
0xad: {  	[dreg:$0x0] =	wrdreg $0x60  }
0xae: {  	[dreg:$0x2] =	wrdreg s24  }
0xaf: {  	[dreg:$0x3] =	wrdreg $0x9  }
0xb0: {  	_ =	task.clear_ibuf [dreg:s6], $0x4FFFF;
	_ =	strace $0x9000004F  }
0xb1: {  	s29 =	simm.s32 $0x9;
	_ =	strace $0x80000051  }
0xb2: {  	_ =	swait.ge [sflag:s29], $0x1  }
0xb3: {  	[sflag:s29] =	ssyncadd.s32 $0xFFFFFFFF  }
0xb4: {  	_ =	strace $0x90000051  }
0xb5: {  	_ =	sfence  }
0xb6: {  	s30 =	sld [smem:$0x0];
	_ =	sdelay $0x2  }
0xb7: {  	s31 =	sshll.u32 s1, $0xD;
	s1 =	sshrl.u32 s1, $0x2  }
0xb8: {  	s3 =	sand.u32 $0x4000, s31;
	s1 =	sadd.s32 s1, s30  }
0xb9: {  	s0 =	sor.u32 s3, s0;
	s1 =	sshll.u32 s1, $0x11  }
0xba: {  	s0 =	sor.u32 s1, s0  }
0xbb: {  	s0 =	sadd.s32 $0x8F2B, s0  }
0xbc: {  	[sflag:s0] =	ssyncadd.remote.s32 $0x1  }
0xbd: {  	_ =	sfence.sel $0xFFFF  }
0xbe: {  	[dreg:$0x0] =	wrdreg $0xFFFFFFFF;
	(pc) =	sbr.abs _section_cstart, $3  }
0xbf: {  	[dreg:$0x1] =	wrdreg $0xFFFFFFFF  }
0xc0: {  	_ =	task.clear_ibuf [dreg:s6], $0x2FFFF;
	_ =	strace $0x9FFFFFFF  }
0xc1: {  	(tm) =	ssettm $0x7FFFFFFF  }
tec
execute0_lowered:
.L_overlay_start_1:
0x0: {  	(tag) =	ssettag $0x1  }
0x1: {  	v0 =	vimm.s32 $0xEDCBA987  }
0x2: {  	v1 =	vimm.s32 $0x65432100;
	v4 =	vimm.s32 $0xDCBA9876;
	v0 =	vunpack.c.l.s4.s8 v0  }
0x3: {  	vm0 =	vcmask $0x300;
	v9 =	vimm.s32 $0xFFFFFFFF;
	v1 =	vunpack.c.l.s4.s8 v1  }
0x4: {  	v6 =	vimm.s32 $0xE40000;
	v7 =	vimm.s32 $0x32100000;
	v2 =	vunpack.c.0.s8.s32 v0  }
0x5: {  	vm13 =	vcmask $0x700;
	v10 =	vimm.s32 $0x7060504;
	v3 =	vunpack.c.0.s8.s32 v1  }
0x6: {  	s1 =	srdreg.scid;
	s0 =	stileid.u32;
	vm14 =	vcmask $0x3F30;
	v4 =	vunpack.c.l.s4.s8 v4;
	v2 =	vand.u32 $0xF, v2  }
0x7: {  	s7 =	rddreg [dreg:$0x0];
	s3 =	sand.u32 $0x1, s1;
	s31 =	sshll.u32 s0, $0x1;
	v6 =	vunpack.c.l.s2.s4 v6;
	v2 =	vcombine.low v3, v2;
	v3 =	vimm.s32 $0x54321000  }
0x8: {  	s2 =	simm.s32 $0x0;
	s10 =	simm.s32 $0x2;
	v7 =	vunpack.c.l.s4.s8 v7;
	s16 =	sor.u32 s3, s31;
	v5 =	vunpack.c.l.s4.s8 v3;
	v3 =	vimm.s32 $0xBA987654  }
0x9: {  	s11 =	simm.s32 $0x210;
	vm15 =	vcmask $0xF00;
	s12 =	simm.s32 $0x2000;
	s1 =	smul.u32 $0x140, s16;
	v1 =	vimm.f32 $0.0e+00;
	v8 =	vunpack.c.l.s4.s8 v3  }
0xa: {  	s13 =	simm.s32 $0x2500;
	s14 =	simm.s32 $0x1;
	s15 =	simm.s32 $0x3;
	v4 =	vunpack.c.0.s8.s32 v4;
	v6 =	vunpack.c.l.s4.s8 v6;
	v7 =	vunpack.c.0.s8.s32 v7  }
0xb: {  	[smem:$0x7FF] =	sst s2;
	s4 =	sadd.s32 $0xCC00, s7;
	s5 =	smul.u32 $0x1400, s16;
	v0 =	vmov s1;
	v5 =	vunpack.c.0.s8.s32 v5;
	v8 =	vunpack.c.0.s8.s32 v8  }
.Ltmp0:
0xc: {  	s6 =	ssub.s32 $0x2, s3;
	s3 =	sadd.s32 $0x51FC00, s7;
	v4 =	vand.u32 $0xF, v4;
	v11 =	vunpack.c.0.s8.s32 v6;
	v3 =	vsel vm0, $0x0, v9;
	(pc) =	sbr.rel .LBB2_1-.Ltmp0, $4  }
0xd: {  	s8 =	sshrl.u32 s6, $0x1;
	p0 =	seq.s32 s16, $0x1F;
	s16 =	simm.s32 $0x0;
	v4 =	vcombine.low v5, v4;
	v5 =	vsel vm13, $0x0, v9;
	v8 =	vand.u32 $0xF, v8  }
0xe: {  	s8 =	ssub.s32 s6, s8;
	s1 =	rddreg [dreg:$0x1];
	_ =	strace $0x80000050;
	v6 =	vcombine.low v7, v8;
	v7 =	vunpack.c.0.s8.s32 v10;
	v10 =	vlaneseq.u32  }
0xf: {  	s9 =	sadd.s32 s5, s7;
	s5 =	sadd.s32 $0xCDF4, s7;
	s7 =	sadd.s32 $0x3D600, s7;
	v9 =	vsel vm15, $0x0, v9;
	v8 =	vand.u32 $0x3, v11;
	v10 =	vshrl.u32 v10, $0x3  }
0x10: {  	s8 =	smax.u32 s8, $0x1;
	s6 =	sadd.s32 $0x16A00, s9;
	s9 =	simm.s32 $0x1000;
	v7 =	vsel vm14, v7, v8;
	v8 =	vimm.s32 $0x0;
	v10 =	vmul.u32 $0xFFFFFFFF, v10  }
.LBB2_21:
0x11: {  	[tilespmem:s20+$0x12D30] =	vst v11  }
.LBB2_22:
0x12: {  	s17 =	simm.s32 @p0 $0x0;
	s18 =	simm.s32 @p0 $0x12D00  }
0x13: {  	[hbm4b:s7+s17] =	stream.linear.scatter @p0 [tilespmem:s18], [sflag:$0x4], $0x2800, $0x38;
	[tilespmem:$0x1CD00] =	vst v63  }
0x14: {  	s17 =	simm.s32 @p0 $0x4  }
0x15: {  	_ =	swait.ge @p0 [sflag:s17], $0x2800  }
0x16: {  	s16 =	sadd.s32 $0x1, s16;
	s18 =	simm.s32 @!p0 $0x12D00;
	[sflag:s17] =	ssyncset.done @p0 $0x0  }
0x17: {  	p1 =	sne.s32 s16, s8;
	[sflag:s17] =	ssyncadd.s32 @p0 $0xFFFFD800;
	s17 =	simm.s32 @!p0 $0x0  }
0x18: {  	[hbm4b:s6+s17] =	stream.linear.scatter @!p0 [tilespmem:s18], [sflag:$0x4], $0xA000, $0x38;
	[tilespmem:$0x1CD00] =	vst v63  }
.Ltmp1:
0x19: {  	_ = 	snop;
	(pc) =	sbr.rel @!p1 .LBB2_23-.Ltmp1, $4  }
0x1a: {  	s17 =	simm.s32 @!p0 $0x4  }
0x1b: {  	_ =	swait.ge @!p0 [sflag:s17], $0xA000  }
0x1c: {  	[sflag:s17] =	ssyncset.done @!p0 $0x0  }
0x1d: {  	[sflag:s17] =	ssyncadd.s32 @!p0 $0xFFFF6000  }
.LBB2_1:
0x1e: {  	s17 =	simm.s32 $0x0;
	s18 =	simm.s32 $0x200  }
.LBB2_2:
0x1f: {  	p1 =	sne.s32 s18, $0x27E00;
	[tilespmem:s17+$0x12D70] =	vst v1  }
0x20: {  	[tilespmem:s17+$0x12D00] =	vst v1  }
0x21: {  	[tilespmem:s17+$0x12D10] =	vst v1  }
.Ltmp2:
0x22: {  	[tilespmem:s17+$0x12D20] =	vst v1;
	(pc) =	sbr.rel @p1 .LBB2_2-.Ltmp2, $4  }
0x23: {  	[tilespmem:s17+$0x12D30] =	vst v1  }
0x24: {  	[tilespmem:s17+$0x12D40] =	vst v1  }
0x25: {  	[tilespmem:s17+$0x12D50] =	vst v1  }
0x26: {  	[tilespmem:s17+$0x12D60] =	vst v1;
	s17 =	sshra.s32 s18, $0x2;
	s18 =	sadd.s32 $0x200, s18  }
0x27: {  	[tilespmem:s17+$0x12D70] =	vst v1  }
0x28: {  	[tilespmem:s17+$0x12D00] =	vst v1  }
0x29: {  	[tilespmem:s17+$0x12D10] =	vst v1  }
0x2a: {  	[tilespmem:s17+$0x12D20] =	vst v1  }
0x2b: {  	[tilespmem:s17+$0x12D30] =	vst v1  }
0x2c: {  	[tilespmem:s17+$0x12D40] =	vst v1  }
0x2d: {  	[tilespmem:s17+$0x12D50] =	vst v1  }
0x2e: {  	[tilespmem:s17+$0x12D60] =	vst v1  }
0x2f: {  	[tilespmem:$0x2000] =	vst v8  }
0x30: {  	[tilespmem:$0x2010] =	vst v8  }
0x31: {  	[tilespmem:$0x2020] =	vst v8  }
0x32: {  	[tilespmem:$0x2030] =	vst v8  }
0x33: {  	[tilespmem:$0x2040] =	vst v8  }
0x34: {  	[tilespmem:$0x2050] =	vst v8  }
0x35: {  	[tilespmem:$0x2060] =	vst v8  }
0x36: {  	[tilespmem:$0x2070] =	vst v8  }
0x37: {  	[tilespmem:$0x2080] =	vst v8  }
0x38: {  	[tilespmem:$0x2090] =	vst v8  }
0x39: {  	[tilespmem:$0x20A0] =	vst v8  }
0x3a: {  	[tilespmem:$0x20B0] =	vst v8  }
0x3b: {  	[tilespmem:$0x20C0] =	vst v8  }
0x3c: {  	[tilespmem:$0x20D0] =	vst v8  }
0x3d: {  	[tilespmem:$0x20E0] =	vst v8  }
0x3e: {  	[tilespmem:$0x20F0] =	vst v8  }
0x3f: {  	[tilespmem:$0x2100] =	vst v8  }
0x40: {  	[tilespmem:$0x2110] =	vst v8  }
0x41: {  	[tilespmem:$0x2120] =	vst v8  }
0x42: {  	[tilespmem:$0x2130] =	vst v8  }
0x43: {  	[tilespmem:$0x2140] =	vst v8  }
0x44: {  	[tilespmem:$0x2150] =	vst v8  }
0x45: {  	[tilespmem:$0x2160] =	vst v8  }
0x46: {  	[tilespmem:$0x2170] =	vst v8  }
0x47: {  	[tilespmem:$0x2180] =	vst v8  }
0x48: {  	[tilespmem:$0x2190] =	vst v8  }
0x49: {  	[tilespmem:$0x21A0] =	vst v8  }
0x4a: {  	[tilespmem:$0x21B0] =	vst v8  }
0x4b: {  	[tilespmem:$0x21C0] =	vst v8  }
0x4c: {  	[tilespmem:$0x21D0] =	vst v8  }
0x4d: {  	[tilespmem:$0x21E0] =	vst v8  }
0x4e: {  	[tilespmem:$0x21F0] =	vst v8  }
0x4f: {  	s17 =	simm.s32 $0x0;
	[tilespmem:$0x2200] =	vst v8  }
0x50: {  	[tilespmem:s17], [sflag:$0x2] =	stream.linear.gather [hbm4b:s4+s17], $0xFA0, $0x38;
	[tilespmem:$0x1CD00] =	vst v63  }
0x51: {  	s18 =	simm.s32 $0x0  }
0x52: {  	[tilespmem:s9], [sflag:$0x3] =	stream.linear.gather [hbm4b:s5+s17], $0xFA0, $0x38;
	[tilespmem:$0x1CD00] =	vst v63  }
.LBB2_4:
.Ltmp3:
0x53: {  	(pc) =	sbr.rel .LBB2_5-.Ltmp3, $4  }
0x54: {  	_ = 	snop  }
0x55: {  	_ =	swait.ge [sflag:s10], $0xFA0  }
0x56: {  	[sflag:s10] =	ssyncset.done $0x0  }
0x57: {  	s19 =	smul.u32 $0x1F40, s18;
	s20 =	simm.s32 $0x0;
	[sflag:s10] =	ssyncadd.s32 $0xFFFFF060  }
.LBB2_8:
0x58: {  	[tilespmem:s24+$0x12D30] =	vst v11  }
.LBB2_9:
0x59: {  	s20 =	sadd.s32 $0x1, s20  }
0x5a: {  	p2 =	sne.s32 s20, $0xFA  }
.Ltmp4:
0x5b: {  	_ = 	snop;
	(pc) =	sbr.rel @!p2 .LBB2_10-.Ltmp4, $3  }
0x5c: {  	_ =	sdelay $0x1  }
0x5d: {  	p1 =	sgt.s32 s17, $0x1FF  }
0x5e: {  	s17 =	simm.s32 @p1 $0x0  }
.LBB2_5:
0x5f: {  	s21 =	sshll.u32 s20, $0x4  }
0x60: {  	v11 =	vld [tilespmem:s21+$0x0];
	_ =	sdelay $0x4  }
0x61: {  	v11 =	vsub.s32 v11, v0  }
0x62: {  	v12 =	vsub.s32 $0x13F, v11  }
0x63: {  	v12 =	vor.u32 v11, v12  }
0x64: {  	vm0 =	vgt.s32 v12, $0xFFFFFFFF  }
0x65: {  	v13 =	vsel vm0, $0x1, v8  }
0x66: {  	v14 =	vperm.xlane v13, v2;
	_ =	sdelay $0x1  }
0x67: {  	v14 =	vand.u32 v3, v14  }
0x68: {  	v13 =	vadd.s32 v13, v14  }
0x69: {  	v14 =	vperm.xlane v13, v4;
	_ =	sdelay $0x1  }
0x6a: {  	v14 =	vand.u32 v5, v14  }
0x6b: {  	v13 =	vadd.s32 v14, v13  }
0x6c: {  	v14 =	vperm.xlane v13, v6;
	_ =	sdelay $0x1  }
0x6d: {  	v14 =	vand.u32 v9, v14  }
0x6e: {  	v13 =	vadd.s32 v14, v13  }
0x6f: {  	v14 =	vperm.xlane v13, v7;
	_ =	sdelay $0x1  }
0x70: {  	v14 =	vand.u32 v10, v14  }
0x71: {  	v13 =	vadd.s32 v14, v13  }
0x72: {  	(v2sf) =	vpush v13, $0xF;
	_ =	sdelay $0xe  }
0x73: {  	s22 =	spop (v2sf)  }
0x74: {  	p1 =	slt.s32 s22, $0x1  }
0x75: {  	v14 =	vimm.s32 @!p1 $0x7  }
0x76: {  	v14 =	vperm.xlane @!p1 v13, v14  }
0x77: {  	v15 =	vlaneseq.u32 @!p1  }
0x78: {  	v14 =	vsub.s32 @!p1 v15, v14  }
0x79: {  	vm0 =	vlt.s32 @!p1 v14, $0x0;
	v14 =	vimm.s32 @!p1 $0x8  }
0x7a: {  	v14 =	vsel @!p1 vm0, $0x0, v14  }
0x7b: {  	v16 =	vor.u32 @!p1 $0x3, v14  }
0x7c: {  	v16 =	vperm.xlane @!p1 v13, v16;
	_ =	sdelay $0x1  }
0x7d: {  	v16 =	vsub.s32 @!p1 v15, v16  }
0x7e: {  	vm0 =	vlt.s32 @!p1 v16, $0x0;
	v16 =	vimm.s32 @!p1 $0x4  }
0x7f: {  	v16 =	vsel @!p1 vm0, $0x0, v16  }
0x80: {  	v14 =	vor.u32 @!p1 v14, v16  }
0x81: {  	v16 =	vor.u32 @!p1 $0x1, v14  }
0x82: {  	v16 =	vperm.xlane @!p1 v13, v16;
	_ =	sdelay $0x1  }
0x83: {  	v16 =	vsub.s32 @!p1 v15, v16  }
0x84: {  	vm0 =	vlt.s32 @!p1 v16, $0x0;
	v16 =	vimm.s32 @!p1 $0x2  }
0x85: {  	v16 =	vsel @!p1 vm0, $0x0, v16  }
0x86: {  	v14 =	vor.u32 @!p1 v16, v14  }
0x87: {  	v13 =	vperm.xlane @!p1 v13, v14  }
0x88: {  	s21 =	sadd.s32 @!p1 s19, s21;
	vm0 =	vgt.s32 @!p1 v12, $0xFFFFFFFF  }
0x89: {  	v12 =	vsub.s32 @!p1 v15, v13;
	v13 =	vmov @!p1 s21;
	v15 =	vmul.u32 @!p1 $0x200, v15  }
0x8a: {  	vm1 =	vgt.s32 @!p1 v12, $0xFFFFFFFF;
	v12 =	vimm.s32 @!p1 $0x0;
	v13 =	vshll.u32 @!p1 v13, $0x9  }
0x8b: {  	v11 =	vnsel @!p1 vm0, $0x0, v11;
	v12 =	vsel @!p1 vm1, $0x1, v12;
	v13 =	vor.u32 @!p1 v15, v13  }
0x8c: {  	v12 =	vor.u32 @!p1 v12, v14;
	v11 =	vor.u32 @!p1 v13, v11  }
0x8d: {  	v11 =	vperm.xlane @!p1 v11, v12;
	_ =	sdelay $0x1  }
0x8e: {  	v12 =	vshra.s32 @!p1 v11, $0x9  }
0x8f: {  	v11 =	vand.u32 @!p1 $0x1FF, v11;
	[tilespmem:s17+$0x2000] =	vst @!p1 v12  }
0x90: {  	[tilespmem:s17+$0x2280] =	vst @!p1 v11;
	s17 =	sadd.s32 s17, s22  }
0x91: {  	p1 =	slt.s32 s17, $0x200  }
.Ltmp5:
0x92: {  	_ = 	snop;
	(pc) =	sbr.rel @p1 .LBB2_9-.Ltmp5, $1  }
0x93: {  	_ =	sdelay $0x3  }
0x94: {  	[tilespmem:s13], [sflag:$0x1] =	stream.indirect.gather [hbm4b:s3+s11], $0x80, s12, s11, $0xb8;
	[tilespmem:$0x1CD00] =	vst v63  }
0x95: {  	_ =	swait.ge [sflag:s14], $0x10800  }
0x96: {  	[sflag:s14] =	ssyncset.done $0x0  }
0x97: {  	s21 =	simm.s32 $0x2280;
	[sflag:s14] =	ssyncadd.s32 $0xFFFEF800  }
0x98: {  	v11 =	vld [tilespmem:s21+$0x0];
	_ =	sdelay $0x4  }
0x99: {  	(v2sf) =	vpush v11, $0x0;
	_ =	sdelay $0xe  }
0x9a: {  	s23 =	spop (v2sf)  }
0x9b: {  	s22 =	simm.s32 $0x2520;
	s23 =	sshll.u32 s23, $0x9  }
0x9c: {  	v11 =	vld [tilespmem:s22+$0xFFFFFFE0];
	s24 =	sshra.s32 s23, $0x2  }
0x9d: {  	v12 =	vld [tilespmem:s24+$0x12D00];
	_ =	sdelay $0x4  }
0x9e: {  	v11 =	vmax.f32 v12, v11  }
0x9f: {  	[tilespmem:s24+$0x12D00] =	vst v11;
	v11 =	vld [tilespmem:s24+$0x12D10]  }
0xa0: {  	v61 =	vld [tilespmem:s22+$0xFFFFFFF0];
	_ =	sdelay $0x4  }
0xa1: {  	v11 =	vmax.f32 v11, v61  }
0xa2: {  	[tilespmem:s24+$0x12D10] =	vst v11;
	v11 =	vld [tilespmem:s24+$0x12D20]  }
0xa3: {  	v62 =	vld [tilespmem:s22+$0x0];
	_ =	sdelay $0x4  }
0xa4: {  	v11 =	vmax.f32 v11, v62  }
0xa5: {  	[tilespmem:s24+$0x12D20] =	vst v11;
	v11 =	vld [tilespmem:s24+$0x12D30]  }
0xa6: {  	p1 =	sne.s32 s17, $0x1;
	v63 =	vld [tilespmem:s22+$0x10]  }
.Ltmp6:
0xa7: {  	_ = 	snop;
	(pc) =	sbr.rel @!p1 .LBB2_8-.Ltmp6, $2  }
0xa8: {  	_ =	sdelay $0x2  }
0xa9: {  	s23 =	sadd.s32 $0xFFFFFFFF, s17;
	v11 =	vmax.f32 v11, v63  }
.LBB2_7:
0xaa: {  	p1 =	sne.s32 s23, $0x1;
	[tilespmem:s24+$0x12D30] =	vst v11;
	s21 =	sadd.s32 $0x1, s21;
	s22 =	sadd.s32 $0x80, s22  }
0xab: {  	s23 =	sadd.s32 $0xFFFFFFFF, s23;
	v11 =	vld [tilespmem:s21+$0x0];
	_ =	sdelay $0x4  }
0xac: {  	(v2sf) =	vpush v11, $0x0;
	_ =	sdelay $0xe  }
0xad: {  	s24 =	spop (v2sf)  }
0xae: {  	s24 =	sshll.u32 s24, $0x9  }
0xaf: {  	s24 =	sshra.s32 s24, $0x2;
	v11 =	vld [tilespmem:s22+$0xFFFFFFE0]  }
0xb0: {  	v12 =	vld [tilespmem:s24+$0x12D00];
	_ =	sdelay $0x4  }
0xb1: {  	v11 =	vmax.f32 v12, v11  }
0xb2: {  	[tilespmem:s24+$0x12D00] =	vst v11;
	v11 =	vld [tilespmem:s24+$0x12D10]  }
0xb3: {  	v12 =	vld [tilespmem:s22+$0xFFFFFFF0];
	_ =	sdelay $0x4  }
0xb4: {  	v11 =	vmax.f32 v11, v12  }
0xb5: {  	[tilespmem:s24+$0x12D10] =	vst v11;
	v11 =	vld [tilespmem:s24+$0x12D20]  }
0xb6: {  	v12 =	vld [tilespmem:s22+$0x0];
	_ =	sdelay $0x4  }
0xb7: {  	v11 =	vmax.f32 v11, v12  }
0xb8: {  	[tilespmem:s24+$0x12D20] =	vst v11;
	v11 =	vld [tilespmem:s24+$0x12D30]  }
0xb9: {  	v12 =	vld [tilespmem:s22+$0x10]  }
.Ltmp7:
0xba: {  	(pc) =	sbr.rel @p1 .LBB2_7-.Ltmp7, $2  }
0xbb: {  	_ =	sdelay $0x2  }
0xbc: {  	v11 =	vmax.f32 v11, v12  }
.Ltmp8:
0xbd: {  	_ = 	snop;
	(pc) =	sbr.rel .LBB2_8-.Ltmp8, $1  }
0xbe: {  	_ =	sdelay $0x3  }
.LBB2_10:
0xbf: {  	p1 =	seq.s32 s18, $0x27  }
0xc0: {  	s20 =	sshrl.u32 @!p1 s19, $0x3  }
0xc1: {  	s20 =	sadd.s32 @!p1 s4, s20  }
.Ltmp9:
0xc2: {  	s21 =	simm.s32 @!p1 $0x0;
	s20 =	sadd.s32 @!p1 $0x3E8, s20;
	(pc) =	sbr.rel .LBB2_11-.Ltmp9, $4  }
0xc3: {  	[tilespmem:s21], [sflag:$0x2] =	stream.linear.gather @!p1 [hbm4b:s20+s21], $0xFA0, $0x38;
	[tilespmem:$0x1CD00] =	vst v63  }
0xc4: {  	_ =	swait.ge [sflag:s15], $0xFA0  }
0xc5: {  	[sflag:s15] =	ssyncset.done $0x0  }
0xc6: {  	s20 =	sadd.s32 $0xFA0, s19;
	s21 =	simm.s32 $0x0;
	[sflag:s15] =	ssyncadd.s32 $0xFFFFF060  }
.LBB2_14:
0xc7: {  	[tilespmem:s25+$0x12D30] =	vst v11  }
.LBB2_15:
0xc8: {  	s21 =	sadd.s32 $0x1, s21  }
0xc9: {  	p3 =	sne.s32 s21, $0xFA  }
.Ltmp10:
0xca: {  	_ = 	snop;
	(pc) =	sbr.rel @!p3 .LBB2_16-.Ltmp10, $3  }
0xcb: {  	_ =	sdelay $0x1  }
0xcc: {  	p2 =	sgt.s32 s17, $0x1FF  }
0xcd: {  	s17 =	simm.s32 @p2 $0x0  }
.LBB2_11:
0xce: {  	s22 =	sshll.u32 s21, $0x4  }
0xcf: {  	v11 =	vld [tilespmem:s22+$0x1000];
	_ =	sdelay $0x4  }
0xd0: {  	v11 =	vsub.s32 v11, v0  }
0xd1: {  	v12 =	vsub.s32 $0x13F, v11  }
0xd2: {  	v12 =	vor.u32 v11, v12  }
0xd3: {  	vm0 =	vgt.s32 v12, $0xFFFFFFFF  }
0xd4: {  	v13 =	vsel vm0, $0x1, v8  }
0xd5: {  	v14 =	vperm.xlane v13, v2;
	_ =	sdelay $0x1  }
0xd6: {  	v14 =	vand.u32 v3, v14  }
0xd7: {  	v13 =	vadd.s32 v13, v14  }
0xd8: {  	v14 =	vperm.xlane v13, v4;
	_ =	sdelay $0x1  }
0xd9: {  	v14 =	vand.u32 v5, v14  }
0xda: {  	v13 =	vadd.s32 v14, v13  }
0xdb: {  	v14 =	vperm.xlane v13, v6;
	_ =	sdelay $0x1  }
0xdc: {  	v14 =	vand.u32 v9, v14  }
0xdd: {  	v13 =	vadd.s32 v14, v13  }
0xde: {  	v14 =	vperm.xlane v13, v7;
	_ =	sdelay $0x1  }
0xdf: {  	v14 =	vand.u32 v10, v14  }
0xe0: {  	v13 =	vadd.s32 v14, v13  }
0xe1: {  	(v2sf) =	vpush v13, $0xF;
	_ =	sdelay $0xe  }
0xe2: {  	s23 =	spop (v2sf)  }
0xe3: {  	p2 =	slt.s32 s23, $0x1  }
0xe4: {  	v14 =	vimm.s32 @!p2 $0x7  }
0xe5: {  	v14 =	vperm.xlane @!p2 v13, v14  }
0xe6: {  	v15 =	vlaneseq.u32 @!p2  }
0xe7: {  	v14 =	vsub.s32 @!p2 v15, v14  }
0xe8: {  	vm0 =	vlt.s32 @!p2 v14, $0x0;
	v14 =	vimm.s32 @!p2 $0x8  }
0xe9: {  	v14 =	vsel @!p2 vm0, $0x0, v14  }
0xea: {  	v16 =	vor.u32 @!p2 $0x3, v14  }
0xeb: {  	v16 =	vperm.xlane @!p2 v13, v16;
	_ =	sdelay $0x1  }
0xec: {  	v16 =	vsub.s32 @!p2 v15, v16  }
0xed: {  	vm0 =	vlt.s32 @!p2 v16, $0x0;
	v16 =	vimm.s32 @!p2 $0x4  }
0xee: {  	v16 =	vsel @!p2 vm0, $0x0, v16  }
0xef: {  	v14 =	vor.u32 @!p2 v14, v16  }
0xf0: {  	v16 =	vor.u32 @!p2 $0x1, v14  }
0xf1: {  	v16 =	vperm.xlane @!p2 v13, v16;
	_ =	sdelay $0x1  }
0xf2: {  	v16 =	vsub.s32 @!p2 v15, v16  }
0xf3: {  	vm0 =	vlt.s32 @!p2 v16, $0x0;
	v16 =	vimm.s32 @!p2 $0x2  }
0xf4: {  	v16 =	vsel @!p2 vm0, $0x0, v16  }
0xf5: {  	v14 =	vor.u32 @!p2 v16, v14  }
0xf6: {  	v13 =	vperm.xlane @!p2 v13, v14  }
0xf7: {  	s22 =	sadd.s32 @!p2 s22, s20;
	vm0 =	vgt.s32 @!p2 v12, $0xFFFFFFFF  }
0xf8: {  	v12 =	vsub.s32 @!p2 v15, v13;
	v13 =	vmov @!p2 s22;
	v15 =	vmul.u32 @!p2 $0x200, v15  }
0xf9: {  	vm1 =	vgt.s32 @!p2 v12, $0xFFFFFFFF;
	v12 =	vimm.s32 @!p2 $0x0;
	v13 =	vshll.u32 @!p2 v13, $0x9  }
0xfa: {  	v11 =	vnsel @!p2 vm0, $0x0, v11;
	v12 =	vsel @!p2 vm1, $0x1, v12;
	v13 =	vor.u32 @!p2 v15, v13  }
0xfb: {  	v12 =	vor.u32 @!p2 v12, v14;
	v11 =	vor.u32 @!p2 v13, v11  }
0xfc: {  	v11 =	vperm.xlane @!p2 v11, v12;
	_ =	sdelay $0x1  }
0xfd: {  	v12 =	vshra.s32 @!p2 v11, $0x9  }
0xfe: {  	v11 =	vand.u32 @!p2 $0x1FF, v11;
	[tilespmem:s17+$0x2000] =	vst @!p2 v12  }
0xff: {  	[tilespmem:s17+$0x2280] =	vst @!p2 v11;
	s17 =	sadd.s32 s17, s23  }
0x100: {  	p2 =	slt.s32 s17, $0x200  }
.Ltmp11:
0x101: {  	_ = 	snop;
	(pc) =	sbr.rel @p2 .LBB2_15-.Ltmp11, $1  }
0x102: {  	_ =	sdelay $0x3  }
0x103: {  	[tilespmem:s13], [sflag:$0x1] =	stream.indirect.gather [hbm4b:s3+s11], $0x80, s12, s11, $0xb8;
	[tilespmem:$0x1CD00] =	vst v63  }
0x104: {  	_ =	swait.ge [sflag:s14], $0x10800  }
0x105: {  	[sflag:s14] =	ssyncset.done $0x0  }
0x106: {  	s22 =	simm.s32 $0x2280;
	[sflag:s14] =	ssyncadd.s32 $0xFFFEF800  }
0x107: {  	v11 =	vld [tilespmem:s22+$0x0];
	_ =	sdelay $0x4  }
0x108: {  	(v2sf) =	vpush v11, $0x0;
	_ =	sdelay $0xe  }
0x109: {  	s24 =	spop (v2sf)  }
0x10a: {  	s23 =	simm.s32 $0x2520;
	s24 =	sshll.u32 s24, $0x9  }
0x10b: {  	v11 =	vld [tilespmem:s23+$0xFFFFFFE0];
	s25 =	sshra.s32 s24, $0x2  }
0x10c: {  	v12 =	vld [tilespmem:s25+$0x12D00];
	_ =	sdelay $0x4  }
0x10d: {  	v11 =	vmax.f32 v12, v11  }
0x10e: {  	[tilespmem:s25+$0x12D00] =	vst v11;
	v11 =	vld [tilespmem:s25+$0x12D10]  }
0x10f: {  	v61 =	vld [tilespmem:s23+$0xFFFFFFF0];
	_ =	sdelay $0x4  }
0x110: {  	v11 =	vmax.f32 v11, v61  }
0x111: {  	[tilespmem:s25+$0x12D10] =	vst v11;
	v11 =	vld [tilespmem:s25+$0x12D20]  }
0x112: {  	v62 =	vld [tilespmem:s23+$0x0];
	_ =	sdelay $0x4  }
0x113: {  	v11 =	vmax.f32 v11, v62  }
0x114: {  	[tilespmem:s25+$0x12D20] =	vst v11;
	v11 =	vld [tilespmem:s25+$0x12D30]  }
0x115: {  	p2 =	sne.s32 s17, $0x1;
	v63 =	vld [tilespmem:s23+$0x10]  }
.Ltmp12:
0x116: {  	_ = 	snop;
	(pc) =	sbr.rel @!p2 .LBB2_14-.Ltmp12, $2  }
0x117: {  	_ =	sdelay $0x2  }
0x118: {  	s24 =	sadd.s32 $0xFFFFFFFF, s17;
	v11 =	vmax.f32 v11, v63  }
.LBB2_13:
0x119: {  	p2 =	sne.s32 s24, $0x1;
	[tilespmem:s25+$0x12D30] =	vst v11;
	s22 =	sadd.s32 $0x1, s22;
	s23 =	sadd.s32 $0x80, s23  }
0x11a: {  	s24 =	sadd.s32 $0xFFFFFFFF, s24;
	v11 =	vld [tilespmem:s22+$0x0];
	_ =	sdelay $0x4  }
0x11b: {  	(v2sf) =	vpush v11, $0x0;
	_ =	sdelay $0xe  }
0x11c: {  	s25 =	spop (v2sf)  }
0x11d: {  	s25 =	sshll.u32 s25, $0x9  }
0x11e: {  	s25 =	sshra.s32 s25, $0x2;
	v11 =	vld [tilespmem:s23+$0xFFFFFFE0]  }
0x11f: {  	v12 =	vld [tilespmem:s25+$0x12D00];
	_ =	sdelay $0x4  }
0x120: {  	v11 =	vmax.f32 v12, v11  }
0x121: {  	[tilespmem:s25+$0x12D00] =	vst v11;
	v11 =	vld [tilespmem:s25+$0x12D10]  }
0x122: {  	v12 =	vld [tilespmem:s23+$0xFFFFFFF0];
	_ =	sdelay $0x4  }
0x123: {  	v11 =	vmax.f32 v11, v12  }
0x124: {  	[tilespmem:s25+$0x12D10] =	vst v11;
	v11 =	vld [tilespmem:s25+$0x12D20]  }
0x125: {  	v12 =	vld [tilespmem:s23+$0x0];
	_ =	sdelay $0x4  }
0x126: {  	v11 =	vmax.f32 v11, v12  }
0x127: {  	[tilespmem:s25+$0x12D20] =	vst v11;
	v11 =	vld [tilespmem:s25+$0x12D30]  }
0x128: {  	v12 =	vld [tilespmem:s23+$0x10]  }
.Ltmp13:
0x129: {  	(pc) =	sbr.rel @p2 .LBB2_13-.Ltmp13, $2  }
0x12a: {  	_ =	sdelay $0x2  }
0x12b: {  	v11 =	vmax.f32 v11, v12  }
.Ltmp14:
0x12c: {  	_ = 	snop;
	(pc) =	sbr.rel .LBB2_14-.Ltmp14, $1  }
0x12d: {  	_ =	sdelay $0x3  }
.LBB2_16:
.Ltmp15:
0x12e: {  	(pc) =	sbr.rel @p1 .LBB2_18-.Ltmp15, $1  }
0x12f: {  	_ =	sdelay $0x3  }
.Ltmp16:
0x130: {  	(pc) =	sbr.rel .LBB2_4-.Ltmp16, $4  }
0x131: {  	s19 =	sshrl.u32 s19, $0x3  }
0x132: {  	s19 =	sadd.s32 s4, s19  }
0x133: {  	s18 =	sadd.s32 $0x1, s18;
	s19 =	sadd.s32 $0x5DC, s19  }
0x134: {  	[tilespmem:s9], [sflag:$0x3] =	stream.linear.gather [hbm4b:s19+s2], $0xFA0, $0x38;
	[tilespmem:$0x1CD00] =	vst v63  }
.LBB2_18:
0x135: {  	p1 =	slt.s32 s17, $0x1  }
.Ltmp17:
0x136: {  	_ = 	snop;
	(pc) =	sbr.rel @p1 .LBB2_22-.Ltmp17, $1  }
0x137: {  	_ =	sdelay $0x3  }
0x138: {  	[tilespmem:s13], [sflag:$0x1] =	stream.indirect.gather [hbm4b:s3+s11], $0x80, s12, s11, $0xb8;
	[tilespmem:$0x1CD00] =	vst v63  }
0x139: {  	_ =	swait.ge [sflag:s14], $0x10800  }
0x13a: {  	[sflag:s14] =	ssyncset.done $0x0  }
0x13b: {  	s18 =	simm.s32 $0x2280;
	[sflag:s14] =	ssyncadd.s32 $0xFFFEF800  }
0x13c: {  	v11 =	vld [tilespmem:s18+$0x0];
	_ =	sdelay $0x4  }
0x13d: {  	(v2sf) =	vpush v11, $0x0;
	_ =	sdelay $0xe  }
0x13e: {  	s20 =	spop (v2sf)  }
0x13f: {  	s19 =	simm.s32 $0x2520;
	s20 =	sshll.u32 s20, $0x9  }
0x140: {  	v11 =	vld [tilespmem:s19+$0xFFFFFFE0];
	s20 =	sshra.s32 s20, $0x2  }
0x141: {  	v12 =	vld [tilespmem:s20+$0x12D00];
	_ =	sdelay $0x4  }
0x142: {  	v11 =	vmax.f32 v12, v11  }
0x143: {  	[tilespmem:s20+$0x12D00] =	vst v11;
	v11 =	vld [tilespmem:s20+$0x12D10]  }
0x144: {  	v61 =	vld [tilespmem:s19+$0xFFFFFFF0];
	_ =	sdelay $0x4  }
0x145: {  	v11 =	vmax.f32 v11, v61  }
0x146: {  	[tilespmem:s20+$0x12D10] =	vst v11;
	v11 =	vld [tilespmem:s20+$0x12D20]  }
0x147: {  	v62 =	vld [tilespmem:s19+$0x0];
	_ =	sdelay $0x4  }
0x148: {  	v11 =	vmax.f32 v11, v62  }
0x149: {  	[tilespmem:s20+$0x12D20] =	vst v11;
	v11 =	vld [tilespmem:s20+$0x12D30]  }
0x14a: {  	p1 =	sne.s32 s17, $0x1;
	v63 =	vld [tilespmem:s19+$0x10]  }
.Ltmp18:
0x14b: {  	_ = 	snop;
	(pc) =	sbr.rel @!p1 .LBB2_21-.Ltmp18, $2  }
0x14c: {  	_ =	sdelay $0x2  }
0x14d: {  	s17 =	sadd.s32 $0xFFFFFFFF, s17;
	v11 =	vmax.f32 v11, v63  }
.LBB2_20:
0x14e: {  	p1 =	sne.s32 s17, $0x1;
	[tilespmem:s20+$0x12D30] =	vst v11;
	s18 =	sadd.s32 $0x1, s18;
	s19 =	sadd.s32 $0x80, s19  }
0x14f: {  	s17 =	sadd.s32 $0xFFFFFFFF, s17;
	v11 =	vld [tilespmem:s18+$0x0];
	_ =	sdelay $0x4  }
0x150: {  	(v2sf) =	vpush v11, $0x0;
	_ =	sdelay $0xe  }
0x151: {  	s20 =	spop (v2sf)  }
0x152: {  	s20 =	sshll.u32 s20, $0x9  }
0x153: {  	s20 =	sshra.s32 s20, $0x2;
	v11 =	vld [tilespmem:s19+$0xFFFFFFE0]  }
0x154: {  	v12 =	vld [tilespmem:s20+$0x12D00];
	_ =	sdelay $0x4  }
0x155: {  	v11 =	vmax.f32 v12, v11  }
0x156: {  	[tilespmem:s20+$0x12D00] =	vst v11;
	v11 =	vld [tilespmem:s20+$0x12D10]  }
0x157: {  	v12 =	vld [tilespmem:s19+$0xFFFFFFF0];
	_ =	sdelay $0x4  }
0x158: {  	v11 =	vmax.f32 v11, v12  }
0x159: {  	[tilespmem:s20+$0x12D10] =	vst v11;
	v11 =	vld [tilespmem:s20+$0x12D20]  }
0x15a: {  	v12 =	vld [tilespmem:s19+$0x0];
	_ =	sdelay $0x4  }
0x15b: {  	v11 =	vmax.f32 v11, v12  }
0x15c: {  	[tilespmem:s20+$0x12D20] =	vst v11;
	v11 =	vld [tilespmem:s20+$0x12D30]  }
0x15d: {  	v12 =	vld [tilespmem:s19+$0x10]  }
.Ltmp19:
0x15e: {  	(pc) =	sbr.rel @p1 .LBB2_20-.Ltmp19, $2  }
0x15f: {  	_ =	sdelay $0x2  }
0x160: {  	v11 =	vmax.f32 v11, v12  }
.Ltmp20:
0x161: {  	_ = 	snop;
	(pc) =	sbr.rel .LBB2_21-.Ltmp20, $1  }
0x162: {  	_ =	sdelay $0x3  }
.LBB2_23:
0x163: {  	_ =	sfence.sel $0x180000  }
0x164: {  	[bflag:$0x0] =	sbarrier.arrive $0xFFFF  }
0x165: {  	p0 =	sne.s32 s0, $0x0;
	_ =	strace $0x90000050  }
0x166: {  	s0 =	sadd.s32 @!p0 $0x100000, s1;
	[bflag:$0x2] =	sbarrier.arrive $0xFFFF  }
0x167: {  	[sflag:s0] =	ssyncadd.tile.s32 @!p0 $0x1;
	_ =	shalt  }
.Lfunc_end2:
_tile_overlayer_lowered:
.L_overlay_start_2:
0x168: {  	(tag) =	ssettag $0x2  }
0x169: {  	s0 =	rddreg [dreg:$0x0];
	s2 =	stileid.u32  }
0x16a: {  	s1 =	rddreg [dreg:$0x1];
	p0 =	sne.s32 s2, $0x0  }
0x16b: {  	s3 =	rddreg [dreg:$0x2];
	[bflag:$0x3] =	sbarrier.arrive $0xFFFF;
	s2 =	simm.s32 @!p0 $0x1C04  }
0x16c: {  	[timem:s3], [sflag:s2] =	dma.local @!p0 [hbm:s0], s1  }
0x16d: {  	s0 =	simm.s32 @!p0 $0x4  }
0x16e: {  	_ =	swait.ge @!p0 [sflag:s0], s1  }
0x16f: {  	s1 =	ssub.s32 @!p0 $0x0, s1;
	[sflag:s0] =	ssyncset.done @!p0 $0x0  }
0x170: {  	[sflag:s0] =	ssyncadd.s32 @!p0 s1  }
0x171: {  	[bflag:$0x3] =	sbarrier.arrive $0xFFFF  }
0x172: {  	_ =	shalt  }

</sc_bundles>
